<compile_context>
chip_gen: v7x
topology: tpu7x:2x2x1
jax: 0.10.2.dev20260603
libtpu: 0.0.44.dev20260713+nightly
codegen_flags: <defaults>
</compile_context>

<pallas_src>
import functools

import jax
import jax.numpy as jnp
from jax import lax
from jax.experimental import pallas as pl
from jax.experimental.pallas import tpu as pltpu
from jax.experimental.pallas import tpu_sc as plsc

B = 2048
L = 160
K = 16
NCORES = 2
NSUB = 16
NWORKERS = NCORES * NSUB
ROWS_PER_W = B // NWORKERS
CHUNKS_PER_ROW = L // 16
BBLK = 2048
GRID = B // BBLK

_SQRT_HALF = 0.7071067811865476

def _gelu(x):
    return 0.5 * x * (1.0 + lax.erf(x * _SQRT_HALF))


def _softplus(x):
    return jnp.maximum(x, 0.0) + jnp.log(1.0 + jnp.exp(-jnp.abs(x)))


def _silu(x):
    return x * (1.0 / (1.0 + jnp.exp(-x)))


def _tc_body(x_ref, c0w, c0b, c1w, c1b, c2w, c2b, c3w, c3b, c4w, c4b,
             pos_ref, lnb_ref, ipw_ref, mcw_ref, mcb_ref, xpw_ref,
             dtw_ref, dtb_ref, acat_ref, d_ref, opw_ref, emb_ref,
             res2_ref, m_ref, embb_ref, *wband):
    cws = (c0w, c1w, c2w, c3w, c4w)
    cbs = (c0b, c1b, c2b, c3b, c4b)
    f32 = jnp.float32
    dils = (1, 2, 4, 8, 16)

    @pl.when(pl.program_id(0) == 0)
    def _build_bands():
        ri = lax.broadcasted_iota(jnp.int32, (L, L), 0)
        ci = lax.broadcasted_iota(jnp.int32, (L, L), 1)
        diff = ri - ci
        for li in range(5):
            d = dils[li]
            w = jnp.zeros((L, L), f32)
            for k in range(5):
                w = jnp.where(diff == (k - 2) * d, cws[li][0, 0, k], w)
            wband[li][...] = w

    x = x_ref[...]
    h = x
    for li in range(5):
        acc = jnp.dot(h, wband[li][...], preferred_element_type=f32)
        acc = acc + cbs[li][0]
        h = _gelu(acc) if li < 4 else acc
    res2_ref[...] = h + x

    @pl.when(pl.program_id(0) == 0)
    def _compute_m():
        embb_ref[...] = jnp.broadcast_to(emb_ref[...], (K, 16))
        lnb = lnb_ref[0]
        xc0 = lnb * ipw_ref[0, 0]
        xc1 = lnb * ipw_ref[1, 0]
        zc0 = lnb * ipw_ref[2, 0]
        zc1 = lnb * ipw_ref[3, 0]
        tt = lax.broadcasted_iota(jnp.int32, (1, L), 1)

        def urow(dch, xc):
            w1 = mcw_ref[dch, 0, 1]
            w2 = mcw_ref[dch, 0, 2]
            w3 = mcw_ref[dch, 0, 3]
            sfull = mcw_ref[dch, 0, 0] + w1 + w2 + w3
            s = jnp.where(tt == 0, w3,
                          jnp.where(tt == 1, w2 + w3,
                                    jnp.where(tt == 2, w1 + w2 + w3, sfull)))
            xcr = s * xc + mcb_ref[dch]
            return _silu(xcr)

        u0 = urow(0, xc0)
        u1 = urow(1, xc1)
        xdbl = xpw_ref[:, 0:1] * u0 + xpw_ref[:, 1:2] * u1
        dtr = xdbl[0:1, :]
        Bm = xdbl[1:49, :]
        Cm = xdbl[49:97, :]
        dlt0 = _softplus(dtr * dtw_ref[0, 0] + dtb_ref[0])
        dlt1 = _softplus(dtr * dtw_ref[1, 0] + dtb_ref[1])
        d48_0 = jnp.broadcast_to(dlt0, (48, L))
        d48_1 = jnp.broadcast_to(dlt1, (48, L))
        dcat = jnp.concatenate([d48_0, d48_1, d48_0, d48_1], axis=0)
        u48_0 = jnp.broadcast_to(u0, (48, L))
        u48_1 = jnp.broadcast_to(u1, (48, L))
        ucat = jnp.concatenate([u48_0, u48_1, u48_0, u48_1], axis=0)
        a_coef = -jnp.exp(acat_ref[...])
        a = jnp.exp(dcat * a_coef)
        bt = jnp.concatenate([Bm, Bm, Bm, Bm], axis=0)
        b = dcat * bt * ucat
        s_ = 1
        while s_ < L:
            pad1 = jnp.ones((192, s_), f32)
            pad0 = jnp.zeros((192, s_), f32)
            a_sh = jnp.concatenate([pad1, a[:, :L - s_]], axis=1)
            b_sh = jnp.concatenate([pad0, b[:, :L - s_]], axis=1)
            b = a * b_sh + b
            a = a * a_sh
            s_ *= 2
        y0 = jnp.sum(b[0:48, :] * Cm, axis=0, keepdims=True)
        y1 = jnp.sum(b[48:96, :] * Cm, axis=0, keepdims=True)
        y2 = jnp.sum(b[96:144, :] * Cm, axis=0, keepdims=True)
        y3 = jnp.sum(b[144:192, :] * Cm, axis=0, keepdims=True)
        sz0 = _silu(jnp.full((1, 1), zc0, f32))
        sz1 = _silu(jnp.full((1, 1), zc1, f32))
        w0 = opw_ref[0, 0]
        w1 = opw_ref[0, 1]
        yf0 = (y0 + u0 * d_ref[0]) * sz0
        yf1 = (y1 + u1 * d_ref[1]) * sz1
        yb0 = (y2 + u0 * d_ref[0]) * sz0
        yb1 = (y3 + u1 * d_ref[1]) * sz1
        ri = lax.broadcasted_iota(jnp.int32, (L, L), 0)
        ci = lax.broadcasted_iota(jnp.int32, (L, L), 1)
        perm = jnp.where(ri + ci == L - 1, 1.0, 0.0)
        yb2 = jnp.concatenate([yb0, yb1], axis=0)
        ybr = jnp.dot(yb2, perm, preferred_element_type=f32)
        m2 = (yf0 + ybr[0:1, :]) * w0 + (yf1 + ybr[1:2, :]) * w1
        m_ref[...] = jnp.concatenate([m2, pos_ref[...]], axis=0)


def _sc_body(x_hbm, m_hbm, emb_hbm, quant_hbm, idx_hbm, loss_hbm,
             xb, mb, eb, qb, ib, lb):
    cid = lax.axis_index("c")
    sid = lax.axis_index("s")
    wid = sid * NCORES + cid
    row0 = wid * ROWS_PER_W
    pltpu.sync_copy(x_hbm.at[pl.ds(row0, ROWS_PER_W)], xb)
    pltpu.sync_copy(m_hbm, mb)
    pltpu.sync_copy(emb_hbm, eb)
    mrow = [mb[0, pl.ds(c * 16, 16)] for c in range(CHUNKS_PER_ROW)]
    prow = [mb[1, pl.ds(c * 16, 16)] for c in range(CHUNKS_PER_ROW)]

    def body(r, acc):
        for c in range(CHUNKS_PER_ROW):
            ds = pl.ds(c * 16, 16)
            xv = mrow[c] + (xb[r, ds] + prow[c])
            e0 = eb[0]
            bd = jnp.abs(xv - e0)
            bi = jnp.zeros((16,), jnp.int32)
            bq = e0
            for k in range(1, K):
                ek = eb[k]
                dk = jnp.abs(xv - ek)
                bet = dk < bd
                bd = jnp.where(bet, dk, bd)
                bi = jnp.where(bet, jnp.full((16,), k, jnp.int32), bi)
                bq = jnp.where(bet, ek, bq)
            qb[r, ds] = bq
            ib[r, ds] = bi
            df = bq - xv
            acc = acc + df * df
        return acc

    acc = lax.fori_loop(0, ROWS_PER_W, body, jnp.zeros((16,), jnp.float32))
    lb[...] = acc
    pltpu.sync_copy(qb, quant_hbm.at[pl.ds(row0, ROWS_PER_W)])
    pltpu.sync_copy(ib, idx_hbm.at[pl.ds(row0, ROWS_PER_W)])
    pltpu.sync_copy(lb, loss_hbm.at[wid])


def _smem_spec():
    return pl.BlockSpec(memory_space=pltpu.SMEM)


def _full_vmem(shape):
    return pl.BlockSpec(shape, lambda *_: tuple(0 for _ in shape))


_tc_call = pl.pallas_call(
    _tc_body,
    grid=(GRID,),
    in_specs=[
        pl.BlockSpec((BBLK, L), lambda i: (i, 0)),
        _smem_spec(), _smem_spec(),
        _smem_spec(), _smem_spec(),
        _smem_spec(), _smem_spec(),
        _smem_spec(), _smem_spec(),
        _smem_spec(), _smem_spec(),
        _full_vmem((1, L)),
        _smem_spec(),
        _smem_spec(),
        _smem_spec(),
        _smem_spec(),
        _full_vmem((97, 2)),
        _smem_spec(),
        _smem_spec(),
        _full_vmem((192, 1)),
        _smem_spec(),
        _smem_spec(),
        _full_vmem((K, 1)),
    ],
    out_specs=[
        pl.BlockSpec((BBLK, L), lambda i: (i, 0)),
        pl.BlockSpec((2, L), lambda i: (0, 0)),
        pl.BlockSpec((K, 16), lambda i: (0, 0)),
    ],
    out_shape=[
        jax.ShapeDtypeStruct((B, L), jnp.float32),
        jax.ShapeDtypeStruct((2, L), jnp.float32),
        jax.ShapeDtypeStruct((K, 16), jnp.float32),
    ],
    scratch_shapes=[pltpu.VMEM((L, L), jnp.float32) for _ in range(5)],
)


@functools.cache
def _get_sc_call():
    mesh = plsc.VectorSubcoreMesh(core_axis_name="c", subcore_axis_name="s",
                                  num_cores=NCORES, num_subcores=NSUB)
    return pl.kernel(
        _sc_body,
        out_type=[
            jax.ShapeDtypeStruct((B, L), jnp.float32),
            jax.ShapeDtypeStruct((B, L), jnp.int32),
            jax.ShapeDtypeStruct((NWORKERS, 16), jnp.float32),
        ],
        mesh=mesh,
        scratch_types=[
            pltpu.VMEM((ROWS_PER_W, L), jnp.float32),
            pltpu.VMEM((2, L), jnp.float32),
            pltpu.VMEM((K, 16), jnp.float32),
            pltpu.VMEM((ROWS_PER_W, L), jnp.float32),
            pltpu.VMEM((ROWS_PER_W, L), jnp.int32),
            pltpu.VMEM((16,), jnp.float32),
        ],
    )


def kernel(inputs, c0_w, c0_b, c1_w, c1_b, c2_w, c2_b, c3_w, c3_b, c4_w,
           c4_b, pos_emb, ln_w, ln_b, in_proj_w, conv1d_w, conv1d_b,
           x_proj_w, dt_proj_w, dt_proj_b, A_log, A_b_log, D, out_proj_w,
           emb):
    del ln_w
    acat = jnp.concatenate(
        [A_log.reshape(-1), A_b_log.reshape(-1)]).reshape(2 * 2 * 48, 1)
    res2, m_plus, embb = _tc_call(
        inputs,
        c0_w, c0_b, c1_w, c1_b, c2_w, c2_b, c3_w, c3_b, c4_w, c4_b,
        pos_emb.reshape(1, L), ln_b, in_proj_w, conv1d_w, conv1d_b,
        x_proj_w, dt_proj_w, dt_proj_b, acat, D, out_proj_w, emb)
    quant, idx, loss_part = _get_sc_call()(res2, m_plus, embb)
    c_loss = 0.5 * (jnp.sum(loss_part) / (B * L))
    return c_loss[None], quant, idx

# --- scband reference (transcript-rebuilt; emitter-appended) ---
"""Pipeline reference for scband-label-quantizer-23407571763539 (READ-ONLY COPY).

The authoritative reference and input builder live on the scoring server;
editing this copy changes nothing except your own understanding.
"""

import jax, jax.numpy as jnp
import numpy as np

B = 2048
L = 160
D_MODEL = 1
D_INNER = 2
D_STATE = 48
D_CONV = 4
DT_RANK = 1
K = 16


def setup_inputs(seed: int = 0):
    key = jax.random.key(seed)
    ks = jax.random.split(key, 16)
    f32 = jnp.float32
    inp = {}
    inp['inputs'] = jax.random.normal(ks[0], (B, L), dtype=f32)
    for i in range(5):
        inp['c%d_w' % i] = jax.random.normal(ks[1 + i], (1, 1, 5), dtype=f32) * 0.2
        inp['c%d_b' % i] = jnp.zeros((1,), dtype=f32)
    inp['pos_emb'] = jnp.zeros((1, L, 1), dtype=f32)
    inp['ln_w'] = jnp.ones((1,), dtype=f32)
    inp['ln_b'] = jnp.zeros((1,), dtype=f32)
    inp['in_proj_w'] = jax.random.normal(ks[6], (2 * D_INNER, D_MODEL), dtype=f32) * 0.02
    inp['conv1d_w'] = jax.random.normal(ks[7], (D_INNER, 1, D_CONV), dtype=f32) * 0.2
    inp['conv1d_b'] = jnp.zeros((D_INNER,), dtype=f32)
    inp['x_proj_w'] = jax.random.normal(ks[8], (DT_RANK + 2 * D_STATE, D_INNER), dtype=f32) * 0.1
    inp['dt_proj_w'] = jax.random.normal(ks[9], (D_INNER, DT_RANK), dtype=f32) * 0.1
    inp['dt_proj_b'] = jnp.full((D_INNER,), -4.6, dtype=f32)
    A = jnp.tile(jnp.arange(1, D_STATE + 1, dtype=f32)[None, :], (D_INNER, 1))
    inp['A_log'] = jnp.log(A)
    inp['A_b_log'] = jnp.log(A)
    inp['D'] = jnp.ones((D_INNER,), dtype=f32)
    inp['out_proj_w'] = jax.random.normal(ks[10], (D_MODEL, D_INNER), dtype=f32) * 0.02
    inp['emb'] = jax.random.uniform(ks[11], (K, 1), dtype=f32, minval=-1.0 / K, maxval=1.0 / K)
    return inp


def _conv1d(x, w, b, dilation, padding):
    out = jax.lax.conv_general_dilated(x, w, (1,), [(padding, padding)], rhs_dilation=(dilation,), dimension_numbers=('NCH', 'OIH', 'NCH'))
    return out + b[None, :, None]


def _selective_scan(u, delta, A, Bm, Cm, Dp):
    def step(h, t):
        d_t, B_t, C_t, u_t = t
        dA = jnp.exp(d_t[:, :, None] * A[None, :, :])
        dBu = d_t[:, :, None] * B_t[:, None, :] * u_t[:, :, None]
        h = dA * h + dBu
        y = jnp.einsum('bds,bs->bd', h, C_t)
        return h, y
    h0 = jnp.zeros((u.shape[0], A.shape[0], A.shape[1]), u.dtype)
    xs = (jnp.swapaxes(delta, 0, 1), jnp.swapaxes(Bm, 0, 1), jnp.swapaxes(Cm, 0, 1), jnp.swapaxes(u, 0, 1))
    _, ys = jax.lax.scan(step, h0, xs)
    return jnp.swapaxes(ys, 0, 1) + u * Dp[None, None, :]


def _mamba_dir(xz, A, conv1d_w, conv1d_b, x_proj_w, dt_proj_w, dt_proj_b, Dp):
    x, z = jnp.split(xz, 2, axis=-1)
    xc = jnp.swapaxes(x, 1, 2)
    xc = jax.lax.conv_general_dilated(xc, conv1d_w, (1,), [(D_CONV - 1, 0)], dimension_numbers=('NCH', 'OIH', 'NCH'), feature_group_count=D_INNER)
    xc = xc + conv1d_b[None, :, None]
    x = jax.nn.silu(jnp.swapaxes(xc, 1, 2))
    x_dbl = x @ x_proj_w.T
    dt = x_dbl[..., :DT_RANK]
    Bm = x_dbl[..., DT_RANK:DT_RANK + D_STATE]
    Cm = x_dbl[..., DT_RANK + D_STATE:]
    delta = jax.nn.softplus(dt @ dt_proj_w.T + dt_proj_b)
    y = _selective_scan(x, delta, A, Bm, Cm, Dp)
    return y * jax.nn.silu(z)


def _forward(inputs, c0_w, c0_b, c1_w, c1_b, c2_w, c2_b, c3_w, c3_b, c4_w, c4_b, pos_emb, ln_w, ln_b, in_proj_w, conv1d_w, conv1d_b, x_proj_w, dt_proj_w, dt_proj_b, A_log, A_b_log, D, out_proj_w, emb):
    x = inputs[:, None, :]
    residual = x
    h = jax.nn.gelu(_conv1d(x, c0_w, c0_b, 1, 2), approximate=False)
    h = jax.nn.gelu(_conv1d(h, c1_w, c1_b, 2, 4), approximate=False)
    h = jax.nn.gelu(_conv1d(h, c2_w, c2_b, 4, 8), approximate=False)
    h = jax.nn.gelu(_conv1d(h, c3_w, c3_b, 8, 16), approximate=False)
    h = _conv1d(h, c4_w, c4_b, 16, 32)
    x = h + residual
    x = jnp.swapaxes(x, 1, 2)
    x = x + pos_emb[:, :x.shape[1], :]
    res2 = x
    mu = jnp.mean(x, axis=-1, keepdims=True)
    var = jnp.mean((x - mu) ** 2, axis=-1, keepdims=True)
    xn = (x - mu) / jnp.sqrt(var + 1e-05) * ln_w + ln_b
    xz = xn @ in_proj_w.T
    A = -jnp.exp(A_log)
    A_b = -jnp.exp(A_b_log)
    y_f = _mamba_dir(xz, A, conv1d_w, conv1d_b, x_proj_w, dt_proj_w, dt_proj_b, D)
    y_b = jnp.flip(_mamba_dir(jnp.flip(xz, axis=1), A_b, conv1d_w, conv1d_b, x_proj_w, dt_proj_w, dt_proj_b, D), axis=1)
    x = (y_f + y_b) @ out_proj_w.T + res2
    shape = x.shape
    flat = x.reshape(-1, shape[-1])
    dist = jax.lax.stop_gradient(jnp.sqrt(jnp.sum((flat[:, None, :] - emb[None, :, :]) ** 2, axis=-1)))
    idx = jnp.argmin(dist, axis=1)
    quant = jnp.take(emb, idx, axis=0).reshape(shape)
    e_latent = jnp.mean((jax.lax.stop_gradient(quant) - x) ** 2)
    c_loss = 0.5 * e_latent
    quant = x + jax.lax.stop_gradient(quant - x)
    idx = idx.reshape(shape[0], shape[1])
    return c_loss[None], quant[..., 0], idx


def reference(inputs, c0_w, c0_b, c1_w, c1_b, c2_w, c2_b, c3_w, c3_b, c4_w, c4_b, pos_emb, ln_w, ln_b, in_proj_w, conv1d_w, conv1d_b, x_proj_w, dt_proj_w, dt_proj_b, A_log, A_b_log, D, out_proj_w, emb):
    return _forward(inputs=inputs, c0_w=c0_w, c0_b=c0_b, c1_w=c1_w, c1_b=c1_b, c2_w=c2_w, c2_b=c2_b, c3_w=c3_w, c3_b=c3_b, c4_w=c4_w, c4_b=c4_b, pos_emb=pos_emb, ln_w=ln_w, ln_b=ln_b, in_proj_w=in_proj_w, conv1d_w=conv1d_w, conv1d_b=conv1d_b, x_proj_w=x_proj_w, dt_proj_w=dt_proj_w, dt_proj_b=dt_proj_b, A_log=A_log, A_b_log=A_b_log, D=D, out_proj_w=out_proj_w, emb=emb)

if __name__ == "__main__":
    import jax
    _d = setup_inputs()
    print(jax.jit(kernel)(*tuple(_d.values())))

</pallas_src>

<mosaic_0001>
#map = affine_map<(d0, d1) -> (0, 0)>
module attributes {stable_mosaic.version = 14 : i64} {
  func.func @_sc_body(%arg0: i32, %arg1: i32, %arg2: memref<2048x160xf32, #tpu.memory_space<hbm>>, %arg3: memref<2x160xf32, #tpu.memory_space<hbm>>, %arg4: memref<16x16xf32, #tpu.memory_space<hbm>>, %arg5: memref<2048x160xf32, #tpu.memory_space<hbm>>, %arg6: memref<2048x160xi32, #tpu.memory_space<hbm>>, %arg7: memref<32x16xf32, #tpu.memory_space<hbm>>, %arg8: memref<64x160xf32, #tpu.memory_space<vmem>>, %arg9: memref<2x160xf32, #tpu.memory_space<vmem>>, %arg10: memref<16x16xf32, #tpu.memory_space<vmem>>, %arg11: memref<64x160xf32, #tpu.memory_space<vmem>>, %arg12: memref<64x160xi32, #tpu.memory_space<vmem>>, %arg13: memref<16xf32, #tpu.memory_space<vmem>>) attributes {dimension_semantics = [#tpu.dimension_semantics<core_parallel>, #tpu.dimension_semantics<subcore_parallel>], iteration_bounds = array<i64: 2, 16>, scalar_prefetch = 0 : i64, scratch_operands = 6 : i64, tpu.core_type = #tpu.core_type<sc_vector_subcore>, window_params = [{transform_indices = #map}, {transform_indices = #map}, {transform_indices = #map}, {transform_indices = #map}, {transform_indices = #map}, {transform_indices = #map}]} {
    %mul3A = arith.constant 2 : i32
    %mul3A_0 = arith.muli %arg1, %mul3A : i32
    %add3A = arith.addi %mul3A_0, %arg0 : i32
    %mul3A_1 = arith.constant 64 : i32
    %mul3A_2 = arith.muli %add3A, %mul3A_1 : i32
    "tpu.region"() ({
      %run_scoped3A = tpu.sem_alloc : memref<!tpu.dma_semaphore, #tpu.memory_space<semaphore_mem>>
      %dma_start3A = arith.constant 0 : i32
      %dma_start3A_111 = tpu.memref_slice %arg2[%mul3A_2, %dma_start3A] : memref<2048x160xf32, #tpu.memory_space<hbm>> -> memref<64x160xf32, #tpu.memory_space<hbm>>
      %dma_start3A_112 = arith.constant 0 : i32
      %dma_start3A_113 = tpu.memref_slice %arg2[%mul3A_2, %dma_start3A_112] : memref<2048x160xf32, #tpu.memory_space<hbm>> -> memref<64x160xf32, #tpu.memory_space<hbm>>
      tpu.enqueue_dma source(%dma_start3A_113 : memref<64x160xf32, #tpu.memory_space<hbm>>) target(%arg8 : memref<64x160xf32, #tpu.memory_space<vmem>>) target_semaphore(%run_scoped3A : memref<!tpu.dma_semaphore, #tpu.memory_space<semaphore_mem>>)
      %dma_wait3A = arith.constant 0 : i32
      %dma_wait3A_114 = tpu.memref_slice %arg2[%mul3A_2, %dma_wait3A] : memref<2048x160xf32, #tpu.memory_space<hbm>> -> memref<64x160xf32, #tpu.memory_space<hbm>>
      %dma_wait3A_115 = arith.constant 0 : i32
      %dma_wait3A_116 = tpu.memref_slice %arg2[%mul3A_2, %dma_wait3A_115] : memref<2048x160xf32, #tpu.memory_space<hbm>> -> memref<64x160xf32, #tpu.memory_space<hbm>>
      tpu.wait_dma2 semaphore(%run_scoped3A : memref<!tpu.dma_semaphore, #tpu.memory_space<semaphore_mem>>) src(%dma_wait3A_116 : memref<64x160xf32, #tpu.memory_space<hbm>>) dst(%arg8 : memref<64x160xf32, #tpu.memory_space<vmem>>)
      tpu.yield
    }) : () -> ()
    "tpu.region"() ({
      %run_scoped3A = tpu.sem_alloc : memref<!tpu.dma_semaphore, #tpu.memory_space<semaphore_mem>>
      tpu.enqueue_dma source(%arg3 : memref<2x160xf32, #tpu.memory_space<hbm>>) target(%arg9 : memref<2x160xf32, #tpu.memory_space<vmem>>) target_semaphore(%run_scoped3A : memref<!tpu.dma_semaphore, #tpu.memory_space<semaphore_mem>>)
      tpu.wait_dma2 semaphore(%run_scoped3A : memref<!tpu.dma_semaphore, #tpu.memory_space<semaphore_mem>>) src(%arg3 : memref<2x160xf32, #tpu.memory_space<hbm>>) dst(%arg9 : memref<2x160xf32, #tpu.memory_space<vmem>>)
      tpu.yield
    }) : () -> ()
    "tpu.region"() ({
      %run_scoped3A = tpu.sem_alloc : memref<!tpu.dma_semaphore, #tpu.memory_space<semaphore_mem>>
      tpu.enqueue_dma source(%arg4 : memref<16x16xf32, #tpu.memory_space<hbm>>) target(%arg10 : memref<16x16xf32, #tpu.memory_space<vmem>>) target_semaphore(%run_scoped3A : memref<!tpu.dma_semaphore, #tpu.memory_space<semaphore_mem>>)
      tpu.wait_dma2 semaphore(%run_scoped3A : memref<!tpu.dma_semaphore, #tpu.memory_space<semaphore_mem>>) src(%arg4 : memref<16x16xf32, #tpu.memory_space<hbm>>) dst(%arg10 : memref<16x16xf32, #tpu.memory_space<vmem>>)
      tpu.yield
    }) : () -> ()
    %get3A = arith.constant 0 : i32
    %get3A_3 = arith.index_cast %get3A : i32 to index
    %get3A_4 = arith.constant 0 : index
    %get3A_5 = tpu.vector_load %arg9[%get3A_3, %get3A_4] {strides = array<i32>} : memref<2x160xf32, #tpu.memory_space<vmem>>, vector<1x16xf32>,
    %get3A_6 = vector.shape_cast %get3A_5 : vector<1x16xf32> to vector<16xf32>
    %get3A_7 = arith.constant 0 : i32
    %get3A_8 = arith.index_cast %get3A_7 : i32 to index
    %get3A_9 = arith.constant 16 : index
    %get3A_10 = tpu.vector_load %arg9[%get3A_8, %get3A_9] {strides = array<i32>} : memref<2x160xf32, #tpu.memory_space<vmem>>, vector<1x16xf32>,
    %get3A_11 = vector.shape_cast %get3A_10 : vector<1x16xf32> to vector<16xf32>
    %get3A_12 = arith.constant 0 : i32
    %get3A_13 = arith.index_cast %get3A_12 : i32 to index
    %get3A_14 = arith.constant 32 : index
    %get3A_15 = tpu.vector_load %arg9[%get3A_13, %get3A_14] {strides = array<i32>} : memref<2x160xf32, #tpu.memory_space<vmem>>, vector<1x16xf32>,
    %get3A_16 = vector.shape_cast %get3A_15 : vector<1x16xf32> to vector<16xf32>
    %get3A_17 = arith.constant 0 : i32
    %get3A_18 = arith.index_cast %get3A_17 : i32 to index
    %get3A_19 = arith.constant 48 : index
    %get3A_20 = tpu.vector_load %arg9[%get3A_18, %get3A_19] {strides = array<i32>} : memref<2x160xf32, #tpu.memory_space<vmem>>, vector<1x16xf32>,
    %get3A_21 = vector.shape_cast %get3A_20 : vector<1x16xf32> to vector<16xf32>
    %get3A_22 = arith.constant 0 : i32
    %get3A_23 = arith.index_cast %get3A_22 : i32 to index
    %get3A_24 = arith.constant 64 : index
    %get3A_25 = tpu.vector_load %arg9[%get3A_23, %get3A_24] {strides = array<i32>} : memref<2x160xf32, #tpu.memory_space<vmem>>, vector<1x16xf32>,
    %get3A_26 = vector.shape_cast %get3A_25 : vector<1x16xf32> to vector<16xf32>
    %get3A_27 = arith.constant 0 : i32
    %get3A_28 = arith.index_cast %get3A_27 : i32 to index
    %get3A_29 = arith.constant 80 : index
    %get3A_30 = tpu.vector_load %arg9[%get3A_28, %get3A_29] {strides = array<i32>} : memref<2x160xf32, #tpu.memory_space<vmem>>, vector<1x16xf32>,
    %get3A_31 = vector.shape_cast %get3A_30 : vector<1x16xf32> to vector<16xf32>
    %get3A_32 = arith.constant 0 : i32
    %get3A_33 = arith.index_cast %get3A_32 : i32 to index
    %get3A_34 = arith.constant 96 : index
    %get3A_35 = tpu.vector_load %arg9[%get3A_33, %get3A_34] {strides = array<i32>} : memref<2x160xf32, #tpu.memory_space<vmem>>, vector<1x16xf32>,
    %get3A_36 = vector.shape_cast %get3A_35 : vector<1x16xf32> to vector<16xf32>
    %get3A_37 = arith.constant 0 : i32
    %get3A_38 = arith.index_cast %get3A_37 : i32 to index
    %get3A_39 = arith.constant 112 : index
    %get3A_40 = tpu.vector_load %arg9[%get3A_38, %get3A_39] {strides = array<i32>} : memref<2x160xf32, #tpu.memory_space<vmem>>, vector<1x16xf32>,
    %get3A_41 = vector.shape_cast %get3A_40 : vector<1x16xf32> to vector<16xf32>
    %get3A_42 = arith.constant 0 : i32
    %get3A_43 = arith.index_cast %get3A_42 : i32 to index
    %get3A_44 = arith.constant 128 : index
    %get3A_45 = tpu.vector_load %arg9[%get3A_43, %get3A_44] {strides = array<i32>} : memref<2x160xf32, #tpu.memory_space<vmem>>, vector<1x16xf32>,
    %get3A_46 = vector.shape_cast %get3A_45 : vector<1x16xf32> to vector<16xf32>
    %get3A_47 = arith.constant 0 : i32
    %get3A_48 = arith.index_cast %get3A_47 : i32 to index
    %get3A_49 = arith.constant 144 : index
    %get3A_50 = tpu.vector_load %arg9[%get3A_48, %get3A_49] {strides = array<i32>} : memref<2x160xf32, #tpu.memory_space<vmem>>, vector<1x16xf32>,
    %get3A_51 = vector.shape_cast %get3A_50 : vector<1x16xf32> to vector<16xf32>
    %get3A_52 = arith.constant 1 : i32
    %get3A_53 = arith.index_cast %get3A_52 : i32 to index
    %get3A_54 = arith.constant 0 : index
    %get3A_55 = tpu.vector_load %arg9[%get3A_53, %get3A_54] {strides = array<i32>} : memref<2x160xf32, #tpu.memory_space<vmem>>, vector<1x16xf32>,
    %get3A_56 = vector.shape_cast %get3A_55 : vector<1x16xf32> to vector<16xf32>
    %get3A_57 = arith.constant 1 : i32
    %get3A_58 = arith.index_cast %get3A_57 : i32 to index
    %get3A_59 = arith.constant 16 : index
    %get3A_60 = tpu.vector_load %arg9[%get3A_58, %get3A_59] {strides = array<i32>} : memref<2x160xf32, #tpu.memory_space<vmem>>, vector<1x16xf32>,
    %get3A_61 = vector.shape_cast %get3A_60 : vector<1x16xf32> to vector<16xf32>
    %get3A_62 = arith.constant 1 : i32
    %get3A_63 = arith.index_cast %get3A_62 : i32 to index
    %get3A_64 = arith.constant 32 : index
    %get3A_65 = tpu.vector_load %arg9[%get3A_63, %get3A_64] {strides = array<i32>} : memref<2x160xf32, #tpu.memory_space<vmem>>, vector<1x16xf32>,
    %get3A_66 = vector.shape_cast %get3A_65 : vector<1x16xf32> to vector<16xf32>
    %get3A_67 = arith.constant 1 : i32
    %get3A_68 = arith.index_cast %get3A_67 : i32 to index
    %get3A_69 = arith.constant 48 : index
    %get3A_70 = tpu.vector_load %arg9[%get3A_68, %get3A_69] {strides = array<i32>} : memref<2x160xf32, #tpu.memory_space<vmem>>, vector<1x16xf32>,
    %get3A_71 = vector.shape_cast %get3A_70 : vector<1x16xf32> to vector<16xf32>
    %get3A_72 = arith.constant 1 : i32
    %get3A_73 = arith.index_cast %get3A_72 : i32 to index
    %get3A_74 = arith.constant 64 : index
    %get3A_75 = tpu.vector_load %arg9[%get3A_73, %get3A_74] {strides = array<i32>} : memref<2x160xf32, #tpu.memory_space<vmem>>, vector<1x16xf32>,
    %get3A_76 = vector.shape_cast %get3A_75 : vector<1x16xf32> to vector<16xf32>
    %get3A_77 = arith.constant 1 : i32
    %get3A_78 = arith.index_cast %get3A_77 : i32 to index
    %get3A_79 = arith.constant 80 : index
    %get3A_80 = tpu.vector_load %arg9[%get3A_78, %get3A_79] {strides = array<i32>} : memref<2x160xf32, #tpu.memory_space<vmem>>, vector<1x16xf32>,
    %get3A_81 = vector.shape_cast %get3A_80 : vector<1x16xf32> to vector<16xf32>
    %get3A_82 = arith.constant 1 : i32
    %get3A_83 = arith.index_cast %get3A_82 : i32 to index
    %get3A_84 = arith.constant 96 : index
    %get3A_85 = tpu.vector_load %arg9[%get3A_83, %get3A_84] {strides = array<i32>} : memref<2x160xf32, #tpu.memory_space<vmem>>, vector<1x16xf32>,
    %get3A_86 = vector.shape_cast %get3A_85 : vector<1x16xf32> to vector<16xf32>
    %get3A_87 = arith.constant 1 : i32
    %get3A_88 = arith.index_cast %get3A_87 : i32 to index
    %get3A_89 = arith.constant 112 : index
    %get3A_90 = tpu.vector_load %arg9[%get3A_88, %get3A_89] {strides = array<i32>} : memref<2x160xf32, #tpu.memory_space<vmem>>, vector<1x16xf32>,
    %get3A_91 = vector.shape_cast %get3A_90 : vector<1x16xf32> to vector<16xf32>
    %get3A_92 = arith.constant 1 : i32
    %get3A_93 = arith.index_cast %get3A_92 : i32 to index
    %get3A_94 = arith.constant 128 : index
    %get3A_95 = tpu.vector_load %arg9[%get3A_93, %get3A_94] {strides = array<i32>} : memref<2x160xf32, #tpu.memory_space<vmem>>, vector<1x16xf32>,
    %get3A_96 = vector.shape_cast %get3A_95 : vector<1x16xf32> to vector<16xf32>
    %get3A_97 = arith.constant 1 : i32
    %get3A_98 = arith.index_cast %get3A_97 : i32 to index
    %get3A_99 = arith.constant 144 : index
    %get3A_100 = tpu.vector_load %arg9[%get3A_98, %get3A_99] {strides = array<i32>} : memref<2x160xf32, #tpu.memory_space<vmem>>, vector<1x16xf32>,
    %get3A_101 = vector.shape_cast %get3A_100 : vector<1x16xf32> to vector<16xf32>
    %broadcast_in_dim3A = arith.constant 0.000000e+00 : f32
    %broadcast_in_dim3A_102 = vector.broadcast %broadcast_in_dim3A : f32 to vector<16xf32>
    %scan3A = arith.constant 0 : i32
    %scan3A_103 = arith.constant 64 : i32
    %scan3A_104 = arith.addi %scan3A, %scan3A_103 : i32
    %scan3A_105 = arith.constant 1 : i32
    %scan3A_106 = scf.for %scan3A_111 = %scan3A to %scan3A_104 step %scan3A_105 iter_args(%scan3A_112 = %broadcast_in_dim3A_102) -> (vector<16xf32>)  : i32 {
      %get3A_113 = arith.index_cast %scan3A_111 : i32 to index
      %get3A_114 = arith.constant 0 : index
      %get3A_115 = tpu.vector_load %arg8[%get3A_113, %get3A_114] {strides = array<i32>} : memref<64x160xf32, #tpu.memory_space<vmem>>, vector<1x16xf32>,
      %get3A_116 = vector.shape_cast %get3A_115 : vector<1x16xf32> to vector<16xf32>
      %add3A_117 = arith.addf %get3A_116, %get3A_56 : vector<16xf32>
      %add3A_118 = arith.addf %get3A_6, %add3A_117 : vector<16xf32>
      %get3A_119 = arith.constant 0 : i32
      %get3A_120 = arith.index_cast %get3A_119 : i32 to index
      %get3A_121 = arith.constant 0 : index
      %get3A_122 = tpu.vector_load %arg10[%get3A_120, %get3A_121] {strides = array<i32>} : memref<16x16xf32, #tpu.memory_space<vmem>>, vector<1x16xf32>,
      %get3A_123 = vector.shape_cast %get3A_122 : vector<1x16xf32> to vector<16xf32>
      %sub3A = arith.subf %add3A_118, %get3A_123 : vector<16xf32>
      %abs3A = math.absf %sub3A : vector<16xf32>
      %broadcast_in_dim3A_124 = arith.constant 0 : i32
      %broadcast_in_dim3A_125 = vector.broadcast %broadcast_in_dim3A_124 : i32 to vector<16xi32>
      %get3A_126 = arith.constant 1 : i32
      %get3A_127 = arith.index_cast %get3A_126 : i32 to index
      %get3A_128 = arith.constant 0 : index
      %get3A_129 = tpu.vector_load %arg10[%get3A_127, %get3A_128] {strides = array<i32>} : memref<16x16xf32, #tpu.memory_space<vmem>>, vector<1x16xf32>,
      %get3A_130 = vector.shape_cast %get3A_129 : vector<1x16xf32> to vector<16xf32>
      %sub3A_131 = arith.subf %add3A_118, %get3A_130 : vector<16xf32>
      %abs3A_132 = math.absf %sub3A_131 : vector<16xf32>
      %lt3A = arith.cmpf olt, %abs3A_132, %abs3A : vector<16xf32>
      %select_n3A = arith.select %lt3A, %abs3A_132, %abs3A : vector<16xi1>, vector<16xf32>
      %broadcast_in_dim3A_133 = arith.constant 1 : i32
      %broadcast_in_dim3A_134 = vector.broadcast %broadcast_in_dim3A_133 : i32 to vector<16xi32>
      %select_n3A_135 = arith.select %lt3A, %broadcast_in_dim3A_134, %broadcast_in_dim3A_125 : vector<16xi1>, vector<16xi32>
      %select_n3A_136 = arith.select %lt3A, %get3A_130, %get3A_123 : vector<16xi1>, vector<16xf32>
      %get3A_137 = arith.constant 2 : i32
      %get3A_138 = arith.index_cast %get3A_137 : i32 to index
      %get3A_139 = arith.constant 0 : index
      %get3A_140 = tpu.vector_load %arg10[%get3A_138, %get3A_139] {strides = array<i32>} : memref<16x16xf32, #tpu.memory_space<vmem>>, vector<1x16xf32>,
      %get3A_141 = vector.shape_cast %get3A_140 : vector<1x16xf32> to vector<16xf32>
      %sub3A_142 = arith.subf %add3A_118, %get3A_141 : vector<16xf32>
      %abs3A_143 = math.absf %sub3A_142 : vector<16xf32>
      %lt3A_144 = arith.cmpf olt, %abs3A_143, %select_n3A : vector<16xf32>
      %select_n3A_145 = arith.select %lt3A_144, %abs3A_143, %select_n3A : vector<16xi1>, vector<16xf32>
      %broadcast_in_dim3A_146 = arith.constant 2 : i32
      %broadcast_in_dim3A_147 = vector.broadcast %broadcast_in_dim3A_146 : i32 to vector<16xi32>
      %select_n3A_148 = arith.select %lt3A_144, %broadcast_in_dim3A_147, %select_n3A_135 : vector<16xi1>, vector<16xi32>
      %select_n3A_149 = arith.select %lt3A_144, %get3A_141, %select_n3A_136 : vector<16xi1>, vector<16xf32>
      %get3A_150 = arith.constant 3 : i32
      %get3A_151 = arith.index_cast %get3A_150 : i32 to index
      %get3A_152 = arith.constant 0 : index
      %get3A_153 = tpu.vector_load %arg10[%get3A_151, %get3A_152] {strides = array<i32>} : memref<16x16xf32, #tpu.memory_space<vmem>>, vector<1x16xf32>,
      %get3A_154 = vector.shape_cast %get3A_153 : vector<1x16xf32> to vector<16xf32>
      %sub3A_155 = arith.subf %add3A_118, %get3A_154 : vector<16xf32>
      %abs3A_156 = math.absf %sub3A_155 : vector<16xf32>
      %lt3A_157 = arith.cmpf olt, %abs3A_156, %select_n3A_145 : vector<16xf32>
      %select_n3A_158 = arith.select %lt3A_157, %abs3A_156, %select_n3A_145 : vector<16xi1>, vector<16xf32>
      %broadcast_in_dim3A_159 = arith.constant 3 : i32
      %broadcast_in_dim3A_160 = vector.broadcast %broadcast_in_dim3A_159 : i32 to vector<16xi32>
      %select_n3A_161 = arith.select %lt3A_157, %broadcast_in_dim3A_160, %select_n3A_148 : vector<16xi1>, vector<16xi32>
      %select_n3A_162 = arith.select %lt3A_157, %get3A_154, %select_n3A_149 : vector<16xi1>, vector<16xf32>
      %get3A_163 = arith.constant 4 : i32
      %get3A_164 = arith.index_cast %get3A_163 : i32 to index
      %get3A_165 = arith.constant 0 : index
      %get3A_166 = tpu.vector_load %arg10[%get3A_164, %get3A_165] {strides = array<i32>} : memref<16x16xf32, #tpu.memory_space<vmem>>, vector<1x16xf32>,
      %get3A_167 = vector.shape_cast %get3A_166 : vector<1x16xf32> to vector<16xf32>
      %sub3A_168 = arith.subf %add3A_118, %get3A_167 : vector<16xf32>
      %abs3A_169 = math.absf %sub3A_168 : vector<16xf32>
      %lt3A_170 = arith.cmpf olt, %abs3A_169, %select_n3A_158 : vector<16xf32>
      %select_n3A_171 = arith.select %lt3A_170, %abs3A_169, %select_n3A_158 : vector<16xi1>, vector<16xf32>
      %broadcast_in_dim3A_172 = arith.constant 4 : i32
      %broadcast_in_dim3A_173 = vector.broadcast %broadcast_in_dim3A_172 : i32 to vector<16xi32>
      %select_n3A_174 = arith.select %lt3A_170, %broadcast_in_dim3A_173, %select_n3A_161 : vector<16xi1>, vector<16xi32>
      %select_n3A_175 = arith.select %lt3A_170, %get3A_167, %select_n3A_162 : vector<16xi1>, vector<16xf32>
      %get3A_176 = arith.constant 5 : i32
      %get3A_177 = arith.index_cast %get3A_176 : i32 to index
      %get3A_178 = arith.constant 0 : index
      %get3A_179 = tpu.vector_load %arg10[%get3A_177, %get3A_178] {strides = array<i32>} : memref<16x16xf32, #tpu.memory_space<vmem>>, vector<1x16xf32>,
      %get3A_180 = vector.shape_cast %get3A_179 : vector<1x16xf32> to vector<16xf32>
      %sub3A_181 = arith.subf %add3A_118, %get3A_180 : vector<16xf32>
      %abs3A_182 = math.absf %sub3A_181 : vector<16xf32>
      %lt3A_183 = arith.cmpf olt, %abs3A_182, %select_n3A_171 : vector<16xf32>
      %select_n3A_184 = arith.select %lt3A_183, %abs3A_182, %select_n3A_171 : vector<16xi1>, vector<16xf32>
      %broadcast_in_dim3A_185 = arith.constant 5 : i32
      %broadcast_in_dim3A_186 = vector.broadcast %broadcast_in_dim3A_185 : i32 to vector<16xi32>
      %select_n3A_187 = arith.select %lt3A_183, %broadcast_in_dim3A_186, %select_n3A_174 : vector<16xi1>, vector<16xi32>
      %select_n3A_188 = arith.select %lt3A_183, %get3A_180, %select_n3A_175 : vector<16xi1>, vector<16xf32>
      %get3A_189 = arith.constant 6 : i32
      %get3A_190 = arith.index_cast %get3A_189 : i32 to index
      %get3A_191 = arith.constant 0 : index
      %get3A_192 = tpu.vector_load %arg10[%get3A_190, %get3A_191] {strides = array<i32>} : memref<16x16xf32, #tpu.memory_space<vmem>>, vector<1x16xf32>,
      %get3A_193 = vector.shape_cast %get3A_192 : vector<1x16xf32> to vector<16xf32>
      %sub3A_194 = arith.subf %add3A_118, %get3A_193 : vector<16xf32>
      %abs3A_195 = math.absf %sub3A_194 : vector<16xf32>
      %lt3A_196 = arith.cmpf olt, %abs3A_195, %select_n3A_184 : vector<16xf32>
      %select_n3A_197 = arith.select %lt3A_196, %abs3A_195, %select_n3A_184 : vector<16xi1>, vector<16xf32>
      %broadcast_in_dim3A_198 = arith.constant 6 : i32
      %broadcast_in_dim3A_199 = vector.broadcast %broadcast_in_dim3A_198 : i32 to vector<16xi32>
      %select_n3A_200 = arith.select %lt3A_196, %broadcast_in_dim3A_199, %select_n3A_187 : vector<16xi1>, vector<16xi32>
      %select_n3A_201 = arith.select %lt3A_196, %get3A_193, %select_n3A_188 : vector<16xi1>, vector<16xf32>
      %get3A_202 = arith.constant 7 : i32
      %get3A_203 = arith.index_cast %get3A_202 : i32 to index
      %get3A_204 = arith.constant 0 : index
      %get3A_205 = tpu.vector_load %arg10[%get3A_203, %get3A_204] {strides = array<i32>} : memref<16x16xf32, #tpu.memory_space<vmem>>, vector<1x16xf32>,
      %get3A_206 = vector.shape_cast %get3A_205 : vector<1x16xf32> to vector<16xf32>
      %sub3A_207 = arith.subf %add3A_118, %get3A_206 : vector<16xf32>
      %abs3A_208 = math.absf %sub3A_207 : vector<16xf32>
      %lt3A_209 = arith.cmpf olt, %abs3A_208, %select_n3A_197 : vector<16xf32>
      %select_n3A_210 = arith.select %lt3A_209, %abs3A_208, %select_n3A_197 : vector<16xi1>, vector<16xf32>
      %broadcast_in_dim3A_211 = arith.constant 7 : i32
      %broadcast_in_dim3A_212 = vector.broadcast %broadcast_in_dim3A_211 : i32 to vector<16xi32>
      %select_n3A_213 = arith.select %lt3A_209, %broadcast_in_dim3A_212, %select_n3A_200 : vector<16xi1>, vector<16xi32>
      %select_n3A_214 = arith.select %lt3A_209, %get3A_206, %select_n3A_201 : vector<16xi1>, vector<16xf32>
      %get3A_215 = arith.constant 8 : i32
      %get3A_216 = arith.index_cast %get3A_215 : i32 to index
      %get3A_217 = arith.constant 0 : index
      %get3A_218 = tpu.vector_load %arg10[%get3A_216, %get3A_217] {strides = array<i32>} : memref<16x16xf32, #tpu.memory_space<vmem>>, vector<1x16xf32>,
      %get3A_219 = vector.shape_cast %get3A_218 : vector<1x16xf32> to vector<16xf32>
      %sub3A_220 = arith.subf %add3A_118, %get3A_219 : vector<16xf32>
      %abs3A_221 = math.absf %sub3A_220 : vector<16xf32>
      %lt3A_222 = arith.cmpf olt, %abs3A_221, %select_n3A_210 : vector<16xf32>
      %select_n3A_223 = arith.select %lt3A_222, %abs3A_221, %select_n3A_210 : vector<16xi1>, vector<16xf32>
      %broadcast_in_dim3A_224 = arith.constant 8 : i32
      %broadcast_in_dim3A_225 = vector.broadcast %broadcast_in_dim3A_224 : i32 to vector<16xi32>
      %select_n3A_226 = arith.select %lt3A_222, %broadcast_in_dim3A_225, %select_n3A_213 : vector<16xi1>, vector<16xi32>
      %select_n3A_227 = arith.select %lt3A_222, %get3A_219, %select_n3A_214 : vector<16xi1>, vector<16xf32>
      %get3A_228 = arith.constant 9 : i32
      %get3A_229 = arith.index_cast %get3A_228 : i32 to index
      %get3A_230 = arith.constant 0 : index
      %get3A_231 = tpu.vector_load %arg10[%get3A_229, %get3A_230] {strides = array<i32>} : memref<16x16xf32, #tpu.memory_space<vmem>>, vector<1x16xf32>,
      %get3A_232 = vector.shape_cast %get3A_231 : vector<1x16xf32> to vector<16xf32>
      %sub3A_233 = arith.subf %add3A_118, %get3A_232 : vector<16xf32>
      %abs3A_234 = math.absf %sub3A_233 : vector<16xf32>
      %lt3A_235 = arith.cmpf olt, %abs3A_234, %select_n3A_223 : vector<16xf32>
      %select_n3A_236 = arith.select %lt3A_235, %abs3A_234, %select_n3A_223 : vector<16xi1>, vector<16xf32>
      %broadcast_in_dim3A_237 = arith.constant 9 : i32
      %broadcast_in_dim3A_238 = vector.broadcast %broadcast_in_dim3A_237 : i32 to vector<16xi32>
      %select_n3A_239 = arith.select %lt3A_235, %broadcast_in_dim3A_238, %select_n3A_226 : vector<16xi1>, vector<16xi32>
      %select_n3A_240 = arith.select %lt3A_235, %get3A_232, %select_n3A_227 : vector<16xi1>, vector<16xf32>
      %get3A_241 = arith.constant 10 : i32
      %get3A_242 = arith.index_cast %get3A_241 : i32 to index
      %get3A_243 = arith.constant 0 : index
      %get3A_244 = tpu.vector_load %arg10[%get3A_242, %get3A_243] {strides = array<i32>} : memref<16x16xf32, #tpu.memory_space<vmem>>, vector<1x16xf32>,
      %get3A_245 = vector.shape_cast %get3A_244 : vector<1x16xf32> to vector<16xf32>
      %sub3A_246 = arith.subf %add3A_118, %get3A_245 : vector<16xf32>
      %abs3A_247 = math.absf %sub3A_246 : vector<16xf32>
      %lt3A_248 = arith.cmpf olt, %abs3A_247, %select_n3A_236 : vector<16xf32>
      %select_n3A_249 = arith.select %lt3A_248, %abs3A_247, %select_n3A_236 : vector<16xi1>, vector<16xf32>
      %broadcast_in_dim3A_250 = arith.constant 10 : i32
      %broadcast_in_dim3A_251 = vector.broadcast %broadcast_in_dim3A_250 : i32 to vector<16xi32>
      %select_n3A_252 = arith.select %lt3A_248, %broadcast_in_dim3A_251, %select_n3A_239 : vector<16xi1>, vector<16xi32>
      %select_n3A_253 = arith.select %lt3A_248, %get3A_245, %select_n3A_240 : vector<16xi1>, vector<16xf32>
      %get3A_254 = arith.constant 11 : i32
      %get3A_255 = arith.index_cast %get3A_254 : i32 to index
      %get3A_256 = arith.constant 0 : index
      %get3A_257 = tpu.vector_load %arg10[%get3A_255, %get3A_256] {strides = array<i32>} : memref<16x16xf32, #tpu.memory_space<vmem>>, vector<1x16xf32>,
      %get3A_258 = vector.shape_cast %get3A_257 : vector<1x16xf32> to vector<16xf32>
      %sub3A_259 = arith.subf %add3A_118, %get3A_258 : vector<16xf32>
      %abs3A_260 = math.absf %sub3A_259 : vector<16xf32>
      %lt3A_261 = arith.cmpf olt, %abs3A_260, %select_n3A_249 : vector<16xf32>
      %select_n3A_262 = arith.select %lt3A_261, %abs3A_260, %select_n3A_249 : vector<16xi1>, vector<16xf32>
      %broadcast_in_dim3A_263 = arith.constant 11 : i32
      %broadcast_in_dim3A_264 = vector.broadcast %broadcast_in_dim3A_263 : i32 to vector<16xi32>
      %select_n3A_265 = arith.select %lt3A_261, %broadcast_in_dim3A_264, %select_n3A_252 : vector<16xi1>, vector<16xi32>
      %select_n3A_266 = arith.select %lt3A_261, %get3A_258, %select_n3A_253 : vector<16xi1>, vector<16xf32>
      %get3A_267 = arith.constant 12 : i32
      %get3A_268 = arith.index_cast %get3A_267 : i32 to index
      %get3A_269 = arith.constant 0 : index
      %get3A_270 = tpu.vector_load %arg10[%get3A_268, %get3A_269] {strides = array<i32>} : memref<16x16xf32, #tpu.memory_space<vmem>>, vector<1x16xf32>,
      %get3A_271 = vector.shape_cast %get3A_270 : vector<1x16xf32> to vector<16xf32>
      %sub3A_272 = arith.subf %add3A_118, %get3A_271 : vector<16xf32>
      %abs3A_273 = math.absf %sub3A_272 : vector<16xf32>
      %lt3A_274 = arith.cmpf olt, %abs3A_273, %select_n3A_262 : vector<16xf32>
      %select_n3A_275 = arith.select %lt3A_274, %abs3A_273, %select_n3A_262 : vector<16xi1>, vector<16xf32>
      %broadcast_in_dim3A_276 = arith.constant 12 : i32
      %broadcast_in_dim3A_277 = vector.broadcast %broadcast_in_dim3A_276 : i32 to vector<16xi32>
      %select_n3A_278 = arith.select %lt3A_274, %broadcast_in_dim3A_277, %select_n3A_265 : vector<16xi1>, vector<16xi32>
      %select_n3A_279 = arith.select %lt3A_274, %get3A_271, %select_n3A_266 : vector<16xi1>, vector<16xf32>
      %get3A_280 = arith.constant 13 : i32
      %get3A_281 = arith.index_cast %get3A_280 : i32 to index
      %get3A_282 = arith.constant 0 : index
      %get3A_283 = tpu.vector_load %arg10[%get3A_281, %get3A_282] {strides = array<i32>} : memref<16x16xf32, #tpu.memory_space<vmem>>, vector<1x16xf32>,
      %get3A_284 = vector.shape_cast %get3A_283 : vector<1x16xf32> to vector<16xf32>
      %sub3A_285 = arith.subf %add3A_118, %get3A_284 : vector<16xf32>
      %abs3A_286 = math.absf %sub3A_285 : vector<16xf32>
      %lt3A_287 = arith.cmpf olt, %abs3A_286, %select_n3A_275 : vector<16xf32>
      %select_n3A_288 = arith.select %lt3A_287, %abs3A_286, %select_n3A_275 : vector<16xi1>, vector<16xf32>
      %broadcast_in_dim3A_289 = arith.constant 13 : i32
      %broadcast_in_dim3A_290 = vector.broadcast %broadcast_in_dim3A_289 : i32 to vector<16xi32>
      %select_n3A_291 = arith.select %lt3A_287, %broadcast_in_dim3A_290, %select_n3A_278 : vector<16xi1>, vector<16xi32>
      %select_n3A_292 = arith.select %lt3A_287, %get3A_284, %select_n3A_279 : vector<16xi1>, vector<16xf32>
      %get3A_293 = arith.constant 14 : i32
      %get3A_294 = arith.index_cast %get3A_293 : i32 to index
      %get3A_295 = arith.constant 0 : index
      %get3A_296 = tpu.vector_load %arg10[%get3A_294, %get3A_295] {strides = array<i32>} : memref<16x16xf32, #tpu.memory_space<vmem>>, vector<1x16xf32>,
      %get3A_297 = vector.shape_cast %get3A_296 : vector<1x16xf32> to vector<16xf32>
      %sub3A_298 = arith.subf %add3A_118, %get3A_297 : vector<16xf32>
      %abs3A_299 = math.absf %sub3A_298 : vector<16xf32>
      %lt3A_300 = arith.cmpf olt, %abs3A_299, %select_n3A_288 : vector<16xf32>
      %select_n3A_301 = arith.select %lt3A_300, %abs3A_299, %select_n3A_288 : vector<16xi1>, vector<16xf32>
      %broadcast_in_dim3A_302 = arith.constant 14 : i32
      %broadcast_in_dim3A_303 = vector.broadcast %broadcast_in_dim3A_302 : i32 to vector<16xi32>
      %select_n3A_304 = arith.select %lt3A_300, %broadcast_in_dim3A_303, %select_n3A_291 : vector<16xi1>, vector<16xi32>
      %select_n3A_305 = arith.select %lt3A_300, %get3A_297, %select_n3A_292 : vector<16xi1>, vector<16xf32>
      %get3A_306 = arith.constant 15 : i32
      %get3A_307 = arith.index_cast %get3A_306 : i32 to index
      %get3A_308 = arith.constant 0 : index
      %get3A_309 = tpu.vector_load %arg10[%get3A_307, %get3A_308] {strides = array<i32>} : memref<16x16xf32, #tpu.memory_space<vmem>>, vector<1x16xf32>,
      %get3A_310 = vector.shape_cast %get3A_309 : vector<1x16xf32> to vector<16xf32>
      %sub3A_311 = arith.subf %add3A_118, %get3A_310 : vector<16xf32>
      %abs3A_312 = math.absf %sub3A_311 : vector<16xf32>
      %lt3A_313 = arith.cmpf olt, %abs3A_312, %select_n3A_301 : vector<16xf32>
      %select_n3A_314 = arith.select %lt3A_313, %abs3A_312, %select_n3A_301 : vector<16xi1>, vector<16xf32>
      %broadcast_in_dim3A_315 = arith.constant 15 : i32
      %broadcast_in_dim3A_316 = vector.broadcast %broadcast_in_dim3A_315 : i32 to vector<16xi32>
      %select_n3A_317 = arith.select %lt3A_313, %broadcast_in_dim3A_316, %select_n3A_304 : vector<16xi1>, vector<16xi32>
      %select_n3A_318 = arith.select %lt3A_313, %get3A_310, %select_n3A_305 : vector<16xi1>, vector<16xf32>
      %swap3A_319 = arith.index_cast %scan3A_111 : i32 to index
      %swap3A_320 = arith.constant 0 : index
      %swap3A_321 = tpu.vector_load %arg11[%swap3A_319, %swap3A_320] {strides = array<i32>} : memref<64x160xf32, #tpu.memory_space<vmem>>, vector<1x16xf32>,
      %swap3A_322 = vector.shape_cast %swap3A_321 : vector<1x16xf32> to vector<16xf32>
      %swap3A_323 = vector.shape_cast %select_n3A_318 : vector<16xf32> to vector<1x16xf32>
      tpu.vector_store %arg11[%swap3A_319, %swap3A_320], %swap3A_323 {strides = array<i32>} : memref<64x160xf32, #tpu.memory_space<vmem>>, vector<1x16xf32>,
      %swap3A_324 = arith.index_cast %scan3A_111 : i32 to index
      %swap3A_325 = arith.constant 0 : index
      %swap3A_326 = tpu.vector_load %arg12[%swap3A_324, %swap3A_325] {strides = array<i32>} : memref<64x160xi32, #tpu.memory_space<vmem>>, vector<1x16xi32>,
      %swap3A_327 = vector.shape_cast %swap3A_326 : vector<1x16xi32> to vector<16xi32>
      %swap3A_328 = vector.shape_cast %select_n3A_317 : vector<16xi32> to vector<1x16xi32>
      tpu.vector_store %arg12[%swap3A_324, %swap3A_325], %swap3A_328 {strides = array<i32>} : memref<64x160xi32, #tpu.memory_space<vmem>>, vector<1x16xi32>,
      %sub3A_329 = arith.subf %select_n3A_318, %add3A_118 : vector<16xf32>
      %mul3A_330 = arith.mulf %sub3A_329, %sub3A_329 : vector<16xf32>
      %add3A_331 = arith.addf %scan3A_112, %mul3A_330 : vector<16xf32>
      %get3A_332 = arith.index_cast %scan3A_111 : i32 to index
      %get3A_333 = arith.constant 16 : index
      %get3A_334 = tpu.vector_load %arg8[%get3A_332, %get3A_333] {strides = array<i32>} : memref<64x160xf32, #tpu.memory_space<vmem>>, vector<1x16xf32>,
      %get3A_335 = vector.shape_cast %get3A_334 : vector<1x16xf32> to vector<16xf32>
      %add3A_336 = arith.addf %get3A_335, %get3A_61 : vector<16xf32>
      %add3A_337 = arith.addf %get3A_11, %add3A_336 : vector<16xf32>
      %get3A_338 = arith.constant 0 : i32
      %get3A_339 = arith.index_cast %get3A_338 : i32 to index
      %get3A_340 = arith.constant 0 : index
      %get3A_341 = tpu.vector_load %arg10[%get3A_339, %get3A_340] {strides = array<i32>} : memref<16x16xf32, #tpu.memory_space<vmem>>, vector<1x16xf32>,
      %get3A_342 = vector.shape_cast %get3A_341 : vector<1x16xf32> to vector<16xf32>
      %sub3A_343 = arith.subf %add3A_337, %get3A_342 : vector<16xf32>
      %abs3A_344 = math.absf %sub3A_343 : vector<16xf32>
      %broadcast_in_dim3A_345 = arith.constant 0 : i32
      %broadcast_in_dim3A_346 = vector.broadcast %broadcast_in_dim3A_345 : i32 to vector<16xi32>
      %get3A_347 = arith.constant 1 : i32
      %get3A_348 = arith.index_cast %get3A_347 : i32 to index
      %get3A_349 = arith.constant 0 : index
      %get3A_350 = tpu.vector_load %arg10[%get3A_348, %get3A_349] {strides = array<i32>} : memref<16x16xf32, #tpu.memory_space<vmem>>, vector<1x16xf32>,
      %get3A_351 = vector.shape_cast %get3A_350 : vector<1x16xf32> to vector<16xf32>
      %sub3A_352 = arith.subf %add3A_337, %get3A_351 : vector<16xf32>
      %abs3A_353 = math.absf %sub3A_352 : vector<16xf32>
      %lt3A_354 = arith.cmpf olt, %abs3A_353, %abs3A_344 : vector<16xf32>
      %select_n3A_355 = arith.select %lt3A_354, %abs3A_353, %abs3A_344 : vector<16xi1>, vector<16xf32>
      %broadcast_in_dim3A_356 = arith.constant 1 : i32
      %broadcast_in_dim3A_357 = vector.broadcast %broadcast_in_dim3A_356 : i32 to vector<16xi32>
      %select_n3A_358 = arith.select %lt3A_354, %broadcast_in_dim3A_357, %broadcast_in_dim3A_346 : vector<16xi1>, vector<16xi32>
      %select_n3A_359 = arith.select %lt3A_354, %get3A_351, %get3A_342 : vector<16xi1>, vector<16xf32>
      %get3A_360 = arith.constant 2 : i32
      %get3A_361 = arith.index_cast %get3A_360 : i32 to index
      %get3A_362 = arith.constant 0 : index
      %get3A_363 = tpu.vector_load %arg10[%get3A_361, %get3A_362] {strides = array<i32>} : memref<16x16xf32, #tpu.memory_space<vmem>>, vector<1x16xf32>,
      %get3A_364 = vector.shape_cast %get3A_363 : vector<1x16xf32> to vector<16xf32>
      %sub3A_365 = arith.subf %add3A_337, %get3A_364 : vector<16xf32>
      %abs3A_366 = math.absf %sub3A_365 : vector<16xf32>
      %lt3A_367 = arith.cmpf olt, %abs3A_366, %select_n3A_355 : vector<16xf32>
      %select_n3A_368 = arith.select %lt3A_367, %abs3A_366, %select_n3A_355 : vector<16xi1>, vector<16xf32>
      %broadcast_in_dim3A_369 = arith.constant 2 : i32
      %broadcast_in_dim3A_370 = vector.broadcast %broadcast_in_dim3A_369 : i32 to vector<16xi32>
      %select_n3A_371 = arith.select %lt3A_367, %broadcast_in_dim3A_370, %select_n3A_358 : vector<16xi1>, vector<16xi32>
      %select_n3A_372 = arith.select %lt3A_367, %get3A_364, %select_n3A_359 : vector<16xi1>, vector<16xf32>
      %get3A_373 = arith.constant 3 : i32
      %get3A_374 = arith.index_cast %get3A_373 : i32 to index
      %get3A_375 = arith.constant 0 : index
      %get3A_376 = tpu.vector_load %arg10[%get3A_374, %get3A_375] {strides = array<i32>} : memref<16x16xf32, #tpu.memory_space<vmem>>, vector<1x16xf32>,
      %get3A_377 = vector.shape_cast %get3A_376 : vector<1x16xf32> to vector<16xf32>
      %sub3A_378 = arith.subf %add3A_337, %get3A_377 : vector<16xf32>
      %abs3A_379 = math.absf %sub3A_378 : vector<16xf32>
      %lt3A_380 = arith.cmpf olt, %abs3A_379, %select_n3A_368 : vector<16xf32>
      %select_n3A_381 = arith.select %lt3A_380, %abs3A_379, %select_n3A_368 : vector<16xi1>, vector<16xf32>
      %broadcast_in_dim3A_382 = arith.constant 3 : i32
      %broadcast_in_dim3A_383 = vector.broadcast %broadcast_in_dim3A_382 : i32 to vector<16xi32>
      %select_n3A_384 = arith.select %lt3A_380, %broadcast_in_dim3A_383, %select_n3A_371 : vector<16xi1>, vector<16xi32>
      %select_n3A_385 = arith.select %lt3A_380, %get3A_377, %select_n3A_372 : vector<16xi1>, vector<16xf32>
      %get3A_386 = arith.constant 4 : i32
      %get3A_387 = arith.index_cast %get3A_386 : i32 to index
      %get3A_388 = arith.constant 0 : index
      %get3A_389 = tpu.vector_load %arg10[%get3A_387, %get3A_388] {strides = array<i32>} : memref<16x16xf32, #tpu.memory_space<vmem>>, vector<1x16xf32>,
      %get3A_390 = vector.shape_cast %get3A_389 : vector<1x16xf32> to vector<16xf32>
      %sub3A_391 = arith.subf %add3A_337, %get3A_390 : vector<16xf32>
      %abs3A_392 = math.absf %sub3A_391 : vector<16xf32>
      %lt3A_393 = arith.cmpf olt, %abs3A_392, %select_n3A_381 : vector<16xf32>
      %select_n3A_394 = arith.select %lt3A_393, %abs3A_392, %select_n3A_381 : vector<16xi1>, vector<16xf32>
      %broadcast_in_dim3A_395 = arith.constant 4 : i32
      %broadcast_in_dim3A_396 = vector.broadcast %broadcast_in_dim3A_395 : i32 to vector<16xi32>
      %select_n3A_397 = arith.select %lt3A_393, %broadcast_in_dim3A_396, %select_n3A_384 : vector<16xi1>, vector<16xi32>
      %select_n3A_398 = arith.select %lt3A_393, %get3A_390, %select_n3A_385 : vector<16xi1>, vector<16xf32>
      %get3A_399 = arith.constant 5 : i32
      %get3A_400 = arith.index_cast %get3A_399 : i32 to index
      %get3A_401 = arith.constant 0 : index
      %get3A_402 = tpu.vector_load %arg10[%get3A_400, %get3A_401] {strides = array<i32>} : memref<16x16xf32, #tpu.memory_space<vmem>>, vector<1x16xf32>,
      %get3A_403 = vector.shape_cast %get3A_402 : vector<1x16xf32> to vector<16xf32>
      %sub3A_404 = arith.subf %add3A_337, %get3A_403 : vector<16xf32>
      %abs3A_405 = math.absf %sub3A_404 : vector<16xf32>
      %lt3A_406 = arith.cmpf olt, %abs3A_405, %select_n3A_394 : vector<16xf32>
      %select_n3A_407 = arith.select %lt3A_406, %abs3A_405, %select_n3A_394 : vector<16xi1>, vector<16xf32>
      %broadcast_in_dim3A_408 = arith.constant 5 : i32
      %broadcast_in_dim3A_409 = vector.broadcast %broadcast_in_dim3A_408 : i32 to vector<16xi32>
      %select_n3A_410 = arith.select %lt3A_406, %broadcast_in_dim3A_409, %select_n3A_397 : vector<16xi1>, vector<16xi32>
      %select_n3A_411 = arith.select %lt3A_406, %get3A_403, %select_n3A_398 : vector<16xi1>, vector<16xf32>
      %get3A_412 = arith.constant 6 : i32
      %get3A_413 = arith.index_cast %get3A_412 : i32 to index
      %get3A_414 = arith.constant 0 : index
      %get3A_415 = tpu.vector_load %arg10[%get3A_413, %get3A_414] {strides = array<i32>} : memref<16x16xf32, #tpu.memory_space<vmem>>, vector<1x16xf32>,
      %get3A_416 = vector.shape_cast %get3A_415 : vector<1x16xf32> to vector<16xf32>
      %sub3A_417 = arith.subf %add3A_337, %get3A_416 : vector<16xf32>
      %abs3A_418 = math.absf %sub3A_417 : vector<16xf32>
      %lt3A_419 = arith.cmpf olt, %abs3A_418, %select_n3A_407 : vector<16xf32>
      %select_n3A_420 = arith.select %lt3A_419, %abs3A_418, %select_n3A_407 : vector<16xi1>, vector<16xf32>
      %broadcast_in_dim3A_421 = arith.constant 6 : i32
      %broadcast_in_dim3A_422 = vector.broadcast %broadcast_in_dim3A_421 : i32 to vector<16xi32>
      %select_n3A_423 = arith.select %lt3A_419, %broadcast_in_dim3A_422, %select_n3A_410 : vector<16xi1>, vector<16xi32>
      %select_n3A_424 = arith.select %lt3A_419, %get3A_416, %select_n3A_411 : vector<16xi1>, vector<16xf32>
      %get3A_425 = arith.constant 7 : i32
      %get3A_426 = arith.index_cast %get3A_425 : i32 to index
      %get3A_427 = arith.constant 0 : index
      %get3A_428 = tpu.vector_load %arg10[%get3A_426, %get3A_427] {strides = array<i32>} : memref<16x16xf32, #tpu.memory_space<vmem>>, vector<1x16xf32>,
      %get3A_429 = vector.shape_cast %get3A_428 : vector<1x16xf32> to vector<16xf32>
      %sub3A_430 = arith.subf %add3A_337, %get3A_429 : vector<16xf32>
      %abs3A_431 = math.absf %sub3A_430 : vector<16xf32>
      %lt3A_432 = arith.cmpf olt, %abs3A_431, %select_n3A_420 : vector<16xf32>
      %select_n3A_433 = arith.select %lt3A_432, %abs3A_431, %select_n3A_420 : vector<16xi1>, vector<16xf32>
      %broadcast_in_dim3A_434 = arith.constant 7 : i32
      %broadcast_in_dim3A_435 = vector.broadcast %broadcast_in_dim3A_434 : i32 to vector<16xi32>
      %select_n3A_436 = arith.select %lt3A_432, %broadcast_in_dim3A_435, %select_n3A_423 : vector<16xi1>, vector<16xi32>
      %select_n3A_437 = arith.select %lt3A_432, %get3A_429, %select_n3A_424 : vector<16xi1>, vector<16xf32>
      %get3A_438 = arith.constant 8 : i32
      %get3A_439 = arith.index_cast %get3A_438 : i32 to index
      %get3A_440 = arith.constant 0 : index
      %get3A_441 = tpu.vector_load %arg10[%get3A_439, %get3A_440] {strides = array<i32>} : memref<16x16xf32, #tpu.memory_space<vmem>>, vector<1x16xf32>,
      %get3A_442 = vector.shape_cast %get3A_441 : vector<1x16xf32> to vector<16xf32>
      %sub3A_443 = arith.subf %add3A_337, %get3A_442 : vector<16xf32>
      %abs3A_444 = math.absf %sub3A_443 : vector<16xf32>
      %lt3A_445 = arith.cmpf olt, %abs3A_444, %select_n3A_433 : vector<16xf32>
      %select_n3A_446 = arith.select %lt3A_445, %abs3A_444, %select_n3A_433 : vector<16xi1>, vector<16xf32>
      %broadcast_in_dim3A_447 = arith.constant 8 : i32
      %broadcast_in_dim3A_448 = vector.broadcast %broadcast_in_dim3A_447 : i32 to vector<16xi32>
      %select_n3A_449 = arith.select %lt3A_445, %broadcast_in_dim3A_448, %select_n3A_436 : vector<16xi1>, vector<16xi32>
      %select_n3A_450 = arith.select %lt3A_445, %get3A_442, %select_n3A_437 : vector<16xi1>, vector<16xf32>
      %get3A_451 = arith.constant 9 : i32
      %get3A_452 = arith.index_cast %get3A_451 : i32 to index
      %get3A_453 = arith.constant 0 : index
      %get3A_454 = tpu.vector_load %arg10[%get3A_452, %get3A_453] {strides = array<i32>} : memref<16x16xf32, #tpu.memory_space<vmem>>, vector<1x16xf32>,
      %get3A_455 = vector.shape_cast %get3A_454 : vector<1x16xf32> to vector<16xf32>
      %sub3A_456 = arith.subf %add3A_337, %get3A_455 : vector<16xf32>
      %abs3A_457 = math.absf %sub3A_456 : vector<16xf32>
      %lt3A_458 = arith.cmpf olt, %abs3A_457, %select_n3A_446 : vector<16xf32>
      %select_n3A_459 = arith.select %lt3A_458, %abs3A_457, %select_n3A_446 : vector<16xi1>, vector<16xf32>
      %broadcast_in_dim3A_460 = arith.constant 9 : i32
      %broadcast_in_dim3A_461 = vector.broadcast %broadcast_in_dim3A_460 : i32 to vector<16xi32>
      %select_n3A_462 = arith.select %lt3A_458, %broadcast_in_dim3A_461, %select_n3A_449 : vector<16xi1>, vector<16xi32>
      %select_n3A_463 = arith.select %lt3A_458, %get3A_455, %select_n3A_450 : vector<16xi1>, vector<16xf32>
      %get3A_464 = arith.constant 10 : i32
      %get3A_465 = arith.index_cast %get3A_464 : i32 to index
      %get3A_466 = arith.constant 0 : index
      %get3A_467 = tpu.vector_load %arg10[%get3A_465, %get3A_466] {strides = array<i32>} : memref<16x16xf32, #tpu.memory_space<vmem>>, vector<1x16xf32>,
      %get3A_468 = vector.shape_cast %get3A_467 : vector<1x16xf32> to vector<16xf32>
      %sub3A_469 = arith.subf %add3A_337, %get3A_468 : vector<16xf32>
      %abs3A_470 = math.absf %sub3A_469 : vector<16xf32>
      %lt3A_471 = arith.cmpf olt, %abs3A_470, %select_n3A_459 : vector<16xf32>
      %select_n3A_472 = arith.select %lt3A_471, %abs3A_470, %select_n3A_459 : vector<16xi1>, vector<16xf32>
      %broadcast_in_dim3A_473 = arith.constant 10 : i32
      %broadcast_in_dim3A_474 = vector.broadcast %broadcast_in_dim3A_473 : i32 to vector<16xi32>
      %select_n3A_475 = arith.select %lt3A_471, %broadcast_in_dim3A_474, %select_n3A_462 : vector<16xi1>, vector<16xi32>
      %select_n3A_476 = arith.select %lt3A_471, %get3A_468, %select_n3A_463 : vector<16xi1>, vector<16xf32>
      %get3A_477 = arith.constant 11 : i32
      %get3A_478 = arith.index_cast %get3A_477 : i32 to index
      %get3A_479 = arith.constant 0 : index
      %get3A_480 = tpu.vector_load %arg10[%get3A_478, %get3A_479] {strides = array<i32>} : memref<16x16xf32, #tpu.memory_space<vmem>>, vector<1x16xf32>,
      %get3A_481 = vector.shape_cast %get3A_480 : vector<1x16xf32> to vector<16xf32>
      %sub3A_482 = arith.subf %add3A_337, %get3A_481 : vector<16xf32>
      %abs3A_483 = math.absf %sub3A_482 : vector<16xf32>
      %lt3A_484 = arith.cmpf olt, %abs3A_483, %select_n3A_472 : vector<16xf32>
      %select_n3A_485 = arith.select %lt3A_484, %abs3A_483, %select_n3A_472 : vector<16xi1>, vector<16xf32>
      %broadcast_in_dim3A_486 = arith.constant 11 : i32
      %broadcast_in_dim3A_487 = vector.broadcast %broadcast_in_dim3A_486 : i32 to vector<16xi32>
      %select_n3A_488 = arith.select %lt3A_484, %broadcast_in_dim3A_487, %select_n3A_475 : vector<16xi1>, vector<16xi32>
      %select_n3A_489 = arith.select %lt3A_484, %get3A_481, %select_n3A_476 : vector<16xi1>, vector<16xf32>
      %get3A_490 = arith.constant 12 : i32
      %get3A_491 = arith.index_cast %get3A_490 : i32 to index
      %get3A_492 = arith.constant 0 : index
      %get3A_493 = tpu.vector_load %arg10[%get3A_491, %get3A_492] {strides = array<i32>} : memref<16x16xf32, #tpu.memory_space<vmem>>, vector<1x16xf32>,
      %get3A_494 = vector.shape_cast %get3A_493 : vector<1x16xf32> to vector<16xf32>
      %sub3A_495 = arith.subf %add3A_337, %get3A_494 : vector<16xf32>
      %abs3A_496 = math.absf %sub3A_495 : vector<16xf32>
      %lt3A_497 = arith.cmpf olt, %abs3A_496, %select_n3A_485 : vector<16xf32>
      %select_n3A_498 = arith.select %lt3A_497, %abs3A_496, %select_n3A_485 : vector<16xi1>, vector<16xf32>
      %broadcast_in_dim3A_499 = arith.constant 12 : i32
      %broadcast_in_dim3A_500 = vector.broadcast %broadcast_in_dim3A_499 : i32 to vector<16xi32>
      %select_n3A_501 = arith.select %lt3A_497, %broadcast_in_dim3A_500, %select_n3A_488 : vector<16xi1>, vector<16xi32>
      %select_n3A_502 = arith.select %lt3A_497, %get3A_494, %select_n3A_489 : vector<16xi1>, vector<16xf32>
      %get3A_503 = arith.constant 13 : i32
      %get3A_504 = arith.index_cast %get3A_503 : i32 to index
      %get3A_505 = arith.constant 0 : index
      %get3A_506 = tpu.vector_load %arg10[%get3A_504, %get3A_505] {strides = array<i32>} : memref<16x16xf32, #tpu.memory_space<vmem>>, vector<1x16xf32>,
      %get3A_507 = vector.shape_cast %get3A_506 : vector<1x16xf32> to vector<16xf32>
      %sub3A_508 = arith.subf %add3A_337, %get3A_507 : vector<16xf32>
      %abs3A_509 = math.absf %sub3A_508 : vector<16xf32>
      %lt3A_510 = arith.cmpf olt, %abs3A_509, %select_n3A_498 : vector<16xf32>
      %select_n3A_511 = arith.select %lt3A_510, %abs3A_509, %select_n3A_498 : vector<16xi1>, vector<16xf32>
      %broadcast_in_dim3A_512 = arith.constant 13 : i32
      %broadcast_in_dim3A_513 = vector.broadcast %broadcast_in_dim3A_512 : i32 to vector<16xi32>
      %select_n3A_514 = arith.select %lt3A_510, %broadcast_in_dim3A_513, %select_n3A_501 : vector<16xi1>, vector<16xi32>
      %select_n3A_515 = arith.select %lt3A_510, %get3A_507, %select_n3A_502 : vector<16xi1>, vector<16xf32>
      %get3A_516 = arith.constant 14 : i32
      %get3A_517 = arith.index_cast %get3A_516 : i32 to index
      %get3A_518 = arith.constant 0 : index
      %get3A_519 = tpu.vector_load %arg10[%get3A_517, %get3A_518] {strides = array<i32>} : memref<16x16xf32, #tpu.memory_space<vmem>>, vector<1x16xf32>,
      %get3A_520 = vector.shape_cast %get3A_519 : vector<1x16xf32> to vector<16xf32>
      %sub3A_521 = arith.subf %add3A_337, %get3A_520 : vector<16xf32>
      %abs3A_522 = math.absf %sub3A_521 : vector<16xf32>
      %lt3A_523 = arith.cmpf olt, %abs3A_522, %select_n3A_511 : vector<16xf32>
      %select_n3A_524 = arith.select %lt3A_523, %abs3A_522, %select_n3A_511 : vector<16xi1>, vector<16xf32>
      %broadcast_in_dim3A_525 = arith.constant 14 : i32
      %broadcast_in_dim3A_526 = vector.broadcast %broadcast_in_dim3A_525 : i32 to vector<16xi32>
      %select_n3A_527 = arith.select %lt3A_523, %broadcast_in_dim3A_526, %select_n3A_514 : vector<16xi1>, vector<16xi32>
      %select_n3A_528 = arith.select %lt3A_523, %get3A_520, %select_n3A_515 : vector<16xi1>, vector<16xf32>
      %get3A_529 = arith.constant 15 : i32
      %get3A_530 = arith.index_cast %get3A_529 : i32 to index
      %get3A_531 = arith.constant 0 : index
      %get3A_532 = tpu.vector_load %arg10[%get3A_530, %get3A_531] {strides = array<i32>} : memref<16x16xf32, #tpu.memory_space<vmem>>, vector<1x16xf32>,
      %get3A_533 = vector.shape_cast %get3A_532 : vector<1x16xf32> to vector<16xf32>
      %sub3A_534 = arith.subf %add3A_337, %get3A_533 : vector<16xf32>
      %abs3A_535 = math.absf %sub3A_534 : vector<16xf32>
      %lt3A_536 = arith.cmpf olt, %abs3A_535, %select_n3A_524 : vector<16xf32>
      %select_n3A_537 = arith.select %lt3A_536, %abs3A_535, %select_n3A_524 : vector<16xi1>, vector<16xf32>
      %broadcast_in_dim3A_538 = arith.constant 15 : i32
      %broadcast_in_dim3A_539 = vector.broadcast %broadcast_in_dim3A_538 : i32 to vector<16xi32>
      %select_n3A_540 = arith.select %lt3A_536, %broadcast_in_dim3A_539, %select_n3A_527 : vector<16xi1>, vector<16xi32>
      %select_n3A_541 = arith.select %lt3A_536, %get3A_533, %select_n3A_528 : vector<16xi1>, vector<16xf32>
      %swap3A_542 = arith.index_cast %scan3A_111 : i32 to index
      %swap3A_543 = arith.constant 16 : index
      %swap3A_544 = tpu.vector_load %arg11[%swap3A_542, %swap3A_543] {strides = array<i32>} : memref<64x160xf32, #tpu.memory_space<vmem>>, vector<1x16xf32>,
      %swap3A_545 = vector.shape_cast %swap3A_544 : vector<1x16xf32> to vector<16xf32>
      %swap3A_546 = vector.shape_cast %select_n3A_541 : vector<16xf32> to vector<1x16xf32>
      tpu.vector_store %arg11[%swap3A_542, %swap3A_543], %swap3A_546 {strides = array<i32>} : memref<64x160xf32, #tpu.memory_space<vmem>>, vector<1x16xf32>,
      %swap3A_547 = arith.index_cast %scan3A_111 : i32 to index
      %swap3A_548 = arith.constant 16 : index
      %swap3A_549 = tpu.vector_load %arg12[%swap3A_547, %swap3A_548] {strides = array<i32>} : memref<64x160xi32, #tpu.memory_space<vmem>>, vector<1x16xi32>,
      %swap3A_550 = vector.shape_cast %swap3A_549 : vector<1x16xi32> to vector<16xi32>
      %swap3A_551 = vector.shape_cast %select_n3A_540 : vector<16xi32> to vector<1x16xi32>
      tpu.vector_store %arg12[%swap3A_547, %swap3A_548], %swap3A_551 {strides = array<i32>} : memref<64x160xi32, #tpu.memory_space<vmem>>, vector<1x16xi32>,
      %sub3A_552 = arith.subf %select_n3A_541, %add3A_337 : vector<16xf32>
      %mul3A_553 = arith.mulf %sub3A_552, %sub3A_552 : vector<16xf32>
      %add3A_554 = arith.addf %add3A_331, %mul3A_553 : vector<16xf32>
      %get3A_555 = arith.index_cast %scan3A_111 : i32 to index
      %get3A_556 = arith.constant 32 : index
      %get3A_557 = tpu.vector_load %arg8[%get3A_555, %get3A_556] {strides = array<i32>} : memref<64x160xf32, #tpu.memory_space<vmem>>, vector<1x16xf32>,
      %get3A_558 = vector.shape_cast %get3A_557 : vector<1x16xf32> to vector<16xf32>
      %add3A_559 = arith.addf %get3A_558, %get3A_66 : vector<16xf32>
      %add3A_560 = arith.addf %get3A_16, %add3A_559 : vector<16xf32>
      %get3A_561 = arith.constant 0 : i32
      %get3A_562 = arith.index_cast %get3A_561 : i32 to index
      %get3A_563 = arith.constant 0 : index
      %get3A_564 = tpu.vector_load %arg10[%get3A_562, %get3A_563] {strides = array<i32>} : memref<16x16xf32, #tpu.memory_space<vmem>>, vector<1x16xf32>,
      %get3A_565 = vector.shape_cast %get3A_564 : vector<1x16xf32> to vector<16xf32>
      %sub3A_566 = arith.subf %add3A_560, %get3A_565 : vector<16xf32>
      %abs3A_567 = math.absf %sub3A_566 : vector<16xf32>
      %broadcast_in_dim3A_568 = arith.constant 0 : i32
      %broadcast_in_dim3A_569 = vector.broadcast %broadcast_in_dim3A_568 : i32 to vector<16xi32>
      %get3A_570 = arith.constant 1 : i32
      %get3A_571 = arith.index_cast %get3A_570 : i32 to index
      %get3A_572 = arith.constant 0 : index
      %get3A_573 = tpu.vector_load %arg10[%get3A_571, %get3A_572] {strides = array<i32>} : memref<16x16xf32, #tpu.memory_space<vmem>>, vector<1x16xf32>,
      %get3A_574 = vector.shape_cast %get3A_573 : vector<1x16xf32> to vector<16xf32>
      %sub3A_575 = arith.subf %add3A_560, %get3A_574 : vector<16xf32>
      %abs3A_576 = math.absf %sub3A_575 : vector<16xf32>
      %lt3A_577 = arith.cmpf olt, %abs3A_576, %abs3A_567 : vector<16xf32>
      %select_n3A_578 = arith.select %lt3A_577, %abs3A_576, %abs3A_567 : vector<16xi1>, vector<16xf32>
      %broadcast_in_dim3A_579 = arith.constant 1 : i32
      %broadcast_in_dim3A_580 = vector.broadcast %broadcast_in_dim3A_579 : i32 to vector<16xi32>
      %select_n3A_581 = arith.select %lt3A_577, %broadcast_in_dim3A_580, %broadcast_in_dim3A_569 : vector<16xi1>, vector<16xi32>
      %select_n3A_582 = arith.select %lt3A_577, %get3A_574, %get3A_565 : vector<16xi1>, vector<16xf32>
      %get3A_583 = arith.constant 2 : i32
      %get3A_584 = arith.index_cast %get3A_583 : i32 to index
      %get3A_585 = arith.constant 0 : index
      %get3A_586 = tpu.vector_load %arg10[%get3A_584, %get3A_585] {strides = array<i32>} : memref<16x16xf32, #tpu.memory_space<vmem>>, vector<1x16xf32>,
      %get3A_587 = vector.shape_cast %get3A_586 : vector<1x16xf32> to vector<16xf32>
      %sub3A_588 = arith.subf %add3A_560, %get3A_587 : vector<16xf32>
      %abs3A_589 = math.absf %sub3A_588 : vector<16xf32>
      %lt3A_590 = arith.cmpf olt, %abs3A_589, %select_n3A_578 : vector<16xf32>
      %select_n3A_591 = arith.select %lt3A_590, %abs3A_589, %select_n3A_578 : vector<16xi1>, vector<16xf32>
      %broadcast_in_dim3A_592 = arith.constant 2 : i32
      %broadcast_in_dim3A_593 = vector.broadcast %broadcast_in_dim3A_592 : i32 to vector<16xi32>
      %select_n3A_594 = arith.select %lt3A_590, %broadcast_in_dim3A_593, %select_n3A_581 : vector<16xi1>, vector<16xi32>
      %select_n3A_595 = arith.select %lt3A_590, %get3A_587, %select_n3A_582 : vector<16xi1>, vector<16xf32>
      %get3A_596 = arith.constant 3 : i32
      %get3A_597 = arith.index_cast %get3A_596 : i32 to index
      %get3A_598 = arith.constant 0 : index
      %get3A_599 = tpu.vector_load %arg10[%get3A_597, %get3A_598] {strides = array<i32>} : memref<16x16xf32, #tpu.memory_space<vmem>>, vector<1x16xf32>,
      %get3A_600 = vector.shape_cast %get3A_599 : vector<1x16xf32> to vector<16xf32>
      %sub3A_601 = arith.subf %add3A_560, %get3A_600 : vector<16xf32>
      %abs3A_602 = math.absf %sub3A_601 : vector<16xf32>
      %lt3A_603 = arith.cmpf olt, %abs3A_602, %select_n3A_591 : vector<16xf32>
      %select_n3A_604 = arith.select %lt3A_603, %abs3A_602, %select_n3A_591 : vector<16xi1>, vector<16xf32>
      %broadcast_in_dim3A_605 = arith.constant 3 : i32
      %broadcast_in_dim3A_606 = vector.broadcast %broadcast_in_dim3A_605 : i32 to vector<16xi32>
      %select_n3A_607 = arith.select %lt3A_603, %broadcast_in_dim3A_606, %select_n3A_594 : vector<16xi1>, vector<16xi32>
      %select_n3A_608 = arith.select %lt3A_603, %get3A_600, %select_n3A_595 : vector<16xi1>, vector<16xf32>
      %get3A_609 = arith.constant 4 : i32
      %get3A_610 = arith.index_cast %get3A_609 : i32 to index
      %get3A_611 = arith.constant 0 : index
      %get3A_612 = tpu.vector_load %arg10[%get3A_610, %get3A_611] {strides = array<i32>} : memref<16x16xf32, #tpu.memory_space<vmem>>, vector<1x16xf32>,
      %get3A_613 = vector.shape_cast %get3A_612 : vector<1x16xf32> to vector<16xf32>
      %sub3A_614 = arith.subf %add3A_560, %get3A_613 : vector<16xf32>
      %abs3A_615 = math.absf %sub3A_614 : vector<16xf32>
      %lt3A_616 = arith.cmpf olt, %abs3A_615, %select_n3A_604 : vector<16xf32>
      %select_n3A_617 = arith.select %lt3A_616, %abs3A_615, %select_n3A_604 : vector<16xi1>, vector<16xf32>
      %broadcast_in_dim3A_618 = arith.constant 4 : i32
      %broadcast_in_dim3A_619 = vector.broadcast %broadcast_in_dim3A_618 : i32 to vector<16xi32>
      %select_n3A_620 = arith.select %lt3A_616, %broadcast_in_dim3A_619, %select_n3A_607 : vector<16xi1>, vector<16xi32>
      %select_n3A_621 = arith.select %lt3A_616, %get3A_613, %select_n3A_608 : vector<16xi1>, vector<16xf32>
      %get3A_622 = arith.constant 5 : i32
      %get3A_623 = arith.index_cast %get3A_622 : i32 to index
      %get3A_624 = arith.constant 0 : index
      %get3A_625 = tpu.vector_load %arg10[%get3A_623, %get3A_624] {strides = array<i32>} : memref<16x16xf32, #tpu.memory_space<vmem>>, vector<1x16xf32>,
      %get3A_626 = vector.shape_cast %get3A_625 : vector<1x16xf32> to vector<16xf32>
      %sub3A_627 = arith.subf %add3A_560, %get3A_626 : vector<16xf32>
      %abs3A_628 = math.absf %sub3A_627 : vector<16xf32>
      %lt3A_629 = arith.cmpf olt, %abs3A_628, %select_n3A_617 : vector<16xf32>
      %select_n3A_630 = arith.select %lt3A_629, %abs3A_628, %select_n3A_617 : vector<16xi1>, vector<16xf32>
      %broadcast_in_dim3A_631 = arith.constant 5 : i32
      %broadcast_in_dim3A_632 = vector.broadcast %broadcast_in_dim3A_631 : i32 to vector<16xi32>
      %select_n3A_633 = arith.select %lt3A_629, %broadcast_in_dim3A_632, %select_n3A_620 : vector<16xi1>, vector<16xi32>
      %select_n3A_634 = arith.select %lt3A_629, %get3A_626, %select_n3A_621 : vector<16xi1>, vector<16xf32>
      %get3A_635 = arith.constant 6 : i32
      %get3A_636 = arith.index_cast %get3A_635 : i32 to index
      %get3A_637 = arith.constant 0 : index
      %get3A_638 = tpu.vector_load %arg10[%get3A_636, %get3A_637] {strides = array<i32>} : memref<16x16xf32, #tpu.memory_space<vmem>>, vector<1x16xf32>,
      %get3A_639 = vector.shape_cast %get3A_638 : vector<1x16xf32> to vector<16xf32>
      %sub3A_640 = arith.subf %add3A_560, %get3A_639 : vector<16xf32>
      %abs3A_641 = math.absf %sub3A_640 : vector<16xf32>
      %lt3A_642 = arith.cmpf olt, %abs3A_641, %select_n3A_630 : vector<16xf32>
      %select_n3A_643 = arith.select %lt3A_642, %abs3A_641, %select_n3A_630 : vector<16xi1>, vector<16xf32>
      %broadcast_in_dim3A_644 = arith.constant 6 : i32
      %broadcast_in_dim3A_645 = vector.broadcast %broadcast_in_dim3A_644 : i32 to vector<16xi32>
      %select_n3A_646 = arith.select %lt3A_642, %broadcast_in_dim3A_645, %select_n3A_633 : vector<16xi1>, vector<16xi32>
      %select_n3A_647 = arith.select %lt3A_642, %get3A_639, %select_n3A_634 : vector<16xi1>, vector<16xf32>
      %get3A_648 = arith.constant 7 : i32
      %get3A_649 = arith.index_cast %get3A_648 : i32 to index
      %get3A_650 = arith.constant 0 : index
      %get3A_651 = tpu.vector_load %arg10[%get3A_649, %get3A_650] {strides = array<i32>} : memref<16x16xf32, #tpu.memory_space<vmem>>, vector<1x16xf32>,
      %get3A_652 = vector.shape_cast %get3A_651 : vector<1x16xf32> to vector<16xf32>
      %sub3A_653 = arith.subf %add3A_560, %get3A_652 : vector<16xf32>
      %abs3A_654 = math.absf %sub3A_653 : vector<16xf32>
      %lt3A_655 = arith.cmpf olt, %abs3A_654, %select_n3A_643 : vector<16xf32>
      %select_n3A_656 = arith.select %lt3A_655, %abs3A_654, %select_n3A_643 : vector<16xi1>, vector<16xf32>
      %broadcast_in_dim3A_657 = arith.constant 7 : i32
      %broadcast_in_dim3A_658 = vector.broadcast %broadcast_in_dim3A_657 : i32 to vector<16xi32>
      %select_n3A_659 = arith.select %lt3A_655, %broadcast_in_dim3A_658, %select_n3A_646 : vector<16xi1>, vector<16xi32>
      %select_n3A_660 = arith.select %lt3A_655, %get3A_652, %select_n3A_647 : vector<16xi1>, vector<16xf32>
      %get3A_661 = arith.constant 8 : i32
      %get3A_662 = arith.index_cast %get3A_661 : i32 to index
      %get3A_663 = arith.constant 0 : index
      %get3A_664 = tpu.vector_load %arg10[%get3A_662, %get3A_663] {strides = array<i32>} : memref<16x16xf32, #tpu.memory_space<vmem>>, vector<1x16xf32>,
      %get3A_665 = vector.shape_cast %get3A_664 : vector<1x16xf32> to vector<16xf32>
      %sub3A_666 = arith.subf %add3A_560, %get3A_665 : vector<16xf32>
      %abs3A_667 = math.absf %sub3A_666 : vector<16xf32>
      %lt3A_668 = arith.cmpf olt, %abs3A_667, %select_n3A_656 : vector<16xf32>
      %select_n3A_669 = arith.select %lt3A_668, %abs3A_667, %select_n3A_656 : vector<16xi1>, vector<16xf32>
      %broadcast_in_dim3A_670 = arith.constant 8 : i32
      %broadcast_in_dim3A_671 = vector.broadcast %broadcast_in_dim3A_670 : i32 to vector<16xi32>
      %select_n3A_672 = arith.select %lt3A_668, %broadcast_in_dim3A_671, %select_n3A_659 : vector<16xi1>, vector<16xi32>
      %select_n3A_673 = arith.select %lt3A_668, %get3A_665, %select_n3A_660 : vector<16xi1>, vector<16xf32>
      %get3A_674 = arith.constant 9 : i32
      %get3A_675 = arith.index_cast %get3A_674 : i32 to index
      %get3A_676 = arith.constant 0 : index
      %get3A_677 = tpu.vector_load %arg10[%get3A_675, %get3A_676] {strides = array<i32>} : memref<16x16xf32, #tpu.memory_space<vmem>>, vector<1x16xf32>,
      %get3A_678 = vector.shape_cast %get3A_677 : vector<1x16xf32> to vector<16xf32>
      %sub3A_679 = arith.subf %add3A_560, %get3A_678 : vector<16xf32>
      %abs3A_680 = math.absf %sub3A_679 : vector<16xf32>
      %lt3A_681 = arith.cmpf olt, %abs3A_680, %select_n3A_669 : vector<16xf32>
      %select_n3A_682 = arith.select %lt3A_681, %abs3A_680, %select_n3A_669 : vector<16xi1>, vector<16xf32>
      %broadcast_in_dim3A_683 = arith.constant 9 : i32
      %broadcast_in_dim3A_684 = vector.broadcast %broadcast_in_dim3A_683 : i32 to vector<16xi32>
      %select_n3A_685 = arith.select %lt3A_681, %broadcast_in_dim3A_684, %select_n3A_672 : vector<16xi1>, vector<16xi32>
      %select_n3A_686 = arith.select %lt3A_681, %get3A_678, %select_n3A_673 : vector<16xi1>, vector<16xf32>
      %get3A_687 = arith.constant 10 : i32
      %get3A_688 = arith.index_cast %get3A_687 : i32 to index
      %get3A_689 = arith.constant 0 : index
      %get3A_690 = tpu.vector_load %arg10[%get3A_688, %get3A_689] {strides = array<i32>} : memref<16x16xf32, #tpu.memory_space<vmem>>, vector<1x16xf32>,
      %get3A_691 = vector.shape_cast %get3A_690 : vector<1x16xf32> to vector<16xf32>
      %sub3A_692 = arith.subf %add3A_560, %get3A_691 : vector<16xf32>
      %abs3A_693 = math.absf %sub3A_692 : vector<16xf32>
      %lt3A_694 = arith.cmpf olt, %abs3A_693, %select_n3A_682 : vector<16xf32>
      %select_n3A_695 = arith.select %lt3A_694, %abs3A_693, %select_n3A_682 : vector<16xi1>, vector<16xf32>
      %broadcast_in_dim3A_696 = arith.constant 10 : i32
      %broadcast_in_dim3A_697 = vector.broadcast %broadcast_in_dim3A_696 : i32 to vector<16xi32>
      %select_n3A_698 = arith.select %lt3A_694, %broadcast_in_dim3A_697, %select_n3A_685 : vector<16xi1>, vector<16xi32>
      %select_n3A_699 = arith.select %lt3A_694, %get3A_691, %select_n3A_686 : vector<16xi1>, vector<16xf32>
      %get3A_700 = arith.constant 11 : i32
      %get3A_701 = arith.index_cast %get3A_700 : i32 to index
      %get3A_702 = arith.constant 0 : index
      %get3A_703 = tpu.vector_load %arg10[%get3A_701, %get3A_702] {strides = array<i32>} : memref<16x16xf32, #tpu.memory_space<vmem>>, vector<1x16xf32>,
      %get3A_704 = vector.shape_cast %get3A_703 : vector<1x16xf32> to vector<16xf32>
      %sub3A_705 = arith.subf %add3A_560, %get3A_704 : vector<16xf32>
      %abs3A_706 = math.absf %sub3A_705 : vector<16xf32>
      %lt3A_707 = arith.cmpf olt, %abs3A_706, %select_n3A_695 : vector<16xf32>
      %select_n3A_708 = arith.select %lt3A_707, %abs3A_706, %select_n3A_695 : vector<16xi1>, vector<16xf32>
      %broadcast_in_dim3A_709 = arith.constant 11 : i32
      %broadcast_in_dim3A_710 = vector.broadcast %broadcast_in_dim3A_709 : i32 to vector<16xi32>
      %select_n3A_711 = arith.select %lt3A_707, %broadcast_in_dim3A_710, %select_n3A_698 : vector<16xi1>, vector<16xi32>
      %select_n3A_712 = arith.select %lt3A_707, %get3A_704, %select_n3A_699 : vector<16xi1>, vector<16xf32>
      %get3A_713 = arith.constant 12 : i32
      %get3A_714 = arith.index_cast %get3A_713 : i32 to index
      %get3A_715 = arith.constant 0 : index
      %get3A_716 = tpu.vector_load %arg10[%get3A_714, %get3A_715] {strides = array<i32>} : memref<16x16xf32, #tpu.memory_space<vmem>>, vector<1x16xf32>,
      %get3A_717 = vector.shape_cast %get3A_716 : vector<1x16xf32> to vector<16xf32>
      %sub3A_718 = arith.subf %add3A_560, %get3A_717 : vector<16xf32>
      %abs3A_719 = math.absf %sub3A_718 : vector<16xf32>
      %lt3A_720 = arith.cmpf olt, %abs3A_719, %select_n3A_708 : vector<16xf32>
      %select_n3A_721 = arith.select %lt3A_720, %abs3A_719, %select_n3A_708 : vector<16xi1>, vector<16xf32>
      %broadcast_in_dim3A_722 = arith.constant 12 : i32
      %broadcast_in_dim3A_723 = vector.broadcast %broadcast_in_dim3A_722 : i32 to vector<16xi32>
      %select_n3A_724 = arith.select %lt3A_720, %broadcast_in_dim3A_723, %select_n3A_711 : vector<16xi1>, vector<16xi32>
      %select_n3A_725 = arith.select %lt3A_720, %get3A_717, %select_n3A_712 : vector<16xi1>, vector<16xf32>
      %get3A_726 = arith.constant 13 : i32
      %get3A_727 = arith.index_cast %get3A_726 : i32 to index
      %get3A_728 = arith.constant 0 : index
      %get3A_729 = tpu.vector_load %arg10[%get3A_727, %get3A_728] {strides = array<i32>} : memref<16x16xf32, #tpu.memory_space<vmem>>, vector<1x16xf32>,
      %get3A_730 = vector.shape_cast %get3A_729 : vector<1x16xf32> to vector<16xf32>
      %sub3A_731 = arith.subf %add3A_560, %get3A_730 : vector<16xf32>
      %abs3A_732 = math.absf %sub3A_731 : vector<16xf32>
      %lt3A_733 = arith.cmpf olt, %abs3A_732, %select_n3A_721 : vector<16xf32>
      %select_n3A_734 = arith.select %lt3A_733, %abs3A_732, %select_n3A_721 : vector<16xi1>, vector<16xf32>
      %broadcast_in_dim3A_735 = arith.constant 13 : i32
      %broadcast_in_dim3A_736 = vector.broadcast %broadcast_in_dim3A_735 : i32 to vector<16xi32>
      %select_n3A_737 = arith.select %lt3A_733, %broadcast_in_dim3A_736, %select_n3A_724 : vector<16xi1>, vector<16xi32>
      %select_n3A_738 = arith.select %lt3A_733, %get3A_730, %select_n3A_725 : vector<16xi1>, vector<16xf32>
      %get3A_739 = arith.constant 14 : i32
      %get3A_740 = arith.index_cast %get3A_739 : i32 to index
      %get3A_741 = arith.constant 0 : index
      %get3A_742 = tpu.vector_load %arg10[%get3A_740, %get3A_741] {strides = array<i32>} : memref<16x16xf32, #tpu.memory_space<vmem>>, vector<1x16xf32>,
      %get3A_743 = vector.shape_cast %get3A_742 : vector<1x16xf32> to vector<16xf32>
      %sub3A_744 = arith.subf %add3A_560, %get3A_743 : vector<16xf32>
      %abs3A_745 = math.absf %sub3A_744 : vector<16xf32>
      %lt3A_746 = arith.cmpf olt, %abs3A_745, %select_n3A_734 : vector<16xf32>
      %select_n3A_747 = arith.select %lt3A_746, %abs3A_745, %select_n3A_734 : vector<16xi1>, vector<16xf32>
      %broadcast_in_dim3A_748 = arith.constant 14 : i32
      %broadcast_in_dim3A_749 = vector.broadcast %broadcast_in_dim3A_748 : i32 to vector<16xi32>
      %select_n3A_750 = arith.select %lt3A_746, %broadcast_in_dim3A_749, %select_n3A_737 : vector<16xi1>, vector<16xi32>
      %select_n3A_751 = arith.select %lt3A_746, %get3A_743, %select_n3A_738 : vector<16xi1>, vector<16xf32>
      %get3A_752 = arith.constant 15 : i32
      %get3A_753 = arith.index_cast %get3A_752 : i32 to index
      %get3A_754 = arith.constant 0 : index
      %get3A_755 = tpu.vector_load %arg10[%get3A_753, %get3A_754] {strides = array<i32>} : memref<16x16xf32, #tpu.memory_space<vmem>>, vector<1x16xf32>,
      %get3A_756 = vector.shape_cast %get3A_755 : vector<1x16xf32> to vector<16xf32>
      %sub3A_757 = arith.subf %add3A_560, %get3A_756 : vector<16xf32>
      %abs3A_758 = math.absf %sub3A_757 : vector<16xf32>
      %lt3A_759 = arith.cmpf olt, %abs3A_758, %select_n3A_747 : vector<16xf32>
      %select_n3A_760 = arith.select %lt3A_759, %abs3A_758, %select_n3A_747 : vector<16xi1>, vector<16xf32>
      %broadcast_in_dim3A_761 = arith.constant 15 : i32
      %broadcast_in_dim3A_762 = vector.broadcast %broadcast_in_dim3A_761 : i32 to vector<16xi32>
      %select_n3A_763 = arith.select %lt3A_759, %broadcast_in_dim3A_762, %select_n3A_750 : vector<16xi1>, vector<16xi32>
      %select_n3A_764 = arith.select %lt3A_759, %get3A_756, %select_n3A_751 : vector<16xi1>, vector<16xf32>
      %swap3A_765 = arith.index_cast %scan3A_111 : i32 to index
      %swap3A_766 = arith.constant 32 : index
      %swap3A_767 = tpu.vector_load %arg11[%swap3A_765, %swap3A_766] {strides = array<i32>} : memref<64x160xf32, #tpu.memory_space<vmem>>, vector<1x16xf32>,
      %swap3A_768 = vector.shape_cast %swap3A_767 : vector<1x16xf32> to vector<16xf32>
      %swap3A_769 = vector.shape_cast %select_n3A_764 : vector<16xf32> to vector<1x16xf32>
      tpu.vector_store %arg11[%swap3A_765, %swap3A_766], %swap3A_769 {strides = array<i32>} : memref<64x160xf32, #tpu.memory_space<vmem>>, vector<1x16xf32>,
      %swap3A_770 = arith.index_cast %scan3A_111 : i32 to index
      %swap3A_771 = arith.constant 32 : index
      %swap3A_772 = tpu.vector_load %arg12[%swap3A_770, %swap3A_771] {strides = array<i32>} : memref<64x160xi32, #tpu.memory_space<vmem>>, vector<1x16xi32>,
      %swap3A_773 = vector.shape_cast %swap3A_772 : vector<1x16xi32> to vector<16xi32>
      %swap3A_774 = vector.shape_cast %select_n3A_763 : vector<16xi32> to vector<1x16xi32>
      tpu.vector_store %arg12[%swap3A_770, %swap3A_771], %swap3A_774 {strides = array<i32>} : memref<64x160xi32, #tpu.memory_space<vmem>>, vector<1x16xi32>,
      %sub3A_775 = arith.subf %select_n3A_764, %add3A_560 : vector<16xf32>
      %mul3A_776 = arith.mulf %sub3A_775, %sub3A_775 : vector<16xf32>
      %add3A_777 = arith.addf %add3A_554, %mul3A_776 : vector<16xf32>
      %get3A_778 = arith.index_cast %scan3A_111 : i32 to index
      %get3A_779 = arith.constant 48 : index
      %get3A_780 = tpu.vector_load %arg8[%get3A_778, %get3A_779] {strides = array<i32>} : memref<64x160xf32, #tpu.memory_space<vmem>>, vector<1x16xf32>,
      %get3A_781 = vector.shape_cast %get3A_780 : vector<1x16xf32> to vector<16xf32>
      %add3A_782 = arith.addf %get3A_781, %get3A_71 : vector<16xf32>
      %add3A_783 = arith.addf %get3A_21, %add3A_782 : vector<16xf32>
      %get3A_784 = arith.constant 0 : i32
      %get3A_785 = arith.index_cast %get3A_784 : i32 to index
      %get3A_786 = arith.constant 0 : index
      %get3A_787 = tpu.vector_load %arg10[%get3A_785, %get3A_786] {strides = array<i32>} : memref<16x16xf32, #tpu.memory_space<vmem>>, vector<1x16xf32>,
      %get3A_788 = vector.shape_cast %get3A_787 : vector<1x16xf32> to vector<16xf32>
      %sub3A_789 = arith.subf %add3A_783, %get3A_788 : vector<16xf32>
      %abs3A_790 = math.absf %sub3A_789 : vector<16xf32>
      %broadcast_in_dim3A_791 = arith.constant 0 : i32
      %broadcast_in_dim3A_792 = vector.broadcast %broadcast_in_dim3A_791 : i32 to vector<16xi32>
      %get3A_793 = arith.constant 1 : i32
      %get3A_794 = arith.index_cast %get3A_793 : i32 to index
      %get3A_795 = arith.constant 0 : index
      %get3A_796 = tpu.vector_load %arg10[%get3A_794, %get3A_795] {strides = array<i32>} : memref<16x16xf32, #tpu.memory_space<vmem>>, vector<1x16xf32>,
      %get3A_797 = vector.shape_cast %get3A_796 : vector<1x16xf32> to vector<16xf32>
      %sub3A_798 = arith.subf %add3A_783, %get3A_797 : vector<16xf32>
      %abs3A_799 = math.absf %sub3A_798 : vector<16xf32>
      %lt3A_800 = arith.cmpf olt, %abs3A_799, %abs3A_790 : vector<16xf32>
      %select_n3A_801 = arith.select %lt3A_800, %abs3A_799, %abs3A_790 : vector<16xi1>, vector<16xf32>
      %broadcast_in_dim3A_802 = arith.constant 1 : i32
      %broadcast_in_dim3A_803 = vector.broadcast %broadcast_in_dim3A_802 : i32 to vector<16xi32>
      %select_n3A_804 = arith.select %lt3A_800, %broadcast_in_dim3A_803, %broadcast_in_dim3A_792 : vector<16xi1>, vector<16xi32>
      %select_n3A_805 = arith.select %lt3A_800, %get3A_797, %get3A_788 : vector<16xi1>, vector<16xf32>
      %get3A_806 = arith.constant 2 : i32
      %get3A_807 = arith.index_cast %get3A_806 : i32 to index
      %get3A_808 = arith.constant 0 : index
      %get3A_809 = tpu.vector_load %arg10[%get3A_807, %get3A_808] {strides = array<i32>} : memref<16x16xf32, #tpu.memory_space<vmem>>, vector<1x16xf32>,
      %get3A_810 = vector.shape_cast %get3A_809 : vector<1x16xf32> to vector<16xf32>
      %sub3A_811 = arith.subf %add3A_783, %get3A_810 : vector<16xf32>
      %abs3A_812 = math.absf %sub3A_811 : vector<16xf32>
      %lt3A_813 = arith.cmpf olt, %abs3A_812, %select_n3A_801 : vector<16xf32>
      %select_n3A_814 = arith.select %lt3A_813, %abs3A_812, %select_n3A_801 : vector<16xi1>, vector<16xf32>
      %broadcast_in_dim3A_815 = arith.constant 2 : i32
      %broadcast_in_dim3A_816 = vector.broadcast %broadcast_in_dim3A_815 : i32 to vector<16xi32>
      %select_n3A_817 = arith.select %lt3A_813, %broadcast_in_dim3A_816, %select_n3A_804 : vector<16xi1>, vector<16xi32>
      %select_n3A_818 = arith.select %lt3A_813, %get3A_810, %select_n3A_805 : vector<16xi1>, vector<16xf32>
      %get3A_819 = arith.constant 3 : i32
      %get3A_820 = arith.index_cast %get3A_819 : i32 to index
      %get3A_821 = arith.constant 0 : index
      %get3A_822 = tpu.vector_load %arg10[%get3A_820, %get3A_821] {strides = array<i32>} : memref<16x16xf32, #tpu.memory_space<vmem>>, vector<1x16xf32>,
      %get3A_823 = vector.shape_cast %get3A_822 : vector<1x16xf32> to vector<16xf32>
      %sub3A_824 = arith.subf %add3A_783, %get3A_823 : vector<16xf32>
      %abs3A_825 = math.absf %sub3A_824 : vector<16xf32>
      %lt3A_826 = arith.cmpf olt, %abs3A_825, %select_n3A_814 : vector<16xf32>
      %select_n3A_827 = arith.select %lt3A_826, %abs3A_825, %select_n3A_814 : vector<16xi1>, vector<16xf32>
      %broadcast_in_dim3A_828 = arith.constant 3 : i32
      %broadcast_in_dim3A_829 = vector.broadcast %broadcast_in_dim3A_828 : i32 to vector<16xi32>
      %select_n3A_830 = arith.select %lt3A_826, %broadcast_in_dim3A_829, %select_n3A_817 : vector<16xi1>, vector<16xi32>
      %select_n3A_831 = arith.select %lt3A_826, %get3A_823, %select_n3A_818 : vector<16xi1>, vector<16xf32>
      %get3A_832 = arith.constant 4 : i32
      %get3A_833 = arith.index_cast %get3A_832 : i32 to index
      %get3A_834 = arith.constant 0 : index
      %get3A_835 = tpu.vector_load %arg10[%get3A_833, %get3A_834] {strides = array<i32>} : memref<16x16xf32, #tpu.memory_space<vmem>>, vector<1x16xf32>,
      %get3A_836 = vector.shape_cast %get3A_835 : vector<1x16xf32> to vector<16xf32>
      %sub3A_837 = arith.subf %add3A_783, %get3A_836 : vector<16xf32>
      %abs3A_838 = math.absf %sub3A_837 : vector<16xf32>
      %lt3A_839 = arith.cmpf olt, %abs3A_838, %select_n3A_827 : vector<16xf32>
      %select_n3A_840 = arith.select %lt3A_839, %abs3A_838, %select_n3A_827 : vector<16xi1>, vector<16xf32>
      %broadcast_in_dim3A_841 = arith.constant 4 : i32
      %broadcast_in_dim3A_842 = vector.broadcast %broadcast_in_dim3A_841 : i32 to vector<16xi32>
      %select_n3A_843 = arith.select %lt3A_839, %broadcast_in_dim3A_842, %select_n3A_830 : vector<16xi1>, vector<16xi32>
      %select_n3A_844 = arith.select %lt3A_839, %get3A_836, %select_n3A_831 : vector<16xi1>, vector<16xf32>
      %get3A_845 = arith.constant 5 : i32
      %get3A_846 = arith.index_cast %get3A_845 : i32 to index
      %get3A_847 = arith.constant 0 : index
      %get3A_848 = tpu.vector_load %arg10[%get3A_846, %get3A_847] {strides = array<i32>} : memref<16x16xf32, #tpu.memory_space<vmem>>, vector<1x16xf32>,
      %get3A_849 = vector.shape_cast %get3A_848 : vector<1x16xf32> to vector<16xf32>
      %sub3A_850 = arith.subf %add3A_783, %get3A_849 : vector<16xf32>
      %abs3A_851 = math.absf %sub3A_850 : vector<16xf32>
      %lt3A_852 = arith.cmpf olt, %abs3A_851, %select_n3A_840 : vector<16xf32>
      %select_n3A_853 = arith.select %lt3A_852, %abs3A_851, %select_n3A_840 : vector<16xi1>, vector<16xf32>
      %broadcast_in_dim3A_854 = arith.constant 5 : i32
      %broadcast_in_dim3A_855 = vector.broadcast %broadcast_in_dim3A_854 : i32 to vector<16xi32>
      %select_n3A_856 = arith.select %lt3A_852, %broadcast_in_dim3A_855, %select_n3A_843 : vector<16xi1>, vector<16xi32>
      %select_n3A_857 = arith.select %lt3A_852, %get3A_849, %select_n3A_844 : vector<16xi1>, vector<16xf32>
      %get3A_858 = arith.constant 6 : i32
      %get3A_859 = arith.index_cast %get3A_858 : i32 to index
      %get3A_860 = arith.constant 0 : index
      %get3A_861 = tpu.vector_load %arg10[%get3A_859, %get3A_860] {strides = array<i32>} : memref<16x16xf32, #tpu.memory_space<vmem>>, vector<1x16xf32>,
      %get3A_862 = vector.shape_cast %get3A_861 : vector<1x16xf32> to vector<16xf32>
      %sub3A_863 = arith.subf %add3A_783, %get3A_862 : vector<16xf32>
      %abs3A_864 = math.absf %sub3A_863 : vector<16xf32>
      %lt3A_865 = arith.cmpf olt, %abs3A_864, %select_n3A_853 : vector<16xf32>
      %select_n3A_866 = arith.select %lt3A_865, %abs3A_864, %select_n3A_853 : vector<16xi1>, vector<16xf32>
      %broadcast_in_dim3A_867 = arith.constant 6 : i32
      %broadcast_in_dim3A_868 = vector.broadcast %broadcast_in_dim3A_867 : i32 to vector<16xi32>
      %select_n3A_869 = arith.select %lt3A_865, %broadcast_in_dim3A_868, %select_n3A_856 : vector<16xi1>, vector<16xi32>
      %select_n3A_870 = arith.select %lt3A_865, %get3A_862, %select_n3A_857 : vector<16xi1>, vector<16xf32>
      %get3A_871 = arith.constant 7 : i32
      %get3A_872 = arith.index_cast %get3A_871 : i32 to index
      %get3A_873 = arith.constant 0 : index
      %get3A_874 = tpu.vector_load %arg10[%get3A_872, %get3A_873] {strides = array<i32>} : memref<16x16xf32, #tpu.memory_space<vmem>>, vector<1x16xf32>,
      %get3A_875 = vector.shape_cast %get3A_874 : vector<1x16xf32> to vector<16xf32>
      %sub3A_876 = arith.subf %add3A_783, %get3A_875 : vector<16xf32>
      %abs3A_877 = math.absf %sub3A_876 : vector<16xf32>
      %lt3A_878 = arith.cmpf olt, %abs3A_877, %select_n3A_866 : vector<16xf32>
      %select_n3A_879 = arith.select %lt3A_878, %abs3A_877, %select_n3A_866 : vector<16xi1>, vector<16xf32>
      %broadcast_in_dim3A_880 = arith.constant 7 : i32
      %broadcast_in_dim3A_881 = vector.broadcast %broadcast_in_dim3A_880 : i32 to vector<16xi32>
      %select_n3A_882 = arith.select %lt3A_878, %broadcast_in_dim3A_881, %select_n3A_869 : vector<16xi1>, vector<16xi32>
      %select_n3A_883 = arith.select %lt3A_878, %get3A_875, %select_n3A_870 : vector<16xi1>, vector<16xf32>
      %get3A_884 = arith.constant 8 : i32
      %get3A_885 = arith.index_cast %get3A_884 : i32 to index
      %get3A_886 = arith.constant 0 : index
      %get3A_887 = tpu.vector_load %arg10[%get3A_885, %get3A_886] {strides = array<i32>} : memref<16x16xf32, #tpu.memory_space<vmem>>, vector<1x16xf32>,
      %get3A_888 = vector.shape_cast %get3A_887 : vector<1x16xf32> to vector<16xf32>
      %sub3A_889 = arith.subf %add3A_783, %get3A_888 : vector<16xf32>
      %abs3A_890 = math.absf %sub3A_889 : vector<16xf32>
      %lt3A_891 = arith.cmpf olt, %abs3A_890, %select_n3A_879 : vector<16xf32>
      %select_n3A_892 = arith.select %lt3A_891, %abs3A_890, %select_n3A_879 : vector<16xi1>, vector<16xf32>
      %broadcast_in_dim3A_893 = arith.constant 8 : i32
      %broadcast_in_dim3A_894 = vector.broadcast %broadcast_in_dim3A_893 : i32 to vector<16xi32>
      %select_n3A_895 = arith.select %lt3A_891, %broadcast_in_dim3A_894, %select_n3A_882 : vector<16xi1>, vector<16xi32>
      %select_n3A_896 = arith.select %lt3A_891, %get3A_888, %select_n3A_883 : vector<16xi1>, vector<16xf32>
      %get3A_897 = arith.constant 9 : i32
      %get3A_898 = arith.index_cast %get3A_897 : i32 to index
      %get3A_899 = arith.constant 0 : index
      %get3A_900 = tpu.vector_load %arg10[%get3A_898, %get3A_899] {strides = array<i32>} : memref<16x16xf32, #tpu.memory_space<vmem>>, vector<1x16xf32>,
      %get3A_901 = vector.shape_cast %get3A_900 : vector<1x16xf32> to vector<16xf32>
      %sub3A_902 = arith.subf %add3A_783, %get3A_901 : vector<16xf32>
      %abs3A_903 = math.absf %sub3A_902 : vector<16xf32>
      %lt3A_904 = arith.cmpf olt, %abs3A_903, %select_n3A_892 : vector<16xf32>
      %select_n3A_905 = arith.select %lt3A_904, %abs3A_903, %select_n3A_892 : vector<16xi1>, vector<16xf32>
      %broadcast_in_dim3A_906 = arith.constant 9 : i32
      %broadcast_in_dim3A_907 = vector.broadcast %broadcast_in_dim3A_906 : i32 to vector<16xi32>
      %select_n3A_908 = arith.select %lt3A_904, %broadcast_in_dim3A_907, %select_n3A_895 : vector<16xi1>, vector<16xi32>
      %select_n3A_909 = arith.select %lt3A_904, %get3A_901, %select_n3A_896 : vector<16xi1>, vector<16xf32>
      %get3A_910 = arith.constant 10 : i32
      %get3A_911 = arith.index_cast %get3A_910 : i32 to index
      %get3A_912 = arith.constant 0 : index
      %get3A_913 = tpu.vector_load %arg10[%get3A_911, %get3A_912] {strides = array<i32>} : memref<16x16xf32, #tpu.memory_space<vmem>>, vector<1x16xf32>,
      %get3A_914 = vector.shape_cast %get3A_913 : vector<1x16xf32> to vector<16xf32>
      %sub3A_915 = arith.subf %add3A_783, %get3A_914 : vector<16xf32>
      %abs3A_916 = math.absf %sub3A_915 : vector<16xf32>
      %lt3A_917 = arith.cmpf olt, %abs3A_916, %select_n3A_905 : vector<16xf32>
      %select_n3A_918 = arith.select %lt3A_917, %abs3A_916, %select_n3A_905 : vector<16xi1>, vector<16xf32>
      %broadcast_in_dim3A_919 = arith.constant 10 : i32
      %broadcast_in_dim3A_920 = vector.broadcast %broadcast_in_dim3A_919 : i32 to vector<16xi32>
      %select_n3A_921 = arith.select %lt3A_917, %broadcast_in_dim3A_920, %select_n3A_908 : vector<16xi1>, vector<16xi32>
      %select_n3A_922 = arith.select %lt3A_917, %get3A_914, %select_n3A_909 : vector<16xi1>, vector<16xf32>
      %get3A_923 = arith.constant 11 : i32
      %get3A_924 = arith.index_cast %get3A_923 : i32 to index
      %get3A_925 = arith.constant 0 : index
      %get3A_926 = tpu.vector_load %arg10[%get3A_924, %get3A_925] {strides = array<i32>} : memref<16x16xf32, #tpu.memory_space<vmem>>, vector<1x16xf32>,
      %get3A_927 = vector.shape_cast %get3A_926 : vector<1x16xf32> to vector<16xf32>
      %sub3A_928 = arith.subf %add3A_783, %get3A_927 : vector<16xf32>
      %abs3A_929 = math.absf %sub3A_928 : vector<16xf32>
      %lt3A_930 = arith.cmpf olt, %abs3A_929, %select_n3A_918 : vector<16xf32>
      %select_n3A_931 = arith.select %lt3A_930, %abs3A_929, %select_n3A_918 : vector<16xi1>, vector<16xf32>
      %broadcast_in_dim3A_932 = arith.constant 11 : i32
      %broadcast_in_dim3A_933 = vector.broadcast %broadcast_in_dim3A_932 : i32 to vector<16xi32>
      %select_n3A_934 = arith.select %lt3A_930, %broadcast_in_dim3A_933, %select_n3A_921 : vector<16xi1>, vector<16xi32>
      %select_n3A_935 = arith.select %lt3A_930, %get3A_927, %select_n3A_922 : vector<16xi1>, vector<16xf32>
      %get3A_936 = arith.constant 12 : i32
      %get3A_937 = arith.index_cast %get3A_936 : i32 to index
      %get3A_938 = arith.constant 0 : index
      %get3A_939 = tpu.vector_load %arg10[%get3A_937, %get3A_938] {strides = array<i32>} : memref<16x16xf32, #tpu.memory_space<vmem>>, vector<1x16xf32>,
      %get3A_940 = vector.shape_cast %get3A_939 : vector<1x16xf32> to vector<16xf32>
      %sub3A_941 = arith.subf %add3A_783, %get3A_940 : vector<16xf32>
      %abs3A_942 = math.absf %sub3A_941 : vector<16xf32>
      %lt3A_943 = arith.cmpf olt, %abs3A_942, %select_n3A_931 : vector<16xf32>
      %select_n3A_944 = arith.select %lt3A_943, %abs3A_942, %select_n3A_931 : vector<16xi1>, vector<16xf32>
      %broadcast_in_dim3A_945 = arith.constant 12 : i32
      %broadcast_in_dim3A_946 = vector.broadcast %broadcast_in_dim3A_945 : i32 to vector<16xi32>
      %select_n3A_947 = arith.select %lt3A_943, %broadcast_in_dim3A_946, %select_n3A_934 : vector<16xi1>, vector<16xi32>
      %select_n3A_948 = arith.select %lt3A_943, %get3A_940, %select_n3A_935 : vector<16xi1>, vector<16xf32>
      %get3A_949 = arith.constant 13 : i32
      %get3A_950 = arith.index_cast %get3A_949 : i32 to index
      %get3A_951 = arith.constant 0 : index
      %get3A_952 = tpu.vector_load %arg10[%get3A_950, %get3A_951] {strides = array<i32>} : memref<16x16xf32, #tpu.memory_space<vmem>>, vector<1x16xf32>,
      %get3A_953 = vector.shape_cast %get3A_952 : vector<1x16xf32> to vector<16xf32>
      %sub3A_954 = arith.subf %add3A_783, %get3A_953 : vector<16xf32>
      %abs3A_955 = math.absf %sub3A_954 : vector<16xf32>
      %lt3A_956 = arith.cmpf olt, %abs3A_955, %select_n3A_944 : vector<16xf32>
      %select_n3A_957 = arith.select %lt3A_956, %abs3A_955, %select_n3A_944 : vector<16xi1>, vector<16xf32>
      %broadcast_in_dim3A_958 = arith.constant 13 : i32
      %broadcast_in_dim3A_959 = vector.broadcast %broadcast_in_dim3A_958 : i32 to vector<16xi32>
      %select_n3A_960 = arith.select %lt3A_956, %broadcast_in_dim3A_959, %select_n3A_947 : vector<16xi1>, vector<16xi32>
      %select_n3A_961 = arith.select %lt3A_956, %get3A_953, %select_n3A_948 : vector<16xi1>, vector<16xf32>
      %get3A_962 = arith.constant 14 : i32
      %get3A_963 = arith.index_cast %get3A_962 : i32 to index
      %get3A_964 = arith.constant 0 : index
      %get3A_965 = tpu.vector_load %arg10[%get3A_963, %get3A_964] {strides = array<i32>} : memref<16x16xf32, #tpu.memory_space<vmem>>, vector<1x16xf32>,
      %get3A_966 = vector.shape_cast %get3A_965 : vector<1x16xf32> to vector<16xf32>
      %sub3A_967 = arith.subf %add3A_783, %get3A_966 : vector<16xf32>
      %abs3A_968 = math.absf %sub3A_967 : vector<16xf32>
      %lt3A_969 = arith.cmpf olt, %abs3A_968, %select_n3A_957 : vector<16xf32>
      %select_n3A_970 = arith.select %lt3A_969, %abs3A_968, %select_n3A_957 : vector<16xi1>, vector<16xf32>
      %broadcast_in_dim3A_971 = arith.constant 14 : i32
      %broadcast_in_dim3A_972 = vector.broadcast %broadcast_in_dim3A_971 : i32 to vector<16xi32>
      %select_n3A_973 = arith.select %lt3A_969, %broadcast_in_dim3A_972, %select_n3A_960 : vector<16xi1>, vector<16xi32>
      %select_n3A_974 = arith.select %lt3A_969, %get3A_966, %select_n3A_961 : vector<16xi1>, vector<16xf32>
      %get3A_975 = arith.constant 15 : i32
      %get3A_976 = arith.index_cast %get3A_975 : i32 to index
      %get3A_977 = arith.constant 0 : index
      %get3A_978 = tpu.vector_load %arg10[%get3A_976, %get3A_977] {strides = array<i32>} : memref<16x16xf32, #tpu.memory_space<vmem>>, vector<1x16xf32>,
      %get3A_979 = vector.shape_cast %get3A_978 : vector<1x16xf32> to vector<16xf32>
      %sub3A_980 = arith.subf %add3A_783, %get3A_979 : vector<16xf32>
      %abs3A_981 = math.absf %sub3A_980 : vector<16xf32>
      %lt3A_982 = arith.cmpf olt, %abs3A_981, %select_n3A_970 : vector<16xf32>
      %select_n3A_983 = arith.select %lt3A_982, %abs3A_981, %select_n3A_970 : vector<16xi1>, vector<16xf32>
      %broadcast_in_dim3A_984 = arith.constant 15 : i32
      %broadcast_in_dim3A_985 = vector.broadcast %broadcast_in_dim3A_984 : i32 to vector<16xi32>
      %select_n3A_986 = arith.select %lt3A_982, %broadcast_in_dim3A_985, %select_n3A_973 : vector<16xi1>, vector<16xi32>
      %select_n3A_987 = arith.select %lt3A_982, %get3A_979, %select_n3A_974 : vector<16xi1>, vector<16xf32>
      %swap3A_988 = arith.index_cast %scan3A_111 : i32 to index
      %swap3A_989 = arith.constant 48 : index
      %swap3A_990 = tpu.vector_load %arg11[%swap3A_988, %swap3A_989] {strides = array<i32>} : memref<64x160xf32, #tpu.memory_space<vmem>>, vector<1x16xf32>,
      %swap3A_991 = vector.shape_cast %swap3A_990 : vector<1x16xf32> to vector<16xf32>
      %swap3A_992 = vector.shape_cast %select_n3A_987 : vector<16xf32> to vector<1x16xf32>
      tpu.vector_store %arg11[%swap3A_988, %swap3A_989], %swap3A_992 {strides = array<i32>} : memref<64x160xf32, #tpu.memory_space<vmem>>, vector<1x16xf32>,
      %swap3A_993 = arith.index_cast %scan3A_111 : i32 to index
      %swap3A_994 = arith.constant 48 : index
      %swap3A_995 = tpu.vector_load %arg12[%swap3A_993, %swap3A_994] {strides = array<i32>} : memref<64x160xi32, #tpu.memory_space<vmem>>, vector<1x16xi32>,
      %swap3A_996 = vector.shape_cast %swap3A_995 : vector<1x16xi32> to vector<16xi32>
      %swap3A_997 = vector.shape_cast %select_n3A_986 : vector<16xi32> to vector<1x16xi32>
      tpu.vector_store %arg12[%swap3A_993, %swap3A_994], %swap3A_997 {strides = array<i32>} : memref<64x160xi32, #tpu.memory_space<vmem>>, vector<1x16xi32>,
      %sub3A_998 = arith.subf %select_n3A_987, %add3A_783 : vector<16xf32>
      %mul3A_999 = arith.mulf %sub3A_998, %sub3A_998 : vector<16xf32>
      %add3A_1000 = arith.addf %add3A_777, %mul3A_999 : vector<16xf32>
      %get3A_1001 = arith.index_cast %scan3A_111 : i32 to index
      %get3A_1002 = arith.constant 64 : index
      %get3A_1003 = tpu.vector_load %arg8[%get3A_1001, %get3A_1002] {strides = array<i32>} : memref<64x160xf32, #tpu.memory_space<vmem>>, vector<1x16xf32>,
      %get3A_1004 = vector.shape_cast %get3A_1003 : vector<1x16xf32> to vector<16xf32>
      %add3A_1005 = arith.addf %get3A_1004, %get3A_76 : vector<16xf32>
      %add3A_1006 = arith.addf %get3A_26, %add3A_1005 : vector<16xf32>
      %get3A_1007 = arith.constant 0 : i32
      %get3A_1008 = arith.index_cast %get3A_1007 : i32 to index
      %get3A_1009 = arith.constant 0 : index
      %get3A_1010 = tpu.vector_load %arg10[%get3A_1008, %get3A_1009] {strides = array<i32>} : memref<16x16xf32, #tpu.memory_space<vmem>>, vector<1x16xf32>,
      %get3A_1011 = vector.shape_cast %get3A_1010 : vector<1x16xf32> to vector<16xf32>
      %sub3A_1012 = arith.subf %add3A_1006, %get3A_1011 : vector<16xf32>
      %abs3A_1013 = math.absf %sub3A_1012 : vector<16xf32>
      %broadcast_in_dim3A_1014 = arith.constant 0 : i32
      %broadcast_in_dim3A_1015 = vector.broadcast %broadcast_in_dim3A_1014 : i32 to vector<16xi32>
      %get3A_1016 = arith.constant 1 : i32
      %get3A_1017 = arith.index_cast %get3A_1016 : i32 to index
      %get3A_1018 = arith.constant 0 : index
      %get3A_1019 = tpu.vector_load %arg10[%get3A_1017, %get3A_1018] {strides = array<i32>} : memref<16x16xf32, #tpu.memory_space<vmem>>, vector<1x16xf32>,
      %get3A_1020 = vector.shape_cast %get3A_1019 : vector<1x16xf32> to vector<16xf32>
      %sub3A_1021 = arith.subf %add3A_1006, %get3A_1020 : vector<16xf32>
      %abs3A_1022 = math.absf %sub3A_1021 : vector<16xf32>
      %lt3A_1023 = arith.cmpf olt, %abs3A_1022, %abs3A_1013 : vector<16xf32>
      %select_n3A_1024 = arith.select %lt3A_1023, %abs3A_1022, %abs3A_1013 : vector<16xi1>, vector<16xf32>
      %broadcast_in_dim3A_1025 = arith.constant 1 : i32
      %broadcast_in_dim3A_1026 = vector.broadcast %broadcast_in_dim3A_1025 : i32 to vector<16xi32>
      %select_n3A_1027 = arith.select %lt3A_1023, %broadcast_in_dim3A_1026, %broadcast_in_dim3A_1015 : vector<16xi1>, vector<16xi32>
      %select_n3A_1028 = arith.select %lt3A_1023, %get3A_1020, %get3A_1011 : vector<16xi1>, vector<16xf32>
      %get3A_1029 = arith.constant 2 : i32
      %get3A_1030 = arith.index_cast %get3A_1029 : i32 to index
      %get3A_1031 = arith.constant 0 : index
      %get3A_1032 = tpu.vector_load %arg10[%get3A_1030, %get3A_1031] {strides = array<i32>} : memref<16x16xf32, #tpu.memory_space<vmem>>, vector<1x16xf32>,
      %get3A_1033 = vector.shape_cast %get3A_1032 : vector<1x16xf32> to vector<16xf32>
      %sub3A_1034 = arith.subf %add3A_1006, %get3A_1033 : vector<16xf32>
      %abs3A_1035 = math.absf %sub3A_1034 : vector<16xf32>
      %lt3A_1036 = arith.cmpf olt, %abs3A_1035, %select_n3A_1024 : vector<16xf32>
      %select_n3A_1037 = arith.select %lt3A_1036, %abs3A_1035, %select_n3A_1024 : vector<16xi1>, vector<16xf32>
      %broadcast_in_dim3A_1038 = arith.constant 2 : i32
      %broadcast_in_dim3A_1039 = vector.broadcast %broadcast_in_dim3A_1038 : i32 to vector<16xi32>
      %select_n3A_1040 = arith.select %lt3A_1036, %broadcast_in_dim3A_1039, %select_n3A_1027 : vector<16xi1>, vector<16xi32>
      %select_n3A_1041 = arith.select %lt3A_1036, %get3A_1033, %select_n3A_1028 : vector<16xi1>, vector<16xf32>
      %get3A_1042 = arith.constant 3 : i32
      %get3A_1043 = arith.index_cast %get3A_1042 : i32 to index
      %get3A_1044 = arith.constant 0 : index
      %get3A_1045 = tpu.vector_load %arg10[%get3A_1043, %get3A_1044] {strides = array<i32>} : memref<16x16xf32, #tpu.memory_space<vmem>>, vector<1x16xf32>,
      %get3A_1046 = vector.shape_cast %get3A_1045 : vector<1x16xf32> to vector<16xf32>
      %sub3A_1047 = arith.subf %add3A_1006, %get3A_1046 : vector<16xf32>
      %abs3A_1048 = math.absf %sub3A_1047 : vector<16xf32>
      %lt3A_1049 = arith.cmpf olt, %abs3A_1048, %select_n3A_1037 : vector<16xf32>
      %select_n3A_1050 = arith.select %lt3A_1049, %abs3A_1048, %select_n3A_1037 : vector<16xi1>, vector<16xf32>
      %broadcast_in_dim3A_1051 = arith.constant 3 : i32
      %broadcast_in_dim3A_1052 = vector.broadcast %broadcast_in_dim3A_1051 : i32 to vector<16xi32>
      %select_n3A_1053 = arith.select %lt3A_1049, %broadcast_in_dim3A_1052, %select_n3A_1040 : vector<16xi1>, vector<16xi32>
      %select_n3A_1054 = arith.select %lt3A_1049, %get3A_1046, %select_n3A_1041 : vector<16xi1>, vector<16xf32>
      %get3A_1055 = arith.constant 4 : i32
      %get3A_1056 = arith.index_cast %get3A_1055 : i32 to index
      %get3A_1057 = arith.constant 0 : index
      %get3A_1058 = tpu.vector_load %arg10[%get3A_1056, %get3A_1057] {strides = array<i32>} : memref<16x16xf32, #tpu.memory_space<vmem>>, vector<1x16xf32>,
      %get3A_1059 = vector.shape_cast %get3A_1058 : vector<1x16xf32> to vector<16xf32>
      %sub3A_1060 = arith.subf %add3A_1006, %get3A_1059 : vector<16xf32>
      %abs3A_1061 = math.absf %sub3A_1060 : vector<16xf32>
      %lt3A_1062 = arith.cmpf olt, %abs3A_1061, %select_n3A_1050 : vector<16xf32>
      %select_n3A_1063 = arith.select %lt3A_1062, %abs3A_1061, %select_n3A_1050 : vector<16xi1>, vector<16xf32>
      %broadcast_in_dim3A_1064 = arith.constant 4 : i32
      %broadcast_in_dim3A_1065 = vector.broadcast %broadcast_in_dim3A_1064 : i32 to vector<16xi32>
      %select_n3A_1066 = arith.select %lt3A_1062, %broadcast_in_dim3A_1065, %select_n3A_1053 : vector<16xi1>, vector<16xi32>
      %select_n3A_1067 = arith.select %lt3A_1062, %get3A_1059, %select_n3A_1054 : vector<16xi1>, vector<16xf32>
      %get3A_1068 = arith.constant 5 : i32
      %get3A_1069 = arith.index_cast %get3A_1068 : i32 to index
      %get3A_1070 = arith.constant 0 : index
      %get3A_1071 = tpu.vector_load %arg10[%get3A_1069, %get3A_1070] {strides = array<i32>} : memref<16x16xf32, #tpu.memory_space<vmem>>, vector<1x16xf32>,
      %get3A_1072 = vector.shape_cast %get3A_1071 : vector<1x16xf32> to vector<16xf32>
      %sub3A_1073 = arith.subf %add3A_1006, %get3A_1072 : vector<16xf32>
      %abs3A_1074 = math.absf %sub3A_1073 : vector<16xf32>
      %lt3A_1075 = arith.cmpf olt, %abs3A_1074, %select_n3A_1063 : vector<16xf32>
      %select_n3A_1076 = arith.select %lt3A_1075, %abs3A_1074, %select_n3A_1063 : vector<16xi1>, vector<16xf32>
      %broadcast_in_dim3A_1077 = arith.constant 5 : i32
      %broadcast_in_dim3A_1078 = vector.broadcast %broadcast_in_dim3A_1077 : i32 to vector<16xi32>
      %select_n3A_1079 = arith.select %lt3A_1075, %broadcast_in_dim3A_1078, %select_n3A_1066 : vector<16xi1>, vector<16xi32>
      %select_n3A_1080 = arith.select %lt3A_1075, %get3A_1072, %select_n3A_1067 : vector<16xi1>, vector<16xf32>
      %get3A_1081 = arith.constant 6 : i32
      %get3A_1082 = arith.index_cast %get3A_1081 : i32 to index
      %get3A_1083 = arith.constant 0 : index
      %get3A_1084 = tpu.vector_load %arg10[%get3A_1082, %get3A_1083] {strides = array<i32>} : memref<16x16xf32, #tpu.memory_space<vmem>>, vector<1x16xf32>,
      %get3A_1085 = vector.shape_cast %get3A_1084 : vector<1x16xf32> to vector<16xf32>
      %sub3A_1086 = arith.subf %add3A_1006, %get3A_1085 : vector<16xf32>
      %abs3A_1087 = math.absf %sub3A_1086 : vector<16xf32>
      %lt3A_1088 = arith.cmpf olt, %abs3A_1087, %select_n3A_1076 : vector<16xf32>
      %select_n3A_1089 = arith.select %lt3A_1088, %abs3A_1087, %select_n3A_1076 : vector<16xi1>, vector<16xf32>
      %broadcast_in_dim3A_1090 = arith.constant 6 : i32
      %broadcast_in_dim3A_1091 = vector.broadcast %broadcast_in_dim3A_1090 : i32 to vector<16xi32>
      %select_n3A_1092 = arith.select %lt3A_1088, %broadcast_in_dim3A_1091, %select_n3A_1079 : vector<16xi1>, vector<16xi32>
      %select_n3A_1093 = arith.select %lt3A_1088, %get3A_1085, %select_n3A_1080 : vector<16xi1>, vector<16xf32>
      %get3A_1094 = arith.constant 7 : i32
      %get3A_1095 = arith.index_cast %get3A_1094 : i32 to index
      %get3A_1096 = arith.constant 0 : index
      %get3A_1097 = tpu.vector_load %arg10[%get3A_1095, %get3A_1096] {strides = array<i32>} : memref<16x16xf32, #tpu.memory_space<vmem>>, vector<1x16xf32>,
      %get3A_1098 = vector.shape_cast %get3A_1097 : vector<1x16xf32> to vector<16xf32>
      %sub3A_1099 = arith.subf %add3A_1006, %get3A_1098 : vector<16xf32>
      %abs3A_1100 = math.absf %sub3A_1099 : vector<16xf32>
      %lt3A_1101 = arith.cmpf olt, %abs3A_1100, %select_n3A_1089 : vector<16xf32>
      %select_n3A_1102 = arith.select %lt3A_1101, %abs3A_1100, %select_n3A_1089 : vector<16xi1>, vector<16xf32>
      %broadcast_in_dim3A_1103 = arith.constant 7 : i32
      %broadcast_in_dim3A_1104 = vector.broadcast %broadcast_in_dim3A_1103 : i32 to vector<16xi32>
      %select_n3A_1105 = arith.select %lt3A_1101, %broadcast_in_dim3A_1104, %select_n3A_1092 : vector<16xi1>, vector<16xi32>
      %select_n3A_1106 = arith.select %lt3A_1101, %get3A_1098, %select_n3A_1093 : vector<16xi1>, vector<16xf32>
      %get3A_1107 = arith.constant 8 : i32
      %get3A_1108 = arith.index_cast %get3A_1107 : i32 to index
      %get3A_1109 = arith.constant 0 : index
      %get3A_1110 = tpu.vector_load %arg10[%get3A_1108, %get3A_1109] {strides = array<i32>} : memref<16x16xf32, #tpu.memory_space<vmem>>, vector<1x16xf32>,
      %get3A_1111 = vector.shape_cast %get3A_1110 : vector<1x16xf32> to vector<16xf32>
      %sub3A_1112 = arith.subf %add3A_1006, %get3A_1111 : vector<16xf32>
      %abs3A_1113 = math.absf %sub3A_1112 : vector<16xf32>
      %lt3A_1114 = arith.cmpf olt, %abs3A_1113, %select_n3A_1102 : vector<16xf32>
      %select_n3A_1115 = arith.select %lt3A_1114, %abs3A_1113, %select_n3A_1102 : vector<16xi1>, vector<16xf32>
      %broadcast_in_dim3A_1116 = arith.constant 8 : i32
      %broadcast_in_dim3A_1117 = vector.broadcast %broadcast_in_dim3A_1116 : i32 to vector<16xi32>
      %select_n3A_1118 = arith.select %lt3A_1114, %broadcast_in_dim3A_1117, %select_n3A_1105 : vector<16xi1>, vector<16xi32>
      %select_n3A_1119 = arith.select %lt3A_1114, %get3A_1111, %select_n3A_1106 : vector<16xi1>, vector<16xf32>
      %get3A_1120 = arith.constant 9 : i32
      %get3A_1121 = arith.index_cast %get3A_1120 : i32 to index
      %get3A_1122 = arith.constant 0 : index
      %get3A_1123 = tpu.vector_load %arg10[%get3A_1121, %get3A_1122] {strides = array<i32>} : memref<16x16xf32, #tpu.memory_space<vmem>>, vector<1x16xf32>,
      %get3A_1124 = vector.shape_cast %get3A_1123 : vector<1x16xf32> to vector<16xf32>
      %sub3A_1125 = arith.subf %add3A_1006, %get3A_1124 : vector<16xf32>
      %abs3A_1126 = math.absf %sub3A_1125 : vector<16xf32>
      %lt3A_1127 = arith.cmpf olt, %abs3A_1126, %select_n3A_1115 : vector<16xf32>
      %select_n3A_1128 = arith.select %lt3A_1127, %abs3A_1126, %select_n3A_1115 : vector<16xi1>, vector<16xf32>
      %broadcast_in_dim3A_1129 = arith.constant 9 : i32
      %broadcast_in_dim3A_1130 = vector.broadcast %broadcast_in_dim3A_1129 : i32 to vector<16xi32>
      %select_n3A_1131 = arith.select %lt3A_1127, %broadcast_in_dim3A_1130, %select_n3A_1118 : vector<16xi1>, vector<16xi32>
      %select_n3A_1132 = arith.select %lt3A_1127, %get3A_1124, %select_n3A_1119 : vector<16xi1>, vector<16xf32>
      %get3A_1133 = arith.constant 10 : i32
      %get3A_1134 = arith.index_cast %get3A_1133 : i32 to index
      %get3A_1135 = arith.constant 0 : index
      %get3A_1136 = tpu.vector_load %arg10[%get3A_1134, %get3A_1135] {strides = array<i32>} : memref<16x16xf32, #tpu.memory_space<vmem>>, vector<1x16xf32>,
      %get3A_1137 = vector.shape_cast %get3A_1136 : vector<1x16xf32> to vector<16xf32>
      %sub3A_1138 = arith.subf %add3A_1006, %get3A_1137 : vector<16xf32>
      %abs3A_1139 = math.absf %sub3A_1138 : vector<16xf32>
      %lt3A_1140 = arith.cmpf olt, %abs3A_1139, %select_n3A_1128 : vector<16xf32>
      %select_n3A_1141 = arith.select %lt3A_1140, %abs3A_1139, %select_n3A_1128 : vector<16xi1>, vector<16xf32>
      %broadcast_in_dim3A_1142 = arith.constant 10 : i32
      %broadcast_in_dim3A_1143 = vector.broadcast %broadcast_in_dim3A_1142 : i32 to vector<16xi32>
      %select_n3A_1144 = arith.select %lt3A_1140, %broadcast_in_dim3A_1143, %select_n3A_1131 : vector<16xi1>, vector<16xi32>
      %select_n3A_1145 = arith.select %lt3A_1140, %get3A_1137, %select_n3A_1132 : vector<16xi1>, vector<16xf32>
      %get3A_1146 = arith.constant 11 : i32
      %get3A_1147 = arith.index_cast %get3A_1146 : i32 to index
      %get3A_1148 = arith.constant 0 : index
      %get3A_1149 = tpu.vector_load %arg10[%get3A_1147, %get3A_1148] {strides = array<i32>} : memref<16x16xf32, #tpu.memory_space<vmem>>, vector<1x16xf32>,
      %get3A_1150 = vector.shape_cast %get3A_1149 : vector<1x16xf32> to vector<16xf32>
      %sub3A_1151 = arith.subf %add3A_1006, %get3A_1150 : vector<16xf32>
      %abs3A_1152 = math.absf %sub3A_1151 : vector<16xf32>
      %lt3A_1153 = arith.cmpf olt, %abs3A_1152, %select_n3A_1141 : vector<16xf32>
      %select_n3A_1154 = arith.select %lt3A_1153, %abs3A_1152, %select_n3A_1141 : vector<16xi1>, vector<16xf32>
      %broadcast_in_dim3A_1155 = arith.constant 11 : i32
      %broadcast_in_dim3A_1156 = vector.broadcast %broadcast_in_dim3A_1155 : i32 to vector<16xi32>
      %select_n3A_1157 = arith.select %lt3A_1153, %broadcast_in_dim3A_1156, %select_n3A_1144 : vector<16xi1>, vector<16xi32>
      %select_n3A_1158 = arith.select %lt3A_1153, %get3A_1150, %select_n3A_1145 : vector<16xi1>, vector<16xf32>
      %get3A_1159 = arith.constant 12 : i32
      %get3A_1160 = arith.index_cast %get3A_1159 : i32 to index
      %get3A_1161 = arith.constant 0 : index
      %get3A_1162 = tpu.vector_load %arg10[%get3A_1160, %get3A_1161] {strides = array<i32>} : memref<16x16xf32, #tpu.memory_space<vmem>>, vector<1x16xf32>,
      %get3A_1163 = vector.shape_cast %get3A_1162 : vector<1x16xf32> to vector<16xf32>
      %sub3A_1164 = arith.subf %add3A_1006, %get3A_1163 : vector<16xf32>
      %abs3A_1165 = math.absf %sub3A_1164 : vector<16xf32>
      %lt3A_1166 = arith.cmpf olt, %abs3A_1165, %select_n3A_1154 : vector<16xf32>
      %select_n3A_1167 = arith.select %lt3A_1166, %abs3A_1165, %select_n3A_1154 : vector<16xi1>, vector<16xf32>
      %broadcast_in_dim3A_1168 = arith.constant 12 : i32
      %broadcast_in_dim3A_1169 = vector.broadcast %broadcast_in_dim3A_1168 : i32 to vector<16xi32>
      %select_n3A_1170 = arith.select %lt3A_1166, %broadcast_in_dim3A_1169, %select_n3A_1157 : vector<16xi1>, vector<16xi32>
      %select_n3A_1171 = arith.select %lt3A_1166, %get3A_1163, %select_n3A_1158 : vector<16xi1>, vector<16xf32>
      %get3A_1172 = arith.constant 13 : i32
      %get3A_1173 = arith.index_cast %get3A_1172 : i32 to index
      %get3A_1174 = arith.constant 0 : index
      %get3A_1175 = tpu.vector_load %arg10[%get3A_1173, %get3A_1174] {strides = array<i32>} : memref<16x16xf32, #tpu.memory_space<vmem>>, vector<1x16xf32>,
      %get3A_1176 = vector.shape_cast %get3A_1175 : vector<1x16xf32> to vector<16xf32>
      %sub3A_1177 = arith.subf %add3A_1006, %get3A_1176 : vector<16xf32>
      %abs3A_1178 = math.absf %sub3A_1177 : vector<16xf32>
      %lt3A_1179 = arith.cmpf olt, %abs3A_1178, %select_n3A_1167 : vector<16xf32>
      %select_n3A_1180 = arith.select %lt3A_1179, %abs3A_1178, %select_n3A_1167 : vector<16xi1>, vector<16xf32>
      %broadcast_in_dim3A_1181 = arith.constant 13 : i32
      %broadcast_in_dim3A_1182 = vector.broadcast %broadcast_in_dim3A_1181 : i32 to vector<16xi32>
      %select_n3A_1183 = arith.select %lt3A_1179, %broadcast_in_dim3A_1182, %select_n3A_1170 : vector<16xi1>, vector<16xi32>
      %select_n3A_1184 = arith.select %lt3A_1179, %get3A_1176, %select_n3A_1171 : vector<16xi1>, vector<16xf32>
      %get3A_1185 = arith.constant 14 : i32
      %get3A_1186 = arith.index_cast %get3A_1185 : i32 to index
      %get3A_1187 = arith.constant 0 : index
      %get3A_1188 = tpu.vector_load %arg10[%get3A_1186, %get3A_1187] {strides = array<i32>} : memref<16x16xf32, #tpu.memory_space<vmem>>, vector<1x16xf32>,
      %get3A_1189 = vector.shape_cast %get3A_1188 : vector<1x16xf32> to vector<16xf32>
      %sub3A_1190 = arith.subf %add3A_1006, %get3A_1189 : vector<16xf32>
      %abs3A_1191 = math.absf %sub3A_1190 : vector<16xf32>
      %lt3A_1192 = arith.cmpf olt, %abs3A_1191, %select_n3A_1180 : vector<16xf32>
      %select_n3A_1193 = arith.select %lt3A_1192, %abs3A_1191, %select_n3A_1180 : vector<16xi1>, vector<16xf32>
      %broadcast_in_dim3A_1194 = arith.constant 14 : i32
      %broadcast_in_dim3A_1195 = vector.broadcast %broadcast_in_dim3A_1194 : i32 to vector<16xi32>
      %select_n3A_1196 = arith.select %lt3A_1192, %broadcast_in_dim3A_1195, %select_n3A_1183 : vector<16xi1>, vector<16xi32>
      %select_n3A_1197 = arith.select %lt3A_1192, %get3A_1189, %select_n3A_1184 : vector<16xi1>, vector<16xf32>
      %get3A_1198 = arith.constant 15 : i32
      %get3A_1199 = arith.index_cast %get3A_1198 : i32 to index
      %get3A_1200 = arith.constant 0 : index
      %get3A_1201 = tpu.vector_load %arg10[%get3A_1199, %get3A_1200] {strides = array<i32>} : memref<16x16xf32, #tpu.memory_space<vmem>>, vector<1x16xf32>,
      %get3A_1202 = vector.shape_cast %get3A_1201 : vector<1x16xf32> to vector<16xf32>
      %sub3A_1203 = arith.subf %add3A_1006, %get3A_1202 : vector<16xf32>
      %abs3A_1204 = math.absf %sub3A_1203 : vector<16xf32>
      %lt3A_1205 = arith.cmpf olt, %abs3A_1204, %select_n3A_1193 : vector<16xf32>
      %select_n3A_1206 = arith.select %lt3A_1205, %abs3A_1204, %select_n3A_1193 : vector<16xi1>, vector<16xf32>
      %broadcast_in_dim3A_1207 = arith.constant 15 : i32
      %broadcast_in_dim3A_1208 = vector.broadcast %broadcast_in_dim3A_1207 : i32 to vector<16xi32>
      %select_n3A_1209 = arith.select %lt3A_1205, %broadcast_in_dim3A_1208, %select_n3A_1196 : vector<16xi1>, vector<16xi32>
      %select_n3A_1210 = arith.select %lt3A_1205, %get3A_1202, %select_n3A_1197 : vector<16xi1>, vector<16xf32>
      %swap3A_1211 = arith.index_cast %scan3A_111 : i32 to index
      %swap3A_1212 = arith.constant 64 : index
      %swap3A_1213 = tpu.vector_load %arg11[%swap3A_1211, %swap3A_1212] {strides = array<i32>} : memref<64x160xf32, #tpu.memory_space<vmem>>, vector<1x16xf32>,
      %swap3A_1214 = vector.shape_cast %swap3A_1213 : vector<1x16xf32> to vector<16xf32>
      %swap3A_1215 = vector.shape_cast %select_n3A_1210 : vector<16xf32> to vector<1x16xf32>
      tpu.vector_store %arg11[%swap3A_1211, %swap3A_1212], %swap3A_1215 {strides = array<i32>} : memref<64x160xf32, #tpu.memory_space<vmem>>, vector<1x16xf32>,
      %swap3A_1216 = arith.index_cast %scan3A_111 : i32 to index
      %swap3A_1217 = arith.constant 64 : index
      %swap3A_1218 = tpu.vector_load %arg12[%swap3A_1216, %swap3A_1217] {strides = array<i32>} : memref<64x160xi32, #tpu.memory_space<vmem>>, vector<1x16xi32>,
      %swap3A_1219 = vector.shape_cast %swap3A_1218 : vector<1x16xi32> to vector<16xi32>
      %swap3A_1220 = vector.shape_cast %select_n3A_1209 : vector<16xi32> to vector<1x16xi32>
      tpu.vector_store %arg12[%swap3A_1216, %swap3A_1217], %swap3A_1220 {strides = array<i32>} : memref<64x160xi32, #tpu.memory_space<vmem>>, vector<1x16xi32>,
      %sub3A_1221 = arith.subf %select_n3A_1210, %add3A_1006 : vector<16xf32>
      %mul3A_1222 = arith.mulf %sub3A_1221, %sub3A_1221 : vector<16xf32>
      %add3A_1223 = arith.addf %add3A_1000, %mul3A_1222 : vector<16xf32>
      %get3A_1224 = arith.index_cast %scan3A_111 : i32 to index
      %get3A_1225 = arith.constant 80 : index
      %get3A_1226 = tpu.vector_load %arg8[%get3A_1224, %get3A_1225] {strides = array<i32>} : memref<64x160xf32, #tpu.memory_space<vmem>>, vector<1x16xf32>,
      %get3A_1227 = vector.shape_cast %get3A_1226 : vector<1x16xf32> to vector<16xf32>
      %add3A_1228 = arith.addf %get3A_1227, %get3A_81 : vector<16xf32>
      %add3A_1229 = arith.addf %get3A_31, %add3A_1228 : vector<16xf32>
      %get3A_1230 = arith.constant 0 : i32
      %get3A_1231 = arith.index_cast %get3A_1230 : i32 to index
      %get3A_1232 = arith.constant 0 : index
      %get3A_1233 = tpu.vector_load %arg10[%get3A_1231, %get3A_1232] {strides = array<i32>} : memref<16x16xf32, #tpu.memory_space<vmem>>, vector<1x16xf32>,
      %get3A_1234 = vector.shape_cast %get3A_1233 : vector<1x16xf32> to vector<16xf32>
      %sub3A_1235 = arith.subf %add3A_1229, %get3A_1234 : vector<16xf32>
      %abs3A_1236 = math.absf %sub3A_1235 : vector<16xf32>
      %broadcast_in_dim3A_1237 = arith.constant 0 : i32
      %broadcast_in_dim3A_1238 = vector.broadcast %broadcast_in_dim3A_1237 : i32 to vector<16xi32>
      %get3A_1239 = arith.constant 1 : i32
      %get3A_1240 = arith.index_cast %get3A_1239 : i32 to index
      %get3A_1241 = arith.constant 0 : index
      %get3A_1242 = tpu.vector_load %arg10[%get3A_1240, %get3A_1241] {strides = array<i32>} : memref<16x16xf32, #tpu.memory_space<vmem>>, vector<1x16xf32>,
      %get3A_1243 = vector.shape_cast %get3A_1242 : vector<1x16xf32> to vector<16xf32>
      %sub3A_1244 = arith.subf %add3A_1229, %get3A_1243 : vector<16xf32>
      %abs3A_1245 = math.absf %sub3A_1244 : vector<16xf32>
      %lt3A_1246 = arith.cmpf olt, %abs3A_1245, %abs3A_1236 : vector<16xf32>
      %select_n3A_1247 = arith.select %lt3A_1246, %abs3A_1245, %abs3A_1236 : vector<16xi1>, vector<16xf32>
      %broadcast_in_dim3A_1248 = arith.constant 1 : i32
      %broadcast_in_dim3A_1249 = vector.broadcast %broadcast_in_dim3A_1248 : i32 to vector<16xi32>
      %select_n3A_1250 = arith.select %lt3A_1246, %broadcast_in_dim3A_1249, %broadcast_in_dim3A_1238 : vector<16xi1>, vector<16xi32>
      %select_n3A_1251 = arith.select %lt3A_1246, %get3A_1243, %get3A_1234 : vector<16xi1>, vector<16xf32>
      %get3A_1252 = arith.constant 2 : i32
      %get3A_1253 = arith.index_cast %get3A_1252 : i32 to index
      %get3A_1254 = arith.constant 0 : index
      %get3A_1255 = tpu.vector_load %arg10[%get3A_1253, %get3A_1254] {strides = array<i32>} : memref<16x16xf32, #tpu.memory_space<vmem>>, vector<1x16xf32>,
      %get3A_1256 = vector.shape_cast %get3A_1255 : vector<1x16xf32> to vector<16xf32>
      %sub3A_1257 = arith.subf %add3A_1229, %get3A_1256 : vector<16xf32>
      %abs3A_1258 = math.absf %sub3A_1257 : vector<16xf32>
      %lt3A_1259 = arith.cmpf olt, %abs3A_1258, %select_n3A_1247 : vector<16xf32>
      %select_n3A_1260 = arith.select %lt3A_1259, %abs3A_1258, %select_n3A_1247 : vector<16xi1>, vector<16xf32>
      %broadcast_in_dim3A_1261 = arith.constant 2 : i32
      %broadcast_in_dim3A_1262 = vector.broadcast %broadcast_in_dim3A_1261 : i32 to vector<16xi32>
      %select_n3A_1263 = arith.select %lt3A_1259, %broadcast_in_dim3A_1262, %select_n3A_1250 : vector<16xi1>, vector<16xi32>
      %select_n3A_1264 = arith.select %lt3A_1259, %get3A_1256, %select_n3A_1251 : vector<16xi1>, vector<16xf32>
      %get3A_1265 = arith.constant 3 : i32
      %get3A_1266 = arith.index_cast %get3A_1265 : i32 to index
      %get3A_1267 = arith.constant 0 : index
      %get3A_1268 = tpu.vector_load %arg10[%get3A_1266, %get3A_1267] {strides = array<i32>} : memref<16x16xf32, #tpu.memory_space<vmem>>, vector<1x16xf32>,
      %get3A_1269 = vector.shape_cast %get3A_1268 : vector<1x16xf32> to vector<16xf32>
      %sub3A_1270 = arith.subf %add3A_1229, %get3A_1269 : vector<16xf32>
      %abs3A_1271 = math.absf %sub3A_1270 : vector<16xf32>
      %lt3A_1272 = arith.cmpf olt, %abs3A_1271, %select_n3A_1260 : vector<16xf32>
      %select_n3A_1273 = arith.select %lt3A_1272, %abs3A_1271, %select_n3A_1260 : vector<16xi1>, vector<16xf32>
      %broadcast_in_dim3A_1274 = arith.constant 3 : i32
      %broadcast_in_dim3A_1275 = vector.broadcast %broadcast_in_dim3A_1274 : i32 to vector<16xi32>
      %select_n3A_1276 = arith.select %lt3A_1272, %broadcast_in_dim3A_1275, %select_n3A_1263 : vector<16xi1>, vector<16xi32>
      %select_n3A_1277 = arith.select %lt3A_1272, %get3A_1269, %select_n3A_1264 : vector<16xi1>, vector<16xf32>
      %get3A_1278 = arith.constant 4 : i32
      %get3A_1279 = arith.index_cast %get3A_1278 : i32 to index
      %get3A_1280 = arith.constant 0 : index
      %get3A_1281 = tpu.vector_load %arg10[%get3A_1279, %get3A_1280] {strides = array<i32>} : memref<16x16xf32, #tpu.memory_space<vmem>>, vector<1x16xf32>,
      %get3A_1282 = vector.shape_cast %get3A_1281 : vector<1x16xf32> to vector<16xf32>
      %sub3A_1283 = arith.subf %add3A_1229, %get3A_1282 : vector<16xf32>
      %abs3A_1284 = math.absf %sub3A_1283 : vector<16xf32>
      %lt3A_1285 = arith.cmpf olt, %abs3A_1284, %select_n3A_1273 : vector<16xf32>
      %select_n3A_1286 = arith.select %lt3A_1285, %abs3A_1284, %select_n3A_1273 : vector<16xi1>, vector<16xf32>
      %broadcast_in_dim3A_1287 = arith.constant 4 : i32
      %broadcast_in_dim3A_1288 = vector.broadcast %broadcast_in_dim3A_1287 : i32 to vector<16xi32>
      %select_n3A_1289 = arith.select %lt3A_1285, %broadcast_in_dim3A_1288, %select_n3A_1276 : vector<16xi1>, vector<16xi32>
      %select_n3A_1290 = arith.select %lt3A_1285, %get3A_1282, %select_n3A_1277 : vector<16xi1>, vector<16xf32>
      %get3A_1291 = arith.constant 5 : i32
      %get3A_1292 = arith.index_cast %get3A_1291 : i32 to index
      %get3A_1293 = arith.constant 0 : index
      %get3A_1294 = tpu.vector_load %arg10[%get3A_1292, %get3A_1293] {strides = array<i32>} : memref<16x16xf32, #tpu.memory_space<vmem>>, vector<1x16xf32>,
      %get3A_1295 = vector.shape_cast %get3A_1294 : vector<1x16xf32> to vector<16xf32>
      %sub3A_1296 = arith.subf %add3A_1229, %get3A_1295 : vector<16xf32>
      %abs3A_1297 = math.absf %sub3A_1296 : vector<16xf32>
      %lt3A_1298 = arith.cmpf olt, %abs3A_1297, %select_n3A_1286 : vector<16xf32>
      %select_n3A_1299 = arith.select %lt3A_1298, %abs3A_1297, %select_n3A_1286 : vector<16xi1>, vector<16xf32>
      %broadcast_in_dim3A_1300 = arith.constant 5 : i32
      %broadcast_in_dim3A_1301 = vector.broadcast %broadcast_in_dim3A_1300 : i32 to vector<16xi32>
      %select_n3A_1302 = arith.select %lt3A_1298, %broadcast_in_dim3A_1301, %select_n3A_1289 : vector<16xi1>, vector<16xi32>
      %select_n3A_1303 = arith.select %lt3A_1298, %get3A_1295, %select_n3A_1290 : vector<16xi1>, vector<16xf32>
      %get3A_1304 = arith.constant 6 : i32
      %get3A_1305 = arith.index_cast %get3A_1304 : i32 to index
      %get3A_1306 = arith.constant 0 : index
      %get3A_1307 = tpu.vector_load %arg10[%get3A_1305, %get3A_1306] {strides = array<i32>} : memref<16x16xf32, #tpu.memory_space<vmem>>, vector<1x16xf32>,
      %get3A_1308 = vector.shape_cast %get3A_1307 : vector<1x16xf32> to vector<16xf32>
      %sub3A_1309 = arith.subf %add3A_1229, %get3A_1308 : vector<16xf32>
      %abs3A_1310 = math.absf %sub3A_1309 : vector<16xf32>
      %lt3A_1311 = arith.cmpf olt, %abs3A_1310, %select_n3A_1299 : vector<16xf32>
      %select_n3A_1312 = arith.select %lt3A_1311, %abs3A_1310, %select_n3A_1299 : vector<16xi1>, vector<16xf32>
      %broadcast_in_dim3A_1313 = arith.constant 6 : i32
      %broadcast_in_dim3A_1314 = vector.broadcast %broadcast_in_dim3A_1313 : i32 to vector<16xi32>
      %select_n3A_1315 = arith.select %lt3A_1311, %broadcast_in_dim3A_1314, %select_n3A_1302 : vector<16xi1>, vector<16xi32>
      %select_n3A_1316 = arith.select %lt3A_1311, %get3A_1308, %select_n3A_1303 : vector<16xi1>, vector<16xf32>
      %get3A_1317 = arith.constant 7 : i32
      %get3A_1318 = arith.index_cast %get3A_1317 : i32 to index
      %get3A_1319 = arith.constant 0 : index
      %get3A_1320 = tpu.vector_load %arg10[%get3A_1318, %get3A_1319] {strides = array<i32>} : memref<16x16xf32, #tpu.memory_space<vmem>>, vector<1x16xf32>,
      %get3A_1321 = vector.shape_cast %get3A_1320 : vector<1x16xf32> to vector<16xf32>
      %sub3A_1322 = arith.subf %add3A_1229, %get3A_1321 : vector<16xf32>
      %abs3A_1323 = math.absf %sub3A_1322 : vector<16xf32>
      %lt3A_1324 = arith.cmpf olt, %abs3A_1323, %select_n3A_1312 : vector<16xf32>
      %select_n3A_1325 = arith.select %lt3A_1324, %abs3A_1323, %select_n3A_1312 : vector<16xi1>, vector<16xf32>
      %broadcast_in_dim3A_1326 = arith.constant 7 : i32
      %broadcast_in_dim3A_1327 = vector.broadcast %broadcast_in_dim3A_1326 : i32 to vector<16xi32>
      %select_n3A_1328 = arith.select %lt3A_1324, %broadcast_in_dim3A_1327, %select_n3A_1315 : vector<16xi1>, vector<16xi32>
      %select_n3A_1329 = arith.select %lt3A_1324, %get3A_1321, %select_n3A_1316 : vector<16xi1>, vector<16xf32>
      %get3A_1330 = arith.constant 8 : i32
      %get3A_1331 = arith.index_cast %get3A_1330 : i32 to index
      %get3A_1332 = arith.constant 0 : index
      %get3A_1333 = tpu.vector_load %arg10[%get3A_1331, %get3A_1332] {strides = array<i32>} : memref<16x16xf32, #tpu.memory_space<vmem>>, vector<1x16xf32>,
      %get3A_1334 = vector.shape_cast %get3A_1333 : vector<1x16xf32> to vector<16xf32>
      %sub3A_1335 = arith.subf %add3A_1229, %get3A_1334 : vector<16xf32>
      %abs3A_1336 = math.absf %sub3A_1335 : vector<16xf32>
      %lt3A_1337 = arith.cmpf olt, %abs3A_1336, %select_n3A_1325 : vector<16xf32>
      %select_n3A_1338 = arith.select %lt3A_1337, %abs3A_1336, %select_n3A_1325 : vector<16xi1>, vector<16xf32>
      %broadcast_in_dim3A_1339 = arith.constant 8 : i32
      %broadcast_in_dim3A_1340 = vector.broadcast %broadcast_in_dim3A_1339 : i32 to vector<16xi32>
      %select_n3A_1341 = arith.select %lt3A_1337, %broadcast_in_dim3A_1340, %select_n3A_1328 : vector<16xi1>, vector<16xi32>
      %select_n3A_1342 = arith.select %lt3A_1337, %get3A_1334, %select_n3A_1329 : vector<16xi1>, vector<16xf32>
      %get3A_1343 = arith.constant 9 : i32
      %get3A_1344 = arith.index_cast %get3A_1343 : i32 to index
      %get3A_1345 = arith.constant 0 : index
      %get3A_1346 = tpu.vector_load %arg10[%get3A_1344, %get3A_1345] {strides = array<i32>} : memref<16x16xf32, #tpu.memory_space<vmem>>, vector<1x16xf32>,
      %get3A_1347 = vector.shape_cast %get3A_1346 : vector<1x16xf32> to vector<16xf32>
      %sub3A_1348 = arith.subf %add3A_1229, %get3A_1347 : vector<16xf32>
      %abs3A_1349 = math.absf %sub3A_1348 : vector<16xf32>
      %lt3A_1350 = arith.cmpf olt, %abs3A_1349, %select_n3A_1338 : vector<16xf32>
      %select_n3A_1351 = arith.select %lt3A_1350, %abs3A_1349, %select_n3A_1338 : vector<16xi1>, vector<16xf32>
      %broadcast_in_dim3A_1352 = arith.constant 9 : i32
      %broadcast_in_dim3A_1353 = vector.broadcast %broadcast_in_dim3A_1352 : i32 to vector<16xi32>
      %select_n3A_1354 = arith.select %lt3A_1350, %broadcast_in_dim3A_1353, %select_n3A_1341 : vector<16xi1>, vector<16xi32>
      %select_n3A_1355 = arith.select %lt3A_1350, %get3A_1347, %select_n3A_1342 : vector<16xi1>, vector<16xf32>
      %get3A_1356 = arith.constant 10 : i32
      %get3A_1357 = arith.index_cast %get3A_1356 : i32 to index
      %get3A_1358 = arith.constant 0 : index
      %get3A_1359 = tpu.vector_load %arg10[%get3A_1357, %get3A_1358] {strides = array<i32>} : memref<16x16xf32, #tpu.memory_space<vmem>>, vector<1x16xf32>,
      %get3A_1360 = vector.shape_cast %get3A_1359 : vector<1x16xf32> to vector<16xf32>
      %sub3A_1361 = arith.subf %add3A_1229, %get3A_1360 : vector<16xf32>
      %abs3A_1362 = math.absf %sub3A_1361 : vector<16xf32>
      %lt3A_1363 = arith.cmpf olt, %abs3A_1362, %select_n3A_1351 : vector<16xf32>
      %select_n3A_1364 = arith.select %lt3A_1363, %abs3A_1362, %select_n3A_1351 : vector<16xi1>, vector<16xf32>
      %broadcast_in_dim3A_1365 = arith.constant 10 : i32
      %broadcast_in_dim3A_1366 = vector.broadcast %broadcast_in_dim3A_1365 : i32 to vector<16xi32>
      %select_n3A_1367 = arith.select %lt3A_1363, %broadcast_in_dim3A_1366, %select_n3A_1354 : vector<16xi1>, vector<16xi32>
      %select_n3A_1368 = arith.select %lt3A_1363, %get3A_1360, %select_n3A_1355 : vector<16xi1>, vector<16xf32>
      %get3A_1369 = arith.constant 11 : i32
      %get3A_1370 = arith.index_cast %get3A_1369 : i32 to index
      %get3A_1371 = arith.constant 0 : index
      %get3A_1372 = tpu.vector_load %arg10[%get3A_1370, %get3A_1371] {strides = array<i32>} : memref<16x16xf32, #tpu.memory_space<vmem>>, vector<1x16xf32>,
      %get3A_1373 = vector.shape_cast %get3A_1372 : vector<1x16xf32> to vector<16xf32>
      %sub3A_1374 = arith.subf %add3A_1229, %get3A_1373 : vector<16xf32>
      %abs3A_1375 = math.absf %sub3A_1374 : vector<16xf32>
      %lt3A_1376 = arith.cmpf olt, %abs3A_1375, %select_n3A_1364 : vector<16xf32>
      %select_n3A_1377 = arith.select %lt3A_1376, %abs3A_1375, %select_n3A_1364 : vector<16xi1>, vector<16xf32>
      %broadcast_in_dim3A_1378 = arith.constant 11 : i32
      %broadcast_in_dim3A_1379 = vector.broadcast %broadcast_in_dim3A_1378 : i32 to vector<16xi32>
      %select_n3A_1380 = arith.select %lt3A_1376, %broadcast_in_dim3A_1379, %select_n3A_1367 : vector<16xi1>, vector<16xi32>
      %select_n3A_1381 = arith.select %lt3A_1376, %get3A_1373, %select_n3A_1368 : vector<16xi1>, vector<16xf32>
      %get3A_1382 = arith.constant 12 : i32
      %get3A_1383 = arith.index_cast %get3A_1382 : i32 to index
      %get3A_1384 = arith.constant 0 : index
      %get3A_1385 = tpu.vector_load %arg10[%get3A_1383, %get3A_1384] {strides = array<i32>} : memref<16x16xf32, #tpu.memory_space<vmem>>, vector<1x16xf32>,
      %get3A_1386 = vector.shape_cast %get3A_1385 : vector<1x16xf32> to vector<16xf32>
      %sub3A_1387 = arith.subf %add3A_1229, %get3A_1386 : vector<16xf32>
      %abs3A_1388 = math.absf %sub3A_1387 : vector<16xf32>
      %lt3A_1389 = arith.cmpf olt, %abs3A_1388, %select_n3A_1377 : vector<16xf32>
      %select_n3A_1390 = arith.select %lt3A_1389, %abs3A_1388, %select_n3A_1377 : vector<16xi1>, vector<16xf32>
      %broadcast_in_dim3A_1391 = arith.constant 12 : i32
      %broadcast_in_dim3A_1392 = vector.broadcast %broadcast_in_dim3A_1391 : i32 to vector<16xi32>
      %select_n3A_1393 = arith.select %lt3A_1389, %broadcast_in_dim3A_1392, %select_n3A_1380 : vector<16xi1>, vector<16xi32>
      %select_n3A_1394 = arith.select %lt3A_1389, %get3A_1386, %select_n3A_1381 : vector<16xi1>, vector<16xf32>
      %get3A_1395 = arith.constant 13 : i32
      %get3A_1396 = arith.index_cast %get3A_1395 : i32 to index
      %get3A_1397 = arith.constant 0 : index
      %get3A_1398 = tpu.vector_load %arg10[%get3A_1396, %get3A_1397] {strides = array<i32>} : memref<16x16xf32, #tpu.memory_space<vmem>>, vector<1x16xf32>,
      %get3A_1399 = vector.shape_cast %get3A_1398 : vector<1x16xf32> to vector<16xf32>
      %sub3A_1400 = arith.subf %add3A_1229, %get3A_1399 : vector<16xf32>
      %abs3A_1401 = math.absf %sub3A_1400 : vector<16xf32>
      %lt3A_1402 = arith.cmpf olt, %abs3A_1401, %select_n3A_1390 : vector<16xf32>
      %select_n3A_1403 = arith.select %lt3A_1402, %abs3A_1401, %select_n3A_1390 : vector<16xi1>, vector<16xf32>
      %broadcast_in_dim3A_1404 = arith.constant 13 : i32
      %broadcast_in_dim3A_1405 = vector.broadcast %broadcast_in_dim3A_1404 : i32 to vector<16xi32>
      %select_n3A_1406 = arith.select %lt3A_1402, %broadcast_in_dim3A_1405, %select_n3A_1393 : vector<16xi1>, vector<16xi32>
      %select_n3A_1407 = arith.select %lt3A_1402, %get3A_1399, %select_n3A_1394 : vector<16xi1>, vector<16xf32>
      %get3A_1408 = arith.constant 14 : i32
      %get3A_1409 = arith.index_cast %get3A_1408 : i32 to index
      %get3A_1410 = arith.constant 0 : index
      %get3A_1411 = tpu.vector_load %arg10[%get3A_1409, %get3A_1410] {strides = array<i32>} : memref<16x16xf32, #tpu.memory_space<vmem>>, vector<1x16xf32>,
      %get3A_1412 = vector.shape_cast %get3A_1411 : vector<1x16xf32> to vector<16xf32>
      %sub3A_1413 = arith.subf %add3A_1229, %get3A_1412 : vector<16xf32>
      %abs3A_1414 = math.absf %sub3A_1413 : vector<16xf32>
      %lt3A_1415 = arith.cmpf olt, %abs3A_1414, %select_n3A_1403 : vector<16xf32>
      %select_n3A_1416 = arith.select %lt3A_1415, %abs3A_1414, %select_n3A_1403 : vector<16xi1>, vector<16xf32>
      %broadcast_in_dim3A_1417 = arith.constant 14 : i32
      %broadcast_in_dim3A_1418 = vector.broadcast %broadcast_in_dim3A_1417 : i32 to vector<16xi32>
      %select_n3A_1419 = arith.select %lt3A_1415, %broadcast_in_dim3A_1418, %select_n3A_1406 : vector<16xi1>, vector<16xi32>
      %select_n3A_1420 = arith.select %lt3A_1415, %get3A_1412, %select_n3A_1407 : vector<16xi1>, vector<16xf32>
      %get3A_1421 = arith.constant 15 : i32
      %get3A_1422 = arith.index_cast %get3A_1421 : i32 to index
      %get3A_1423 = arith.constant 0 : index
      %get3A_1424 = tpu.vector_load %arg10[%get3A_1422, %get3A_1423] {strides = array<i32>} : memref<16x16xf32, #tpu.memory_space<vmem>>, vector<1x16xf32>,
      %get3A_1425 = vector.shape_cast %get3A_1424 : vector<1x16xf32> to vector<16xf32>
      %sub3A_1426 = arith.subf %add3A_1229, %get3A_1425 : vector<16xf32>
      %abs3A_1427 = math.absf %sub3A_1426 : vector<16xf32>
      %lt3A_1428 = arith.cmpf olt, %abs3A_1427, %select_n3A_1416 : vector<16xf32>
      %select_n3A_1429 = arith.select %lt3A_1428, %abs3A_1427, %select_n3A_1416 : vector<16xi1>, vector<16xf32>
      %broadcast_in_dim3A_1430 = arith.constant 15 : i32
      %broadcast_in_dim3A_1431 = vector.broadcast %broadcast_in_dim3A_1430 : i32 to vector<16xi32>
      %select_n3A_1432 = arith.select %lt3A_1428, %broadcast_in_dim3A_1431, %select_n3A_1419 : vector<16xi1>, vector<16xi32>
      %select_n3A_1433 = arith.select %lt3A_1428, %get3A_1425, %select_n3A_1420 : vector<16xi1>, vector<16xf32>
      %swap3A_1434 = arith.index_cast %scan3A_111 : i32 to index
      %swap3A_1435 = arith.constant 80 : index
      %swap3A_1436 = tpu.vector_load %arg11[%swap3A_1434, %swap3A_1435] {strides = array<i32>} : memref<64x160xf32, #tpu.memory_space<vmem>>, vector<1x16xf32>,
      %swap3A_1437 = vector.shape_cast %swap3A_1436 : vector<1x16xf32> to vector<16xf32>
      %swap3A_1438 = vector.shape_cast %select_n3A_1433 : vector<16xf32> to vector<1x16xf32>
      tpu.vector_store %arg11[%swap3A_1434, %swap3A_1435], %swap3A_1438 {strides = array<i32>} : memref<64x160xf32, #tpu.memory_space<vmem>>, vector<1x16xf32>,
      %swap3A_1439 = arith.index_cast %scan3A_111 : i32 to index
      %swap3A_1440 = arith.constant 80 : index
      %swap3A_1441 = tpu.vector_load %arg12[%swap3A_1439, %swap3A_1440] {strides = array<i32>} : memref<64x160xi32, #tpu.memory_space<vmem>>, vector<1x16xi32>,
      %swap3A_1442 = vector.shape_cast %swap3A_1441 : vector<1x16xi32> to vector<16xi32>
      %swap3A_1443 = vector.shape_cast %select_n3A_1432 : vector<16xi32> to vector<1x16xi32>
      tpu.vector_store %arg12[%swap3A_1439, %swap3A_1440], %swap3A_1443 {strides = array<i32>} : memref<64x160xi32, #tpu.memory_space<vmem>>, vector<1x16xi32>,
      %sub3A_1444 = arith.subf %select_n3A_1433, %add3A_1229 : vector<16xf32>
      %mul3A_1445 = arith.mulf %sub3A_1444, %sub3A_1444 : vector<16xf32>
      %add3A_1446 = arith.addf %add3A_1223, %mul3A_1445 : vector<16xf32>
      %get3A_1447 = arith.index_cast %scan3A_111 : i32 to index
      %get3A_1448 = arith.constant 96 : index
      %get3A_1449 = tpu.vector_load %arg8[%get3A_1447, %get3A_1448] {strides = array<i32>} : memref<64x160xf32, #tpu.memory_space<vmem>>, vector<1x16xf32>,
      %get3A_1450 = vector.shape_cast %get3A_1449 : vector<1x16xf32> to vector<16xf32>
      %add3A_1451 = arith.addf %get3A_1450, %get3A_86 : vector<16xf32>
      %add3A_1452 = arith.addf %get3A_36, %add3A_1451 : vector<16xf32>
      %get3A_1453 = arith.constant 0 : i32
      %get3A_1454 = arith.index_cast %get3A_1453 : i32 to index
      %get3A_1455 = arith.constant 0 : index
      %get3A_1456 = tpu.vector_load %arg10[%get3A_1454, %get3A_1455] {strides = array<i32>} : memref<16x16xf32, #tpu.memory_space<vmem>>, vector<1x16xf32>,
      %get3A_1457 = vector.shape_cast %get3A_1456 : vector<1x16xf32> to vector<16xf32>
      %sub3A_1458 = arith.subf %add3A_1452, %get3A_1457 : vector<16xf32>
      %abs3A_1459 = math.absf %sub3A_1458 : vector<16xf32>
      %broadcast_in_dim3A_1460 = arith.constant 0 : i32
      %broadcast_in_dim3A_1461 = vector.broadcast %broadcast_in_dim3A_1460 : i32 to vector<16xi32>
      %get3A_1462 = arith.constant 1 : i32
      %get3A_1463 = arith.index_cast %get3A_1462 : i32 to index
      %get3A_1464 = arith.constant 0 : index
      %get3A_1465 = tpu.vector_load %arg10[%get3A_1463, %get3A_1464] {strides = array<i32>} : memref<16x16xf32, #tpu.memory_space<vmem>>, vector<1x16xf32>,
      %get3A_1466 = vector.shape_cast %get3A_1465 : vector<1x16xf32> to vector<16xf32>
      %sub3A_1467 = arith.subf %add3A_1452, %get3A_1466 : vector<16xf32>
      %abs3A_1468 = math.absf %sub3A_1467 : vector<16xf32>
      %lt3A_1469 = arith.cmpf olt, %abs3A_1468, %abs3A_1459 : vector<16xf32>
      %select_n3A_1470 = arith.select %lt3A_1469, %abs3A_1468, %abs3A_1459 : vector<16xi1>, vector<16xf32>
      %broadcast_in_dim3A_1471 = arith.constant 1 : i32
      %broadcast_in_dim3A_1472 = vector.broadcast %broadcast_in_dim3A_1471 : i32 to vector<16xi32>
      %select_n3A_1473 = arith.select %lt3A_1469, %broadcast_in_dim3A_1472, %broadcast_in_dim3A_1461 : vector<16xi1>, vector<16xi32>
      %select_n3A_1474 = arith.select %lt3A_1469, %get3A_1466, %get3A_1457 : vector<16xi1>, vector<16xf32>
      %get3A_1475 = arith.constant 2 : i32
      %get3A_1476 = arith.index_cast %get3A_1475 : i32 to index
      %get3A_1477 = arith.constant 0 : index
      %get3A_1478 = tpu.vector_load %arg10[%get3A_1476, %get3A_1477] {strides = array<i32>} : memref<16x16xf32, #tpu.memory_space<vmem>>, vector<1x16xf32>,
      %get3A_1479 = vector.shape_cast %get3A_1478 : vector<1x16xf32> to vector<16xf32>
      %sub3A_1480 = arith.subf %add3A_1452, %get3A_1479 : vector<16xf32>
      %abs3A_1481 = math.absf %sub3A_1480 : vector<16xf32>
      %lt3A_1482 = arith.cmpf olt, %abs3A_1481, %select_n3A_1470 : vector<16xf32>
      %select_n3A_1483 = arith.select %lt3A_1482, %abs3A_1481, %select_n3A_1470 : vector<16xi1>, vector<16xf32>
      %broadcast_in_dim3A_1484 = arith.constant 2 : i32
      %broadcast_in_dim3A_1485 = vector.broadcast %broadcast_in_dim3A_1484 : i32 to vector<16xi32>
      %select_n3A_1486 = arith.select %lt3A_1482, %broadcast_in_dim3A_1485, %select_n3A_1473 : vector<16xi1>, vector<16xi32>
      %select_n3A_1487 = arith.select %lt3A_1482, %get3A_1479, %select_n3A_1474 : vector<16xi1>, vector<16xf32>
      %get3A_1488 = arith.constant 3 : i32
      %get3A_1489 = arith.index_cast %get3A_1488 : i32 to index
      %get3A_1490 = arith.constant 0 : index
      %get3A_1491 = tpu.vector_load %arg10[%get3A_1489, %get3A_1490] {strides = array<i32>} : memref<16x16xf32, #tpu.memory_space<vmem>>, vector<1x16xf32>,
      %get3A_1492 = vector.shape_cast %get3A_1491 : vector<1x16xf32> to vector<16xf32>
      %sub3A_1493 = arith.subf %add3A_1452, %get3A_1492 : vector<16xf32>
      %abs3A_1494 = math.absf %sub3A_1493 : vector<16xf32>
      %lt3A_1495 = arith.cmpf olt, %abs3A_1494, %select_n3A_1483 : vector<16xf32>
      %select_n3A_1496 = arith.select %lt3A_1495, %abs3A_1494, %select_n3A_1483 : vector<16xi1>, vector<16xf32>
      %broadcast_in_dim3A_1497 = arith.constant 3 : i32
      %broadcast_in_dim3A_1498 = vector.broadcast %broadcast_in_dim3A_1497 : i32 to vector<16xi32>
      %select_n3A_1499 = arith.select %lt3A_1495, %broadcast_in_dim3A_1498, %select_n3A_1486 : vector<16xi1>, vector<16xi32>
      %select_n3A_1500 = arith.select %lt3A_1495, %get3A_1492, %select_n3A_1487 : vector<16xi1>, vector<16xf32>
      %get3A_1501 = arith.constant 4 : i32
      %get3A_1502 = arith.index_cast %get3A_1501 : i32 to index
      %get3A_1503 = arith.constant 0 : index
      %get3A_1504 = tpu.vector_load %arg10[%get3A_1502, %get3A_1503] {strides = array<i32>} : memref<16x16xf32, #tpu.memory_space<vmem>>, vector<1x16xf32>,
      %get3A_1505 = vector.shape_cast %get3A_1504 : vector<1x16xf32> to vector<16xf32>
      %sub3A_1506 = arith.subf %add3A_1452, %get3A_1505 : vector<16xf32>
      %abs3A_1507 = math.absf %sub3A_1506 : vector<16xf32>
      %lt3A_1508 = arith.cmpf olt, %abs3A_1507, %select_n3A_1496 : vector<16xf32>
      %select_n3A_1509 = arith.select %lt3A_1508, %abs3A_1507, %select_n3A_1496 : vector<16xi1>, vector<16xf32>
      %broadcast_in_dim3A_1510 = arith.constant 4 : i32
      %broadcast_in_dim3A_1511 = vector.broadcast %broadcast_in_dim3A_1510 : i32 to vector<16xi32>
      %select_n3A_1512 = arith.select %lt3A_1508, %broadcast_in_dim3A_1511, %select_n3A_1499 : vector<16xi1>, vector<16xi32>
      %select_n3A_1513 = arith.select %lt3A_1508, %get3A_1505, %select_n3A_1500 : vector<16xi1>, vector<16xf32>
      %get3A_1514 = arith.constant 5 : i32
      %get3A_1515 = arith.index_cast %get3A_1514 : i32 to index
      %get3A_1516 = arith.constant 0 : index
      %get3A_1517 = tpu.vector_load %arg10[%get3A_1515, %get3A_1516] {strides = array<i32>} : memref<16x16xf32, #tpu.memory_space<vmem>>, vector<1x16xf32>,
      %get3A_1518 = vector.shape_cast %get3A_1517 : vector<1x16xf32> to vector<16xf32>
      %sub3A_1519 = arith.subf %add3A_1452, %get3A_1518 : vector<16xf32>
      %abs3A_1520 = math.absf %sub3A_1519 : vector<16xf32>
      %lt3A_1521 = arith.cmpf olt, %abs3A_1520, %select_n3A_1509 : vector<16xf32>
      %select_n3A_1522 = arith.select %lt3A_1521, %abs3A_1520, %select_n3A_1509 : vector<16xi1>, vector<16xf32>
      %broadcast_in_dim3A_1523 = arith.constant 5 : i32
      %broadcast_in_dim3A_1524 = vector.broadcast %broadcast_in_dim3A_1523 : i32 to vector<16xi32>
      %select_n3A_1525 = arith.select %lt3A_1521, %broadcast_in_dim3A_1524, %select_n3A_1512 : vector<16xi1>, vector<16xi32>
      %select_n3A_1526 = arith.select %lt3A_1521, %get3A_1518, %select_n3A_1513 : vector<16xi1>, vector<16xf32>
      %get3A_1527 = arith.constant 6 : i32
      %get3A_1528 = arith.index_cast %get3A_1527 : i32 to index
      %get3A_1529 = arith.constant 0 : index
      %get3A_1530 = tpu.vector_load %arg10[%get3A_1528, %get3A_1529] {strides = array<i32>} : memref<16x16xf32, #tpu.memory_space<vmem>>, vector<1x16xf32>,
      %get3A_1531 = vector.shape_cast %get3A_1530 : vector<1x16xf32> to vector<16xf32>
      %sub3A_1532 = arith.subf %add3A_1452, %get3A_1531 : vector<16xf32>
      %abs3A_1533 = math.absf %sub3A_1532 : vector<16xf32>
      %lt3A_1534 = arith.cmpf olt, %abs3A_1533, %select_n3A_1522 : vector<16xf32>
      %select_n3A_1535 = arith.select %lt3A_1534, %abs3A_1533, %select_n3A_1522 : vector<16xi1>, vector<16xf32>
      %broadcast_in_dim3A_1536 = arith.constant 6 : i32
      %broadcast_in_dim3A_1537 = vector.broadcast %broadcast_in_dim3A_1536 : i32 to vector<16xi32>
      %select_n3A_1538 = arith.select %lt3A_1534, %broadcast_in_dim3A_1537, %select_n3A_1525 : vector<16xi1>, vector<16xi32>
      %select_n3A_1539 = arith.select %lt3A_1534, %get3A_1531, %select_n3A_1526 : vector<16xi1>, vector<16xf32>
      %get3A_1540 = arith.constant 7 : i32
      %get3A_1541 = arith.index_cast %get3A_1540 : i32 to index
      %get3A_1542 = arith.constant 0 : index
      %get3A_1543 = tpu.vector_load %arg10[%get3A_1541, %get3A_1542] {strides = array<i32>} : memref<16x16xf32, #tpu.memory_space<vmem>>, vector<1x16xf32>,
      %get3A_1544 = vector.shape_cast %get3A_1543 : vector<1x16xf32> to vector<16xf32>
      %sub3A_1545 = arith.subf %add3A_1452, %get3A_1544 : vector<16xf32>
      %abs3A_1546 = math.absf %sub3A_1545 : vector<16xf32>
      %lt3A_1547 = arith.cmpf olt, %abs3A_1546, %select_n3A_1535 : vector<16xf32>
      %select_n3A_1548 = arith.select %lt3A_1547, %abs3A_1546, %select_n3A_1535 : vector<16xi1>, vector<16xf32>
      %broadcast_in_dim3A_1549 = arith.constant 7 : i32
      %broadcast_in_dim3A_1550 = vector.broadcast %broadcast_in_dim3A_1549 : i32 to vector<16xi32>
      %select_n3A_1551 = arith.select %lt3A_1547, %broadcast_in_dim3A_1550, %select_n3A_1538 : vector<16xi1>, vector<16xi32>
      %select_n3A_1552 = arith.select %lt3A_1547, %get3A_1544, %select_n3A_1539 : vector<16xi1>, vector<16xf32>
      %get3A_1553 = arith.constant 8 : i32
      %get3A_1554 = arith.index_cast %get3A_1553 : i32 to index
      %get3A_1555 = arith.constant 0 : index
      %get3A_1556 = tpu.vector_load %arg10[%get3A_1554, %get3A_1555] {strides = array<i32>} : memref<16x16xf32, #tpu.memory_space<vmem>>, vector<1x16xf32>,
      %get3A_1557 = vector.shape_cast %get3A_1556 : vector<1x16xf32> to vector<16xf32>
      %sub3A_1558 = arith.subf %add3A_1452, %get3A_1557 : vector<16xf32>
      %abs3A_1559 = math.absf %sub3A_1558 : vector<16xf32>
      %lt3A_1560 = arith.cmpf olt, %abs3A_1559, %select_n3A_1548 : vector<16xf32>
      %select_n3A_1561 = arith.select %lt3A_1560, %abs3A_1559, %select_n3A_1548 : vector<16xi1>, vector<16xf32>
      %broadcast_in_dim3A_1562 = arith.constant 8 : i32
      %broadcast_in_dim3A_1563 = vector.broadcast %broadcast_in_dim3A_1562 : i32 to vector<16xi32>
      %select_n3A_1564 = arith.select %lt3A_1560, %broadcast_in_dim3A_1563, %select_n3A_1551 : vector<16xi1>, vector<16xi32>
      %select_n3A_1565 = arith.select %lt3A_1560, %get3A_1557, %select_n3A_1552 : vector<16xi1>, vector<16xf32>
      %get3A_1566 = arith.constant 9 : i32
      %get3A_1567 = arith.index_cast %get3A_1566 : i32 to index
      %get3A_1568 = arith.constant 0 : index
      %get3A_1569 = tpu.vector_load %arg10[%get3A_1567, %get3A_1568] {strides = array<i32>} : memref<16x16xf32, #tpu.memory_space<vmem>>, vector<1x16xf32>,
      %get3A_1570 = vector.shape_cast %get3A_1569 : vector<1x16xf32> to vector<16xf32>
      %sub3A_1571 = arith.subf %add3A_1452, %get3A_1570 : vector<16xf32>
      %abs3A_1572 = math.absf %sub3A_1571 : vector<16xf32>
      %lt3A_1573 = arith.cmpf olt, %abs3A_1572, %select_n3A_1561 : vector<16xf32>
      %select_n3A_1574 = arith.select %lt3A_1573, %abs3A_1572, %select_n3A_1561 : vector<16xi1>, vector<16xf32>
      %broadcast_in_dim3A_1575 = arith.constant 9 : i32
      %broadcast_in_dim3A_1576 = vector.broadcast %broadcast_in_dim3A_1575 : i32 to vector<16xi32>
      %select_n3A_1577 = arith.select %lt3A_1573, %broadcast_in_dim3A_1576, %select_n3A_1564 : vector<16xi1>, vector<16xi32>
      %select_n3A_1578 = arith.select %lt3A_1573, %get3A_1570, %select_n3A_1565 : vector<16xi1>, vector<16xf32>
      %get3A_1579 = arith.constant 10 : i32
      %get3A_1580 = arith.index_cast %get3A_1579 : i32 to index
      %get3A_1581 = arith.constant 0 : index
      %get3A_1582 = tpu.vector_load %arg10[%get3A_1580, %get3A_1581] {strides = array<i32>} : memref<16x16xf32, #tpu.memory_space<vmem>>, vector<1x16xf32>,
      %get3A_1583 = vector.shape_cast %get3A_1582 : vector<1x16xf32> to vector<16xf32>
      %sub3A_1584 = arith.subf %add3A_1452, %get3A_1583 : vector<16xf32>
      %abs3A_1585 = math.absf %sub3A_1584 : vector<16xf32>
      %lt3A_1586 = arith.cmpf olt, %abs3A_1585, %select_n3A_1574 : vector<16xf32>
      %select_n3A_1587 = arith.select %lt3A_1586, %abs3A_1585, %select_n3A_1574 : vector<16xi1>, vector<16xf32>
      %broadcast_in_dim3A_1588 = arith.constant 10 : i32
      %broadcast_in_dim3A_1589 = vector.broadcast %broadcast_in_dim3A_1588 : i32 to vector<16xi32>
      %select_n3A_1590 = arith.select %lt3A_1586, %broadcast_in_dim3A_1589, %select_n3A_1577 : vector<16xi1>, vector<16xi32>
      %select_n3A_1591 = arith.select %lt3A_1586, %get3A_1583, %select_n3A_1578 : vector<16xi1>, vector<16xf32>
      %get3A_1592 = arith.constant 11 : i32
      %get3A_1593 = arith.index_cast %get3A_1592 : i32 to index
      %get3A_1594 = arith.constant 0 : index
      %get3A_1595 = tpu.vector_load %arg10[%get3A_1593, %get3A_1594] {strides = array<i32>} : memref<16x16xf32, #tpu.memory_space<vmem>>, vector<1x16xf32>,
      %get3A_1596 = vector.shape_cast %get3A_1595 : vector<1x16xf32> to vector<16xf32>
      %sub3A_1597 = arith.subf %add3A_1452, %get3A_1596 : vector<16xf32>
      %abs3A_1598 = math.absf %sub3A_1597 : vector<16xf32>
      %lt3A_1599 = arith.cmpf olt, %abs3A_1598, %select_n3A_1587 : vector<16xf32>
      %select_n3A_1600 = arith.select %lt3A_1599, %abs3A_1598, %select_n3A_1587 : vector<16xi1>, vector<16xf32>
      %broadcast_in_dim3A_1601 = arith.constant 11 : i32
      %broadcast_in_dim3A_1602 = vector.broadcast %broadcast_in_dim3A_1601 : i32 to vector<16xi32>
      %select_n3A_1603 = arith.select %lt3A_1599, %broadcast_in_dim3A_1602, %select_n3A_1590 : vector<16xi1>, vector<16xi32>
      %select_n3A_1604 = arith.select %lt3A_1599, %get3A_1596, %select_n3A_1591 : vector<16xi1>, vector<16xf32>
      %get3A_1605 = arith.constant 12 : i32
      %get3A_1606 = arith.index_cast %get3A_1605 : i32 to index
      %get3A_1607 = arith.constant 0 : index
      %get3A_1608 = tpu.vector_load %arg10[%get3A_1606, %get3A_1607] {strides = array<i32>} : memref<16x16xf32, #tpu.memory_space<vmem>>, vector<1x16xf32>,
      %get3A_1609 = vector.shape_cast %get3A_1608 : vector<1x16xf32> to vector<16xf32>
      %sub3A_1610 = arith.subf %add3A_1452, %get3A_1609 : vector<16xf32>
      %abs3A_1611 = math.absf %sub3A_1610 : vector<16xf32>
      %lt3A_1612 = arith.cmpf olt, %abs3A_1611, %select_n3A_1600 : vector<16xf32>
      %select_n3A_1613 = arith.select %lt3A_1612, %abs3A_1611, %select_n3A_1600 : vector<16xi1>, vector<16xf32>
      %broadcast_in_dim3A_1614 = arith.constant 12 : i32
      %broadcast_in_dim3A_1615 = vector.broadcast %broadcast_in_dim3A_1614 : i32 to vector<16xi32>
      %select_n3A_1616 = arith.select %lt3A_1612, %broadcast_in_dim3A_1615, %select_n3A_1603 : vector<16xi1>, vector<16xi32>
      %select_n3A_1617 = arith.select %lt3A_1612, %get3A_1609, %select_n3A_1604 : vector<16xi1>, vector<16xf32>
      %get3A_1618 = arith.constant 13 : i32
      %get3A_1619 = arith.index_cast %get3A_1618 : i32 to index
      %get3A_1620 = arith.constant 0 : index
      %get3A_1621 = tpu.vector_load %arg10[%get3A_1619, %get3A_1620] {strides = array<i32>} : memref<16x16xf32, #tpu.memory_space<vmem>>, vector<1x16xf32>,
      %get3A_1622 = vector.shape_cast %get3A_1621 : vector<1x16xf32> to vector<16xf32>
      %sub3A_1623 = arith.subf %add3A_1452, %get3A_1622 : vector<16xf32>
      %abs3A_1624 = math.absf %sub3A_1623 : vector<16xf32>
      %lt3A_1625 = arith.cmpf olt, %abs3A_1624, %select_n3A_1613 : vector<16xf32>
      %select_n3A_1626 = arith.select %lt3A_1625, %abs3A_1624, %select_n3A_1613 : vector<16xi1>, vector<16xf32>
      %broadcast_in_dim3A_1627 = arith.constant 13 : i32
      %broadcast_in_dim3A_1628 = vector.broadcast %broadcast_in_dim3A_1627 : i32 to vector<16xi32>
      %select_n3A_1629 = arith.select %lt3A_1625, %broadcast_in_dim3A_1628, %select_n3A_1616 : vector<16xi1>, vector<16xi32>
      %select_n3A_1630 = arith.select %lt3A_1625, %get3A_1622, %select_n3A_1617 : vector<16xi1>, vector<16xf32>
      %get3A_1631 = arith.constant 14 : i32
      %get3A_1632 = arith.index_cast %get3A_1631 : i32 to index
      %get3A_1633 = arith.constant 0 : index
      %get3A_1634 = tpu.vector_load %arg10[%get3A_1632, %get3A_1633] {strides = array<i32>} : memref<16x16xf32, #tpu.memory_space<vmem>>, vector<1x16xf32>,
      %get3A_1635 = vector.shape_cast %get3A_1634 : vector<1x16xf32> to vector<16xf32>
      %sub3A_1636 = arith.subf %add3A_1452, %get3A_1635 : vector<16xf32>
      %abs3A_1637 = math.absf %sub3A_1636 : vector<16xf32>
      %lt3A_1638 = arith.cmpf olt, %abs3A_1637, %select_n3A_1626 : vector<16xf32>
      %select_n3A_1639 = arith.select %lt3A_1638, %abs3A_1637, %select_n3A_1626 : vector<16xi1>, vector<16xf32>
      %broadcast_in_dim3A_1640 = arith.constant 14 : i32
      %broadcast_in_dim3A_1641 = vector.broadcast %broadcast_in_dim3A_1640 : i32 to vector<16xi32>
      %select_n3A_1642 = arith.select %lt3A_1638, %broadcast_in_dim3A_1641, %select_n3A_1629 : vector<16xi1>, vector<16xi32>
      %select_n3A_1643 = arith.select %lt3A_1638, %get3A_1635, %select_n3A_1630 : vector<16xi1>, vector<16xf32>
      %get3A_1644 = arith.constant 15 : i32
      %get3A_1645 = arith.index_cast %get3A_1644 : i32 to index
      %get3A_1646 = arith.constant 0 : index
      %get3A_1647 = tpu.vector_load %arg10[%get3A_1645, %get3A_1646] {strides = array<i32>} : memref<16x16xf32, #tpu.memory_space<vmem>>, vector<1x16xf32>,
      %get3A_1648 = vector.shape_cast %get3A_1647 : vector<1x16xf32> to vector<16xf32>
      %sub3A_1649 = arith.subf %add3A_1452, %get3A_1648 : vector<16xf32>
      %abs3A_1650 = math.absf %sub3A_1649 : vector<16xf32>
      %lt3A_1651 = arith.cmpf olt, %abs3A_1650, %select_n3A_1639 : vector<16xf32>
      %select_n3A_1652 = arith.select %lt3A_1651, %abs3A_1650, %select_n3A_1639 : vector<16xi1>, vector<16xf32>
      %broadcast_in_dim3A_1653 = arith.constant 15 : i32
      %broadcast_in_dim3A_1654 = vector.broadcast %broadcast_in_dim3A_1653 : i32 to vector<16xi32>
      %select_n3A_1655 = arith.select %lt3A_1651, %broadcast_in_dim3A_1654, %select_n3A_1642 : vector<16xi1>, vector<16xi32>
      %select_n3A_1656 = arith.select %lt3A_1651, %get3A_1648, %select_n3A_1643 : vector<16xi1>, vector<16xf32>
      %swap3A_1657 = arith.index_cast %scan3A_111 : i32 to index
      %swap3A_1658 = arith.constant 96 : index
      %swap3A_1659 = tpu.vector_load %arg11[%swap3A_1657, %swap3A_1658] {strides = array<i32>} : memref<64x160xf32, #tpu.memory_space<vmem>>, vector<1x16xf32>,
      %swap3A_1660 = vector.shape_cast %swap3A_1659 : vector<1x16xf32> to vector<16xf32>
      %swap3A_1661 = vector.shape_cast %select_n3A_1656 : vector<16xf32> to vector<1x16xf32>
      tpu.vector_store %arg11[%swap3A_1657, %swap3A_1658], %swap3A_1661 {strides = array<i32>} : memref<64x160xf32, #tpu.memory_space<vmem>>, vector<1x16xf32>,
      %swap3A_1662 = arith.index_cast %scan3A_111 : i32 to index
      %swap3A_1663 = arith.constant 96 : index
      %swap3A_1664 = tpu.vector_load %arg12[%swap3A_1662, %swap3A_1663] {strides = array<i32>} : memref<64x160xi32, #tpu.memory_space<vmem>>, vector<1x16xi32>,
      %swap3A_1665 = vector.shape_cast %swap3A_1664 : vector<1x16xi32> to vector<16xi32>
      %swap3A_1666 = vector.shape_cast %select_n3A_1655 : vector<16xi32> to vector<1x16xi32>
      tpu.vector_store %arg12[%swap3A_1662, %swap3A_1663], %swap3A_1666 {strides = array<i32>} : memref<64x160xi32, #tpu.memory_space<vmem>>, vector<1x16xi32>,
      %sub3A_1667 = arith.subf %select_n3A_1656, %add3A_1452 : vector<16xf32>
      %mul3A_1668 = arith.mulf %sub3A_1667, %sub3A_1667 : vector<16xf32>
      %add3A_1669 = arith.addf %add3A_1446, %mul3A_1668 : vector<16xf32>
      %get3A_1670 = arith.index_cast %scan3A_111 : i32 to index
      %get3A_1671 = arith.constant 112 : index
      %get3A_1672 = tpu.vector_load %arg8[%get3A_1670, %get3A_1671] {strides = array<i32>} : memref<64x160xf32, #tpu.memory_space<vmem>>, vector<1x16xf32>,
      %get3A_1673 = vector.shape_cast %get3A_1672 : vector<1x16xf32> to vector<16xf32>
      %add3A_1674 = arith.addf %get3A_1673, %get3A_91 : vector<16xf32>
      %add3A_1675 = arith.addf %get3A_41, %add3A_1674 : vector<16xf32>
      %get3A_1676 = arith.constant 0 : i32
      %get3A_1677 = arith.index_cast %get3A_1676 : i32 to index
      %get3A_1678 = arith.constant 0 : index
      %get3A_1679 = tpu.vector_load %arg10[%get3A_1677, %get3A_1678] {strides = array<i32>} : memref<16x16xf32, #tpu.memory_space<vmem>>, vector<1x16xf32>,
      %get3A_1680 = vector.shape_cast %get3A_1679 : vector<1x16xf32> to vector<16xf32>
      %sub3A_1681 = arith.subf %add3A_1675, %get3A_1680 : vector<16xf32>
      %abs3A_1682 = math.absf %sub3A_1681 : vector<16xf32>
      %broadcast_in_dim3A_1683 = arith.constant 0 : i32
      %broadcast_in_dim3A_1684 = vector.broadcast %broadcast_in_dim3A_1683 : i32 to vector<16xi32>
      %get3A_1685 = arith.constant 1 : i32
      %get3A_1686 = arith.index_cast %get3A_1685 : i32 to index
      %get3A_1687 = arith.constant 0 : index
      %get3A_1688 = tpu.vector_load %arg10[%get3A_1686, %get3A_1687] {strides = array<i32>} : memref<16x16xf32, #tpu.memory_space<vmem>>, vector<1x16xf32>,
      %get3A_1689 = vector.shape_cast %get3A_1688 : vector<1x16xf32> to vector<16xf32>
      %sub3A_1690 = arith.subf %add3A_1675, %get3A_1689 : vector<16xf32>
      %abs3A_1691 = math.absf %sub3A_1690 : vector<16xf32>
      %lt3A_1692 = arith.cmpf olt, %abs3A_1691, %abs3A_1682 : vector<16xf32>
      %select_n3A_1693 = arith.select %lt3A_1692, %abs3A_1691, %abs3A_1682 : vector<16xi1>, vector<16xf32>
      %broadcast_in_dim3A_1694 = arith.constant 1 : i32
      %broadcast_in_dim3A_1695 = vector.broadcast %broadcast_in_dim3A_1694 : i32 to vector<16xi32>
      %select_n3A_1696 = arith.select %lt3A_1692, %broadcast_in_dim3A_1695, %broadcast_in_dim3A_1684 : vector<16xi1>, vector<16xi32>
      %select_n3A_1697 = arith.select %lt3A_1692, %get3A_1689, %get3A_1680 : vector<16xi1>, vector<16xf32>
      %get3A_1698 = arith.constant 2 : i32
      %get3A_1699 = arith.index_cast %get3A_1698 : i32 to index
      %get3A_1700 = arith.constant 0 : index
      %get3A_1701 = tpu.vector_load %arg10[%get3A_1699, %get3A_1700] {strides = array<i32>} : memref<16x16xf32, #tpu.memory_space<vmem>>, vector<1x16xf32>,
      %get3A_1702 = vector.shape_cast %get3A_1701 : vector<1x16xf32> to vector<16xf32>
      %sub3A_1703 = arith.subf %add3A_1675, %get3A_1702 : vector<16xf32>
      %abs3A_1704 = math.absf %sub3A_1703 : vector<16xf32>
      %lt3A_1705 = arith.cmpf olt, %abs3A_1704, %select_n3A_1693 : vector<16xf32>
      %select_n3A_1706 = arith.select %lt3A_1705, %abs3A_1704, %select_n3A_1693 : vector<16xi1>, vector<16xf32>
      %broadcast_in_dim3A_1707 = arith.constant 2 : i32
      %broadcast_in_dim3A_1708 = vector.broadcast %broadcast_in_dim3A_1707 : i32 to vector<16xi32>
      %select_n3A_1709 = arith.select %lt3A_1705, %broadcast_in_dim3A_1708, %select_n3A_1696 : vector<16xi1>, vector<16xi32>
      %select_n3A_1710 = arith.select %lt3A_1705, %get3A_1702, %select_n3A_1697 : vector<16xi1>, vector<16xf32>
      %get3A_1711 = arith.constant 3 : i32
      %get3A_1712 = arith.index_cast %get3A_1711 : i32 to index
      %get3A_1713 = arith.constant 0 : index
      %get3A_1714 = tpu.vector_load %arg10[%get3A_1712, %get3A_1713] {strides = array<i32>} : memref<16x16xf32, #tpu.memory_space<vmem>>, vector<1x16xf32>,
      %get3A_1715 = vector.shape_cast %get3A_1714 : vector<1x16xf32> to vector<16xf32>
      %sub3A_1716 = arith.subf %add3A_1675, %get3A_1715 : vector<16xf32>
      %abs3A_1717 = math.absf %sub3A_1716 : vector<16xf32>
      %lt3A_1718 = arith.cmpf olt, %abs3A_1717, %select_n3A_1706 : vector<16xf32>
      %select_n3A_1719 = arith.select %lt3A_1718, %abs3A_1717, %select_n3A_1706 : vector<16xi1>, vector<16xf32>
      %broadcast_in_dim3A_1720 = arith.constant 3 : i32
      %broadcast_in_dim3A_1721 = vector.broadcast %broadcast_in_dim3A_1720 : i32 to vector<16xi32>
      %select_n3A_1722 = arith.select %lt3A_1718, %broadcast_in_dim3A_1721, %select_n3A_1709 : vector<16xi1>, vector<16xi32>
      %select_n3A_1723 = arith.select %lt3A_1718, %get3A_1715, %select_n3A_1710 : vector<16xi1>, vector<16xf32>
      %get3A_1724 = arith.constant 4 : i32
      %get3A_1725 = arith.index_cast %get3A_1724 : i32 to index
      %get3A_1726 = arith.constant 0 : index
      %get3A_1727 = tpu.vector_load %arg10[%get3A_1725, %get3A_1726] {strides = array<i32>} : memref<16x16xf32, #tpu.memory_space<vmem>>, vector<1x16xf32>,
      %get3A_1728 = vector.shape_cast %get3A_1727 : vector<1x16xf32> to vector<16xf32>
      %sub3A_1729 = arith.subf %add3A_1675, %get3A_1728 : vector<16xf32>
      %abs3A_1730 = math.absf %sub3A_1729 : vector<16xf32>
      %lt3A_1731 = arith.cmpf olt, %abs3A_1730, %select_n3A_1719 : vector<16xf32>
      %select_n3A_1732 = arith.select %lt3A_1731, %abs3A_1730, %select_n3A_1719 : vector<16xi1>, vector<16xf32>
      %broadcast_in_dim3A_1733 = arith.constant 4 : i32
      %broadcast_in_dim3A_1734 = vector.broadcast %broadcast_in_dim3A_1733 : i32 to vector<16xi32>
      %select_n3A_1735 = arith.select %lt3A_1731, %broadcast_in_dim3A_1734, %select_n3A_1722 : vector<16xi1>, vector<16xi32>
      %select_n3A_1736 = arith.select %lt3A_1731, %get3A_1728, %select_n3A_1723 : vector<16xi1>, vector<16xf32>
      %get3A_1737 = arith.constant 5 : i32
      %get3A_1738 = arith.index_cast %get3A_1737 : i32 to index
      %get3A_1739 = arith.constant 0 : index
      %get3A_1740 = tpu.vector_load %arg10[%get3A_1738, %get3A_1739] {strides = array<i32>} : memref<16x16xf32, #tpu.memory_space<vmem>>, vector<1x16xf32>,
      %get3A_1741 = vector.shape_cast %get3A_1740 : vector<1x16xf32> to vector<16xf32>
      %sub3A_1742 = arith.subf %add3A_1675, %get3A_1741 : vector<16xf32>
      %abs3A_1743 = math.absf %sub3A_1742 : vector<16xf32>
      %lt3A_1744 = arith.cmpf olt, %abs3A_1743, %select_n3A_1732 : vector<16xf32>
      %select_n3A_1745 = arith.select %lt3A_1744, %abs3A_1743, %select_n3A_1732 : vector<16xi1>, vector<16xf32>
      %broadcast_in_dim3A_1746 = arith.constant 5 : i32
      %broadcast_in_dim3A_1747 = vector.broadcast %broadcast_in_dim3A_1746 : i32 to vector<16xi32>
      %select_n3A_1748 = arith.select %lt3A_1744, %broadcast_in_dim3A_1747, %select_n3A_1735 : vector<16xi1>, vector<16xi32>
      %select_n3A_1749 = arith.select %lt3A_1744, %get3A_1741, %select_n3A_1736 : vector<16xi1>, vector<16xf32>
      %get3A_1750 = arith.constant 6 : i32
      %get3A_1751 = arith.index_cast %get3A_1750 : i32 to index
      %get3A_1752 = arith.constant 0 : index
      %get3A_1753 = tpu.vector_load %arg10[%get3A_1751, %get3A_1752] {strides = array<i32>} : memref<16x16xf32, #tpu.memory_space<vmem>>, vector<1x16xf32>,
      %get3A_1754 = vector.shape_cast %get3A_1753 : vector<1x16xf32> to vector<16xf32>
      %sub3A_1755 = arith.subf %add3A_1675, %get3A_1754 : vector<16xf32>
      %abs3A_1756 = math.absf %sub3A_1755 : vector<16xf32>
      %lt3A_1757 = arith.cmpf olt, %abs3A_1756, %select_n3A_1745 : vector<16xf32>
      %select_n3A_1758 = arith.select %lt3A_1757, %abs3A_1756, %select_n3A_1745 : vector<16xi1>, vector<16xf32>
      %broadcast_in_dim3A_1759 = arith.constant 6 : i32
      %broadcast_in_dim3A_1760 = vector.broadcast %broadcast_in_dim3A_1759 : i32 to vector<16xi32>
      %select_n3A_1761 = arith.select %lt3A_1757, %broadcast_in_dim3A_1760, %select_n3A_1748 : vector<16xi1>, vector<16xi32>
      %select_n3A_1762 = arith.select %lt3A_1757, %get3A_1754, %select_n3A_1749 : vector<16xi1>, vector<16xf32>
      %get3A_1763 = arith.constant 7 : i32
      %get3A_1764 = arith.index_cast %get3A_1763 : i32 to index
      %get3A_1765 = arith.constant 0 : index
      %get3A_1766 = tpu.vector_load %arg10[%get3A_1764, %get3A_1765] {strides = array<i32>} : memref<16x16xf32, #tpu.memory_space<vmem>>, vector<1x16xf32>,
      %get3A_1767 = vector.shape_cast %get3A_1766 : vector<1x16xf32> to vector<16xf32>
      %sub3A_1768 = arith.subf %add3A_1675, %get3A_1767 : vector<16xf32>
      %abs3A_1769 = math.absf %sub3A_1768 : vector<16xf32>
      %lt3A_1770 = arith.cmpf olt, %abs3A_1769, %select_n3A_1758 : vector<16xf32>
      %select_n3A_1771 = arith.select %lt3A_1770, %abs3A_1769, %select_n3A_1758 : vector<16xi1>, vector<16xf32>
      %broadcast_in_dim3A_1772 = arith.constant 7 : i32
      %broadcast_in_dim3A_1773 = vector.broadcast %broadcast_in_dim3A_1772 : i32 to vector<16xi32>
      %select_n3A_1774 = arith.select %lt3A_1770, %broadcast_in_dim3A_1773, %select_n3A_1761 : vector<16xi1>, vector<16xi32>
      %select_n3A_1775 = arith.select %lt3A_1770, %get3A_1767, %select_n3A_1762 : vector<16xi1>, vector<16xf32>
      %get3A_1776 = arith.constant 8 : i32
      %get3A_1777 = arith.index_cast %get3A_1776 : i32 to index
      %get3A_1778 = arith.constant 0 : index
      %get3A_1779 = tpu.vector_load %arg10[%get3A_1777, %get3A_1778] {strides = array<i32>} : memref<16x16xf32, #tpu.memory_space<vmem>>, vector<1x16xf32>,
      %get3A_1780 = vector.shape_cast %get3A_1779 : vector<1x16xf32> to vector<16xf32>
      %sub3A_1781 = arith.subf %add3A_1675, %get3A_1780 : vector<16xf32>
      %abs3A_1782 = math.absf %sub3A_1781 : vector<16xf32>
      %lt3A_1783 = arith.cmpf olt, %abs3A_1782, %select_n3A_1771 : vector<16xf32>
      %select_n3A_1784 = arith.select %lt3A_1783, %abs3A_1782, %select_n3A_1771 : vector<16xi1>, vector<16xf32>
      %broadcast_in_dim3A_1785 = arith.constant 8 : i32
      %broadcast_in_dim3A_1786 = vector.broadcast %broadcast_in_dim3A_1785 : i32 to vector<16xi32>
      %select_n3A_1787 = arith.select %lt3A_1783, %broadcast_in_dim3A_1786, %select_n3A_1774 : vector<16xi1>, vector<16xi32>
      %select_n3A_1788 = arith.select %lt3A_1783, %get3A_1780, %select_n3A_1775 : vector<16xi1>, vector<16xf32>
      %get3A_1789 = arith.constant 9 : i32
      %get3A_1790 = arith.index_cast %get3A_1789 : i32 to index
      %get3A_1791 = arith.constant 0 : index
      %get3A_1792 = tpu.vector_load %arg10[%get3A_1790, %get3A_1791] {strides = array<i32>} : memref<16x16xf32, #tpu.memory_space<vmem>>, vector<1x16xf32>,
      %get3A_1793 = vector.shape_cast %get3A_1792 : vector<1x16xf32> to vector<16xf32>
      %sub3A_1794 = arith.subf %add3A_1675, %get3A_1793 : vector<16xf32>
      %abs3A_1795 = math.absf %sub3A_1794 : vector<16xf32>
      %lt3A_1796 = arith.cmpf olt, %abs3A_1795, %select_n3A_1784 : vector<16xf32>
      %select_n3A_1797 = arith.select %lt3A_1796, %abs3A_1795, %select_n3A_1784 : vector<16xi1>, vector<16xf32>
      %broadcast_in_dim3A_1798 = arith.constant 9 : i32
      %broadcast_in_dim3A_1799 = vector.broadcast %broadcast_in_dim3A_1798 : i32 to vector<16xi32>
      %select_n3A_1800 = arith.select %lt3A_1796, %broadcast_in_dim3A_1799, %select_n3A_1787 : vector<16xi1>, vector<16xi32>
      %select_n3A_1801 = arith.select %lt3A_1796, %get3A_1793, %select_n3A_1788 : vector<16xi1>, vector<16xf32>
      %get3A_1802 = arith.constant 10 : i32
      %get3A_1803 = arith.index_cast %get3A_1802 : i32 to index
      %get3A_1804 = arith.constant 0 : index
      %get3A_1805 = tpu.vector_load %arg10[%get3A_1803, %get3A_1804] {strides = array<i32>} : memref<16x16xf32, #tpu.memory_space<vmem>>, vector<1x16xf32>,
      %get3A_1806 = vector.shape_cast %get3A_1805 : vector<1x16xf32> to vector<16xf32>
      %sub3A_1807 = arith.subf %add3A_1675, %get3A_1806 : vector<16xf32>
      %abs3A_1808 = math.absf %sub3A_1807 : vector<16xf32>
      %lt3A_1809 = arith.cmpf olt, %abs3A_1808, %select_n3A_1797 : vector<16xf32>
      %select_n3A_1810 = arith.select %lt3A_1809, %abs3A_1808, %select_n3A_1797 : vector<16xi1>, vector<16xf32>
      %broadcast_in_dim3A_1811 = arith.constant 10 : i32
      %broadcast_in_dim3A_1812 = vector.broadcast %broadcast_in_dim3A_1811 : i32 to vector<16xi32>
      %select_n3A_1813 = arith.select %lt3A_1809, %broadcast_in_dim3A_1812, %select_n3A_1800 : vector<16xi1>, vector<16xi32>
      %select_n3A_1814 = arith.select %lt3A_1809, %get3A_1806, %select_n3A_1801 : vector<16xi1>, vector<16xf32>
      %get3A_1815 = arith.constant 11 : i32
      %get3A_1816 = arith.index_cast %get3A_1815 : i32 to index
      %get3A_1817 = arith.constant 0 : index
      %get3A_1818 = tpu.vector_load %arg10[%get3A_1816, %get3A_1817] {strides = array<i32>} : memref<16x16xf32, #tpu.memory_space<vmem>>, vector<1x16xf32>,
      %get3A_1819 = vector.shape_cast %get3A_1818 : vector<1x16xf32> to vector<16xf32>
      %sub3A_1820 = arith.subf %add3A_1675, %get3A_1819 : vector<16xf32>
      %abs3A_1821 = math.absf %sub3A_1820 : vector<16xf32>
      %lt3A_1822 = arith.cmpf olt, %abs3A_1821, %select_n3A_1810 : vector<16xf32>
      %select_n3A_1823 = arith.select %lt3A_1822, %abs3A_1821, %select_n3A_1810 : vector<16xi1>, vector<16xf32>
      %broadcast_in_dim3A_1824 = arith.constant 11 : i32
      %broadcast_in_dim3A_1825 = vector.broadcast %broadcast_in_dim3A_1824 : i32 to vector<16xi32>
      %select_n3A_1826 = arith.select %lt3A_1822, %broadcast_in_dim3A_1825, %select_n3A_1813 : vector<16xi1>, vector<16xi32>
      %select_n3A_1827 = arith.select %lt3A_1822, %get3A_1819, %select_n3A_1814 : vector<16xi1>, vector<16xf32>
      %get3A_1828 = arith.constant 12 : i32
      %get3A_1829 = arith.index_cast %get3A_1828 : i32 to index
      %get3A_1830 = arith.constant 0 : index
      %get3A_1831 = tpu.vector_load %arg10[%get3A_1829, %get3A_1830] {strides = array<i32>} : memref<16x16xf32, #tpu.memory_space<vmem>>, vector<1x16xf32>,
      %get3A_1832 = vector.shape_cast %get3A_1831 : vector<1x16xf32> to vector<16xf32>
      %sub3A_1833 = arith.subf %add3A_1675, %get3A_1832 : vector<16xf32>
      %abs3A_1834 = math.absf %sub3A_1833 : vector<16xf32>
      %lt3A_1835 = arith.cmpf olt, %abs3A_1834, %select_n3A_1823 : vector<16xf32>
      %select_n3A_1836 = arith.select %lt3A_1835, %abs3A_1834, %select_n3A_1823 : vector<16xi1>, vector<16xf32>
      %broadcast_in_dim3A_1837 = arith.constant 12 : i32
      %broadcast_in_dim3A_1838 = vector.broadcast %broadcast_in_dim3A_1837 : i32 to vector<16xi32>
      %select_n3A_1839 = arith.select %lt3A_1835, %broadcast_in_dim3A_1838, %select_n3A_1826 : vector<16xi1>, vector<16xi32>
      %select_n3A_1840 = arith.select %lt3A_1835, %get3A_1832, %select_n3A_1827 : vector<16xi1>, vector<16xf32>
      %get3A_1841 = arith.constant 13 : i32
      %get3A_1842 = arith.index_cast %get3A_1841 : i32 to index
      %get3A_1843 = arith.constant 0 : index
      %get3A_1844 = tpu.vector_load %arg10[%get3A_1842, %get3A_1843] {strides = array<i32>} : memref<16x16xf32, #tpu.memory_space<vmem>>, vector<1x16xf32>,
      %get3A_1845 = vector.shape_cast %get3A_1844 : vector<1x16xf32> to vector<16xf32>
      %sub3A_1846 = arith.subf %add3A_1675, %get3A_1845 : vector<16xf32>
      %abs3A_1847 = math.absf %sub3A_1846 : vector<16xf32>
      %lt3A_1848 = arith.cmpf olt, %abs3A_1847, %select_n3A_1836 : vector<16xf32>
      %select_n3A_1849 = arith.select %lt3A_1848, %abs3A_1847, %select_n3A_1836 : vector<16xi1>, vector<16xf32>
      %broadcast_in_dim3A_1850 = arith.constant 13 : i32
      %broadcast_in_dim3A_1851 = vector.broadcast %broadcast_in_dim3A_1850 : i32 to vector<16xi32>
      %select_n3A_1852 = arith.select %lt3A_1848, %broadcast_in_dim3A_1851, %select_n3A_1839 : vector<16xi1>, vector<16xi32>
      %select_n3A_1853 = arith.select %lt3A_1848, %get3A_1845, %select_n3A_1840 : vector<16xi1>, vector<16xf32>
      %get3A_1854 = arith.constant 14 : i32
      %get3A_1855 = arith.index_cast %get3A_1854 : i32 to index
      %get3A_1856 = arith.constant 0 : index
      %get3A_1857 = tpu.vector_load %arg10[%get3A_1855, %get3A_1856] {strides = array<i32>} : memref<16x16xf32, #tpu.memory_space<vmem>>, vector<1x16xf32>,
      %get3A_1858 = vector.shape_cast %get3A_1857 : vector<1x16xf32> to vector<16xf32>
      %sub3A_1859 = arith.subf %add3A_1675, %get3A_1858 : vector<16xf32>
      %abs3A_1860 = math.absf %sub3A_1859 : vector<16xf32>
      %lt3A_1861 = arith.cmpf olt, %abs3A_1860, %select_n3A_1849 : vector<16xf32>
      %select_n3A_1862 = arith.select %lt3A_1861, %abs3A_1860, %select_n3A_1849 : vector<16xi1>, vector<16xf32>
      %broadcast_in_dim3A_1863 = arith.constant 14 : i32
      %broadcast_in_dim3A_1864 = vector.broadcast %broadcast_in_dim3A_1863 : i32 to vector<16xi32>
      %select_n3A_1865 = arith.select %lt3A_1861, %broadcast_in_dim3A_1864, %select_n3A_1852 : vector<16xi1>, vector<16xi32>
      %select_n3A_1866 = arith.select %lt3A_1861, %get3A_1858, %select_n3A_1853 : vector<16xi1>, vector<16xf32>
      %get3A_1867 = arith.constant 15 : i32
      %get3A_1868 = arith.index_cast %get3A_1867 : i32 to index
      %get3A_1869 = arith.constant 0 : index
      %get3A_1870 = tpu.vector_load %arg10[%get3A_1868, %get3A_1869] {strides = array<i32>} : memref<16x16xf32, #tpu.memory_space<vmem>>, vector<1x16xf32>,
      %get3A_1871 = vector.shape_cast %get3A_1870 : vector<1x16xf32> to vector<16xf32>
      %sub3A_1872 = arith.subf %add3A_1675, %get3A_1871 : vector<16xf32>
      %abs3A_1873 = math.absf %sub3A_1872 : vector<16xf32>
      %lt3A_1874 = arith.cmpf olt, %abs3A_1873, %select_n3A_1862 : vector<16xf32>
      %select_n3A_1875 = arith.select %lt3A_1874, %abs3A_1873, %select_n3A_1862 : vector<16xi1>, vector<16xf32>
      %broadcast_in_dim3A_1876 = arith.constant 15 : i32
      %broadcast_in_dim3A_1877 = vector.broadcast %broadcast_in_dim3A_1876 : i32 to vector<16xi32>
      %select_n3A_1878 = arith.select %lt3A_1874, %broadcast_in_dim3A_1877, %select_n3A_1865 : vector<16xi1>, vector<16xi32>
      %select_n3A_1879 = arith.select %lt3A_1874, %get3A_1871, %select_n3A_1866 : vector<16xi1>, vector<16xf32>
      %swap3A_1880 = arith.index_cast %scan3A_111 : i32 to index
      %swap3A_1881 = arith.constant 112 : index
      %swap3A_1882 = tpu.vector_load %arg11[%swap3A_1880, %swap3A_1881] {strides = array<i32>} : memref<64x160xf32, #tpu.memory_space<vmem>>, vector<1x16xf32>,
      %swap3A_1883 = vector.shape_cast %swap3A_1882 : vector<1x16xf32> to vector<16xf32>
      %swap3A_1884 = vector.shape_cast %select_n3A_1879 : vector<16xf32> to vector<1x16xf32>
      tpu.vector_store %arg11[%swap3A_1880, %swap3A_1881], %swap3A_1884 {strides = array<i32>} : memref<64x160xf32, #tpu.memory_space<vmem>>, vector<1x16xf32>,
      %swap3A_1885 = arith.index_cast %scan3A_111 : i32 to index
      %swap3A_1886 = arith.constant 112 : index
      %swap3A_1887 = tpu.vector_load %arg12[%swap3A_1885, %swap3A_1886] {strides = array<i32>} : memref<64x160xi32, #tpu.memory_space<vmem>>, vector<1x16xi32>,
      %swap3A_1888 = vector.shape_cast %swap3A_1887 : vector<1x16xi32> to vector<16xi32>
      %swap3A_1889 = vector.shape_cast %select_n3A_1878 : vector<16xi32> to vector<1x16xi32>
      tpu.vector_store %arg12[%swap3A_1885, %swap3A_1886], %swap3A_1889 {strides = array<i32>} : memref<64x160xi32, #tpu.memory_space<vmem>>, vector<1x16xi32>,
      %sub3A_1890 = arith.subf %select_n3A_1879, %add3A_1675 : vector<16xf32>
      %mul3A_1891 = arith.mulf %sub3A_1890, %sub3A_1890 : vector<16xf32>
      %add3A_1892 = arith.addf %add3A_1669, %mul3A_1891 : vector<16xf32>
      %get3A_1893 = arith.index_cast %scan3A_111 : i32 to index
      %get3A_1894 = arith.constant 128 : index
      %get3A_1895 = tpu.vector_load %arg8[%get3A_1893, %get3A_1894] {strides = array<i32>} : memref<64x160xf32, #tpu.memory_space<vmem>>, vector<1x16xf32>,
      %get3A_1896 = vector.shape_cast %get3A_1895 : vector<1x16xf32> to vector<16xf32>
      %add3A_1897 = arith.addf %get3A_1896, %get3A_96 : vector<16xf32>
      %add3A_1898 = arith.addf %get3A_46, %add3A_1897 : vector<16xf32>
      %get3A_1899 = arith.constant 0 : i32
      %get3A_1900 = arith.index_cast %get3A_1899 : i32 to index
      %get3A_1901 = arith.constant 0 : index
      %get3A_1902 = tpu.vector_load %arg10[%get3A_1900, %get3A_1901] {strides = array<i32>} : memref<16x16xf32, #tpu.memory_space<vmem>>, vector<1x16xf32>,
      %get3A_1903 = vector.shape_cast %get3A_1902 : vector<1x16xf32> to vector<16xf32>
      %sub3A_1904 = arith.subf %add3A_1898, %get3A_1903 : vector<16xf32>
      %abs3A_1905 = math.absf %sub3A_1904 : vector<16xf32>
      %broadcast_in_dim3A_1906 = arith.constant 0 : i32
      %broadcast_in_dim3A_1907 = vector.broadcast %broadcast_in_dim3A_1906 : i32 to vector<16xi32>
      %get3A_1908 = arith.constant 1 : i32
      %get3A_1909 = arith.index_cast %get3A_1908 : i32 to index
      %get3A_1910 = arith.constant 0 : index
      %get3A_1911 = tpu.vector_load %arg10[%get3A_1909, %get3A_1910] {strides = array<i32>} : memref<16x16xf32, #tpu.memory_space<vmem>>, vector<1x16xf32>,
      %get3A_1912 = vector.shape_cast %get3A_1911 : vector<1x16xf32> to vector<16xf32>
      %sub3A_1913 = arith.subf %add3A_1898, %get3A_1912 : vector<16xf32>
      %abs3A_1914 = math.absf %sub3A_1913 : vector<16xf32>
      %lt3A_1915 = arith.cmpf olt, %abs3A_1914, %abs3A_1905 : vector<16xf32>
      %select_n3A_1916 = arith.select %lt3A_1915, %abs3A_1914, %abs3A_1905 : vector<16xi1>, vector<16xf32>
      %broadcast_in_dim3A_1917 = arith.constant 1 : i32
      %broadcast_in_dim3A_1918 = vector.broadcast %broadcast_in_dim3A_1917 : i32 to vector<16xi32>
      %select_n3A_1919 = arith.select %lt3A_1915, %broadcast_in_dim3A_1918, %broadcast_in_dim3A_1907 : vector<16xi1>, vector<16xi32>
      %select_n3A_1920 = arith.select %lt3A_1915, %get3A_1912, %get3A_1903 : vector<16xi1>, vector<16xf32>
      %get3A_1921 = arith.constant 2 : i32
      %get3A_1922 = arith.index_cast %get3A_1921 : i32 to index
      %get3A_1923 = arith.constant 0 : index
      %get3A_1924 = tpu.vector_load %arg10[%get3A_1922, %get3A_1923] {strides = array<i32>} : memref<16x16xf32, #tpu.memory_space<vmem>>, vector<1x16xf32>,
      %get3A_1925 = vector.shape_cast %get3A_1924 : vector<1x16xf32> to vector<16xf32>
      %sub3A_1926 = arith.subf %add3A_1898, %get3A_1925 : vector<16xf32>
      %abs3A_1927 = math.absf %sub3A_1926 : vector<16xf32>
      %lt3A_1928 = arith.cmpf olt, %abs3A_1927, %select_n3A_1916 : vector<16xf32>
      %select_n3A_1929 = arith.select %lt3A_1928, %abs3A_1927, %select_n3A_1916 : vector<16xi1>, vector<16xf32>
      %broadcast_in_dim3A_1930 = arith.constant 2 : i32
      %broadcast_in_dim3A_1931 = vector.broadcast %broadcast_in_dim3A_1930 : i32 to vector<16xi32>
      %select_n3A_1932 = arith.select %lt3A_1928, %broadcast_in_dim3A_1931, %select_n3A_1919 : vector<16xi1>, vector<16xi32>
      %select_n3A_1933 = arith.select %lt3A_1928, %get3A_1925, %select_n3A_1920 : vector<16xi1>, vector<16xf32>
      %get3A_1934 = arith.constant 3 : i32
      %get3A_1935 = arith.index_cast %get3A_1934 : i32 to index
      %get3A_1936 = arith.constant 0 : index
      %get3A_1937 = tpu.vector_load %arg10[%get3A_1935, %get3A_1936] {strides = array<i32>} : memref<16x16xf32, #tpu.memory_space<vmem>>, vector<1x16xf32>,
      %get3A_1938 = vector.shape_cast %get3A_1937 : vector<1x16xf32> to vector<16xf32>
      %sub3A_1939 = arith.subf %add3A_1898, %get3A_1938 : vector<16xf32>
      %abs3A_1940 = math.absf %sub3A_1939 : vector<16xf32>
      %lt3A_1941 = arith.cmpf olt, %abs3A_1940, %select_n3A_1929 : vector<16xf32>
      %select_n3A_1942 = arith.select %lt3A_1941, %abs3A_1940, %select_n3A_1929 : vector<16xi1>, vector<16xf32>
      %broadcast_in_dim3A_1943 = arith.constant 3 : i32
      %broadcast_in_dim3A_1944 = vector.broadcast %broadcast_in_dim3A_1943 : i32 to vector<16xi32>
      %select_n3A_1945 = arith.select %lt3A_1941, %broadcast_in_dim3A_1944, %select_n3A_1932 : vector<16xi1>, vector<16xi32>
      %select_n3A_1946 = arith.select %lt3A_1941, %get3A_1938, %select_n3A_1933 : vector<16xi1>, vector<16xf32>
      %get3A_1947 = arith.constant 4 : i32
      %get3A_1948 = arith.index_cast %get3A_1947 : i32 to index
      %get3A_1949 = arith.constant 0 : index
      %get3A_1950 = tpu.vector_load %arg10[%get3A_1948, %get3A_1949] {strides = array<i32>} : memref<16x16xf32, #tpu.memory_space<vmem>>, vector<1x16xf32>,
      %get3A_1951 = vector.shape_cast %get3A_1950 : vector<1x16xf32> to vector<16xf32>
      %sub3A_1952 = arith.subf %add3A_1898, %get3A_1951 : vector<16xf32>
      %abs3A_1953 = math.absf %sub3A_1952 : vector<16xf32>
      %lt3A_1954 = arith.cmpf olt, %abs3A_1953, %select_n3A_1942 : vector<16xf32>
      %select_n3A_1955 = arith.select %lt3A_1954, %abs3A_1953, %select_n3A_1942 : vector<16xi1>, vector<16xf32>
      %broadcast_in_dim3A_1956 = arith.constant 4 : i32
      %broadcast_in_dim3A_1957 = vector.broadcast %broadcast_in_dim3A_1956 : i32 to vector<16xi32>
      %select_n3A_1958 = arith.select %lt3A_1954, %broadcast_in_dim3A_1957, %select_n3A_1945 : vector<16xi1>, vector<16xi32>
      %select_n3A_1959 = arith.select %lt3A_1954, %get3A_1951, %select_n3A_1946 : vector<16xi1>, vector<16xf32>
      %get3A_1960 = arith.constant 5 : i32
      %get3A_1961 = arith.index_cast %get3A_1960 : i32 to index
      %get3A_1962 = arith.constant 0 : index
      %get3A_1963 = tpu.vector_load %arg10[%get3A_1961, %get3A_1962] {strides = array<i32>} : memref<16x16xf32, #tpu.memory_space<vmem>>, vector<1x16xf32>,
      %get3A_1964 = vector.shape_cast %get3A_1963 : vector<1x16xf32> to vector<16xf32>
      %sub3A_1965 = arith.subf %add3A_1898, %get3A_1964 : vector<16xf32>
      %abs3A_1966 = math.absf %sub3A_1965 : vector<16xf32>
      %lt3A_1967 = arith.cmpf olt, %abs3A_1966, %select_n3A_1955 : vector<16xf32>
      %select_n3A_1968 = arith.select %lt3A_1967, %abs3A_1966, %select_n3A_1955 : vector<16xi1>, vector<16xf32>
      %broadcast_in_dim3A_1969 = arith.constant 5 : i32
      %broadcast_in_dim3A_1970 = vector.broadcast %broadcast_in_dim3A_1969 : i32 to vector<16xi32>
      %select_n3A_1971 = arith.select %lt3A_1967, %broadcast_in_dim3A_1970, %select_n3A_1958 : vector<16xi1>, vector<16xi32>
      %select_n3A_1972 = arith.select %lt3A_1967, %get3A_1964, %select_n3A_1959 : vector<16xi1>, vector<16xf32>
      %get3A_1973 = arith.constant 6 : i32
      %get3A_1974 = arith.index_cast %get3A_1973 : i32 to index
      %get3A_1975 = arith.constant 0 : index
      %get3A_1976 = tpu.vector_load %arg10[%get3A_1974, %get3A_1975] {strides = array<i32>} : memref<16x16xf32, #tpu.memory_space<vmem>>, vector<1x16xf32>,
      %get3A_1977 = vector.shape_cast %get3A_1976 : vector<1x16xf32> to vector<16xf32>
      %sub3A_1978 = arith.subf %add3A_1898, %get3A_1977 : vector<16xf32>
      %abs3A_1979 = math.absf %sub3A_1978 : vector<16xf32>
      %lt3A_1980 = arith.cmpf olt, %abs3A_1979, %select_n3A_1968 : vector<16xf32>
      %select_n3A_1981 = arith.select %lt3A_1980, %abs3A_1979, %select_n3A_1968 : vector<16xi1>, vector<16xf32>
      %broadcast_in_dim3A_1982 = arith.constant 6 : i32
      %broadcast_in_dim3A_1983 = vector.broadcast %broadcast_in_dim3A_1982 : i32 to vector<16xi32>
      %select_n3A_1984 = arith.select %lt3A_1980, %broadcast_in_dim3A_1983, %select_n3A_1971 : vector<16xi1>, vector<16xi32>
      %select_n3A_1985 = arith.select %lt3A_1980, %get3A_1977, %select_n3A_1972 : vector<16xi1>, vector<16xf32>
      %get3A_1986 = arith.constant 7 : i32
      %get3A_1987 = arith.index_cast %get3A_1986 : i32 to index
      %get3A_1988 = arith.constant 0 : index
      %get3A_1989 = tpu.vector_load %arg10[%get3A_1987, %get3A_1988] {strides = array<i32>} : memref<16x16xf32, #tpu.memory_space<vmem>>, vector<1x16xf32>,
      %get3A_1990 = vector.shape_cast %get3A_1989 : vector<1x16xf32> to vector<16xf32>
      %sub3A_1991 = arith.subf %add3A_1898, %get3A_1990 : vector<16xf32>
      %abs3A_1992 = math.absf %sub3A_1991 : vector<16xf32>
      %lt3A_1993 = arith.cmpf olt, %abs3A_1992, %select_n3A_1981 : vector<16xf32>
      %select_n3A_1994 = arith.select %lt3A_1993, %abs3A_1992, %select_n3A_1981 : vector<16xi1>, vector<16xf32>
      %broadcast_in_dim3A_1995 = arith.constant 7 : i32
      %broadcast_in_dim3A_1996 = vector.broadcast %broadcast_in_dim3A_1995 : i32 to vector<16xi32>
      %select_n3A_1997 = arith.select %lt3A_1993, %broadcast_in_dim3A_1996, %select_n3A_1984 : vector<16xi1>, vector<16xi32>
      %select_n3A_1998 = arith.select %lt3A_1993, %get3A_1990, %select_n3A_1985 : vector<16xi1>, vector<16xf32>
      %get3A_1999 = arith.constant 8 : i32
      %get3A_2000 = arith.index_cast %get3A_1999 : i32 to index
      %get3A_2001 = arith.constant 0 : index
      %get3A_2002 = tpu.vector_load %arg10[%get3A_2000, %get3A_2001] {strides = array<i32>} : memref<16x16xf32, #tpu.memory_space<vmem>>, vector<1x16xf32>,
      %get3A_2003 = vector.shape_cast %get3A_2002 : vector<1x16xf32> to vector<16xf32>
      %sub3A_2004 = arith.subf %add3A_1898, %get3A_2003 : vector<16xf32>
      %abs3A_2005 = math.absf %sub3A_2004 : vector<16xf32>
      %lt3A_2006 = arith.cmpf olt, %abs3A_2005, %select_n3A_1994 : vector<16xf32>
      %select_n3A_2007 = arith.select %lt3A_2006, %abs3A_2005, %select_n3A_1994 : vector<16xi1>, vector<16xf32>
      %broadcast_in_dim3A_2008 = arith.constant 8 : i32
      %broadcast_in_dim3A_2009 = vector.broadcast %broadcast_in_dim3A_2008 : i32 to vector<16xi32>
      %select_n3A_2010 = arith.select %lt3A_2006, %broadcast_in_dim3A_2009, %select_n3A_1997 : vector<16xi1>, vector<16xi32>
      %select_n3A_2011 = arith.select %lt3A_2006, %get3A_2003, %select_n3A_1998 : vector<16xi1>, vector<16xf32>
      %get3A_2012 = arith.constant 9 : i32
      %get3A_2013 = arith.index_cast %get3A_2012 : i32 to index
      %get3A_2014 = arith.constant 0 : index
      %get3A_2015 = tpu.vector_load %arg10[%get3A_2013, %get3A_2014] {strides = array<i32>} : memref<16x16xf32, #tpu.memory_space<vmem>>, vector<1x16xf32>,
      %get3A_2016 = vector.shape_cast %get3A_2015 : vector<1x16xf32> to vector<16xf32>
      %sub3A_2017 = arith.subf %add3A_1898, %get3A_2016 : vector<16xf32>
      %abs3A_2018 = math.absf %sub3A_2017 : vector<16xf32>
      %lt3A_2019 = arith.cmpf olt, %abs3A_2018, %select_n3A_2007 : vector<16xf32>
      %select_n3A_2020 = arith.select %lt3A_2019, %abs3A_2018, %select_n3A_2007 : vector<16xi1>, vector<16xf32>
      %broadcast_in_dim3A_2021 = arith.constant 9 : i32
      %broadcast_in_dim3A_2022 = vector.broadcast %broadcast_in_dim3A_2021 : i32 to vector<16xi32>
      %select_n3A_2023 = arith.select %lt3A_2019, %broadcast_in_dim3A_2022, %select_n3A_2010 : vector<16xi1>, vector<16xi32>
      %select_n3A_2024 = arith.select %lt3A_2019, %get3A_2016, %select_n3A_2011 : vector<16xi1>, vector<16xf32>
      %get3A_2025 = arith.constant 10 : i32
      %get3A_2026 = arith.index_cast %get3A_2025 : i32 to index
      %get3A_2027 = arith.constant 0 : index
      %get3A_2028 = tpu.vector_load %arg10[%get3A_2026, %get3A_2027] {strides = array<i32>} : memref<16x16xf32, #tpu.memory_space<vmem>>, vector<1x16xf32>,
      %get3A_2029 = vector.shape_cast %get3A_2028 : vector<1x16xf32> to vector<16xf32>
      %sub3A_2030 = arith.subf %add3A_1898, %get3A_2029 : vector<16xf32>
      %abs3A_2031 = math.absf %sub3A_2030 : vector<16xf32>
      %lt3A_2032 = arith.cmpf olt, %abs3A_2031, %select_n3A_2020 : vector<16xf32>
      %select_n3A_2033 = arith.select %lt3A_2032, %abs3A_2031, %select_n3A_2020 : vector<16xi1>, vector<16xf32>
      %broadcast_in_dim3A_2034 = arith.constant 10 : i32
      %broadcast_in_dim3A_2035 = vector.broadcast %broadcast_in_dim3A_2034 : i32 to vector<16xi32>
      %select_n3A_2036 = arith.select %lt3A_2032, %broadcast_in_dim3A_2035, %select_n3A_2023 : vector<16xi1>, vector<16xi32>
      %select_n3A_2037 = arith.select %lt3A_2032, %get3A_2029, %select_n3A_2024 : vector<16xi1>, vector<16xf32>
      %get3A_2038 = arith.constant 11 : i32
      %get3A_2039 = arith.index_cast %get3A_2038 : i32 to index
      %get3A_2040 = arith.constant 0 : index
      %get3A_2041 = tpu.vector_load %arg10[%get3A_2039, %get3A_2040] {strides = array<i32>} : memref<16x16xf32, #tpu.memory_space<vmem>>, vector<1x16xf32>,
      %get3A_2042 = vector.shape_cast %get3A_2041 : vector<1x16xf32> to vector<16xf32>
      %sub3A_2043 = arith.subf %add3A_1898, %get3A_2042 : vector<16xf32>
      %abs3A_2044 = math.absf %sub3A_2043 : vector<16xf32>
      %lt3A_2045 = arith.cmpf olt, %abs3A_2044, %select_n3A_2033 : vector<16xf32>
      %select_n3A_2046 = arith.select %lt3A_2045, %abs3A_2044, %select_n3A_2033 : vector<16xi1>, vector<16xf32>
      %broadcast_in_dim3A_2047 = arith.constant 11 : i32
      %broadcast_in_dim3A_2048 = vector.broadcast %broadcast_in_dim3A_2047 : i32 to vector<16xi32>
      %select_n3A_2049 = arith.select %lt3A_2045, %broadcast_in_dim3A_2048, %select_n3A_2036 : vector<16xi1>, vector<16xi32>
      %select_n3A_2050 = arith.select %lt3A_2045, %get3A_2042, %select_n3A_2037 : vector<16xi1>, vector<16xf32>
      %get3A_2051 = arith.constant 12 : i32
      %get3A_2052 = arith.index_cast %get3A_2051 : i32 to index
      %get3A_2053 = arith.constant 0 : index
      %get3A_2054 = tpu.vector_load %arg10[%get3A_2052, %get3A_2053] {strides = array<i32>} : memref<16x16xf32, #tpu.memory_space<vmem>>, vector<1x16xf32>,
      %get3A_2055 = vector.shape_cast %get3A_2054 : vector<1x16xf32> to vector<16xf32>
      %sub3A_2056 = arith.subf %add3A_1898, %get3A_2055 : vector<16xf32>
      %abs3A_2057 = math.absf %sub3A_2056 : vector<16xf32>
      %lt3A_2058 = arith.cmpf olt, %abs3A_2057, %select_n3A_2046 : vector<16xf32>
      %select_n3A_2059 = arith.select %lt3A_2058, %abs3A_2057, %select_n3A_2046 : vector<16xi1>, vector<16xf32>
      %broadcast_in_dim3A_2060 = arith.constant 12 : i32
      %broadcast_in_dim3A_2061 = vector.broadcast %broadcast_in_dim3A_2060 : i32 to vector<16xi32>
      %select_n3A_2062 = arith.select %lt3A_2058, %broadcast_in_dim3A_2061, %select_n3A_2049 : vector<16xi1>, vector<16xi32>
      %select_n3A_2063 = arith.select %lt3A_2058, %get3A_2055, %select_n3A_2050 : vector<16xi1>, vector<16xf32>
      %get3A_2064 = arith.constant 13 : i32
      %get3A_2065 = arith.index_cast %get3A_2064 : i32 to index
      %get3A_2066 = arith.constant 0 : index
      %get3A_2067 = tpu.vector_load %arg10[%get3A_2065, %get3A_2066] {strides = array<i32>} : memref<16x16xf32, #tpu.memory_space<vmem>>, vector<1x16xf32>,
      %get3A_2068 = vector.shape_cast %get3A_2067 : vector<1x16xf32> to vector<16xf32>
      %sub3A_2069 = arith.subf %add3A_1898, %get3A_2068 : vector<16xf32>
      %abs3A_2070 = math.absf %sub3A_2069 : vector<16xf32>
      %lt3A_2071 = arith.cmpf olt, %abs3A_2070, %select_n3A_2059 : vector<16xf32>
      %select_n3A_2072 = arith.select %lt3A_2071, %abs3A_2070, %select_n3A_2059 : vector<16xi1>, vector<16xf32>
      %broadcast_in_dim3A_2073 = arith.constant 13 : i32
      %broadcast_in_dim3A_2074 = vector.broadcast %broadcast_in_dim3A_2073 : i32 to vector<16xi32>
      %select_n3A_2075 = arith.select %lt3A_2071, %broadcast_in_dim3A_2074, %select_n3A_2062 : vector<16xi1>, vector<16xi32>
      %select_n3A_2076 = arith.select %lt3A_2071, %get3A_2068, %select_n3A_2063 : vector<16xi1>, vector<16xf32>
      %get3A_2077 = arith.constant 14 : i32
      %get3A_2078 = arith.index_cast %get3A_2077 : i32 to index
      %get3A_2079 = arith.constant 0 : index
      %get3A_2080 = tpu.vector_load %arg10[%get3A_2078, %get3A_2079] {strides = array<i32>} : memref<16x16xf32, #tpu.memory_space<vmem>>, vector<1x16xf32>,
      %get3A_2081 = vector.shape_cast %get3A_2080 : vector<1x16xf32> to vector<16xf32>
      %sub3A_2082 = arith.subf %add3A_1898, %get3A_2081 : vector<16xf32>
      %abs3A_2083 = math.absf %sub3A_2082 : vector<16xf32>
      %lt3A_2084 = arith.cmpf olt, %abs3A_2083, %select_n3A_2072 : vector<16xf32>
      %select_n3A_2085 = arith.select %lt3A_2084, %abs3A_2083, %select_n3A_2072 : vector<16xi1>, vector<16xf32>
      %broadcast_in_dim3A_2086 = arith.constant 14 : i32
      %broadcast_in_dim3A_2087 = vector.broadcast %broadcast_in_dim3A_2086 : i32 to vector<16xi32>
      %select_n3A_2088 = arith.select %lt3A_2084, %broadcast_in_dim3A_2087, %select_n3A_2075 : vector<16xi1>, vector<16xi32>
      %select_n3A_2089 = arith.select %lt3A_2084, %get3A_2081, %select_n3A_2076 : vector<16xi1>, vector<16xf32>
      %get3A_2090 = arith.constant 15 : i32
      %get3A_2091 = arith.index_cast %get3A_2090 : i32 to index
      %get3A_2092 = arith.constant 0 : index
      %get3A_2093 = tpu.vector_load %arg10[%get3A_2091, %get3A_2092] {strides = array<i32>} : memref<16x16xf32, #tpu.memory_space<vmem>>, vector<1x16xf32>,
      %get3A_2094 = vector.shape_cast %get3A_2093 : vector<1x16xf32> to vector<16xf32>
      %sub3A_2095 = arith.subf %add3A_1898, %get3A_2094 : vector<16xf32>
      %abs3A_2096 = math.absf %sub3A_2095 : vector<16xf32>
      %lt3A_2097 = arith.cmpf olt, %abs3A_2096, %select_n3A_2085 : vector<16xf32>
      %select_n3A_2098 = arith.select %lt3A_2097, %abs3A_2096, %select_n3A_2085 : vector<16xi1>, vector<16xf32>
      %broadcast_in_dim3A_2099 = arith.constant 15 : i32
      %broadcast_in_dim3A_2100 = vector.broadcast %broadcast_in_dim3A_2099 : i32 to vector<16xi32>
      %select_n3A_2101 = arith.select %lt3A_2097, %broadcast_in_dim3A_2100, %select_n3A_2088 : vector<16xi1>, vector<16xi32>
      %select_n3A_2102 = arith.select %lt3A_2097, %get3A_2094, %select_n3A_2089 : vector<16xi1>, vector<16xf32>
      %swap3A_2103 = arith.index_cast %scan3A_111 : i32 to index
      %swap3A_2104 = arith.constant 128 : index
      %swap3A_2105 = tpu.vector_load %arg11[%swap3A_2103, %swap3A_2104] {strides = array<i32>} : memref<64x160xf32, #tpu.memory_space<vmem>>, vector<1x16xf32>,
      %swap3A_2106 = vector.shape_cast %swap3A_2105 : vector<1x16xf32> to vector<16xf32>
      %swap3A_2107 = vector.shape_cast %select_n3A_2102 : vector<16xf32> to vector<1x16xf32>
      tpu.vector_store %arg11[%swap3A_2103, %swap3A_2104], %swap3A_2107 {strides = array<i32>} : memref<64x160xf32, #tpu.memory_space<vmem>>, vector<1x16xf32>,
      %swap3A_2108 = arith.index_cast %scan3A_111 : i32 to index
      %swap3A_2109 = arith.constant 128 : index
      %swap3A_2110 = tpu.vector_load %arg12[%swap3A_2108, %swap3A_2109] {strides = array<i32>} : memref<64x160xi32, #tpu.memory_space<vmem>>, vector<1x16xi32>,
      %swap3A_2111 = vector.shape_cast %swap3A_2110 : vector<1x16xi32> to vector<16xi32>
      %swap3A_2112 = vector.shape_cast %select_n3A_2101 : vector<16xi32> to vector<1x16xi32>
      tpu.vector_store %arg12[%swap3A_2108, %swap3A_2109], %swap3A_2112 {strides = array<i32>} : memref<64x160xi32, #tpu.memory_space<vmem>>, vector<1x16xi32>,
      %sub3A_2113 = arith.subf %select_n3A_2102, %add3A_1898 : vector<16xf32>
      %mul3A_2114 = arith.mulf %sub3A_2113, %sub3A_2113 : vector<16xf32>
      %add3A_2115 = arith.addf %add3A_1892, %mul3A_2114 : vector<16xf32>
      %get3A_2116 = arith.index_cast %scan3A_111 : i32 to index
      %get3A_2117 = arith.constant 144 : index
      %get3A_2118 = tpu.vector_load %arg8[%get3A_2116, %get3A_2117] {strides = array<i32>} : memref<64x160xf32, #tpu.memory_space<vmem>>, vector<1x16xf32>,
      %get3A_2119 = vector.shape_cast %get3A_2118 : vector<1x16xf32> to vector<16xf32>
      %add3A_2120 = arith.addf %get3A_2119, %get3A_101 : vector<16xf32>
      %add3A_2121 = arith.addf %get3A_51, %add3A_2120 : vector<16xf32>
      %get3A_2122 = arith.constant 0 : i32
      %get3A_2123 = arith.index_cast %get3A_2122 : i32 to index
      %get3A_2124 = arith.constant 0 : index
      %get3A_2125 = tpu.vector_load %arg10[%get3A_2123, %get3A_2124] {strides = array<i32>} : memref<16x16xf32, #tpu.memory_space<vmem>>, vector<1x16xf32>,
      %get3A_2126 = vector.shape_cast %get3A_2125 : vector<1x16xf32> to vector<16xf32>
      %sub3A_2127 = arith.subf %add3A_2121, %get3A_2126 : vector<16xf32>
      %abs3A_2128 = math.absf %sub3A_2127 : vector<16xf32>
      %broadcast_in_dim3A_2129 = arith.constant 0 : i32
      %broadcast_in_dim3A_2130 = vector.broadcast %broadcast_in_dim3A_2129 : i32 to vector<16xi32>
      %get3A_2131 = arith.constant 1 : i32
      %get3A_2132 = arith.index_cast %get3A_2131 : i32 to index
      %get3A_2133 = arith.constant 0 : index
      %get3A_2134 = tpu.vector_load %arg10[%get3A_2132, %get3A_2133] {strides = array<i32>} : memref<16x16xf32, #tpu.memory_space<vmem>>, vector<1x16xf32>,
      %get3A_2135 = vector.shape_cast %get3A_2134 : vector<1x16xf32> to vector<16xf32>
      %sub3A_2136 = arith.subf %add3A_2121, %get3A_2135 : vector<16xf32>
      %abs3A_2137 = math.absf %sub3A_2136 : vector<16xf32>
      %lt3A_2138 = arith.cmpf olt, %abs3A_2137, %abs3A_2128 : vector<16xf32>
      %select_n3A_2139 = arith.select %lt3A_2138, %abs3A_2137, %abs3A_2128 : vector<16xi1>, vector<16xf32>
      %broadcast_in_dim3A_2140 = arith.constant 1 : i32
      %broadcast_in_dim3A_2141 = vector.broadcast %broadcast_in_dim3A_2140 : i32 to vector<16xi32>
      %select_n3A_2142 = arith.select %lt3A_2138, %broadcast_in_dim3A_2141, %broadcast_in_dim3A_2130 : vector<16xi1>, vector<16xi32>
      %select_n3A_2143 = arith.select %lt3A_2138, %get3A_2135, %get3A_2126 : vector<16xi1>, vector<16xf32>
      %get3A_2144 = arith.constant 2 : i32
      %get3A_2145 = arith.index_cast %get3A_2144 : i32 to index
      %get3A_2146 = arith.constant 0 : index
      %get3A_2147 = tpu.vector_load %arg10[%get3A_2145, %get3A_2146] {strides = array<i32>} : memref<16x16xf32, #tpu.memory_space<vmem>>, vector<1x16xf32>,
      %get3A_2148 = vector.shape_cast %get3A_2147 : vector<1x16xf32> to vector<16xf32>
      %sub3A_2149 = arith.subf %add3A_2121, %get3A_2148 : vector<16xf32>
      %abs3A_2150 = math.absf %sub3A_2149 : vector<16xf32>
      %lt3A_2151 = arith.cmpf olt, %abs3A_2150, %select_n3A_2139 : vector<16xf32>
      %select_n3A_2152 = arith.select %lt3A_2151, %abs3A_2150, %select_n3A_2139 : vector<16xi1>, vector<16xf32>
      %broadcast_in_dim3A_2153 = arith.constant 2 : i32
      %broadcast_in_dim3A_2154 = vector.broadcast %broadcast_in_dim3A_2153 : i32 to vector<16xi32>
      %select_n3A_2155 = arith.select %lt3A_2151, %broadcast_in_dim3A_2154, %select_n3A_2142 : vector<16xi1>, vector<16xi32>
      %select_n3A_2156 = arith.select %lt3A_2151, %get3A_2148, %select_n3A_2143 : vector<16xi1>, vector<16xf32>
      %get3A_2157 = arith.constant 3 : i32
      %get3A_2158 = arith.index_cast %get3A_2157 : i32 to index
      %get3A_2159 = arith.constant 0 : index
      %get3A_2160 = tpu.vector_load %arg10[%get3A_2158, %get3A_2159] {strides = array<i32>} : memref<16x16xf32, #tpu.memory_space<vmem>>, vector<1x16xf32>,
      %get3A_2161 = vector.shape_cast %get3A_2160 : vector<1x16xf32> to vector<16xf32>
      %sub3A_2162 = arith.subf %add3A_2121, %get3A_2161 : vector<16xf32>
      %abs3A_2163 = math.absf %sub3A_2162 : vector<16xf32>
      %lt3A_2164 = arith.cmpf olt, %abs3A_2163, %select_n3A_2152 : vector<16xf32>
      %select_n3A_2165 = arith.select %lt3A_2164, %abs3A_2163, %select_n3A_2152 : vector<16xi1>, vector<16xf32>
      %broadcast_in_dim3A_2166 = arith.constant 3 : i32
      %broadcast_in_dim3A_2167 = vector.broadcast %broadcast_in_dim3A_2166 : i32 to vector<16xi32>
      %select_n3A_2168 = arith.select %lt3A_2164, %broadcast_in_dim3A_2167, %select_n3A_2155 : vector<16xi1>, vector<16xi32>
      %select_n3A_2169 = arith.select %lt3A_2164, %get3A_2161, %select_n3A_2156 : vector<16xi1>, vector<16xf32>
      %get3A_2170 = arith.constant 4 : i32
      %get3A_2171 = arith.index_cast %get3A_2170 : i32 to index
      %get3A_2172 = arith.constant 0 : index
      %get3A_2173 = tpu.vector_load %arg10[%get3A_2171, %get3A_2172] {strides = array<i32>} : memref<16x16xf32, #tpu.memory_space<vmem>>, vector<1x16xf32>,
      %get3A_2174 = vector.shape_cast %get3A_2173 : vector<1x16xf32> to vector<16xf32>
      %sub3A_2175 = arith.subf %add3A_2121, %get3A_2174 : vector<16xf32>
      %abs3A_2176 = math.absf %sub3A_2175 : vector<16xf32>
      %lt3A_2177 = arith.cmpf olt, %abs3A_2176, %select_n3A_2165 : vector<16xf32>
      %select_n3A_2178 = arith.select %lt3A_2177, %abs3A_2176, %select_n3A_2165 : vector<16xi1>, vector<16xf32>
      %broadcast_in_dim3A_2179 = arith.constant 4 : i32
      %broadcast_in_dim3A_2180 = vector.broadcast %broadcast_in_dim3A_2179 : i32 to vector<16xi32>
      %select_n3A_2181 = arith.select %lt3A_2177, %broadcast_in_dim3A_2180, %select_n3A_2168 : vector<16xi1>, vector<16xi32>
      %select_n3A_2182 = arith.select %lt3A_2177, %get3A_2174, %select_n3A_2169 : vector<16xi1>, vector<16xf32>
      %get3A_2183 = arith.constant 5 : i32
      %get3A_2184 = arith.index_cast %get3A_2183 : i32 to index
      %get3A_2185 = arith.constant 0 : index
      %get3A_2186 = tpu.vector_load %arg10[%get3A_2184, %get3A_2185] {strides = array<i32>} : memref<16x16xf32, #tpu.memory_space<vmem>>, vector<1x16xf32>,
      %get3A_2187 = vector.shape_cast %get3A_2186 : vector<1x16xf32> to vector<16xf32>
      %sub3A_2188 = arith.subf %add3A_2121, %get3A_2187 : vector<16xf32>
      %abs3A_2189 = math.absf %sub3A_2188 : vector<16xf32>
      %lt3A_2190 = arith.cmpf olt, %abs3A_2189, %select_n3A_2178 : vector<16xf32>
      %select_n3A_2191 = arith.select %lt3A_2190, %abs3A_2189, %select_n3A_2178 : vector<16xi1>, vector<16xf32>
      %broadcast_in_dim3A_2192 = arith.constant 5 : i32
      %broadcast_in_dim3A_2193 = vector.broadcast %broadcast_in_dim3A_2192 : i32 to vector<16xi32>
      %select_n3A_2194 = arith.select %lt3A_2190, %broadcast_in_dim3A_2193, %select_n3A_2181 : vector<16xi1>, vector<16xi32>
      %select_n3A_2195 = arith.select %lt3A_2190, %get3A_2187, %select_n3A_2182 : vector<16xi1>, vector<16xf32>
      %get3A_2196 = arith.constant 6 : i32
      %get3A_2197 = arith.index_cast %get3A_2196 : i32 to index
      %get3A_2198 = arith.constant 0 : index
      %get3A_2199 = tpu.vector_load %arg10[%get3A_2197, %get3A_2198] {strides = array<i32>} : memref<16x16xf32, #tpu.memory_space<vmem>>, vector<1x16xf32>,
      %get3A_2200 = vector.shape_cast %get3A_2199 : vector<1x16xf32> to vector<16xf32>
      %sub3A_2201 = arith.subf %add3A_2121, %get3A_2200 : vector<16xf32>
      %abs3A_2202 = math.absf %sub3A_2201 : vector<16xf32>
      %lt3A_2203 = arith.cmpf olt, %abs3A_2202, %select_n3A_2191 : vector<16xf32>
      %select_n3A_2204 = arith.select %lt3A_2203, %abs3A_2202, %select_n3A_2191 : vector<16xi1>, vector<16xf32>
      %broadcast_in_dim3A_2205 = arith.constant 6 : i32
      %broadcast_in_dim3A_2206 = vector.broadcast %broadcast_in_dim3A_2205 : i32 to vector<16xi32>
      %select_n3A_2207 = arith.select %lt3A_2203, %broadcast_in_dim3A_2206, %select_n3A_2194 : vector<16xi1>, vector<16xi32>
      %select_n3A_2208 = arith.select %lt3A_2203, %get3A_2200, %select_n3A_2195 : vector<16xi1>, vector<16xf32>
      %get3A_2209 = arith.constant 7 : i32
      %get3A_2210 = arith.index_cast %get3A_2209 : i32 to index
      %get3A_2211 = arith.constant 0 : index
      %get3A_2212 = tpu.vector_load %arg10[%get3A_2210, %get3A_2211] {strides = array<i32>} : memref<16x16xf32, #tpu.memory_space<vmem>>, vector<1x16xf32>,
      %get3A_2213 = vector.shape_cast %get3A_2212 : vector<1x16xf32> to vector<16xf32>
      %sub3A_2214 = arith.subf %add3A_2121, %get3A_2213 : vector<16xf32>
      %abs3A_2215 = math.absf %sub3A_2214 : vector<16xf32>
      %lt3A_2216 = arith.cmpf olt, %abs3A_2215, %select_n3A_2204 : vector<16xf32>
      %select_n3A_2217 = arith.select %lt3A_2216, %abs3A_2215, %select_n3A_2204 : vector<16xi1>, vector<16xf32>
      %broadcast_in_dim3A_2218 = arith.constant 7 : i32
      %broadcast_in_dim3A_2219 = vector.broadcast %broadcast_in_dim3A_2218 : i32 to vector<16xi32>
      %select_n3A_2220 = arith.select %lt3A_2216, %broadcast_in_dim3A_2219, %select_n3A_2207 : vector<16xi1>, vector<16xi32>
      %select_n3A_2221 = arith.select %lt3A_2216, %get3A_2213, %select_n3A_2208 : vector<16xi1>, vector<16xf32>
      %get3A_2222 = arith.constant 8 : i32
      %get3A_2223 = arith.index_cast %get3A_2222 : i32 to index
      %get3A_2224 = arith.constant 0 : index
      %get3A_2225 = tpu.vector_load %arg10[%get3A_2223, %get3A_2224] {strides = array<i32>} : memref<16x16xf32, #tpu.memory_space<vmem>>, vector<1x16xf32>,
      %get3A_2226 = vector.shape_cast %get3A_2225 : vector<1x16xf32> to vector<16xf32>
      %sub3A_2227 = arith.subf %add3A_2121, %get3A_2226 : vector<16xf32>
      %abs3A_2228 = math.absf %sub3A_2227 : vector<16xf32>
      %lt3A_2229 = arith.cmpf olt, %abs3A_2228, %select_n3A_2217 : vector<16xf32>
      %select_n3A_2230 = arith.select %lt3A_2229, %abs3A_2228, %select_n3A_2217 : vector<16xi1>, vector<16xf32>
      %broadcast_in_dim3A_2231 = arith.constant 8 : i32
      %broadcast_in_dim3A_2232 = vector.broadcast %broadcast_in_dim3A_2231 : i32 to vector<16xi32>
      %select_n3A_2233 = arith.select %lt3A_2229, %broadcast_in_dim3A_2232, %select_n3A_2220 : vector<16xi1>, vector<16xi32>
      %select_n3A_2234 = arith.select %lt3A_2229, %get3A_2226, %select_n3A_2221 : vector<16xi1>, vector<16xf32>
      %get3A_2235 = arith.constant 9 : i32
      %get3A_2236 = arith.index_cast %get3A_2235 : i32 to index
      %get3A_2237 = arith.constant 0 : index
      %get3A_2238 = tpu.vector_load %arg10[%get3A_2236, %get3A_2237] {strides = array<i32>} : memref<16x16xf32, #tpu.memory_space<vmem>>, vector<1x16xf32>,
      %get3A_2239 = vector.shape_cast %get3A_2238 : vector<1x16xf32> to vector<16xf32>
      %sub3A_2240 = arith.subf %add3A_2121, %get3A_2239 : vector<16xf32>
      %abs3A_2241 = math.absf %sub3A_2240 : vector<16xf32>
      %lt3A_2242 = arith.cmpf olt, %abs3A_2241, %select_n3A_2230 : vector<16xf32>
      %select_n3A_2243 = arith.select %lt3A_2242, %abs3A_2241, %select_n3A_2230 : vector<16xi1>, vector<16xf32>
      %broadcast_in_dim3A_2244 = arith.constant 9 : i32
      %broadcast_in_dim3A_2245 = vector.broadcast %broadcast_in_dim3A_2244 : i32 to vector<16xi32>
      %select_n3A_2246 = arith.select %lt3A_2242, %broadcast_in_dim3A_2245, %select_n3A_2233 : vector<16xi1>, vector<16xi32>
      %select_n3A_2247 = arith.select %lt3A_2242, %get3A_2239, %select_n3A_2234 : vector<16xi1>, vector<16xf32>
      %get3A_2248 = arith.constant 10 : i32
      %get3A_2249 = arith.index_cast %get3A_2248 : i32 to index
      %get3A_2250 = arith.constant 0 : index
      %get3A_2251 = tpu.vector_load %arg10[%get3A_2249, %get3A_2250] {strides = array<i32>} : memref<16x16xf32, #tpu.memory_space<vmem>>, vector<1x16xf32>,
      %get3A_2252 = vector.shape_cast %get3A_2251 : vector<1x16xf32> to vector<16xf32>
      %sub3A_2253 = arith.subf %add3A_2121, %get3A_2252 : vector<16xf32>
      %abs3A_2254 = math.absf %sub3A_2253 : vector<16xf32>
      %lt3A_2255 = arith.cmpf olt, %abs3A_2254, %select_n3A_2243 : vector<16xf32>
      %select_n3A_2256 = arith.select %lt3A_2255, %abs3A_2254, %select_n3A_2243 : vector<16xi1>, vector<16xf32>
      %broadcast_in_dim3A_2257 = arith.constant 10 : i32
      %broadcast_in_dim3A_2258 = vector.broadcast %broadcast_in_dim3A_2257 : i32 to vector<16xi32>
      %select_n3A_2259 = arith.select %lt3A_2255, %broadcast_in_dim3A_2258, %select_n3A_2246 : vector<16xi1>, vector<16xi32>
      %select_n3A_2260 = arith.select %lt3A_2255, %get3A_2252, %select_n3A_2247 : vector<16xi1>, vector<16xf32>
      %get3A_2261 = arith.constant 11 : i32
      %get3A_2262 = arith.index_cast %get3A_2261 : i32 to index
      %get3A_2263 = arith.constant 0 : index
      %get3A_2264 = tpu.vector_load %arg10[%get3A_2262, %get3A_2263] {strides = array<i32>} : memref<16x16xf32, #tpu.memory_space<vmem>>, vector<1x16xf32>,
      %get3A_2265 = vector.shape_cast %get3A_2264 : vector<1x16xf32> to vector<16xf32>
      %sub3A_2266 = arith.subf %add3A_2121, %get3A_2265 : vector<16xf32>
      %abs3A_2267 = math.absf %sub3A_2266 : vector<16xf32>
      %lt3A_2268 = arith.cmpf olt, %abs3A_2267, %select_n3A_2256 : vector<16xf32>
      %select_n3A_2269 = arith.select %lt3A_2268, %abs3A_2267, %select_n3A_2256 : vector<16xi1>, vector<16xf32>
      %broadcast_in_dim3A_2270 = arith.constant 11 : i32
      %broadcast_in_dim3A_2271 = vector.broadcast %broadcast_in_dim3A_2270 : i32 to vector<16xi32>
      %select_n3A_2272 = arith.select %lt3A_2268, %broadcast_in_dim3A_2271, %select_n3A_2259 : vector<16xi1>, vector<16xi32>
      %select_n3A_2273 = arith.select %lt3A_2268, %get3A_2265, %select_n3A_2260 : vector<16xi1>, vector<16xf32>
      %get3A_2274 = arith.constant 12 : i32
      %get3A_2275 = arith.index_cast %get3A_2274 : i32 to index
      %get3A_2276 = arith.constant 0 : index
      %get3A_2277 = tpu.vector_load %arg10[%get3A_2275, %get3A_2276] {strides = array<i32>} : memref<16x16xf32, #tpu.memory_space<vmem>>, vector<1x16xf32>,
      %get3A_2278 = vector.shape_cast %get3A_2277 : vector<1x16xf32> to vector<16xf32>
      %sub3A_2279 = arith.subf %add3A_2121, %get3A_2278 : vector<16xf32>
      %abs3A_2280 = math.absf %sub3A_2279 : vector<16xf32>
      %lt3A_2281 = arith.cmpf olt, %abs3A_2280, %select_n3A_2269 : vector<16xf32>
      %select_n3A_2282 = arith.select %lt3A_2281, %abs3A_2280, %select_n3A_2269 : vector<16xi1>, vector<16xf32>
      %broadcast_in_dim3A_2283 = arith.constant 12 : i32
      %broadcast_in_dim3A_2284 = vector.broadcast %broadcast_in_dim3A_2283 : i32 to vector<16xi32>
      %select_n3A_2285 = arith.select %lt3A_2281, %broadcast_in_dim3A_2284, %select_n3A_2272 : vector<16xi1>, vector<16xi32>
      %select_n3A_2286 = arith.select %lt3A_2281, %get3A_2278, %select_n3A_2273 : vector<16xi1>, vector<16xf32>
      %get3A_2287 = arith.constant 13 : i32
      %get3A_2288 = arith.index_cast %get3A_2287 : i32 to index
      %get3A_2289 = arith.constant 0 : index
      %get3A_2290 = tpu.vector_load %arg10[%get3A_2288, %get3A_2289] {strides = array<i32>} : memref<16x16xf32, #tpu.memory_space<vmem>>, vector<1x16xf32>,
      %get3A_2291 = vector.shape_cast %get3A_2290 : vector<1x16xf32> to vector<16xf32>
      %sub3A_2292 = arith.subf %add3A_2121, %get3A_2291 : vector<16xf32>
      %abs3A_2293 = math.absf %sub3A_2292 : vector<16xf32>
      %lt3A_2294 = arith.cmpf olt, %abs3A_2293, %select_n3A_2282 : vector<16xf32>
      %select_n3A_2295 = arith.select %lt3A_2294, %abs3A_2293, %select_n3A_2282 : vector<16xi1>, vector<16xf32>
      %broadcast_in_dim3A_2296 = arith.constant 13 : i32
      %broadcast_in_dim3A_2297 = vector.broadcast %broadcast_in_dim3A_2296 : i32 to vector<16xi32>
      %select_n3A_2298 = arith.select %lt3A_2294, %broadcast_in_dim3A_2297, %select_n3A_2285 : vector<16xi1>, vector<16xi32>
      %select_n3A_2299 = arith.select %lt3A_2294, %get3A_2291, %select_n3A_2286 : vector<16xi1>, vector<16xf32>
      %get3A_2300 = arith.constant 14 : i32
      %get3A_2301 = arith.index_cast %get3A_2300 : i32 to index
      %get3A_2302 = arith.constant 0 : index
      %get3A_2303 = tpu.vector_load %arg10[%get3A_2301, %get3A_2302] {strides = array<i32>} : memref<16x16xf32, #tpu.memory_space<vmem>>, vector<1x16xf32>,
      %get3A_2304 = vector.shape_cast %get3A_2303 : vector<1x16xf32> to vector<16xf32>
      %sub3A_2305 = arith.subf %add3A_2121, %get3A_2304 : vector<16xf32>
      %abs3A_2306 = math.absf %sub3A_2305 : vector<16xf32>
      %lt3A_2307 = arith.cmpf olt, %abs3A_2306, %select_n3A_2295 : vector<16xf32>
      %select_n3A_2308 = arith.select %lt3A_2307, %abs3A_2306, %select_n3A_2295 : vector<16xi1>, vector<16xf32>
      %broadcast_in_dim3A_2309 = arith.constant 14 : i32
      %broadcast_in_dim3A_2310 = vector.broadcast %broadcast_in_dim3A_2309 : i32 to vector<16xi32>
      %select_n3A_2311 = arith.select %lt3A_2307, %broadcast_in_dim3A_2310, %select_n3A_2298 : vector<16xi1>, vector<16xi32>
      %select_n3A_2312 = arith.select %lt3A_2307, %get3A_2304, %select_n3A_2299 : vector<16xi1>, vector<16xf32>
      %get3A_2313 = arith.constant 15 : i32
      %get3A_2314 = arith.index_cast %get3A_2313 : i32 to index
      %get3A_2315 = arith.constant 0 : index
      %get3A_2316 = tpu.vector_load %arg10[%get3A_2314, %get3A_2315] {strides = array<i32>} : memref<16x16xf32, #tpu.memory_space<vmem>>, vector<1x16xf32>,
      %get3A_2317 = vector.shape_cast %get3A_2316 : vector<1x16xf32> to vector<16xf32>
      %sub3A_2318 = arith.subf %add3A_2121, %get3A_2317 : vector<16xf32>
      %abs3A_2319 = math.absf %sub3A_2318 : vector<16xf32>
      %lt3A_2320 = arith.cmpf olt, %abs3A_2319, %select_n3A_2308 : vector<16xf32>
      %select_n3A_2321 = arith.select %lt3A_2320, %abs3A_2319, %select_n3A_2308 : vector<16xi1>, vector<16xf32>
      %broadcast_in_dim3A_2322 = arith.constant 15 : i32
      %broadcast_in_dim3A_2323 = vector.broadcast %broadcast_in_dim3A_2322 : i32 to vector<16xi32>
      %select_n3A_2324 = arith.select %lt3A_2320, %broadcast_in_dim3A_2323, %select_n3A_2311 : vector<16xi1>, vector<16xi32>
      %select_n3A_2325 = arith.select %lt3A_2320, %get3A_2317, %select_n3A_2312 : vector<16xi1>, vector<16xf32>
      %swap3A_2326 = arith.index_cast %scan3A_111 : i32 to index
      %swap3A_2327 = arith.constant 144 : index
      %swap3A_2328 = tpu.vector_load %arg11[%swap3A_2326, %swap3A_2327] {strides = array<i32>} : memref<64x160xf32, #tpu.memory_space<vmem>>, vector<1x16xf32>,
      %swap3A_2329 = vector.shape_cast %swap3A_2328 : vector<1x16xf32> to vector<16xf32>
      %swap3A_2330 = vector.shape_cast %select_n3A_2325 : vector<16xf32> to vector<1x16xf32>
      tpu.vector_store %arg11[%swap3A_2326, %swap3A_2327], %swap3A_2330 {strides = array<i32>} : memref<64x160xf32, #tpu.memory_space<vmem>>, vector<1x16xf32>,
      %swap3A_2331 = arith.index_cast %scan3A_111 : i32 to index
      %swap3A_2332 = arith.constant 144 : index
      %swap3A_2333 = tpu.vector_load %arg12[%swap3A_2331, %swap3A_2332] {strides = array<i32>} : memref<64x160xi32, #tpu.memory_space<vmem>>, vector<1x16xi32>,
      %swap3A_2334 = vector.shape_cast %swap3A_2333 : vector<1x16xi32> to vector<16xi32>
      %swap3A_2335 = vector.shape_cast %select_n3A_2324 : vector<16xi32> to vector<1x16xi32>
      tpu.vector_store %arg12[%swap3A_2331, %swap3A_2332], %swap3A_2335 {strides = array<i32>} : memref<64x160xi32, #tpu.memory_space<vmem>>, vector<1x16xi32>,
      %sub3A_2336 = arith.subf %select_n3A_2325, %add3A_2121 : vector<16xf32>
      %mul3A_2337 = arith.mulf %sub3A_2336, %sub3A_2336 : vector<16xf32>
      %add3A_2338 = arith.addf %add3A_2115, %mul3A_2337 : vector<16xf32>
      scf.yield %add3A_2338 : vector<16xf32>
    }
    %scan3A_107 = arith.constant 64 : i32
    %swap3A = arith.constant 0 : index
    %swap3A_108 = tpu.vector_load %arg13[%swap3A] {strides = array<i32>} : memref<16xf32, #tpu.memory_space<vmem>>, vector<16xf32>,
    %swap3A_109 = vector.shape_cast %swap3A_108 : vector<16xf32> to vector<16xf32>
    %swap3A_110 = vector.shape_cast %scan3A_106 : vector<16xf32> to vector<16xf32>
    tpu.vector_store %arg13[%swap3A], %swap3A_110 {strides = array<i32>} : memref<16xf32, #tpu.memory_space<vmem>>, vector<16xf32>,
    "tpu.region"() ({
      %run_scoped3A = tpu.sem_alloc : memref<!tpu.dma_semaphore, #tpu.memory_space<semaphore_mem>>
      %dma_start3A = arith.constant 0 : i32
      %dma_start3A_111 = tpu.memref_slice %arg5[%mul3A_2, %dma_start3A] : memref<2048x160xf32, #tpu.memory_space<hbm>> -> memref<64x160xf32, #tpu.memory_space<hbm>>
      %dma_start3A_112 = arith.constant 0 : i32
      %dma_start3A_113 = tpu.memref_slice %arg5[%mul3A_2, %dma_start3A_112] : memref<2048x160xf32, #tpu.memory_space<hbm>> -> memref<64x160xf32, #tpu.memory_space<hbm>>
      tpu.enqueue_dma source(%arg11 : memref<64x160xf32, #tpu.memory_space<vmem>>) target(%dma_start3A_113 : memref<64x160xf32, #tpu.memory_space<hbm>>) target_semaphore(%run_scoped3A : memref<!tpu.dma_semaphore, #tpu.memory_space<semaphore_mem>>)
      %dma_wait3A = arith.constant 0 : i32
      %dma_wait3A_114 = tpu.memref_slice %arg5[%mul3A_2, %dma_wait3A] : memref<2048x160xf32, #tpu.memory_space<hbm>> -> memref<64x160xf32, #tpu.memory_space<hbm>>
      %dma_wait3A_115 = arith.constant 0 : i32
      %dma_wait3A_116 = tpu.memref_slice %arg5[%mul3A_2, %dma_wait3A_115] : memref<2048x160xf32, #tpu.memory_space<hbm>> -> memref<64x160xf32, #tpu.memory_space<hbm>>
      tpu.wait_dma2 semaphore(%run_scoped3A : memref<!tpu.dma_semaphore, #tpu.memory_space<semaphore_mem>>) src(%arg11 : memref<64x160xf32, #tpu.memory_space<vmem>>) dst(%dma_wait3A_116 : memref<64x160xf32, #tpu.memory_space<hbm>>)
      tpu.yield
    }) : () -> ()
    "tpu.region"() ({
      %run_scoped3A = tpu.sem_alloc : memref<!tpu.dma_semaphore, #tpu.memory_space<semaphore_mem>>
      %dma_start3A = arith.constant 0 : i32
      %dma_start3A_111 = tpu.memref_slice %arg6[%mul3A_2, %dma_start3A] : memref<2048x160xi32, #tpu.memory_space<hbm>> -> memref<64x160xi32, #tpu.memory_space<hbm>>
      %dma_start3A_112 = arith.constant 0 : i32
      %dma_start3A_113 = tpu.memref_slice %arg6[%mul3A_2, %dma_start3A_112] : memref<2048x160xi32, #tpu.memory_space<hbm>> -> memref<64x160xi32, #tpu.memory_space<hbm>>
      tpu.enqueue_dma source(%arg12 : memref<64x160xi32, #tpu.memory_space<vmem>>) target(%dma_start3A_113 : memref<64x160xi32, #tpu.memory_space<hbm>>) target_semaphore(%run_scoped3A : memref<!tpu.dma_semaphore, #tpu.memory_space<semaphore_mem>>)
      %dma_wait3A = arith.constant 0 : i32
      %dma_wait3A_114 = tpu.memref_slice %arg6[%mul3A_2, %dma_wait3A] : memref<2048x160xi32, #tpu.memory_space<hbm>> -> memref<64x160xi32, #tpu.memory_space<hbm>>
      %dma_wait3A_115 = arith.constant 0 : i32
      %dma_wait3A_116 = tpu.memref_slice %arg6[%mul3A_2, %dma_wait3A_115] : memref<2048x160xi32, #tpu.memory_space<hbm>> -> memref<64x160xi32, #tpu.memory_space<hbm>>
      tpu.wait_dma2 semaphore(%run_scoped3A : memref<!tpu.dma_semaphore, #tpu.memory_space<semaphore_mem>>) src(%arg12 : memref<64x160xi32, #tpu.memory_space<vmem>>) dst(%dma_wait3A_116 : memref<64x160xi32, #tpu.memory_space<hbm>>)
      tpu.yield
    }) : () -> ()
    "tpu.region"() ({
      %run_scoped3A = tpu.sem_alloc : memref<!tpu.dma_semaphore, #tpu.memory_space<semaphore_mem>>
      %dma_start3A = arith.constant 0 : i32
      %dma_start3A_111 = tpu.memref_slice %arg7[%add3A, %dma_start3A] : memref<32x16xf32, #tpu.memory_space<hbm>> -> memref<1x16xf32, #tpu.memory_space<hbm>>
      %dma_start3A_112 = tpu.memref_squeeze %dma_start3A_111 : memref<1x16xf32, #tpu.memory_space<hbm>> -> memref<16xf32, #tpu.memory_space<hbm>>
      %dma_start3A_113 = arith.constant 0 : i32
      %dma_start3A_114 = tpu.memref_slice %arg7[%add3A, %dma_start3A_113] : memref<32x16xf32, #tpu.memory_space<hbm>> -> memref<1x16xf32, #tpu.memory_space<hbm>>
      %dma_start3A_115 = tpu.memref_squeeze %dma_start3A_114 : memref<1x16xf32, #tpu.memory_space<hbm>> -> memref<16xf32, #tpu.memory_space<hbm>>
      tpu.enqueue_dma source(%arg13 : memref<16xf32, #tpu.memory_space<vmem>>) target(%dma_start3A_115 : memref<16xf32, #tpu.memory_space<hbm>>) target_semaphore(%run_scoped3A : memref<!tpu.dma_semaphore, #tpu.memory_space<semaphore_mem>>)
      %dma_wait3A = arith.constant 0 : i32
      %dma_wait3A_116 = tpu.memref_slice %arg7[%add3A, %dma_wait3A] : memref<32x16xf32, #tpu.memory_space<hbm>> -> memref<1x16xf32, #tpu.memory_space<hbm>>
      %dma_wait3A_117 = tpu.memref_squeeze %dma_wait3A_116 : memref<1x16xf32, #tpu.memory_space<hbm>> -> memref<16xf32, #tpu.memory_space<hbm>>
      %dma_wait3A_118 = arith.constant 0 : i32
      %dma_wait3A_119 = tpu.memref_slice %arg7[%add3A, %dma_wait3A_118] : memref<32x16xf32, #tpu.memory_space<hbm>> -> memref<1x16xf32, #tpu.memory_space<hbm>>
      %dma_wait3A_120 = tpu.memref_squeeze %dma_wait3A_119 : memref<1x16xf32, #tpu.memory_space<hbm>> -> memref<16xf32, #tpu.memory_space<hbm>>
      tpu.wait_dma2 semaphore(%run_scoped3A : memref<!tpu.dma_semaphore, #tpu.memory_space<semaphore_mem>>) src(%arg13 : memref<16xf32, #tpu.memory_space<vmem>>) dst(%dma_wait3A_120 : memref<16xf32, #tpu.memory_space<hbm>>)
      tpu.yield
    }) : () -> ()
    return
  }
}

module attributes {stable_mosaic.version = 14 : i64} {
  func.func @_tc_body(%arg0: i32, %arg1: memref<2048x160xf32, #tpu.memory_space<vmem>>, %arg2: memref<1x1x5xf32, #tpu.memory_space<smem>>, %arg3: memref<1xf32, #tpu.memory_space<smem>>, %arg4: memref<1x1x5xf32, #tpu.memory_space<smem>>, %arg5: memref<1xf32, #tpu.memory_space<smem>>, %arg6: memref<1x1x5xf32, #tpu.memory_space<smem>>, %arg7: memref<1xf32, #tpu.memory_space<smem>>, %arg8: memref<1x1x5xf32, #tpu.memory_space<smem>>, %arg9: memref<1xf32, #tpu.memory_space<smem>>, %arg10: memref<1x1x5xf32, #tpu.memory_space<smem>>, %arg11: memref<1xf32, #tpu.memory_space<smem>>, %arg12: memref<1x160xf32, #tpu.memory_space<vmem>>, %arg13: memref<1xf32, #tpu.memory_space<smem>>, %arg14: memref<4x1xf32, #tpu.memory_space<smem>>, %arg15: memref<2x1x4xf32, #tpu.memory_space<smem>>, %arg16: memref<2xf32, #tpu.memory_space<smem>>, %arg17: memref<97x2xf32, #tpu.memory_space<vmem>>, %arg18: memref<2x1xf32, #tpu.memory_space<smem>>, %arg19: memref<2xf32, #tpu.memory_space<smem>>, %arg20: memref<192x1xf32, #tpu.memory_space<vmem>>, %arg21: memref<2xf32, #tpu.memory_space<smem>>, %arg22: memref<1x2xf32, #tpu.memory_space<smem>>, %arg23: memref<16x1xf32, #tpu.memory_space<vmem>>, %arg24: memref<2048x160xf32, #tpu.memory_space<vmem>>, %arg25: memref<2x160xf32, #tpu.memory_space<vmem>>, %arg26: memref<16x16xf32, #tpu.memory_space<vmem>>, %arg27: memref<160x160xf32, #tpu.memory_space<vmem>>, %arg28: memref<160x160xf32, #tpu.memory_space<vmem>>, %arg29: memref<160x160xf32, #tpu.memory_space<vmem>>, %arg30: memref<160x160xf32, #tpu.memory_space<vmem>>, %arg31: memref<160x160xf32, #tpu.memory_space<vmem>>) attributes {dimension_semantics = [#tpu.dimension_semantics<arbitrary>], iteration_bounds = array<i64: 1>, scalar_prefetch = 0 : i64, scratch_operands = 5 : i64, tpu.core_type = #tpu.core_type<tc>, window_params = [{transform_indices = @transform_0, window_bounds = array<i64: 2048, 160>}, {transform_indices = @transform_1, window_bounds = array<i64: 1, 1, 5>}, {transform_indices = @transform_2, window_bounds = array<i64: 1>}, {transform_indices = @transform_3, window_bounds = array<i64: 1, 1, 5>}, {transform_indices = @transform_4, window_bounds = array<i64: 1>}, {transform_indices = @transform_5, window_bounds = array<i64: 1, 1, 5>}, {transform_indices = @transform_6, window_bounds = array<i64: 1>}, {transform_indices = @transform_7, window_bounds = array<i64: 1, 1, 5>}, {transform_indices = @transform_8, window_bounds = array<i64: 1>}, {transform_indices = @transform_9, window_bounds = array<i64: 1, 1, 5>}, {transform_indices = @transform_10, window_bounds = array<i64: 1>}, {pipeline_mode = #tpu.pipeline_mode<synchronous>, transform_indices = @transform_11, window_bounds = array<i64: 1, 160>}, {transform_indices = @transform_12, window_bounds = array<i64: 1>}, {transform_indices = @transform_13, window_bounds = array<i64: 4, 1>}, {transform_indices = @transform_14, window_bounds = array<i64: 2, 1, 4>}, {transform_indices = @transform_15, window_bounds = array<i64: 2>}, {pipeline_mode = #tpu.pipeline_mode<synchronous>, transform_indices = @transform_16, window_bounds = array<i64: 97, 2>}, {transform_indices = @transform_17, window_bounds = array<i64: 2, 1>}, {transform_indices = @transform_18, window_bounds = array<i64: 2>}, {pipeline_mode = #tpu.pipeline_mode<synchronous>, transform_indices = @transform_19, window_bounds = array<i64: 192, 1>}, {transform_indices = @transform_20, window_bounds = array<i64: 2>}, {transform_indices = @transform_21, window_bounds = array<i64: 1, 2>}, {pipeline_mode = #tpu.pipeline_mode<synchronous>, transform_indices = @transform_22, window_bounds = array<i64: 16, 1>}, {transform_indices = @transform_23, window_bounds = array<i64: 2048, 160>}, {pipeline_mode = #tpu.pipeline_mode<synchronous>, transform_indices = @transform_24, window_bounds = array<i64: 2, 160>}, {pipeline_mode = #tpu.pipeline_mode<synchronous>, transform_indices = @transform_25, window_bounds = array<i64: 16, 16>}]} {
    %eq3A = arith.constant 0 : i32
    %eq3A_0 = arith.cmpi eq, %arg0, %eq3A : i32
    %convert_element_type3A = arith.extui %eq3A_0 : i1 to i32
    %cond3A = arith.constant 0 : i32
    %cond3A_1 = arith.cmpi ne, %convert_element_type3A, %cond3A : i32
    scf.if %cond3A_1 {
      %iota3A = tpu.iota {dimensions = array<i32: 0>} : vector<160x160xi32>
      %iota3A_97 = tpu.iota {dimensions = array<i32: 1>} : vector<160x160xi32>
      %sub3A = arith.subi %iota3A, %iota3A_97 : vector<160x160xi32>
      %broadcast_in_dim3A = arith.constant 0.000000e+00 : f32
      %broadcast_in_dim3A_98 = vector.broadcast %broadcast_in_dim3A : f32 to vector<160x160xf32>
      %eq3A_99 = arith.constant -2 : i32
      %eq3A_100 = vector.broadcast %eq3A_99 : i32 to vector<160x160xi32>
      %eq3A_101 = arith.cmpi eq, %sub3A, %eq3A_100 : vector<160x160xi32>
      %get3A_102 = arith.constant 0 : index
      %get3A_103 = arith.constant 0 : index
      %get3A_104 = arith.constant 0 : index
      %get3A_105 = memref.load %arg2[%get3A_102, %get3A_103, %get3A_104] : memref<1x1x5xf32, #tpu.memory_space<smem>>
      %broadcast_in_dim3A_106 = vector.broadcast %get3A_105 : f32 to vector<160x160xf32>
      %select_n3A = arith.select %eq3A_101, %broadcast_in_dim3A_106, %broadcast_in_dim3A_98 : vector<160x160xi1>, vector<160x160xf32>
      %eq3A_107 = arith.constant -1 : i32
      %eq3A_108 = vector.broadcast %eq3A_107 : i32 to vector<160x160xi32>
      %eq3A_109 = arith.cmpi eq, %sub3A, %eq3A_108 : vector<160x160xi32>
      %get3A_110 = arith.constant 0 : index
      %get3A_111 = arith.constant 0 : index
      %get3A_112 = arith.constant 1 : index
      %get3A_113 = memref.load %arg2[%get3A_110, %get3A_111, %get3A_112] : memref<1x1x5xf32, #tpu.memory_space<smem>>
      %broadcast_in_dim3A_114 = vector.broadcast %get3A_113 : f32 to vector<160x160xf32>
      %select_n3A_115 = arith.select %eq3A_109, %broadcast_in_dim3A_114, %select_n3A : vector<160x160xi1>, vector<160x160xf32>
      %eq3A_116 = arith.constant 0 : i32
      %eq3A_117 = vector.broadcast %eq3A_116 : i32 to vector<160x160xi32>
      %eq3A_118 = arith.cmpi eq, %sub3A, %eq3A_117 : vector<160x160xi32>
      %get3A_119 = arith.constant 0 : index
      %get3A_120 = arith.constant 0 : index
      %get3A_121 = arith.constant 2 : index
      %get3A_122 = memref.load %arg2[%get3A_119, %get3A_120, %get3A_121] : memref<1x1x5xf32, #tpu.memory_space<smem>>
      %broadcast_in_dim3A_123 = vector.broadcast %get3A_122 : f32 to vector<160x160xf32>
      %select_n3A_124 = arith.select %eq3A_118, %broadcast_in_dim3A_123, %select_n3A_115 : vector<160x160xi1>, vector<160x160xf32>
      %eq3A_125 = arith.constant 1 : i32
      %eq3A_126 = vector.broadcast %eq3A_125 : i32 to vector<160x160xi32>
      %eq3A_127 = arith.cmpi eq, %sub3A, %eq3A_126 : vector<160x160xi32>
      %get3A_128 = arith.constant 0 : index
      %get3A_129 = arith.constant 0 : index
      %get3A_130 = arith.constant 3 : index
      %get3A_131 = memref.load %arg2[%get3A_128, %get3A_129, %get3A_130] : memref<1x1x5xf32, #tpu.memory_space<smem>>
      %broadcast_in_dim3A_132 = vector.broadcast %get3A_131 : f32 to vector<160x160xf32>
      %select_n3A_133 = arith.select %eq3A_127, %broadcast_in_dim3A_132, %select_n3A_124 : vector<160x160xi1>, vector<160x160xf32>
      %eq3A_134 = arith.constant 2 : i32
      %eq3A_135 = vector.broadcast %eq3A_134 : i32 to vector<160x160xi32>
      %eq3A_136 = arith.cmpi eq, %sub3A, %eq3A_135 : vector<160x160xi32>
      %get3A_137 = arith.constant 0 : index
      %get3A_138 = arith.constant 0 : index
      %get3A_139 = arith.constant 4 : index
      %get3A_140 = memref.load %arg2[%get3A_137, %get3A_138, %get3A_139] : memref<1x1x5xf32, #tpu.memory_space<smem>>
      %broadcast_in_dim3A_141 = vector.broadcast %get3A_140 : f32 to vector<160x160xf32>
      %select_n3A_142 = arith.select %eq3A_136, %broadcast_in_dim3A_141, %select_n3A_133 : vector<160x160xi1>, vector<160x160xf32>
      %swap3A_143 = arith.constant 0 : index
      %swap3A_144 = arith.constant 0 : index
      %swap3A_145 = vector.load %arg27[%swap3A_143, %swap3A_144] : memref<160x160xf32, #tpu.memory_space<vmem>>, vector<160x160xf32>
      tpu.vector_store %arg27[%swap3A_143, %swap3A_144], %select_n3A_142 {strides = array<i32>} : memref<160x160xf32, #tpu.memory_space<vmem>>, vector<160x160xf32>,
      %broadcast_in_dim3A_146 = arith.constant 0.000000e+00 : f32
      %broadcast_in_dim3A_147 = vector.broadcast %broadcast_in_dim3A_146 : f32 to vector<160x160xf32>
      %eq3A_148 = arith.constant -4 : i32
      %eq3A_149 = vector.broadcast %eq3A_148 : i32 to vector<160x160xi32>
      %eq3A_150 = arith.cmpi eq, %sub3A, %eq3A_149 : vector<160x160xi32>
      %get3A_151 = arith.constant 0 : index
      %get3A_152 = arith.constant 0 : index
      %get3A_153 = arith.constant 0 : index
      %get3A_154 = memref.load %arg4[%get3A_151, %get3A_152, %get3A_153] : memref<1x1x5xf32, #tpu.memory_space<smem>>
      %broadcast_in_dim3A_155 = vector.broadcast %get3A_154 : f32 to vector<160x160xf32>
      %select_n3A_156 = arith.select %eq3A_150, %broadcast_in_dim3A_155, %broadcast_in_dim3A_147 : vector<160x160xi1>, vector<160x160xf32>
      %eq3A_157 = arith.constant -2 : i32
      %eq3A_158 = vector.broadcast %eq3A_157 : i32 to vector<160x160xi32>
      %eq3A_159 = arith.cmpi eq, %sub3A, %eq3A_158 : vector<160x160xi32>
      %get3A_160 = arith.constant 0 : index
      %get3A_161 = arith.constant 0 : index
      %get3A_162 = arith.constant 1 : index
      %get3A_163 = memref.load %arg4[%get3A_160, %get3A_161, %get3A_162] : memref<1x1x5xf32, #tpu.memory_space<smem>>
      %broadcast_in_dim3A_164 = vector.broadcast %get3A_163 : f32 to vector<160x160xf32>
      %select_n3A_165 = arith.select %eq3A_159, %broadcast_in_dim3A_164, %select_n3A_156 : vector<160x160xi1>, vector<160x160xf32>
      %eq3A_166 = arith.constant 0 : i32
      %eq3A_167 = vector.broadcast %eq3A_166 : i32 to vector<160x160xi32>
      %eq3A_168 = arith.cmpi eq, %sub3A, %eq3A_167 : vector<160x160xi32>
      %get3A_169 = arith.constant 0 : index
      %get3A_170 = arith.constant 0 : index
      %get3A_171 = arith.constant 2 : index
      %get3A_172 = memref.load %arg4[%get3A_169, %get3A_170, %get3A_171] : memref<1x1x5xf32, #tpu.memory_space<smem>>
      %broadcast_in_dim3A_173 = vector.broadcast %get3A_172 : f32 to vector<160x160xf32>
      %select_n3A_174 = arith.select %eq3A_168, %broadcast_in_dim3A_173, %select_n3A_165 : vector<160x160xi1>, vector<160x160xf32>
      %eq3A_175 = arith.constant 2 : i32
      %eq3A_176 = vector.broadcast %eq3A_175 : i32 to vector<160x160xi32>
      %eq3A_177 = arith.cmpi eq, %sub3A, %eq3A_176 : vector<160x160xi32>
      %get3A_178 = arith.constant 0 : index
      %get3A_179 = arith.constant 0 : index
      %get3A_180 = arith.constant 3 : index
      %get3A_181 = memref.load %arg4[%get3A_178, %get3A_179, %get3A_180] : memref<1x1x5xf32, #tpu.memory_space<smem>>
      %broadcast_in_dim3A_182 = vector.broadcast %get3A_181 : f32 to vector<160x160xf32>
      %select_n3A_183 = arith.select %eq3A_177, %broadcast_in_dim3A_182, %select_n3A_174 : vector<160x160xi1>, vector<160x160xf32>
      %eq3A_184 = arith.constant 4 : i32
      %eq3A_185 = vector.broadcast %eq3A_184 : i32 to vector<160x160xi32>
      %eq3A_186 = arith.cmpi eq, %sub3A, %eq3A_185 : vector<160x160xi32>
      %get3A_187 = arith.constant 0 : index
      %get3A_188 = arith.constant 0 : index
      %get3A_189 = arith.constant 4 : index
      %get3A_190 = memref.load %arg4[%get3A_187, %get3A_188, %get3A_189] : memref<1x1x5xf32, #tpu.memory_space<smem>>
      %broadcast_in_dim3A_191 = vector.broadcast %get3A_190 : f32 to vector<160x160xf32>
      %select_n3A_192 = arith.select %eq3A_186, %broadcast_in_dim3A_191, %select_n3A_183 : vector<160x160xi1>, vector<160x160xf32>
      %swap3A_193 = arith.constant 0 : index
      %swap3A_194 = arith.constant 0 : index
      %swap3A_195 = vector.load %arg28[%swap3A_193, %swap3A_194] : memref<160x160xf32, #tpu.memory_space<vmem>>, vector<160x160xf32>
      tpu.vector_store %arg28[%swap3A_193, %swap3A_194], %select_n3A_192 {strides = array<i32>} : memref<160x160xf32, #tpu.memory_space<vmem>>, vector<160x160xf32>,
      %broadcast_in_dim3A_196 = arith.constant 0.000000e+00 : f32
      %broadcast_in_dim3A_197 = vector.broadcast %broadcast_in_dim3A_196 : f32 to vector<160x160xf32>
      %eq3A_198 = arith.constant -8 : i32
      %eq3A_199 = vector.broadcast %eq3A_198 : i32 to vector<160x160xi32>
      %eq3A_200 = arith.cmpi eq, %sub3A, %eq3A_199 : vector<160x160xi32>
      %get3A_201 = arith.constant 0 : index
      %get3A_202 = arith.constant 0 : index
      %get3A_203 = arith.constant 0 : index
      %get3A_204 = memref.load %arg6[%get3A_201, %get3A_202, %get3A_203] : memref<1x1x5xf32, #tpu.memory_space<smem>>
      %broadcast_in_dim3A_205 = vector.broadcast %get3A_204 : f32 to vector<160x160xf32>
      %select_n3A_206 = arith.select %eq3A_200, %broadcast_in_dim3A_205, %broadcast_in_dim3A_197 : vector<160x160xi1>, vector<160x160xf32>
      %eq3A_207 = arith.constant -4 : i32
      %eq3A_208 = vector.broadcast %eq3A_207 : i32 to vector<160x160xi32>
      %eq3A_209 = arith.cmpi eq, %sub3A, %eq3A_208 : vector<160x160xi32>
      %get3A_210 = arith.constant 0 : index
      %get3A_211 = arith.constant 0 : index
      %get3A_212 = arith.constant 1 : index
      %get3A_213 = memref.load %arg6[%get3A_210, %get3A_211, %get3A_212] : memref<1x1x5xf32, #tpu.memory_space<smem>>
      %broadcast_in_dim3A_214 = vector.broadcast %get3A_213 : f32 to vector<160x160xf32>
      %select_n3A_215 = arith.select %eq3A_209, %broadcast_in_dim3A_214, %select_n3A_206 : vector<160x160xi1>, vector<160x160xf32>
      %eq3A_216 = arith.constant 0 : i32
      %eq3A_217 = vector.broadcast %eq3A_216 : i32 to vector<160x160xi32>
      %eq3A_218 = arith.cmpi eq, %sub3A, %eq3A_217 : vector<160x160xi32>
      %get3A_219 = arith.constant 0 : index
      %get3A_220 = arith.constant 0 : index
      %get3A_221 = arith.constant 2 : index
      %get3A_222 = memref.load %arg6[%get3A_219, %get3A_220, %get3A_221] : memref<1x1x5xf32, #tpu.memory_space<smem>>
      %broadcast_in_dim3A_223 = vector.broadcast %get3A_222 : f32 to vector<160x160xf32>
      %select_n3A_224 = arith.select %eq3A_218, %broadcast_in_dim3A_223, %select_n3A_215 : vector<160x160xi1>, vector<160x160xf32>
      %eq3A_225 = arith.constant 4 : i32
      %eq3A_226 = vector.broadcast %eq3A_225 : i32 to vector<160x160xi32>
      %eq3A_227 = arith.cmpi eq, %sub3A, %eq3A_226 : vector<160x160xi32>
      %get3A_228 = arith.constant 0 : index
      %get3A_229 = arith.constant 0 : index
      %get3A_230 = arith.constant 3 : index
      %get3A_231 = memref.load %arg6[%get3A_228, %get3A_229, %get3A_230] : memref<1x1x5xf32, #tpu.memory_space<smem>>
      %broadcast_in_dim3A_232 = vector.broadcast %get3A_231 : f32 to vector<160x160xf32>
      %select_n3A_233 = arith.select %eq3A_227, %broadcast_in_dim3A_232, %select_n3A_224 : vector<160x160xi1>, vector<160x160xf32>
      %eq3A_234 = arith.constant 8 : i32
      %eq3A_235 = vector.broadcast %eq3A_234 : i32 to vector<160x160xi32>
      %eq3A_236 = arith.cmpi eq, %sub3A, %eq3A_235 : vector<160x160xi32>
      %get3A_237 = arith.constant 0 : index
      %get3A_238 = arith.constant 0 : index
      %get3A_239 = arith.constant 4 : index
      %get3A_240 = memref.load %arg6[%get3A_237, %get3A_238, %get3A_239] : memref<1x1x5xf32, #tpu.memory_space<smem>>
      %broadcast_in_dim3A_241 = vector.broadcast %get3A_240 : f32 to vector<160x160xf32>
      %select_n3A_242 = arith.select %eq3A_236, %broadcast_in_dim3A_241, %select_n3A_233 : vector<160x160xi1>, vector<160x160xf32>
      %swap3A_243 = arith.constant 0 : index
      %swap3A_244 = arith.constant 0 : index
      %swap3A_245 = vector.load %arg29[%swap3A_243, %swap3A_244] : memref<160x160xf32, #tpu.memory_space<vmem>>, vector<160x160xf32>
      tpu.vector_store %arg29[%swap3A_243, %swap3A_244], %select_n3A_242 {strides = array<i32>} : memref<160x160xf32, #tpu.memory_space<vmem>>, vector<160x160xf32>,
      %broadcast_in_dim3A_246 = arith.constant 0.000000e+00 : f32
      %broadcast_in_dim3A_247 = vector.broadcast %broadcast_in_dim3A_246 : f32 to vector<160x160xf32>
      %eq3A_248 = arith.constant -16 : i32
      %eq3A_249 = vector.broadcast %eq3A_248 : i32 to vector<160x160xi32>
      %eq3A_250 = arith.cmpi eq, %sub3A, %eq3A_249 : vector<160x160xi32>
      %get3A_251 = arith.constant 0 : index
      %get3A_252 = arith.constant 0 : index
      %get3A_253 = arith.constant 0 : index
      %get3A_254 = memref.load %arg8[%get3A_251, %get3A_252, %get3A_253] : memref<1x1x5xf32, #tpu.memory_space<smem>>
      %broadcast_in_dim3A_255 = vector.broadcast %get3A_254 : f32 to vector<160x160xf32>
      %select_n3A_256 = arith.select %eq3A_250, %broadcast_in_dim3A_255, %broadcast_in_dim3A_247 : vector<160x160xi1>, vector<160x160xf32>
      %eq3A_257 = arith.constant -8 : i32
      %eq3A_258 = vector.broadcast %eq3A_257 : i32 to vector<160x160xi32>
      %eq3A_259 = arith.cmpi eq, %sub3A, %eq3A_258 : vector<160x160xi32>
      %get3A_260 = arith.constant 0 : index
      %get3A_261 = arith.constant 0 : index
      %get3A_262 = arith.constant 1 : index
      %get3A_263 = memref.load %arg8[%get3A_260, %get3A_261, %get3A_262] : memref<1x1x5xf32, #tpu.memory_space<smem>>
      %broadcast_in_dim3A_264 = vector.broadcast %get3A_263 : f32 to vector<160x160xf32>
      %select_n3A_265 = arith.select %eq3A_259, %broadcast_in_dim3A_264, %select_n3A_256 : vector<160x160xi1>, vector<160x160xf32>
      %eq3A_266 = arith.constant 0 : i32
      %eq3A_267 = vector.broadcast %eq3A_266 : i32 to vector<160x160xi32>
      %eq3A_268 = arith.cmpi eq, %sub3A, %eq3A_267 : vector<160x160xi32>
      %get3A_269 = arith.constant 0 : index
      %get3A_270 = arith.constant 0 : index
      %get3A_271 = arith.constant 2 : index
      %get3A_272 = memref.load %arg8[%get3A_269, %get3A_270, %get3A_271] : memref<1x1x5xf32, #tpu.memory_space<smem>>
      %broadcast_in_dim3A_273 = vector.broadcast %get3A_272 : f32 to vector<160x160xf32>
      %select_n3A_274 = arith.select %eq3A_268, %broadcast_in_dim3A_273, %select_n3A_265 : vector<160x160xi1>, vector<160x160xf32>
      %eq3A_275 = arith.constant 8 : i32
      %eq3A_276 = vector.broadcast %eq3A_275 : i32 to vector<160x160xi32>
      %eq3A_277 = arith.cmpi eq, %sub3A, %eq3A_276 : vector<160x160xi32>
      %get3A_278 = arith.constant 0 : index
      %get3A_279 = arith.constant 0 : index
      %get3A_280 = arith.constant 3 : index
      %get3A_281 = memref.load %arg8[%get3A_278, %get3A_279, %get3A_280] : memref<1x1x5xf32, #tpu.memory_space<smem>>
      %broadcast_in_dim3A_282 = vector.broadcast %get3A_281 : f32 to vector<160x160xf32>
      %select_n3A_283 = arith.select %eq3A_277, %broadcast_in_dim3A_282, %select_n3A_274 : vector<160x160xi1>, vector<160x160xf32>
      %eq3A_284 = arith.constant 16 : i32
      %eq3A_285 = vector.broadcast %eq3A_284 : i32 to vector<160x160xi32>
      %eq3A_286 = arith.cmpi eq, %sub3A, %eq3A_285 : vector<160x160xi32>
      %get3A_287 = arith.constant 0 : index
      %get3A_288 = arith.constant 0 : index
      %get3A_289 = arith.constant 4 : index
      %get3A_290 = memref.load %arg8[%get3A_287, %get3A_288, %get3A_289] : memref<1x1x5xf32, #tpu.memory_space<smem>>
      %broadcast_in_dim3A_291 = vector.broadcast %get3A_290 : f32 to vector<160x160xf32>
      %select_n3A_292 = arith.select %eq3A_286, %broadcast_in_dim3A_291, %select_n3A_283 : vector<160x160xi1>, vector<160x160xf32>
      %swap3A_293 = arith.constant 0 : index
      %swap3A_294 = arith.constant 0 : index
      %swap3A_295 = vector.load %arg30[%swap3A_293, %swap3A_294] : memref<160x160xf32, #tpu.memory_space<vmem>>, vector<160x160xf32>
      tpu.vector_store %arg30[%swap3A_293, %swap3A_294], %select_n3A_292 {strides = array<i32>} : memref<160x160xf32, #tpu.memory_space<vmem>>, vector<160x160xf32>,
      %broadcast_in_dim3A_296 = arith.constant 0.000000e+00 : f32
      %broadcast_in_dim3A_297 = vector.broadcast %broadcast_in_dim3A_296 : f32 to vector<160x160xf32>
      %eq3A_298 = arith.constant -32 : i32
      %eq3A_299 = vector.broadcast %eq3A_298 : i32 to vector<160x160xi32>
      %eq3A_300 = arith.cmpi eq, %sub3A, %eq3A_299 : vector<160x160xi32>
      %get3A_301 = arith.constant 0 : index
      %get3A_302 = arith.constant 0 : index
      %get3A_303 = arith.constant 0 : index
      %get3A_304 = memref.load %arg10[%get3A_301, %get3A_302, %get3A_303] : memref<1x1x5xf32, #tpu.memory_space<smem>>
      %broadcast_in_dim3A_305 = vector.broadcast %get3A_304 : f32 to vector<160x160xf32>
      %select_n3A_306 = arith.select %eq3A_300, %broadcast_in_dim3A_305, %broadcast_in_dim3A_297 : vector<160x160xi1>, vector<160x160xf32>
      %eq3A_307 = arith.constant -16 : i32
      %eq3A_308 = vector.broadcast %eq3A_307 : i32 to vector<160x160xi32>
      %eq3A_309 = arith.cmpi eq, %sub3A, %eq3A_308 : vector<160x160xi32>
      %get3A_310 = arith.constant 0 : index
      %get3A_311 = arith.constant 0 : index
      %get3A_312 = arith.constant 1 : index
      %get3A_313 = memref.load %arg10[%get3A_310, %get3A_311, %get3A_312] : memref<1x1x5xf32, #tpu.memory_space<smem>>
      %broadcast_in_dim3A_314 = vector.broadcast %get3A_313 : f32 to vector<160x160xf32>
      %select_n3A_315 = arith.select %eq3A_309, %broadcast_in_dim3A_314, %select_n3A_306 : vector<160x160xi1>, vector<160x160xf32>
      %eq3A_316 = arith.constant 0 : i32
      %eq3A_317 = vector.broadcast %eq3A_316 : i32 to vector<160x160xi32>
      %eq3A_318 = arith.cmpi eq, %sub3A, %eq3A_317 : vector<160x160xi32>
      %get3A_319 = arith.constant 0 : index
      %get3A_320 = arith.constant 0 : index
      %get3A_321 = arith.constant 2 : index
      %get3A_322 = memref.load %arg10[%get3A_319, %get3A_320, %get3A_321] : memref<1x1x5xf32, #tpu.memory_space<smem>>
      %broadcast_in_dim3A_323 = vector.broadcast %get3A_322 : f32 to vector<160x160xf32>
      %select_n3A_324 = arith.select %eq3A_318, %broadcast_in_dim3A_323, %select_n3A_315 : vector<160x160xi1>, vector<160x160xf32>
      %eq3A_325 = arith.constant 16 : i32
      %eq3A_326 = vector.broadcast %eq3A_325 : i32 to vector<160x160xi32>
      %eq3A_327 = arith.cmpi eq, %sub3A, %eq3A_326 : vector<160x160xi32>
      %get3A_328 = arith.constant 0 : index
      %get3A_329 = arith.constant 0 : index
      %get3A_330 = arith.constant 3 : index
      %get3A_331 = memref.load %arg10[%get3A_328, %get3A_329, %get3A_330] : memref<1x1x5xf32, #tpu.memory_space<smem>>
      %broadcast_in_dim3A_332 = vector.broadcast %get3A_331 : f32 to vector<160x160xf32>
      %select_n3A_333 = arith.select %eq3A_327, %broadcast_in_dim3A_332, %select_n3A_324 : vector<160x160xi1>, vector<160x160xf32>
      %eq3A_334 = arith.constant 32 : i32
      %eq3A_335 = vector.broadcast %eq3A_334 : i32 to vector<160x160xi32>
      %eq3A_336 = arith.cmpi eq, %sub3A, %eq3A_335 : vector<160x160xi32>
      %get3A_337 = arith.constant 0 : index
      %get3A_338 = arith.constant 0 : index
      %get3A_339 = arith.constant 4 : index
      %get3A_340 = memref.load %arg10[%get3A_337, %get3A_338, %get3A_339] : memref<1x1x5xf32, #tpu.memory_space<smem>>
      %broadcast_in_dim3A_341 = vector.broadcast %get3A_340 : f32 to vector<160x160xf32>
      %select_n3A_342 = arith.select %eq3A_336, %broadcast_in_dim3A_341, %select_n3A_333 : vector<160x160xi1>, vector<160x160xf32>
      %swap3A_343 = arith.constant 0 : index
      %swap3A_344 = arith.constant 0 : index
      %swap3A_345 = vector.load %arg31[%swap3A_343, %swap3A_344] : memref<160x160xf32, #tpu.memory_space<vmem>>, vector<160x160xf32>
      tpu.vector_store %arg31[%swap3A_343, %swap3A_344], %select_n3A_342 {strides = array<i32>} : memref<160x160xf32, #tpu.memory_space<vmem>>, vector<160x160xf32>,
    } else {
    }
    %get3A = arith.constant 0 : index
    %get3A_2 = arith.constant 0 : index
    %get3A_3 = vector.load %arg1[%get3A, %get3A_2] : memref<2048x160xf32, #tpu.memory_space<vmem>>, vector<2048x160xf32>
    %get3A_4 = arith.constant 0 : index
    %get3A_5 = arith.constant 0 : index
    %get3A_6 = vector.load %arg27[%get3A_4, %get3A_5] : memref<160x160xf32, #tpu.memory_space<vmem>>, vector<160x160xf32>
    %dot_general3A = arith.constant dense<0.000000e+00> : vector<2048x160xf32>
    %dot_general3A_7 = tpu.matmul %get3A_3, %get3A_6, %dot_general3A {dimension_numbers = #tpu.dot_dimension_numbers<[1], [0], [0], [1], [0, 0, 1, 1], [], []>, transpose_lhs_hint = false} : vector<2048x160xf32>, vector<160x160xf32>, vector<2048x160xf32> -> vector<2048x160xf32>
    %get3A_8 = arith.constant 0 : index
    %get3A_9 = memref.load %arg3[%get3A_8] : memref<1xf32, #tpu.memory_space<smem>>
    %add3A = vector.broadcast %get3A_9 : f32 to vector<2048x160xf32>
    %add3A_10 = arith.addf %dot_general3A_7, %add3A : vector<2048x160xf32>
    %mul3A = arith.constant 5.000000e-01 : f32
    %mul3A_11 = vector.broadcast %mul3A : f32 to vector<2048x160xf32>
    %mul3A_12 = arith.mulf %mul3A_11, %add3A_10 : vector<2048x160xf32>
    %mul3A_13 = arith.constant 0.707106769 : f32
    %mul3A_14 = vector.broadcast %mul3A_13 : f32 to vector<2048x160xf32>
    %mul3A_15 = arith.mulf %add3A_10, %mul3A_14 : vector<2048x160xf32>
    %erf3A = math.erf %mul3A_15 : vector<2048x160xf32>
    %add3A_16 = arith.constant 1.000000e+00 : f32
    %add3A_17 = vector.broadcast %add3A_16 : f32 to vector<2048x160xf32>
    %add3A_18 = arith.addf %add3A_17, %erf3A : vector<2048x160xf32>
    %mul3A_19 = arith.mulf %mul3A_12, %add3A_18 : vector<2048x160xf32>
    %get3A_20 = arith.constant 0 : index
    %get3A_21 = arith.constant 0 : index
    %get3A_22 = vector.load %arg28[%get3A_20, %get3A_21] : memref<160x160xf32, #tpu.memory_space<vmem>>, vector<160x160xf32>
    %dot_general3A_23 = arith.constant dense<0.000000e+00> : vector<2048x160xf32>
    %dot_general3A_24 = tpu.matmul %mul3A_19, %get3A_22, %dot_general3A_23 {dimension_numbers = #tpu.dot_dimension_numbers<[1], [0], [0], [1], [0, 0, 1, 1], [], []>, transpose_lhs_hint = false} : vector<2048x160xf32>, vector<160x160xf32>, vector<2048x160xf32> -> vector<2048x160xf32>
    %get3A_25 = arith.constant 0 : index
    %get3A_26 = memref.load %arg5[%get3A_25] : memref<1xf32, #tpu.memory_space<smem>>
    %add3A_27 = vector.broadcast %get3A_26 : f32 to vector<2048x160xf32>
    %add3A_28 = arith.addf %dot_general3A_24, %add3A_27 : vector<2048x160xf32>
    %mul3A_29 = arith.constant 5.000000e-01 : f32
    %mul3A_30 = vector.broadcast %mul3A_29 : f32 to vector<2048x160xf32>
    %mul3A_31 = arith.mulf %mul3A_30, %add3A_28 : vector<2048x160xf32>
    %mul3A_32 = arith.constant 0.707106769 : f32
    %mul3A_33 = vector.broadcast %mul3A_32 : f32 to vector<2048x160xf32>
    %mul3A_34 = arith.mulf %add3A_28, %mul3A_33 : vector<2048x160xf32>
    %erf3A_35 = math.erf %mul3A_34 : vector<2048x160xf32>
    %add3A_36 = arith.constant 1.000000e+00 : f32
    %add3A_37 = vector.broadcast %add3A_36 : f32 to vector<2048x160xf32>
    %add3A_38 = arith.addf %add3A_37, %erf3A_35 : vector<2048x160xf32>
    %mul3A_39 = arith.mulf %mul3A_31, %add3A_38 : vector<2048x160xf32>
    %get3A_40 = arith.constant 0 : index
    %get3A_41 = arith.constant 0 : index
    %get3A_42 = vector.load %arg29[%get3A_40, %get3A_41] : memref<160x160xf32, #tpu.memory_space<vmem>>, vector<160x160xf32>
    %dot_general3A_43 = arith.constant dense<0.000000e+00> : vector<2048x160xf32>
    %dot_general3A_44 = tpu.matmul %mul3A_39, %get3A_42, %dot_general3A_43 {dimension_numbers = #tpu.dot_dimension_numbers<[1], [0], [0], [1], [0, 0, 1, 1], [], []>, transpose_lhs_hint = false} : vector<2048x160xf32>, vector<160x160xf32>, vector<2048x160xf32> -> vector<2048x160xf32>
    %get3A_45 = arith.constant 0 : index
    %get3A_46 = memref.load %arg7[%get3A_45] : memref<1xf32, #tpu.memory_space<smem>>
    %add3A_47 = vector.broadcast %get3A_46 : f32 to vector<2048x160xf32>
    %add3A_48 = arith.addf %dot_general3A_44, %add3A_47 : vector<2048x160xf32>
    %mul3A_49 = arith.constant 5.000000e-01 : f32
    %mul3A_50 = vector.broadcast %mul3A_49 : f32 to vector<2048x160xf32>
    %mul3A_51 = arith.mulf %mul3A_50, %add3A_48 : vector<2048x160xf32>
    %mul3A_52 = arith.constant 0.707106769 : f32
    %mul3A_53 = vector.broadcast %mul3A_52 : f32 to vector<2048x160xf32>
    %mul3A_54 = arith.mulf %add3A_48, %mul3A_53 : vector<2048x160xf32>
    %erf3A_55 = math.erf %mul3A_54 : vector<2048x160xf32>
    %add3A_56 = arith.constant 1.000000e+00 : f32
    %add3A_57 = vector.broadcast %add3A_56 : f32 to vector<2048x160xf32>
    %add3A_58 = arith.addf %add3A_57, %erf3A_55 : vector<2048x160xf32>
    %mul3A_59 = arith.mulf %mul3A_51, %add3A_58 : vector<2048x160xf32>
    %get3A_60 = arith.constant 0 : index
    %get3A_61 = arith.constant 0 : index
    %get3A_62 = vector.load %arg30[%get3A_60, %get3A_61] : memref<160x160xf32, #tpu.memory_space<vmem>>, vector<160x160xf32>
    %dot_general3A_63 = arith.constant dense<0.000000e+00> : vector<2048x160xf32>
    %dot_general3A_64 = tpu.matmul %mul3A_59, %get3A_62, %dot_general3A_63 {dimension_numbers = #tpu.dot_dimension_numbers<[1], [0], [0], [1], [0, 0, 1, 1], [], []>, transpose_lhs_hint = false} : vector<2048x160xf32>, vector<160x160xf32>, vector<2048x160xf32> -> vector<2048x160xf32>
    %get3A_65 = arith.constant 0 : index
    %get3A_66 = memref.load %arg9[%get3A_65] : memref<1xf32, #tpu.memory_space<smem>>
    %add3A_67 = vector.broadcast %get3A_66 : f32 to vector<2048x160xf32>
    %add3A_68 = arith.addf %dot_general3A_64, %add3A_67 : vector<2048x160xf32>
    %mul3A_69 = arith.constant 5.000000e-01 : f32
    %mul3A_70 = vector.broadcast %mul3A_69 : f32 to vector<2048x160xf32>
    %mul3A_71 = arith.mulf %mul3A_70, %add3A_68 : vector<2048x160xf32>
    %mul3A_72 = arith.constant 0.707106769 : f32
    %mul3A_73 = vector.broadcast %mul3A_72 : f32 to vector<2048x160xf32>
    %mul3A_74 = arith.mulf %add3A_68, %mul3A_73 : vector<2048x160xf32>
    %erf3A_75 = math.erf %mul3A_74 : vector<2048x160xf32>
    %add3A_76 = arith.constant 1.000000e+00 : f32
    %add3A_77 = vector.broadcast %add3A_76 : f32 to vector<2048x160xf32>
    %add3A_78 = arith.addf %add3A_77, %erf3A_75 : vector<2048x160xf32>
    %mul3A_79 = arith.mulf %mul3A_71, %add3A_78 : vector<2048x160xf32>
    %get3A_80 = arith.constant 0 : index
    %get3A_81 = arith.constant 0 : index
    %get3A_82 = vector.load %arg31[%get3A_80, %get3A_81] : memref<160x160xf32, #tpu.memory_space<vmem>>, vector<160x160xf32>
    %dot_general3A_83 = arith.constant dense<0.000000e+00> : vector<2048x160xf32>
    %dot_general3A_84 = tpu.matmul %mul3A_79, %get3A_82, %dot_general3A_83 {dimension_numbers = #tpu.dot_dimension_numbers<[1], [0], [0], [1], [0, 0, 1, 1], [], []>, transpose_lhs_hint = false} : vector<2048x160xf32>, vector<160x160xf32>, vector<2048x160xf32> -> vector<2048x160xf32>
    %get3A_85 = arith.constant 0 : index
    %get3A_86 = memref.load %arg11[%get3A_85] : memref<1xf32, #tpu.memory_space<smem>>
    %add3A_87 = vector.broadcast %get3A_86 : f32 to vector<2048x160xf32>
    %add3A_88 = arith.addf %dot_general3A_84, %add3A_87 : vector<2048x160xf32>
    %add3A_89 = arith.addf %add3A_88, %get3A_3 : vector<2048x160xf32>
    %swap3A = arith.constant 0 : index
    %swap3A_90 = arith.constant 0 : index
    %swap3A_91 = vector.load %arg24[%swap3A, %swap3A_90] : memref<2048x160xf32, #tpu.memory_space<vmem>>, vector<2048x160xf32>
    tpu.vector_store %arg24[%swap3A, %swap3A_90], %add3A_89 {strides = array<i32>} : memref<2048x160xf32, #tpu.memory_space<vmem>>, vector<2048x160xf32>,
    %eq3A_92 = arith.constant 0 : i32
    %eq3A_93 = arith.cmpi eq, %arg0, %eq3A_92 : i32
    %convert_element_type3A_94 = arith.extui %eq3A_93 : i1 to i32
    %cond3A_95 = arith.constant 0 : i32
    %cond3A_96 = arith.cmpi ne, %convert_element_type3A_94, %cond3A_95 : i32
    scf.if %cond3A_96 {
      %get3A_97 = arith.constant 0 : index
      %get3A_98 = arith.constant 0 : index
      %get3A_99 = vector.load %arg23[%get3A_97, %get3A_98] : memref<16x1xf32, #tpu.memory_space<vmem>>, vector<16x1xf32>
      %broadcast_in_dim3A = vector.shape_cast %get3A_99 : vector<16x1xf32> to vector<16x1xf32>
      %broadcast_in_dim3A_100 = vector.broadcast %broadcast_in_dim3A : vector<16x1xf32> to vector<16x16xf32>
      %swap3A_101 = arith.constant 0 : index
      %swap3A_102 = arith.constant 0 : index
      %swap3A_103 = vector.load %arg26[%swap3A_101, %swap3A_102] : memref<16x16xf32, #tpu.memory_space<vmem>>, vector<16x16xf32>
      tpu.vector_store %arg26[%swap3A_101, %swap3A_102], %broadcast_in_dim3A_100 {strides = array<i32>} : memref<16x16xf32, #tpu.memory_space<vmem>>, vector<16x16xf32>,
      %get3A_104 = arith.constant 0 : index
      %get3A_105 = memref.load %arg13[%get3A_104] : memref<1xf32, #tpu.memory_space<smem>>
      %get3A_106 = arith.constant 0 : index
      %get3A_107 = arith.constant 0 : index
      %get3A_108 = memref.load %arg14[%get3A_106, %get3A_107] : memref<4x1xf32, #tpu.memory_space<smem>>
      %mul3A_109 = arith.mulf %get3A_105, %get3A_108 : f32
      %get3A_110 = arith.constant 1 : index
      %get3A_111 = arith.constant 0 : index
      %get3A_112 = memref.load %arg14[%get3A_110, %get3A_111] : memref<4x1xf32, #tpu.memory_space<smem>>
      %mul3A_113 = arith.mulf %get3A_105, %get3A_112 : f32
      %get3A_114 = arith.constant 2 : index
      %get3A_115 = arith.constant 0 : index
      %get3A_116 = memref.load %arg14[%get3A_114, %get3A_115] : memref<4x1xf32, #tpu.memory_space<smem>>
      %mul3A_117 = arith.mulf %get3A_105, %get3A_116 : f32
      %get3A_118 = arith.constant 3 : index
      %get3A_119 = arith.constant 0 : index
      %get3A_120 = memref.load %arg14[%get3A_118, %get3A_119] : memref<4x1xf32, #tpu.memory_space<smem>>
      %mul3A_121 = arith.mulf %get3A_105, %get3A_120 : f32
      %iota3A = tpu.iota {dimensions = array<i32: 1>} : vector<1x160xi32>
      %get3A_122 = arith.constant 0 : index
      %get3A_123 = arith.constant 0 : index
      %get3A_124 = arith.constant 1 : index
      %get3A_125 = memref.load %arg15[%get3A_122, %get3A_123, %get3A_124] : memref<2x1x4xf32, #tpu.memory_space<smem>>
      %get3A_126 = arith.constant 0 : index
      %get3A_127 = arith.constant 0 : index
      %get3A_128 = arith.constant 2 : index
      %get3A_129 = memref.load %arg15[%get3A_126, %get3A_127, %get3A_128] : memref<2x1x4xf32, #tpu.memory_space<smem>>
      %get3A_130 = arith.constant 0 : index
      %get3A_131 = arith.constant 0 : index
      %get3A_132 = arith.constant 3 : index
      %get3A_133 = memref.load %arg15[%get3A_130, %get3A_131, %get3A_132] : memref<2x1x4xf32, #tpu.memory_space<smem>>
      %get3A_134 = arith.constant 0 : index
      %get3A_135 = arith.constant 0 : index
      %get3A_136 = arith.constant 0 : index
      %get3A_137 = memref.load %arg15[%get3A_134, %get3A_135, %get3A_136] : memref<2x1x4xf32, #tpu.memory_space<smem>>
      %add3A_138 = arith.addf %get3A_137, %get3A_125 : f32
      %add3A_139 = arith.addf %add3A_138, %get3A_129 : f32
      %add3A_140 = arith.addf %add3A_139, %get3A_133 : f32
      %eq3A_141 = arith.constant 0 : i32
      %eq3A_142 = vector.broadcast %eq3A_141 : i32 to vector<1x160xi32>
      %eq3A_143 = arith.cmpi eq, %iota3A, %eq3A_142 : vector<1x160xi32>
      %eq3A_144 = arith.constant 1 : i32
      %eq3A_145 = vector.broadcast %eq3A_144 : i32 to vector<1x160xi32>
      %eq3A_146 = arith.cmpi eq, %iota3A, %eq3A_145 : vector<1x160xi32>
      %add3A_147 = arith.addf %get3A_129, %get3A_133 : f32
      %eq3A_148 = arith.constant 2 : i32
      %eq3A_149 = vector.broadcast %eq3A_148 : i32 to vector<1x160xi32>
      %eq3A_150 = arith.cmpi eq, %iota3A, %eq3A_149 : vector<1x160xi32>
      %add3A_151 = arith.addf %get3A_125, %get3A_129 : f32
      %add3A_152 = arith.addf %add3A_151, %get3A_133 : f32
      %broadcast_in_dim3A_153 = vector.broadcast %add3A_152 : f32 to vector<1x160xf32>
      %broadcast_in_dim3A_154 = vector.broadcast %add3A_140 : f32 to vector<1x160xf32>
      %select_n3A = arith.select %eq3A_150, %broadcast_in_dim3A_153, %broadcast_in_dim3A_154 : vector<1x160xi1>, vector<1x160xf32>
      %broadcast_in_dim3A_155 = vector.broadcast %add3A_147 : f32 to vector<1x160xf32>
      %select_n3A_156 = arith.select %eq3A_146, %broadcast_in_dim3A_155, %select_n3A : vector<1x160xi1>, vector<1x160xf32>
      %broadcast_in_dim3A_157 = vector.broadcast %get3A_133 : f32 to vector<1x160xf32>
      %select_n3A_158 = arith.select %eq3A_143, %broadcast_in_dim3A_157, %select_n3A_156 : vector<1x160xi1>, vector<1x160xf32>
      %mul3A_159 = vector.broadcast %mul3A_109 : f32 to vector<1x160xf32>
      %mul3A_160 = arith.mulf %select_n3A_158, %mul3A_159 : vector<1x160xf32>
      %get3A_161 = arith.constant 0 : index
      %get3A_162 = memref.load %arg16[%get3A_161] : memref<2xf32, #tpu.memory_space<smem>>
      %add3A_163 = vector.broadcast %get3A_162 : f32 to vector<1x160xf32>
      %add3A_164 = arith.addf %mul3A_160, %add3A_163 : vector<1x160xf32>
      %neg3A = arith.constant 0.000000e+00 : f32
      %neg3A_165 = vector.broadcast %neg3A : f32 to vector<1x160xf32>
      %neg3A_166 = arith.subf %neg3A_165, %add3A_164 : vector<1x160xf32>
      %exp3A = math.exp %neg3A_166 : vector<1x160xf32>
      %add3A_167 = arith.constant 1.000000e+00 : f32
      %add3A_168 = vector.broadcast %add3A_167 : f32 to vector<1x160xf32>
      %add3A_169 = arith.addf %add3A_168, %exp3A : vector<1x160xf32>
      %div3A = arith.constant 1.000000e+00 : f32
      %div3A_170 = vector.broadcast %div3A : f32 to vector<1x160xf32>
      %div3A_171 = arith.divf %div3A_170, %add3A_169 : vector<1x160xf32>
      %mul3A_172 = arith.mulf %add3A_164, %div3A_171 : vector<1x160xf32>
      %get3A_173 = arith.constant 1 : index
      %get3A_174 = arith.constant 0 : index
      %get3A_175 = arith.constant 1 : index
      %get3A_176 = memref.load %arg15[%get3A_173, %get3A_174, %get3A_175] : memref<2x1x4xf32, #tpu.memory_space<smem>>
      %get3A_177 = arith.constant 1 : index
      %get3A_178 = arith.constant 0 : index
      %get3A_179 = arith.constant 2 : index
      %get3A_180 = memref.load %arg15[%get3A_177, %get3A_178, %get3A_179] : memref<2x1x4xf32, #tpu.memory_space<smem>>
      %get3A_181 = arith.constant 1 : index
      %get3A_182 = arith.constant 0 : index
      %get3A_183 = arith.constant 3 : index
      %get3A_184 = memref.load %arg15[%get3A_181, %get3A_182, %get3A_183] : memref<2x1x4xf32, #tpu.memory_space<smem>>
      %get3A_185 = arith.constant 1 : index
      %get3A_186 = arith.constant 0 : index
      %get3A_187 = arith.constant 0 : index
      %get3A_188 = memref.load %arg15[%get3A_185, %get3A_186, %get3A_187] : memref<2x1x4xf32, #tpu.memory_space<smem>>
      %add3A_189 = arith.addf %get3A_188, %get3A_176 : f32
      %add3A_190 = arith.addf %add3A_189, %get3A_180 : f32
      %add3A_191 = arith.addf %add3A_190, %get3A_184 : f32
      %eq3A_192 = arith.constant 0 : i32
      %eq3A_193 = vector.broadcast %eq3A_192 : i32 to vector<1x160xi32>
      %eq3A_194 = arith.cmpi eq, %iota3A, %eq3A_193 : vector<1x160xi32>
      %eq3A_195 = arith.constant 1 : i32
      %eq3A_196 = vector.broadcast %eq3A_195 : i32 to vector<1x160xi32>
      %eq3A_197 = arith.cmpi eq, %iota3A, %eq3A_196 : vector<1x160xi32>
      %add3A_198 = arith.addf %get3A_180, %get3A_184 : f32
      %eq3A_199 = arith.constant 2 : i32
      %eq3A_200 = vector.broadcast %eq3A_199 : i32 to vector<1x160xi32>
      %eq3A_201 = arith.cmpi eq, %iota3A, %eq3A_200 : vector<1x160xi32>
      %add3A_202 = arith.addf %get3A_176, %get3A_180 : f32
      %add3A_203 = arith.addf %add3A_202, %get3A_184 : f32
      %broadcast_in_dim3A_204 = vector.broadcast %add3A_203 : f32 to vector<1x160xf32>
      %broadcast_in_dim3A_205 = vector.broadcast %add3A_191 : f32 to vector<1x160xf32>
      %select_n3A_206 = arith.select %eq3A_201, %broadcast_in_dim3A_204, %broadcast_in_dim3A_205 : vector<1x160xi1>, vector<1x160xf32>
      %broadcast_in_dim3A_207 = vector.broadcast %add3A_198 : f32 to vector<1x160xf32>
      %select_n3A_208 = arith.select %eq3A_197, %broadcast_in_dim3A_207, %select_n3A_206 : vector<1x160xi1>, vector<1x160xf32>
      %broadcast_in_dim3A_209 = vector.broadcast %get3A_184 : f32 to vector<1x160xf32>
      %select_n3A_210 = arith.select %eq3A_194, %broadcast_in_dim3A_209, %select_n3A_208 : vector<1x160xi1>, vector<1x160xf32>
      %mul3A_211 = vector.broadcast %mul3A_113 : f32 to vector<1x160xf32>
      %mul3A_212 = arith.mulf %select_n3A_210, %mul3A_211 : vector<1x160xf32>
      %get3A_213 = arith.constant 1 : index
      %get3A_214 = memref.load %arg16[%get3A_213] : memref<2xf32, #tpu.memory_space<smem>>
      %add3A_215 = vector.broadcast %get3A_214 : f32 to vector<1x160xf32>
      %add3A_216 = arith.addf %mul3A_212, %add3A_215 : vector<1x160xf32>
      %neg3A_217 = arith.constant 0.000000e+00 : f32
      %neg3A_218 = vector.broadcast %neg3A_217 : f32 to vector<1x160xf32>
      %neg3A_219 = arith.subf %neg3A_218, %add3A_216 : vector<1x160xf32>
      %exp3A_220 = math.exp %neg3A_219 : vector<1x160xf32>
      %add3A_221 = arith.constant 1.000000e+00 : f32
      %add3A_222 = vector.broadcast %add3A_221 : f32 to vector<1x160xf32>
      %add3A_223 = arith.addf %add3A_222, %exp3A_220 : vector<1x160xf32>
      %div3A_224 = arith.constant 1.000000e+00 : f32
      %div3A_225 = vector.broadcast %div3A_224 : f32 to vector<1x160xf32>
      %div3A_226 = arith.divf %div3A_225, %add3A_223 : vector<1x160xf32>
      %mul3A_227 = arith.mulf %add3A_216, %div3A_226 : vector<1x160xf32>
      %get3A_228 = arith.constant 0 : index
      %get3A_229 = arith.constant 0 : index
      %get3A_230 = vector.load %arg17[%get3A_228, %get3A_229] : memref<97x2xf32, #tpu.memory_space<vmem>>, vector<97x1xf32>
      %mul3A_231 = vector.broadcast %get3A_230 : vector<97x1xf32> to vector<97x160xf32>
      %mul3A_232 = vector.broadcast %mul3A_172 : vector<1x160xf32> to vector<97x160xf32>
      %mul3A_233 = arith.mulf %mul3A_231, %mul3A_232 : vector<97x160xf32>
      %get3A_234 = arith.constant 0 : index
      %get3A_235 = arith.constant 1 : index
      %get3A_236 = vector.load %arg17[%get3A_234, %get3A_235] : memref<97x2xf32, #tpu.memory_space<vmem>>, vector<97x1xf32>
      %mul3A_237 = vector.broadcast %get3A_236 : vector<97x1xf32> to vector<97x160xf32>
      %mul3A_238 = vector.broadcast %mul3A_227 : vector<1x160xf32> to vector<97x160xf32>
      %mul3A_239 = arith.mulf %mul3A_237, %mul3A_238 : vector<97x160xf32>
      %add3A_240 = arith.addf %mul3A_233, %mul3A_239 : vector<97x160xf32>
      %slice3A = vector.extract_strided_slice %add3A_240 {offsets = [0, 0], sizes = [1, 160], strides = [1, 1]} : vector<97x160xf32> to vector<1x160xf32>
      %slice3A_241 = vector.extract_strided_slice %add3A_240 {offsets = [1, 0], sizes = [48, 160], strides = [1, 1]} : vector<97x160xf32> to vector<48x160xf32>
      %slice3A_242 = vector.extract_strided_slice %add3A_240 {offsets = [49, 0], sizes = [48, 160], strides = [1, 1]} : vector<97x160xf32> to vector<48x160xf32>
      %get3A_243 = arith.constant 0 : index
      %get3A_244 = arith.constant 0 : index
      %get3A_245 = memref.load %arg18[%get3A_243, %get3A_244] : memref<2x1xf32, #tpu.memory_space<smem>>
      %mul3A_246 = vector.broadcast %get3A_245 : f32 to vector<1x160xf32>
      %mul3A_247 = arith.mulf %slice3A, %mul3A_246 : vector<1x160xf32>
      %get3A_248 = arith.constant 0 : index
      %get3A_249 = memref.load %arg19[%get3A_248] : memref<2xf32, #tpu.memory_space<smem>>
      %add3A_250 = vector.broadcast %get3A_249 : f32 to vector<1x160xf32>
      %add3A_251 = arith.addf %mul3A_247, %add3A_250 : vector<1x160xf32>
      %max3A = arith.constant 0.000000e+00 : f32
      %max3A_252 = vector.broadcast %max3A : f32 to vector<1x160xf32>
      %max3A_253 = arith.maximumf %add3A_251, %max3A_252 : vector<1x160xf32>
      %abs3A = math.absf %add3A_251 : vector<1x160xf32>
      %neg3A_254 = arith.constant 0.000000e+00 : f32
      %neg3A_255 = vector.broadcast %neg3A_254 : f32 to vector<1x160xf32>
      %neg3A_256 = arith.subf %neg3A_255, %abs3A : vector<1x160xf32>
      %exp3A_257 = math.exp %neg3A_256 : vector<1x160xf32>
      %add3A_258 = arith.constant 1.000000e+00 : f32
      %add3A_259 = vector.broadcast %add3A_258 : f32 to vector<1x160xf32>
      %add3A_260 = arith.addf %add3A_259, %exp3A_257 : vector<1x160xf32>
      %log3A = math.log %add3A_260 : vector<1x160xf32>
      %add3A_261 = arith.addf %max3A_253, %log3A : vector<1x160xf32>
      %get3A_262 = arith.constant 1 : index
      %get3A_263 = arith.constant 0 : index
      %get3A_264 = memref.load %arg18[%get3A_262, %get3A_263] : memref<2x1xf32, #tpu.memory_space<smem>>
      %mul3A_265 = vector.broadcast %get3A_264 : f32 to vector<1x160xf32>
      %mul3A_266 = arith.mulf %slice3A, %mul3A_265 : vector<1x160xf32>
      %get3A_267 = arith.constant 1 : index
      %get3A_268 = memref.load %arg19[%get3A_267] : memref<2xf32, #tpu.memory_space<smem>>
      %add3A_269 = vector.broadcast %get3A_268 : f32 to vector<1x160xf32>
      %add3A_270 = arith.addf %mul3A_266, %add3A_269 : vector<1x160xf32>
      %max3A_271 = arith.constant 0.000000e+00 : f32
      %max3A_272 = vector.broadcast %max3A_271 : f32 to vector<1x160xf32>
      %max3A_273 = arith.maximumf %add3A_270, %max3A_272 : vector<1x160xf32>
      %abs3A_274 = math.absf %add3A_270 : vector<1x160xf32>
      %neg3A_275 = arith.constant 0.000000e+00 : f32
      %neg3A_276 = vector.broadcast %neg3A_275 : f32 to vector<1x160xf32>
      %neg3A_277 = arith.subf %neg3A_276, %abs3A_274 : vector<1x160xf32>
      %exp3A_278 = math.exp %neg3A_277 : vector<1x160xf32>
      %add3A_279 = arith.constant 1.000000e+00 : f32
      %add3A_280 = vector.broadcast %add3A_279 : f32 to vector<1x160xf32>
      %add3A_281 = arith.addf %add3A_280, %exp3A_278 : vector<1x160xf32>
      %log3A_282 = math.log %add3A_281 : vector<1x160xf32>
      %add3A_283 = arith.addf %max3A_273, %log3A_282 : vector<1x160xf32>
      %broadcast_in_dim3A_284 = vector.shape_cast %add3A_261 : vector<1x160xf32> to vector<1x160xf32>
      %broadcast_in_dim3A_285 = vector.broadcast %broadcast_in_dim3A_284 : vector<1x160xf32> to vector<48x160xf32>
      %broadcast_in_dim3A_286 = vector.shape_cast %add3A_283 : vector<1x160xf32> to vector<1x160xf32>
      %broadcast_in_dim3A_287 = vector.broadcast %broadcast_in_dim3A_286 : vector<1x160xf32> to vector<48x160xf32>
      %concatenate3A = tpu.concatenate %broadcast_in_dim3A_285, %broadcast_in_dim3A_287, %broadcast_in_dim3A_285, %broadcast_in_dim3A_287 in 0 : vector<48x160xf32>, vector<48x160xf32>, vector<48x160xf32>, vector<48x160xf32> -> vector<192x160xf32>
      %broadcast_in_dim3A_288 = vector.shape_cast %mul3A_172 : vector<1x160xf32> to vector<1x160xf32>
      %broadcast_in_dim3A_289 = vector.broadcast %broadcast_in_dim3A_288 : vector<1x160xf32> to vector<48x160xf32>
      %broadcast_in_dim3A_290 = vector.shape_cast %mul3A_227 : vector<1x160xf32> to vector<1x160xf32>
      %broadcast_in_dim3A_291 = vector.broadcast %broadcast_in_dim3A_290 : vector<1x160xf32> to vector<48x160xf32>
      %concatenate3A_292 = tpu.concatenate %broadcast_in_dim3A_289, %broadcast_in_dim3A_291, %broadcast_in_dim3A_289, %broadcast_in_dim3A_291 in 0 : vector<48x160xf32>, vector<48x160xf32>, vector<48x160xf32>, vector<48x160xf32> -> vector<192x160xf32>
      %get3A_293 = arith.constant 0 : index
      %get3A_294 = arith.constant 0 : index
      %get3A_295 = vector.load %arg20[%get3A_293, %get3A_294] : memref<192x1xf32, #tpu.memory_space<vmem>>, vector<192x1xf32>
      %exp3A_296 = math.exp %get3A_295 : vector<192x1xf32>
      %neg3A_297 = arith.constant 0.000000e+00 : f32
      %neg3A_298 = vector.broadcast %neg3A_297 : f32 to vector<192x1xf32>
      %neg3A_299 = arith.subf %neg3A_298, %exp3A_296 : vector<192x1xf32>
      %mul3A_300 = vector.broadcast %neg3A_299 : vector<192x1xf32> to vector<192x160xf32>
      %mul3A_301 = arith.mulf %concatenate3A, %mul3A_300 : vector<192x160xf32>
      %exp3A_302 = math.exp %mul3A_301 : vector<192x160xf32>
      %concatenate3A_303 = tpu.concatenate %slice3A_241, %slice3A_241, %slice3A_241, %slice3A_241 in 0 : vector<48x160xf32>, vector<48x160xf32>, vector<48x160xf32>, vector<48x160xf32> -> vector<192x160xf32>
      %mul3A_304 = arith.mulf %concatenate3A, %concatenate3A_303 : vector<192x160xf32>
      %mul3A_305 = arith.mulf %mul3A_304, %concatenate3A_292 : vector<192x160xf32>
      %broadcast_in_dim3A_306 = arith.constant 1.000000e+00 : f32
      %broadcast_in_dim3A_307 = vector.broadcast %broadcast_in_dim3A_306 : f32 to vector<192x1xf32>
      %broadcast_in_dim3A_308 = arith.constant 0.000000e+00 : f32
      %broadcast_in_dim3A_309 = vector.broadcast %broadcast_in_dim3A_308 : f32 to vector<192x1xf32>
      %slice3A_310 = vector.extract_strided_slice %exp3A_302 {offsets = [0, 0], sizes = [192, 159], strides = [1, 1]} : vector<192x160xf32> to vector<192x159xf32>
      %concatenate3A_311 = tpu.concatenate %broadcast_in_dim3A_307, %slice3A_310 in 1 : vector<192x1xf32>, vector<192x159xf32> -> vector<192x160xf32>
      %slice3A_312 = vector.extract_strided_slice %mul3A_305 {offsets = [0, 0], sizes = [192, 159], strides = [1, 1]} : vector<192x160xf32> to vector<192x159xf32>
      %concatenate3A_313 = tpu.concatenate %broadcast_in_dim3A_309, %slice3A_312 in 1 : vector<192x1xf32>, vector<192x159xf32> -> vector<192x160xf32>
      %mul3A_314 = arith.mulf %exp3A_302, %concatenate3A_313 : vector<192x160xf32>
      %add3A_315 = arith.addf %mul3A_314, %mul3A_305 : vector<192x160xf32>
      %mul3A_316 = arith.mulf %exp3A_302, %concatenate3A_311 : vector<192x160xf32>
      %broadcast_in_dim3A_317 = arith.constant 1.000000e+00 : f32
      %broadcast_in_dim3A_318 = vector.broadcast %broadcast_in_dim3A_317 : f32 to vector<192x2xf32>
      %broadcast_in_dim3A_319 = arith.constant 0.000000e+00 : f32
      %broadcast_in_dim3A_320 = vector.broadcast %broadcast_in_dim3A_319 : f32 to vector<192x2xf32>
      %slice3A_321 = vector.extract_strided_slice %mul3A_316 {offsets = [0, 0], sizes = [192, 158], strides = [1, 1]} : vector<192x160xf32> to vector<192x158xf32>
      %concatenate3A_322 = tpu.concatenate %broadcast_in_dim3A_318, %slice3A_321 in 1 : vector<192x2xf32>, vector<192x158xf32> -> vector<192x160xf32>
      %slice3A_323 = vector.extract_strided_slice %add3A_315 {offsets = [0, 0], sizes = [192, 158], strides = [1, 1]} : vector<192x160xf32> to vector<192x158xf32>
      %concatenate3A_324 = tpu.concatenate %broadcast_in_dim3A_320, %slice3A_323 in 1 : vector<192x2xf32>, vector<192x158xf32> -> vector<192x160xf32>
      %mul3A_325 = arith.mulf %mul3A_316, %concatenate3A_324 : vector<192x160xf32>
      %add3A_326 = arith.addf %mul3A_325, %add3A_315 : vector<192x160xf32>
      %mul3A_327 = arith.mulf %mul3A_316, %concatenate3A_322 : vector<192x160xf32>
      %broadcast_in_dim3A_328 = arith.constant 1.000000e+00 : f32
      %broadcast_in_dim3A_329 = vector.broadcast %broadcast_in_dim3A_328 : f32 to vector<192x4xf32>
      %broadcast_in_dim3A_330 = arith.constant 0.000000e+00 : f32
      %broadcast_in_dim3A_331 = vector.broadcast %broadcast_in_dim3A_330 : f32 to vector<192x4xf32>
      %slice3A_332 = vector.extract_strided_slice %mul3A_327 {offsets = [0, 0], sizes = [192, 156], strides = [1, 1]} : vector<192x160xf32> to vector<192x156xf32>
      %concatenate3A_333 = tpu.concatenate %broadcast_in_dim3A_329, %slice3A_332 in 1 : vector<192x4xf32>, vector<192x156xf32> -> vector<192x160xf32>
      %slice3A_334 = vector.extract_strided_slice %add3A_326 {offsets = [0, 0], sizes = [192, 156], strides = [1, 1]} : vector<192x160xf32> to vector<192x156xf32>
      %concatenate3A_335 = tpu.concatenate %broadcast_in_dim3A_331, %slice3A_334 in 1 : vector<192x4xf32>, vector<192x156xf32> -> vector<192x160xf32>
      %mul3A_336 = arith.mulf %mul3A_327, %concatenate3A_335 : vector<192x160xf32>
      %add3A_337 = arith.addf %mul3A_336, %add3A_326 : vector<192x160xf32>
      %mul3A_338 = arith.mulf %mul3A_327, %concatenate3A_333 : vector<192x160xf32>
      %broadcast_in_dim3A_339 = arith.constant 1.000000e+00 : f32
      %broadcast_in_dim3A_340 = vector.broadcast %broadcast_in_dim3A_339 : f32 to vector<192x8xf32>
      %broadcast_in_dim3A_341 = arith.constant 0.000000e+00 : f32
      %broadcast_in_dim3A_342 = vector.broadcast %broadcast_in_dim3A_341 : f32 to vector<192x8xf32>
      %slice3A_343 = vector.extract_strided_slice %mul3A_338 {offsets = [0, 0], sizes = [192, 152], strides = [1, 1]} : vector<192x160xf32> to vector<192x152xf32>
      %concatenate3A_344 = tpu.concatenate %broadcast_in_dim3A_340, %slice3A_343 in 1 : vector<192x8xf32>, vector<192x152xf32> -> vector<192x160xf32>
      %slice3A_345 = vector.extract_strided_slice %add3A_337 {offsets = [0, 0], sizes = [192, 152], strides = [1, 1]} : vector<192x160xf32> to vector<192x152xf32>
      %concatenate3A_346 = tpu.concatenate %broadcast_in_dim3A_342, %slice3A_345 in 1 : vector<192x8xf32>, vector<192x152xf32> -> vector<192x160xf32>
      %mul3A_347 = arith.mulf %mul3A_338, %concatenate3A_346 : vector<192x160xf32>
      %add3A_348 = arith.addf %mul3A_347, %add3A_337 : vector<192x160xf32>
      %mul3A_349 = arith.mulf %mul3A_338, %concatenate3A_344 : vector<192x160xf32>
      %broadcast_in_dim3A_350 = arith.constant 1.000000e+00 : f32
      %broadcast_in_dim3A_351 = vector.broadcast %broadcast_in_dim3A_350 : f32 to vector<192x16xf32>
      %broadcast_in_dim3A_352 = arith.constant 0.000000e+00 : f32
      %broadcast_in_dim3A_353 = vector.broadcast %broadcast_in_dim3A_352 : f32 to vector<192x16xf32>
      %slice3A_354 = vector.extract_strided_slice %mul3A_349 {offsets = [0, 0], sizes = [192, 144], strides = [1, 1]} : vector<192x160xf32> to vector<192x144xf32>
      %concatenate3A_355 = tpu.concatenate %broadcast_in_dim3A_351, %slice3A_354 in 1 : vector<192x16xf32>, vector<192x144xf32> -> vector<192x160xf32>
      %slice3A_356 = vector.extract_strided_slice %add3A_348 {offsets = [0, 0], sizes = [192, 144], strides = [1, 1]} : vector<192x160xf32> to vector<192x144xf32>
      %concatenate3A_357 = tpu.concatenate %broadcast_in_dim3A_353, %slice3A_356 in 1 : vector<192x16xf32>, vector<192x144xf32> -> vector<192x160xf32>
      %mul3A_358 = arith.mulf %mul3A_349, %concatenate3A_357 : vector<192x160xf32>
      %add3A_359 = arith.addf %mul3A_358, %add3A_348 : vector<192x160xf32>
      %mul3A_360 = arith.mulf %mul3A_349, %concatenate3A_355 : vector<192x160xf32>
      %broadcast_in_dim3A_361 = arith.constant 1.000000e+00 : f32
      %broadcast_in_dim3A_362 = vector.broadcast %broadcast_in_dim3A_361 : f32 to vector<192x32xf32>
      %broadcast_in_dim3A_363 = arith.constant 0.000000e+00 : f32
      %broadcast_in_dim3A_364 = vector.broadcast %broadcast_in_dim3A_363 : f32 to vector<192x32xf32>
      %slice3A_365 = vector.extract_strided_slice %mul3A_360 {offsets = [0, 0], sizes = [192, 128], strides = [1, 1]} : vector<192x160xf32> to vector<192x128xf32>
      %concatenate3A_366 = tpu.concatenate %broadcast_in_dim3A_362, %slice3A_365 in 1 : vector<192x32xf32>, vector<192x128xf32> -> vector<192x160xf32>
      %slice3A_367 = vector.extract_strided_slice %add3A_359 {offsets = [0, 0], sizes = [192, 128], strides = [1, 1]} : vector<192x160xf32> to vector<192x128xf32>
      %concatenate3A_368 = tpu.concatenate %broadcast_in_dim3A_364, %slice3A_367 in 1 : vector<192x32xf32>, vector<192x128xf32> -> vector<192x160xf32>
      %mul3A_369 = arith.mulf %mul3A_360, %concatenate3A_368 : vector<192x160xf32>
      %add3A_370 = arith.addf %mul3A_369, %add3A_359 : vector<192x160xf32>
      %mul3A_371 = arith.mulf %mul3A_360, %concatenate3A_366 : vector<192x160xf32>
      %broadcast_in_dim3A_372 = arith.constant 1.000000e+00 : f32
      %broadcast_in_dim3A_373 = vector.broadcast %broadcast_in_dim3A_372 : f32 to vector<192x64xf32>
      %broadcast_in_dim3A_374 = arith.constant 0.000000e+00 : f32
      %broadcast_in_dim3A_375 = vector.broadcast %broadcast_in_dim3A_374 : f32 to vector<192x64xf32>
      %slice3A_376 = vector.extract_strided_slice %mul3A_371 {offsets = [0, 0], sizes = [192, 96], strides = [1, 1]} : vector<192x160xf32> to vector<192x96xf32>
      %concatenate3A_377 = tpu.concatenate %broadcast_in_dim3A_373, %slice3A_376 in 1 : vector<192x64xf32>, vector<192x96xf32> -> vector<192x160xf32>
      %slice3A_378 = vector.extract_strided_slice %add3A_370 {offsets = [0, 0], sizes = [192, 96], strides = [1, 1]} : vector<192x160xf32> to vector<192x96xf32>
      %concatenate3A_379 = tpu.concatenate %broadcast_in_dim3A_375, %slice3A_378 in 1 : vector<192x64xf32>, vector<192x96xf32> -> vector<192x160xf32>
      %mul3A_380 = arith.mulf %mul3A_371, %concatenate3A_379 : vector<192x160xf32>
      %add3A_381 = arith.addf %mul3A_380, %add3A_370 : vector<192x160xf32>
      %mul3A_382 = arith.mulf %mul3A_371, %concatenate3A_377 : vector<192x160xf32>
      %broadcast_in_dim3A_383 = arith.constant 0.000000e+00 : f32
      %broadcast_in_dim3A_384 = vector.broadcast %broadcast_in_dim3A_383 : f32 to vector<192x128xf32>
      %slice3A_385 = vector.extract_strided_slice %add3A_381 {offsets = [0, 0], sizes = [192, 32], strides = [1, 1]} : vector<192x160xf32> to vector<192x32xf32>
      %concatenate3A_386 = tpu.concatenate %broadcast_in_dim3A_384, %slice3A_385 in 1 : vector<192x128xf32>, vector<192x32xf32> -> vector<192x160xf32>
      %mul3A_387 = arith.mulf %mul3A_382, %concatenate3A_386 : vector<192x160xf32>
      %add3A_388 = arith.addf %mul3A_387, %add3A_381 : vector<192x160xf32>
      %slice3A_389 = vector.extract_strided_slice %add3A_388 {offsets = [0, 0], sizes = [48, 160], strides = [1, 1]} : vector<192x160xf32> to vector<48x160xf32>
      %mul3A_390 = arith.mulf %slice3A_389, %slice3A_242 : vector<48x160xf32>
      %reduce_sum3A = arith.constant dense<0.000000e+00> : vector<160xf32>
      %reduce_sum3A_391 = vector.multi_reduction <add>, %mul3A_390, %reduce_sum3A [0] : vector<48x160xf32> to vector<160xf32>
      %broadcast_in_dim3A_392 = vector.shape_cast %reduce_sum3A_391 : vector<160xf32> to vector<1x160xf32>
      %slice3A_393 = vector.extract_strided_slice %add3A_388 {offsets = [48, 0], sizes = [48, 160], strides = [1, 1]} : vector<192x160xf32> to vector<48x160xf32>
      %mul3A_394 = arith.mulf %slice3A_393, %slice3A_242 : vector<48x160xf32>
      %reduce_sum3A_395 = arith.constant dense<0.000000e+00> : vector<160xf32>
      %reduce_sum3A_396 = vector.multi_reduction <add>, %mul3A_394, %reduce_sum3A_395 [0] : vector<48x160xf32> to vector<160xf32>
      %broadcast_in_dim3A_397 = vector.shape_cast %reduce_sum3A_396 : vector<160xf32> to vector<1x160xf32>
      %slice3A_398 = vector.extract_strided_slice %add3A_388 {offsets = [96, 0], sizes = [48, 160], strides = [1, 1]} : vector<192x160xf32> to vector<48x160xf32>
      %mul3A_399 = arith.mulf %slice3A_398, %slice3A_242 : vector<48x160xf32>
      %reduce_sum3A_400 = arith.constant dense<0.000000e+00> : vector<160xf32>
      %reduce_sum3A_401 = vector.multi_reduction <add>, %mul3A_399, %reduce_sum3A_400 [0] : vector<48x160xf32> to vector<160xf32>
      %broadcast_in_dim3A_402 = vector.shape_cast %reduce_sum3A_401 : vector<160xf32> to vector<1x160xf32>
      %slice3A_403 = vector.extract_strided_slice %add3A_388 {offsets = [144, 0], sizes = [48, 160], strides = [1, 1]} : vector<192x160xf32> to vector<48x160xf32>
      %mul3A_404 = arith.mulf %slice3A_403, %slice3A_242 : vector<48x160xf32>
      %reduce_sum3A_405 = arith.constant dense<0.000000e+00> : vector<160xf32>
      %reduce_sum3A_406 = vector.multi_reduction <add>, %mul3A_404, %reduce_sum3A_405 [0] : vector<48x160xf32> to vector<160xf32>
      %broadcast_in_dim3A_407 = vector.shape_cast %reduce_sum3A_406 : vector<160xf32> to vector<1x160xf32>
      %broadcast_in_dim3A_408 = vector.broadcast %mul3A_117 : f32 to vector<1x1xf32>
      %neg3A_409 = arith.constant 0.000000e+00 : f32
      %neg3A_410 = vector.broadcast %neg3A_409 : f32 to vector<1x1xf32>
      %neg3A_411 = arith.subf %neg3A_410, %broadcast_in_dim3A_408 : vector<1x1xf32>
      %exp3A_412 = math.exp %neg3A_411 : vector<1x1xf32>
      %add3A_413 = arith.constant 1.000000e+00 : f32
      %add3A_414 = vector.broadcast %add3A_413 : f32 to vector<1x1xf32>
      %add3A_415 = arith.addf %add3A_414, %exp3A_412 : vector<1x1xf32>
      %div3A_416 = arith.constant 1.000000e+00 : f32
      %div3A_417 = vector.broadcast %div3A_416 : f32 to vector<1x1xf32>
      %div3A_418 = arith.divf %div3A_417, %add3A_415 : vector<1x1xf32>
      %mul3A_419 = arith.mulf %broadcast_in_dim3A_408, %div3A_418 : vector<1x1xf32>
      %broadcast_in_dim3A_420 = vector.broadcast %mul3A_121 : f32 to vector<1x1xf32>
      %neg3A_421 = arith.constant 0.000000e+00 : f32
      %neg3A_422 = vector.broadcast %neg3A_421 : f32 to vector<1x1xf32>
      %neg3A_423 = arith.subf %neg3A_422, %broadcast_in_dim3A_420 : vector<1x1xf32>
      %exp3A_424 = math.exp %neg3A_423 : vector<1x1xf32>
      %add3A_425 = arith.constant 1.000000e+00 : f32
      %add3A_426 = vector.broadcast %add3A_425 : f32 to vector<1x1xf32>
      %add3A_427 = arith.addf %add3A_426, %exp3A_424 : vector<1x1xf32>
      %div3A_428 = arith.constant 1.000000e+00 : f32
      %div3A_429 = vector.broadcast %div3A_428 : f32 to vector<1x1xf32>
      %div3A_430 = arith.divf %div3A_429, %add3A_427 : vector<1x1xf32>
      %mul3A_431 = arith.mulf %broadcast_in_dim3A_420, %div3A_430 : vector<1x1xf32>
      %get3A_432 = arith.constant 0 : index
      %get3A_433 = arith.constant 0 : index
      %get3A_434 = memref.load %arg22[%get3A_432, %get3A_433] : memref<1x2xf32, #tpu.memory_space<smem>>
      %get3A_435 = arith.constant 0 : index
      %get3A_436 = arith.constant 1 : index
      %get3A_437 = memref.load %arg22[%get3A_435, %get3A_436] : memref<1x2xf32, #tpu.memory_space<smem>>
      %get3A_438 = arith.constant 0 : index
      %get3A_439 = memref.load %arg21[%get3A_438] : memref<2xf32, #tpu.memory_space<smem>>
      %mul3A_440 = vector.broadcast %get3A_439 : f32 to vector<1x160xf32>
      %mul3A_441 = arith.mulf %mul3A_172, %mul3A_440 : vector<1x160xf32>
      %add3A_442 = arith.addf %broadcast_in_dim3A_392, %mul3A_441 : vector<1x160xf32>
      %mul3A_443 = vector.broadcast %mul3A_419 : vector<1x1xf32> to vector<1x160xf32>
      %mul3A_444 = arith.mulf %add3A_442, %mul3A_443 : vector<1x160xf32>
      %get3A_445 = arith.constant 1 : index
      %get3A_446 = memref.load %arg21[%get3A_445] : memref<2xf32, #tpu.memory_space<smem>>
      %mul3A_447 = vector.broadcast %get3A_446 : f32 to vector<1x160xf32>
      %mul3A_448 = arith.mulf %mul3A_227, %mul3A_447 : vector<1x160xf32>
      %add3A_449 = arith.addf %broadcast_in_dim3A_397, %mul3A_448 : vector<1x160xf32>
      %mul3A_450 = vector.broadcast %mul3A_431 : vector<1x1xf32> to vector<1x160xf32>
      %mul3A_451 = arith.mulf %add3A_449, %mul3A_450 : vector<1x160xf32>
      %get3A_452 = arith.constant 0 : index
      %get3A_453 = memref.load %arg21[%get3A_452] : memref<2xf32, #tpu.memory_space<smem>>
      %mul3A_454 = vector.broadcast %get3A_453 : f32 to vector<1x160xf32>
      %mul3A_455 = arith.mulf %mul3A_172, %mul3A_454 : vector<1x160xf32>
      %add3A_456 = arith.addf %broadcast_in_dim3A_402, %mul3A_455 : vector<1x160xf32>
      %mul3A_457 = vector.broadcast %mul3A_419 : vector<1x1xf32> to vector<1x160xf32>
      %mul3A_458 = arith.mulf %add3A_456, %mul3A_457 : vector<1x160xf32>
      %get3A_459 = arith.constant 1 : index
      %get3A_460 = memref.load %arg21[%get3A_459] : memref<2xf32, #tpu.memory_space<smem>>
      %mul3A_461 = vector.broadcast %get3A_460 : f32 to vector<1x160xf32>
      %mul3A_462 = arith.mulf %mul3A_227, %mul3A_461 : vector<1x160xf32>
      %add3A_463 = arith.addf %broadcast_in_dim3A_407, %mul3A_462 : vector<1x160xf32>
      %mul3A_464 = vector.broadcast %mul3A_431 : vector<1x1xf32> to vector<1x160xf32>
      %mul3A_465 = arith.mulf %add3A_463, %mul3A_464 : vector<1x160xf32>
      %iota3A_466 = tpu.iota {dimensions = array<i32: 0>} : vector<160x160xi32>
      %iota3A_467 = tpu.iota {dimensions = array<i32: 1>} : vector<160x160xi32>
      %add3A_468 = arith.addi %iota3A_466, %iota3A_467 : vector<160x160xi32>
      %eq3A_469 = arith.constant 159 : i32
      %eq3A_470 = vector.broadcast %eq3A_469 : i32 to vector<160x160xi32>
      %eq3A_471 = arith.cmpi eq, %add3A_468, %eq3A_470 : vector<160x160xi32>
      %jit3A = arith.constant 1.000000e+00 : f32
      %jit3A_472 = arith.constant 0.000000e+00 : f32
      %broadcast_in_dim3A_473 = vector.broadcast %jit3A : f32 to vector<160x160xf32>
      %broadcast_in_dim3A_474 = vector.broadcast %jit3A_472 : f32 to vector<160x160xf32>
      %select_n3A_475 = arith.select %eq3A_471, %broadcast_in_dim3A_473, %broadcast_in_dim3A_474 : vector<160x160xi1>, vector<160x160xf32>
      %concatenate3A_476 = tpu.concatenate %mul3A_458, %mul3A_465 in 0 : vector<1x160xf32>, vector<1x160xf32> -> vector<2x160xf32>
      %dot_general3A_477 = arith.constant dense<0.000000e+00> : vector<2x160xf32>
      %dot_general3A_478 = tpu.matmul %concatenate3A_476, %select_n3A_475, %dot_general3A_477 {dimension_numbers = #tpu.dot_dimension_numbers<[1], [0], [0], [1], [0, 0, 1, 1], [], []>, transpose_lhs_hint = false} : vector<2x160xf32>, vector<160x160xf32>, vector<2x160xf32> -> vector<2x160xf32>
      %slice3A_479 = vector.extract_strided_slice %dot_general3A_478 {offsets = [0, 0], sizes = [1, 160], strides = [1, 1]} : vector<2x160xf32> to vector<1x160xf32>
      %add3A_480 = arith.addf %mul3A_444, %slice3A_479 : vector<1x160xf32>
      %mul3A_481 = vector.broadcast %get3A_434 : f32 to vector<1x160xf32>
      %mul3A_482 = arith.mulf %add3A_480, %mul3A_481 : vector<1x160xf32>
      %slice3A_483 = vector.extract_strided_slice %dot_general3A_478 {offsets = [1, 0], sizes = [1, 160], strides = [1, 1]} : vector<2x160xf32> to vector<1x160xf32>
      %add3A_484 = arith.addf %mul3A_451, %slice3A_483 : vector<1x160xf32>
      %mul3A_485 = vector.broadcast %get3A_437 : f32 to vector<1x160xf32>
      %mul3A_486 = arith.mulf %add3A_484, %mul3A_485 : vector<1x160xf32>
      %add3A_487 = arith.addf %mul3A_482, %mul3A_486 : vector<1x160xf32>
      %get3A_488 = arith.constant 0 : index
      %get3A_489 = arith.constant 0 : index
      %get3A_490 = vector.load %arg12[%get3A_488, %get3A_489] : memref<1x160xf32, #tpu.memory_space<vmem>>, vector<1x160xf32>
      %concatenate3A_491 = tpu.concatenate %add3A_487, %get3A_490 in 0 : vector<1x160xf32>, vector<1x160xf32> -> vector<2x160xf32>
      %swap3A_492 = arith.constant 0 : index
      %swap3A_493 = arith.constant 0 : index
      %swap3A_494 = vector.load %arg25[%swap3A_492, %swap3A_493] : memref<2x160xf32, #tpu.memory_space<vmem>>, vector<2x160xf32>
      tpu.vector_store %arg25[%swap3A_492, %swap3A_493], %concatenate3A_491 {strides = array<i32>} : memref<2x160xf32, #tpu.memory_space<vmem>>, vector<2x160xf32>,
    } else {
    }
    return
  }
  func.func @transform_0(%arg0: i32) -> (i32, i32) {
    %c0_i32 = arith.constant 0 : i32
    %c0_i32_0 = arith.constant 0 : i32
    return %arg0, %c0_i32 : i32, i32
  }
  func.func @transform_1(%arg0: i32) -> (i32, i32, i32) {
    %c0_i32 = arith.constant 0 : i32
    %c0_i32_0 = arith.constant 0 : i32
    %c0_i32_1 = arith.constant 0 : i32
    %c0_i32_2 = arith.constant 0 : i32
    return %c0_i32, %c0_i32_0, %c0_i32_1 : i32, i32, i32
  }
  func.func @transform_2(%arg0: i32) -> i32 {
    %c0_i32 = arith.constant 0 : i32
    %c0_i32_0 = arith.constant 0 : i32
    return %c0_i32 : i32
  }
  func.func @transform_3(%arg0: i32) -> (i32, i32, i32) {
    %c0_i32 = arith.constant 0 : i32
    %c0_i32_0 = arith.constant 0 : i32
    %c0_i32_1 = arith.constant 0 : i32
    %c0_i32_2 = arith.constant 0 : i32
    return %c0_i32, %c0_i32_0, %c0_i32_1 : i32, i32, i32
  }
  func.func @transform_4(%arg0: i32) -> i32 {
    %c0_i32 = arith.constant 0 : i32
    %c0_i32_0 = arith.constant 0 : i32
    return %c0_i32 : i32
  }
  func.func @transform_5(%arg0: i32) -> (i32, i32, i32) {
    %c0_i32 = arith.constant 0 : i32
    %c0_i32_0 = arith.constant 0 : i32
    %c0_i32_1 = arith.constant 0 : i32
    %c0_i32_2 = arith.constant 0 : i32
    return %c0_i32, %c0_i32_0, %c0_i32_1 : i32, i32, i32
  }
  func.func @transform_6(%arg0: i32) -> i32 {
    %c0_i32 = arith.constant 0 : i32
    %c0_i32_0 = arith.constant 0 : i32
    return %c0_i32 : i32
  }
  func.func @transform_7(%arg0: i32) -> (i32, i32, i32) {
    %c0_i32 = arith.constant 0 : i32
    %c0_i32_0 = arith.constant 0 : i32
    %c0_i32_1 = arith.constant 0 : i32
    %c0_i32_2 = arith.constant 0 : i32
    return %c0_i32, %c0_i32_0, %c0_i32_1 : i32, i32, i32
  }
  func.func @transform_8(%arg0: i32) -> i32 {
    %c0_i32 = arith.constant 0 : i32
    %c0_i32_0 = arith.constant 0 : i32
    return %c0_i32 : i32
  }
  func.func @transform_9(%arg0: i32) -> (i32, i32, i32) {
    %c0_i32 = arith.constant 0 : i32
    %c0_i32_0 = arith.constant 0 : i32
    %c0_i32_1 = arith.constant 0 : i32
    %c0_i32_2 = arith.constant 0 : i32
    return %c0_i32, %c0_i32_0, %c0_i32_1 : i32, i32, i32
  }
  func.func @transform_10(%arg0: i32) -> i32 {
    %c0_i32 = arith.constant 0 : i32
    %c0_i32_0 = arith.constant 0 : i32
    return %c0_i32 : i32
  }
  func.func @transform_11(%arg0: i32) -> (i32, i32) {
    %c0_i32 = arith.constant 0 : i32
    %c0_i32_0 = arith.constant 0 : i32
    %c0_i32_1 = arith.constant 0 : i32
    return %c0_i32, %c0_i32_0 : i32, i32
  }
  func.func @transform_12(%arg0: i32) -> i32 {
    %c0_i32 = arith.constant 0 : i32
    %c0_i32_0 = arith.constant 0 : i32
    return %c0_i32 : i32
  }
  func.func @transform_13(%arg0: i32) -> (i32, i32) {
    %c0_i32 = arith.constant 0 : i32
    %c0_i32_0 = arith.constant 0 : i32
    %c0_i32_1 = arith.constant 0 : i32
    return %c0_i32, %c0_i32_0 : i32, i32
  }
  func.func @transform_14(%arg0: i32) -> (i32, i32, i32) {
    %c0_i32 = arith.constant 0 : i32
    %c0_i32_0 = arith.constant 0 : i32
    %c0_i32_1 = arith.constant 0 : i32
    %c0_i32_2 = arith.constant 0 : i32
    return %c0_i32, %c0_i32_0, %c0_i32_1 : i32, i32, i32
  }
  func.func @transform_15(%arg0: i32) -> i32 {
    %c0_i32 = arith.constant 0 : i32
    %c0_i32_0 = arith.constant 0 : i32
    return %c0_i32 : i32
  }
  func.func @transform_16(%arg0: i32) -> (i32, i32) {
    %c0_i32 = arith.constant 0 : i32
    %c0_i32_0 = arith.constant 0 : i32
    %c0_i32_1 = arith.constant 0 : i32
    return %c0_i32, %c0_i32_0 : i32, i32
  }
  func.func @transform_17(%arg0: i32) -> (i32, i32) {
    %c0_i32 = arith.constant 0 : i32
    %c0_i32_0 = arith.constant 0 : i32
    %c0_i32_1 = arith.constant 0 : i32
    return %c0_i32, %c0_i32_0 : i32, i32
  }
  func.func @transform_18(%arg0: i32) -> i32 {
    %c0_i32 = arith.constant 0 : i32
    %c0_i32_0 = arith.constant 0 : i32
    return %c0_i32 : i32
  }
  func.func @transform_19(%arg0: i32) -> (i32, i32) {
    %c0_i32 = arith.constant 0 : i32
    %c0_i32_0 = arith.constant 0 : i32
    %c0_i32_1 = arith.constant 0 : i32
    return %c0_i32, %c0_i32_0 : i32, i32
  }
  func.func @transform_20(%arg0: i32) -> i32 {
    %c0_i32 = arith.constant 0 : i32
    %c0_i32_0 = arith.constant 0 : i32
    return %c0_i32 : i32
  }
  func.func @transform_21(%arg0: i32) -> (i32, i32) {
    %c0_i32 = arith.constant 0 : i32
    %c0_i32_0 = arith.constant 0 : i32
    %c0_i32_1 = arith.constant 0 : i32
    return %c0_i32, %c0_i32_0 : i32, i32
  }
  func.func @transform_22(%arg0: i32) -> (i32, i32) {
    %c0_i32 = arith.constant 0 : i32
    %c0_i32_0 = arith.constant 0 : i32
    %c0_i32_1 = arith.constant 0 : i32
    return %c0_i32, %c0_i32_0 : i32, i32
  }
  func.func @transform_23(%arg0: i32) -> (i32, i32) {
    %c0_i32 = arith.constant 0 : i32
    %c0_i32_0 = arith.constant 0 : i32
    return %arg0, %c0_i32 : i32, i32
  }
  func.func @transform_24(%arg0: i32) -> (i32, i32) {
    %c0_i32 = arith.constant 0 : i32
    %c0_i32_0 = arith.constant 0 : i32
    %c0_i32_1 = arith.constant 0 : i32
    return %c0_i32, %c0_i32_0 : i32, i32
  }
  func.func @transform_25(%arg0: i32) -> (i32, i32) {
    %c0_i32 = arith.constant 0 : i32
    %c0_i32_0 = arith.constant 0 : i32
    %c0_i32_1 = arith.constant 0 : i32
    return %c0_i32, %c0_i32_0 : i32, i32
  }
}

</mosaic_0001>

<sc_bundles>
// kernel: kernel.4.cloned.1.call-start
scs
__scs_entry_jumppad:
0x0: {  	(pc) =	sbr.rel $0x88, $3  }
0x1: {  	(tag) =	ssettag $0x0;
	lr =	simm.s32 $0x1  }
0x2: {  	[smem:$0x3F89] =	sst lr;
	_ =	strace $0xD0000000  }
0x3: {  	_ = 	snop  }
0x4: {  	_ = 	snop  }
0x5: {  	_ = 	snop  }
0x6: {  	_ = 	snop  }
0x7: {  	_ = 	snop  }
__scs_overlays_trampoline_lowered:
0x8: {  	[smem:$0x3F98] =	sst s0  }
0x9: {  	[smem:$0x3F99] =	sst s1  }
0xa: {  	[smem:$0x3F9A] =	sst s2  }
0xb: {  	[smem:$0x3F9B] =	sst s3  }
0xc: {  	[smem:$0x3F9C] =	sst s4  }
0xd: {  	[smem:$0x3F9D] =	sst s5  }
0xe: {  	[smem:$0x3F9E] =	sst s6  }
0xf: {  	[smem:$0x3F9F] =	sst s7  }
0x10: {  	[smem:$0x3FA0] =	sst s8  }
0x11: {  	[smem:$0x3FA1] =	sst s9;
	s0 =	simm.s32 @!p0 $0x0  }
0x12: {  	s1 =	sld [smem:$0x3F87];
	s0 =	simm.s32 @p0 $0x1  }
0x13: {  	[smem:$0x3FA2] =	sst s0;
	s0 =	simm.s32 @!p1 $0x0  }
0x14: {  	s2 =	sld [smem:$0x3F86];
	s0 =	simm.s32 @p1 $0x1  }
0x15: {  	[smem:$0x3FA3] =	sst s0;
	s0 =	simm.s32 @!p2 $0x0  }
0x16: {  	s3 =	sld [smem:$0x3FDB];
	s0 =	simm.s32 @p2 $0x1  }
0x17: {  	s4 =	simm.s32 $0x1BF5;
	[smem:$0x3FA5] =	sst s0  }
0x18: {  	s0 =	sld [smem:$0x3F88];
	_ =	swait.ge [sflag:s4], $0x0  }
0x19: {  	s7 =	sld [smem:$0x3F89]  }
0x1a: {  	s8 =	sadd.s32 $0xFFFFE003, lr  }
0x1b: {  	s9 =	sadd.s32 $0xFFFFFEF7, lr;
	s5 =	simm.s32 $0xFFFFFFFF;
	p2 =	slt.u32 s8, $0xFFFFF086  }
0x1c: {  	p1 =	slt.u32 s9, $0xF7A;
	s5 =	simm.s32 @!p2 $0x0  }
0x1d: {  	s5 =	simm.s32 @p1 $0x1;
	p0 =	seq.s32 s7, s2  }
0x1e: {  	s7 =	smul.u32 @!p0 $0xF7A, s2;
	p2 =	seq.s32 @!p0 s5, $0x0  }
0x1f: {  	s9 =	smul.u32 $0xF7A, s1;
	s8 =	simm.s32 @!p0 $0x1BF5;
	p2 =	por !p2, p0  }
0x20: {  	[sflag:s8] =	ssyncset.s32 @!p0 $0xFFFFF086;
	s6 =	sadd.s32 @!p0 s3, s7;
	s7 =	simm.s32 @!p0 $0x108  }
0x21: {  	s3 =	sadd.s32 s3, s9;
	s6 =	sadd.s32 @!p0 $0x88, s6;
	s7 =	simm.s32 @p2 $0x1082  }
0x22: {  	[simem:s7], [sflag:s8] =	dma.local @!p0 [hbm:s6], $0xF7A  }
0x23: {  	s9 =	sor.u32 $0xD0000000, s2;
	s6 =	simm.s32 $0x108;
	_ =	swait.ge @!p0 [sflag:s8], $0x0  }
0x24: {  	s3 =	sadd.s32 $0x88, s3;
	s6 =	simm.s32 @!p1 $0x1082;
	[sflag:s4] =	ssyncset.s32 $0xFFFFF086  }
0x25: {  	[simem:s6], [sflag:s4] =	dma.local [hbm:s3], $0xF7A  }
0x26: {  	[smem:$0x3F89] =	sst s1;
	(tag) =	ssettag s2;
	_ =	strace s9  }
0x27: {  	s1 =	sld [smem:$0x3F99]  }
0x28: {  	s2 =	sld [smem:$0x3F9A]  }
0x29: {  	s4 =	sld [smem:$0x3F9C]  }
0x2a: {  	p0 =	seq.s32 s5, $0x0;
	s5 =	sld [smem:$0x3F9D]  }
0x2b: {  	s6 =	sld [smem:$0x3F9E]  }
0x2c: {  	s7 =	sld [smem:$0x3F9F]  }
0x2d: {  	s3 =	simm.s32 $0x108;
	s8 =	sld [smem:$0x3FA0]  }
0x2e: {  	s3 =	simm.s32 @!p0 $0x1082;
	s9 =	sld [smem:$0x3FA1]  }
0x2f: {  	lr =	sadd.s32 s0, s3;
	s0 =	sld [smem:$0x3F98]  }
0x30: {  	s3 =	sld [smem:$0x3F9B]  }
0x31: {  	[smem:$0x3FA4] =	sst s10  }
0x32: {  	s10 =	sld [smem:$0x3FA2];
	_ =	sdelay $0x3  }
0x33: {  	p0 =	seq.s32 s10, $0x1;
	s10 =	sld [smem:$0x3FA4];
	_ =	sdelay $0x3  }
0x34: {  	[smem:$0x3FA4] =	sst s10  }
0x35: {  	s10 =	sld [smem:$0x3FA3];
	_ =	sdelay $0x3  }
0x36: {  	p1 =	seq.s32 s10, $0x1;
	s10 =	sld [smem:$0x3FA4];
	_ =	sdelay $0x3  }
0x37: {  	[smem:$0x3FA4] =	sst s10  }
0x38: {  	s10 =	sld [smem:$0x3FA5]  }
0x39: {  	_ = 	snop;
	(pc) =	sbr.ind lr, $3  }
0x3a: {  	_ = 	snop  }
0x3b: {  	_ = 	snop  }
0x3c: {  	p2 =	seq.s32 s10, $0x1;
	s10 =	sld [smem:$0x3FA4]  }
0x3d: {  	_ =	shalt  }
0x3e: {  	_ =	shalt  }
0x3f: {  	_ =	shalt  }
0x40: {  	_ =	shalt  }
0x41: {  	_ =	shalt  }
0x42: {  	_ =	shalt  }
0x43: {  	_ =	shalt  }
0x44: {  	_ =	shalt  }
0x45: {  	_ =	shalt  }
0x46: {  	_ =	shalt  }
0x47: {  	_ =	shalt  }
0x48: {  	_ =	shalt  }
0x49: {  	_ =	shalt  }
0x4a: {  	_ =	shalt  }
0x4b: {  	_ =	shalt  }
0x4c: {  	_ =	shalt  }
0x4d: {  	_ =	shalt  }
0x4e: {  	_ =	shalt  }
0x4f: {  	_ =	shalt  }
0x50: {  	_ =	shalt  }
0x51: {  	_ =	shalt  }
0x52: {  	_ =	shalt  }
0x53: {  	_ =	shalt  }
0x54: {  	_ =	shalt  }
0x55: {  	_ =	shalt  }
0x56: {  	_ =	shalt  }
0x57: {  	_ =	shalt  }
0x58: {  	_ =	shalt  }
0x59: {  	_ =	shalt  }
0x5a: {  	_ =	shalt  }
0x5b: {  	_ =	shalt  }
0x5c: {  	_ =	shalt  }
0x5d: {  	_ =	shalt  }
0x5e: {  	_ =	shalt  }
0x5f: {  	_ =	shalt  }
0x60: {  	_ =	shalt  }
0x61: {  	_ =	shalt  }
0x62: {  	_ =	shalt  }
0x63: {  	_ =	shalt  }
0x64: {  	_ =	shalt  }
0x65: {  	_ =	shalt  }
0x66: {  	_ =	shalt  }
0x67: {  	_ =	shalt  }
0x68: {  	_ =	shalt  }
0x69: {  	_ =	shalt  }
0x6a: {  	_ =	shalt  }
0x6b: {  	_ =	shalt  }
0x6c: {  	_ =	shalt  }
0x6d: {  	_ =	shalt  }
0x6e: {  	_ =	shalt  }
0x6f: {  	_ =	shalt  }
0x70: {  	_ =	shalt  }
0x71: {  	_ =	shalt  }
0x72: {  	_ =	shalt  }
0x73: {  	_ =	shalt  }
0x74: {  	_ =	shalt  }
0x75: {  	_ =	shalt  }
0x76: {  	_ =	shalt  }
0x77: {  	_ =	shalt  }
0x78: {  	_ =	shalt  }
0x79: {  	_ =	shalt  }
0x7a: {  	_ =	shalt  }
0x7b: {  	_ =	shalt  }
0x7c: {  	_ =	shalt  }
0x7d: {  	_ =	shalt  }
0x7e: {  	_ =	shalt  }
0x7f: {  	_ =	shalt  }
0x80: {  	_ =	shalt  }
0x81: {  	_ =	shalt  }
0x82: {  	_ =	shalt  }
0x83: {  	_ =	shalt  }
0x84: {  	_ =	shalt  }
0x85: {  	_ =	shalt  }
0x86: {  	_ =	shalt  }
0x87: {  	_ =	shalt  }
.Lfunc_end0:
.L_simem_size_0:
called_computation_lowered:
.L_overlay_start_0:
0x88: {  	s2 =	sld [smem:$0x3FD9]  }
0x89: {  	s3 =	sld [smem:$0x3FFE];
	_ =	sdelay $0x1  }
0x8a: {  	s1 =	srdreg.scid  }
0x8b: {  	s0 =	sand.u32 $0x1, s1  }
0x8c: {  	s14 =	sshll.u32 s0, $0xA;
	s2 =	sadd.s32 s3, s2  }
0x8d: {  	s2 =	sadd.s32 s2, s14  }
0x8e: {  	[smem:$0x3FB0] =	sst s2  }
0x8f: {  	_ = 	snop  }
0x90: {  	s2 =	sld [smem:$0x3FD0];
	_ =	sdelay $0x2  }
0x91: {  	s15 =	simm.s32 $0xA;
	s4 =	simm.s32 $0x10  }
0x92: {  	[smem:s4], [sflag:s15] =	dma.local [hbm:s2], $0x1  }
0x93: {  	_ =	swait.eq [sflag:s15], $0x1  }
0x94: {  	[sflag:s15] =	ssyncset.done $0x0  }
0x95: {  	s16 =	sld [smem:$0x11];
	[sflag:s15] =	ssyncadd.s32 $0xFFFFFFFF  }
0x96: {  	s17 =	sld [smem:$0x12];
	(tm) =	ssettm $0x1  }
0x97: {  	s18 =	sld [smem:$0x3FFB];
	_ =	sdelay $0x3  }
0x98: {  	_ =	strace s18  }
0x99: {  	s4 =	sld [smem:$0x3FFC];
	_ =	sdelay $0x3  }
0x9a: {  	_ =	strace s4  }
0x9b: {  	s4 =	sld [smem:$0x3FFD];
	_ =	sdelay $0x3  }
0x9c: {  	_ =	strace s4  }
0x9d: {  	_ =	strace $0x8FFFFFFF  }
0x9e: {  	s19 =	sld [smem:$0x3FDB];
	_ =	sdelay $0x1  }
0x9f: {  	s5 =	simm.s32 $_scs_section_size  }
0xa0: {  	s6 =	simm.s32 $_size__tile_overlayer_lowered;
	s7 =	simm.s32 $_tile_overlayer_lowered  }
0xa1: {  	s22 =	simm.s32 $0x1BFF;
	s21 =	sshll.u32 s7, $0x1;
	s4 =	sadd.s32 s5, s19  }
0xa2: {  	s8 =	simm.s32 $0x0;
	s20 =	sshll.u32 s6, $0x1;
	s6 =	sadd.s32 s21, s4  }
0xa3: {  	[timem:s8], [sflag:s22] =	dma.local [hbm:s6], s20  }
0xa4: {  	_ =	swait.ge [sflag:s22], s20  }
0xa5: {  	s5 =	ssub.s32 $0x0, s20;
	[sflag:s22] =	ssyncset.done $0x0  }
0xa6: {  	[sflag:s22] =	ssyncadd.s32 s5;
	_ =	sdelay $0x1  }
0xa7: {  	s23 =	simm.s32 $0x1B8B  }
0xa8: {  	_ =	swait.ge [sflag:s23], $0x1  }
0xa9: {  	[sflag:s23] =	ssyncset.done $0x0  }
0xaa: {  	s25 =	simm.s32 $0x1B8E;
	s24 =	sld [smem:$0x3FFE];
	[sflag:s23] =	ssyncadd.s32 $0xFFFFFFFF  }
0xab: {  	s26 =	simm.s32 $execute0_lowered;
	[smem:$0x3FD2] =	sst s25  }
0xac: {  	s6 =	sshll.u32 s26, $0x1;
	_ =	strace $0x80000046;
	[dreg:$0x1] =	wrdreg $0xFFFFFFFF  }
0xad: {  	s28 =	simm.s32 $_size_execute0_lowered;
	s4 =	sadd.s32 s4, s6;
	[dreg:$0x0] =	wrdreg $0x0  }
0xae: {  	s6 =	sshll.u32 s28, $0x1;
	[dreg:$0x2] =	wrdreg s4  }
0xaf: {  	[dreg:$0x3] =	wrdreg s6  }
0xb0: {  	[dreg:$0x4] =	wrdreg $0xC0  }
0xb1: {  	_ =	task [dreg:s8], $0x5FFFF  }
0xb2: {  	[dreg:$0x1] =	wrdreg $0xFFFFFFFF  }
0xb3: {  	[dreg:$0x0] =	wrdreg $0x60  }
0xb4: {  	[dreg:$0x2] =	wrdreg s24  }
0xb5: {  	[dreg:$0x3] =	wrdreg s16  }
0xb6: {  	[dreg:$0x4] =	wrdreg s17  }
0xb7: {  	[dreg:$0x5] =	wrdreg $0x9  }
0xb8: {  	_ =	task.clear_ibuf [dreg:s8], $0x6FFFF;
	_ =	strace $0x90000046  }
0xb9: {  	s29 =	simm.s32 $0x9;
	_ =	strace $0x80000048  }
0xba: {  	_ =	swait.ge [sflag:s29], $0x1  }
0xbb: {  	[sflag:s29] =	ssyncadd.s32 $0xFFFFFFFF  }
0xbc: {  	_ =	strace $0x90000048  }
0xbd: {  	_ =	sfence  }
0xbe: {  	s30 =	sld [smem:$0x0];
	_ =	sdelay $0x2  }
0xbf: {  	s31 =	sshll.u32 s1, $0xD;
	s1 =	sshrl.u32 s1, $0x2  }
0xc0: {  	s3 =	sand.u32 $0x4000, s31;
	s1 =	sadd.s32 s1, s30  }
0xc1: {  	s0 =	sor.u32 s3, s0;
	s1 =	sshll.u32 s1, $0x11  }
0xc2: {  	s0 =	sor.u32 s1, s0  }
0xc3: {  	s0 =	sadd.s32 $0x8F2B, s0  }
0xc4: {  	[sflag:s0] =	ssyncadd.remote.s32 $0x1  }
0xc5: {  	_ =	sfence.sel $0xFFFF  }
0xc6: {  	[dreg:$0x0] =	wrdreg $0xFFFFFFFF;
	(pc) =	sbr.abs _section_cstart, $3  }
0xc7: {  	[dreg:$0x1] =	wrdreg $0xFFFFFFFF  }
0xc8: {  	_ =	task.clear_ibuf [dreg:s8], $0x2FFFF;
	_ =	strace $0x9FFFFFFF  }
0xc9: {  	(tm) =	ssettm $0x7FFFFFFF  }
tec
execute0_lowered:
.L_overlay_start_1:
0x0: {  	(tag) =	ssettag $0x1  }
0x1: {  	s5 =	rddreg [dreg:$0x0]  }
0x2: {  	s1 =	rddreg [dreg:$0x1]  }
0x3: {  	s3 =	rddreg [dreg:$0x2]  }
0x4: {  	s0 =	rddreg [dreg:$0x3]  }
0x5: {  	s4 =	simm.s32 $0x0;
	s6 =	srdreg.scid;
	s2 =	stileid.u32  }
0x6: {  	s11 =	simm.s32 $0x4000;
	s12 =	simm.s32 $0x4200;
	s13 =	simm.s32 $0x4A00  }
0x7: {  	s14 =	simm.s32 $0x8A00;
	s15 =	simm.s32 $0xCA00;
	s16 =	simm.s32 $0x0  }
0x8: {  	[smem:$0x7FF] =	sst s4;
	s6 =	sand.u32 $0x1, s6;
	s7 =	sshll.u32 s2, $0x1  }
0x9: {  	_ =	strace $0x80000047;
	s7 =	sor.u32 s6, s7;
	s6 =	ssub.s32 $0x2, s6  }
0xa: {  	s8 =	sshll.u32 s7, $0xB;
	s7 =	sshll.u32 s7, $0x4;
	s9 =	sshrl.u32 s6, $0x1  }
0xb: {  	s8 =	sadd.s32 s8, s5;
	s10 =	sadd.s32 s7, s5;
	s9 =	ssub.s32 s6, s9  }
0xc: {  	s5 =	sadd.s32 $0x2600, s8;
	s6 =	sadd.s32 $0x12600, s8;
	s7 =	sadd.s32 $0x22600, s8  }
0xd: {  	v0 =	vimm.s32 $0x0;
	s8 =	sadd.s32 $0x32600, s10;
	s9 =	smax.u32 s9, $0x1;
	s10 =	simm.s32 $0x1  }
.LBB2_1:
0xe: {  	[tilespmem:s4], [sflag:$0x1] =	stream.linear.gather [hbm4b:s5+s4], $0x4000, $0x38;
	[tilespmem:$0xCA80] =	vst v63  }
0xf: {  	_ =	swait.ge [sflag:s10], $0x4000  }
0x10: {  	[sflag:s10] =	ssyncset.done $0x0  }
0x11: {  	[sflag:s10] =	ssyncadd.s32 $0xFFFFC000  }
0x12: {  	[tilespmem:s11], [sflag:$0x1] =	stream.linear.gather [hbm4b:s1+s4], $0x200, $0x38;
	[tilespmem:$0xCA80] =	vst v63  }
0x13: {  	_ =	swait.ge [sflag:s10], $0x200  }
0x14: {  	[sflag:s10] =	ssyncset.done $0x0  }
0x15: {  	[sflag:s10] =	ssyncadd.s32 $0xFFFFFE00  }
0x16: {  	[tilespmem:s12], [sflag:$0x1] =	stream.linear.gather [hbm4b:s3+s4], $0x800, $0x38;
	[tilespmem:$0xCA80] =	vst v63  }
0x17: {  	_ =	swait.ge [sflag:s10], $0x800  }
0x18: {  	[sflag:s10] =	ssyncset.done $0x0  }
0x19: {  	[sflag:s10] =	ssyncadd.s32 $0xFFFFF800  }
0x1a: {  	v1 =	vld [tilespmem:$0x4000]  }
0x1b: {  	v2 =	vld [tilespmem:$0x4010]  }
0x1c: {  	v3 =	vld [tilespmem:$0x4020]  }
0x1d: {  	v4 =	vld [tilespmem:$0x4030]  }
0x1e: {  	v5 =	vld [tilespmem:$0x4040]  }
0x1f: {  	v6 =	vld [tilespmem:$0x4050]  }
0x20: {  	v7 =	vld [tilespmem:$0x4060]  }
0x21: {  	v8 =	vld [tilespmem:$0x4070]  }
0x22: {  	v9 =	vld [tilespmem:$0x4100]  }
0x23: {  	v10 =	vld [tilespmem:$0x4110]  }
0x24: {  	v11 =	vld [tilespmem:$0x4080]  }
0x25: {  	v12 =	vld [tilespmem:$0x4090]  }
0x26: {  	v13 =	vld [tilespmem:$0x40A0]  }
0x27: {  	v14 =	vld [tilespmem:$0x40B0]  }
0x28: {  	v15 =	vld [tilespmem:$0x40C0]  }
0x29: {  	v16 =	vld [tilespmem:$0x40D0]  }
0x2a: {  	v17 =	vld [tilespmem:$0x40E0]  }
0x2b: {  	v18 =	vld [tilespmem:$0x40F0]  }
0x2c: {  	v19 =	vld [tilespmem:$0x4180]  }
0x2d: {  	v21 =	vimm.f32 $0.0e+00;
	s17 =	simm.s32 $0x0;
	s18 =	simm.s32 $0x0;
	v20 =	vld [tilespmem:$0x4190]  }
.LBB2_2:
0x2e: {  	s19 =	sand.u32 $0x3800, s18;
	s20 =	sand.u32 $0x380, s17  }
0x2f: {  	s19 =	sor.u32 s20, s19  }
0x30: {  	v22 =	vld [tilespmem:s19+$0x0];
	_ =	sdelay $0x2  }
0x31: {  	v23 =	vld [tilespmem:$0x4200]  }
0x32: {  	v24 =	vld [tilespmem:$0x4280]  }
0x33: {  	v25 =	vld [tilespmem:$0x4300];
	v22 =	vadd.f32 v22, v11  }
0x34: {  	v26 =	vld [tilespmem:$0x4380]  }
0x35: {  	v29 =	vld [tilespmem:$0x4400];
	v22 =	vadd.f32 v22, v1  }
0x36: {  	v31 =	vld [tilespmem:$0x4480]  }
0x37: {  	v32 =	vld [tilespmem:$0x4500];
	v27 =	vsub.f32 v22, v23;
	v28 =	vsub.f32 v22, v24  }
0x38: {  	v47 =	vld [tilespmem:$0x4580]  }
0x39: {  	v50 =	vld [tilespmem:$0x4600];
	v30 =	vsub.f32 v22, v25;
	v27 =	vand.u32 $0x7FFFFFFF, v27;
	v28 =	vand.u32 $0x7FFFFFFF, v28  }
0x3a: {  	v53 =	vld [tilespmem:$0x4680];
	vm0 =	vlt.f32 v28, v27  }
0x3b: {  	v56 =	vld [tilespmem:$0x4700];
	v44 =	vsub.f32 v22, v26;
	v43 =	vand.u32 $0x7FFFFFFF, v30;
	v27 =	vsel vm0, v28, v27  }
0x3c: {  	v59 =	vld [tilespmem:$0x4780];
	vm1 =	vlt.f32 v43, v27  }
0x3d: {  	v62 =	vld [tilespmem:$0x4800];
	v46 =	vsub.f32 v22, v29;
	v45 =	vand.u32 $0x7FFFFFFF, v44;
	v27 =	vsel vm1, v43, v27  }
0x3e: {  	v49 =	vsub.f32 v22, v31;
	v52 =	vsub.f32 v22, v32;
	vm12 =	vlt.f32 v45, v27  }
0x3f: {  	v55 =	vsub.f32 v22, v47;
	v48 =	vand.u32 $0x7FFFFFFF, v46;
	v27 =	vsel vm12, v45, v27  }
0x40: {  	v58 =	vsub.f32 v22, v50;
	v61 =	vsub.f32 v22, v53;
	vm13 =	vlt.f32 v48, v27  }
0x41: {  	v36 =	vsub.f32 v22, v56;
	v51 =	vand.u32 $0x7FFFFFFF, v49;
	v27 =	vsel vm13, v48, v27  }
0x42: {  	v39 =	vsub.f32 v22, v59;
	v42 =	vsub.f32 v22, v62;
	vm14 =	vlt.f32 v51, v27  }
0x43: {  	v54 =	vand.u32 $0x7FFFFFFF, v52;
	v57 =	vand.u32 $0x7FFFFFFF, v55;
	v27 =	vsel vm14, v51, v27  }
0x44: {  	v37 =	vld [tilespmem:$0x4880];
	v60 =	vand.u32 $0x7FFFFFFF, v58;
	v63 =	vand.u32 $0x7FFFFFFF, v61;
	vm15 =	vlt.f32 v54, v27  }
0x45: {  	v38 =	vand.u32 $0x7FFFFFFF, v36;
	v41 =	vand.u32 $0x7FFFFFFF, v39;
	v27 =	vsel vm15, v54, v27  }
0x46: {  	v44 =	vand.u32 $0x7FFFFFFF, v42;
	v33 =	vsel vm0, $0x1, v0;
	vm4 =	vlt.f32 v57, v27  }
0x47: {  	v23 =	vsel vm0, v24, v23;
	v33 =	vsel vm1, $0x2, v33;
	v27 =	vsel vm4, v57, v27  }
0x48: {  	v23 =	vsel vm1, v25, v23;
	v33 =	vsel vm12, $0x3, v33;
	vm5 =	vlt.f32 v60, v27  }
0x49: {  	v40 =	vld [tilespmem:$0x4900];
	v23 =	vsel vm12, v26, v23;
	v45 =	vsub.f32 v22, v37;
	v27 =	vsel vm5, v60, v27  }
0x4a: {  	v33 =	vsel vm13, $0x4, v33;
	v23 =	vsel vm13, v29, v23;
	vm6 =	vlt.f32 v63, v27  }
0x4b: {  	v43 =	vld [tilespmem:$0x4980];
	v46 =	vand.u32 $0x7FFFFFFF, v45;
	v33 =	vsel vm14, $0x5, v33;
	v27 =	vsel vm6, v63, v27  }
0x4c: {  	v23 =	vsel vm14, v31, v23;
	v33 =	vsel vm15, $0x6, v33;
	vm7 =	vlt.f32 v38, v27  }
0x4d: {  	v23 =	vsel vm15, v32, v23;
	v33 =	vsel vm4, $0x7, v33;
	v27 =	vsel vm7, v38, v27  }
0x4e: {  	v23 =	vsel vm4, v47, v23;
	v47 =	vsub.f32 v22, v40;
	vm8 =	vlt.f32 v41, v27  }
0x4f: {  	v33 =	vsel vm5, $0x8, v33;
	v23 =	vsel vm5, v50, v23;
	v27 =	vsel vm8, v41, v27  }
0x50: {  	v49 =	vand.u32 $0x7FFFFFFF, v47;
	v50 =	vsub.f32 v22, v43;
	vm9 =	vlt.f32 v44, v27  }
0x51: {  	v33 =	vsel vm6, $0x9, v33;
	v23 =	vsel vm6, v53, v23;
	v27 =	vsel vm9, v44, v27  }
0x52: {  	v52 =	vand.u32 $0x7FFFFFFF, v50;
	v23 =	vsel vm7, v56, v23;
	vm10 =	vlt.f32 v46, v27  }
0x53: {  	v33 =	vsel vm7, $0xA, v33;
	v23 =	vsel vm8, v59, v23;
	v27 =	vsel vm10, v46, v27  }
0x54: {  	v48 =	vsel vm8, $0xB, v33;
	v23 =	vsel vm9, v62, v23;
	vm11 =	vlt.f32 v49, v27  }
0x55: {  	v30 =	vsel vm9, $0xC, v48;
	v23 =	vsel vm10, v37, v23;
	v51 =	vsel vm11, v49, v27  }
0x56: {  	v53 =	vsel vm10, $0xD, v30;
	v23 =	vsel vm11, v40, v23;
	vm12 =	vlt.f32 v52, v51  }
0x57: {  	v55 =	vld [tilespmem:s19+$0x10];
	v54 =	vsel vm11, $0xE, v53;
	v23 =	vsel vm12, v43, v23  }
0x58: {  	v24 =	vsel vm12, $0xF, v54;
	[tilespmem:s19+$0x4A00] =	vst v23  }
0x59: {  	[tilespmem:s19+$0x8A00] =	vst v24  }
0x5a: {  	v56 =	vld [tilespmem:$0x4200]  }
0x5b: {  	v57 =	vld [tilespmem:$0x4280]  }
0x5c: {  	v58 =	vadd.f32 v55, v12  }
0x5d: {  	v59 =	vld [tilespmem:$0x4300]  }
0x5e: {  	v24 =	vadd.f32 v58, v2  }
0x5f: {  	v60 =	vld [tilespmem:$0x4380]  }
0x60: {  	v63 =	vld [tilespmem:$0x4400];
	v61 =	vsub.f32 v24, v56;
	v62 =	vsub.f32 v24, v57  }
0x61: {  	v37 =	vld [tilespmem:$0x4480]  }
0x62: {  	v34 =	vld [tilespmem:$0x4500];
	v36 =	vsub.f32 v24, v59;
	v29 =	vand.u32 $0x7FFFFFFF, v61;
	v30 =	vand.u32 $0x7FFFFFFF, v62  }
0x63: {  	v42 =	vld [tilespmem:$0x4580];
	vm13 =	vlt.f32 v30, v29  }
0x64: {  	v45 =	vld [tilespmem:$0x4600];
	v39 =	vsub.f32 v24, v60;
	v38 =	vand.u32 $0x7FFFFFFF, v36;
	v29 =	vsel vm13, v30, v29  }
0x65: {  	vm14 =	vlt.f32 v38, v29  }
0x66: {  	v54 =	vld [tilespmem:$0x4780];
	v41 =	vsub.f32 v24, v63;
	v40 =	vand.u32 $0x7FFFFFFF, v39;
	v29 =	vsel vm14, v38, v29  }
0x67: {  	v44 =	vsub.f32 v24, v37;
	v47 =	vsub.f32 v24, v34;
	vm15 =	vlt.f32 v40, v29  }
0x68: {  	v48 =	vld [tilespmem:$0x4680];
	v50 =	vsub.f32 v24, v42;
	v43 =	vand.u32 $0x7FFFFFFF, v41;
	v29 =	vsel vm15, v40, v29  }
0x69: {  	v53 =	vsub.f32 v24, v45;
	v46 =	vand.u32 $0x7FFFFFFF, v44;
	vm4 =	vlt.f32 v43, v29  }
0x6a: {  	v51 =	vld [tilespmem:$0x4700];
	v49 =	vand.u32 $0x7FFFFFFF, v47;
	v52 =	vand.u32 $0x7FFFFFFF, v50;
	v29 =	vsel vm4, v43, v29  }
0x6b: {  	v55 =	vand.u32 $0x7FFFFFFF, v53;
	v62 =	vsub.f32 v24, v54;
	vm5 =	vlt.f32 v46, v29  }
0x6c: {  	v35 =	vsel vm13, $0x1, v0;
	v26 =	vsel vm13, v57, v56;
	v29 =	vsel vm5, v46, v29  }
0x6d: {  	v56 =	vsub.f32 v24, v48;
	v36 =	vand.u32 $0x7FFFFFFF, v62;
	vm6 =	vlt.f32 v49, v29  }
0x6e: {  	v57 =	vld [tilespmem:$0x4800];
	v35 =	vsel vm14, $0x2, v35;
	v25 =	vsel vm14, v59, v26;
	v29 =	vsel vm6, v49, v29  }
0x6f: {  	v59 =	vsub.f32 v24, v51;
	v25 =	vsel vm15, v60, v25;
	v60 =	vld [tilespmem:$0x4880];
	vm7 =	vlt.f32 v52, v29  }
0x70: {  	v58 =	vand.u32 $0x7FFFFFFF, v56;
	v35 =	vsel vm15, $0x3, v35;
	v29 =	vsel vm7, v52, v29  }
0x71: {  	v61 =	vand.u32 $0x7FFFFFFF, v59;
	v35 =	vsel vm4, $0x4, v35;
	vm8 =	vlt.f32 v55, v29  }
0x72: {  	v25 =	vsel vm4, v63, v25;
	v63 =	vld [tilespmem:$0x4900];
	v35 =	vsel vm5, $0x5, v35;
	v29 =	vsel vm8, v55, v29  }
0x73: {  	v25 =	vsel vm5, v37, v25;
	v37 =	vsub.f32 v24, v57;
	vm9 =	vlt.f32 v58, v29  }
0x74: {  	v38 =	vld [tilespmem:$0x4980];
	v40 =	vsub.f32 v24, v60;
	v35 =	vsel vm6, $0x6, v35;
	v29 =	vsel vm9, v58, v29  }
0x75: {  	v25 =	vsel vm6, v34, v25;
	v39 =	vand.u32 $0x7FFFFFFF, v37;
	vm10 =	vlt.f32 v61, v29  }
0x76: {  	v41 =	vand.u32 $0x7FFFFFFF, v40;
	v35 =	vsel vm7, $0x7, v35;
	v29 =	vsel vm10, v61, v29  }
0x77: {  	v25 =	vsel vm7, v42, v25;
	v42 =	vsub.f32 v24, v63;
	vm11 =	vlt.f32 v36, v29  }
0x78: {  	v35 =	vsel vm8, $0x8, v35;
	v25 =	vsel vm8, v45, v25;
	v29 =	vsel vm11, v36, v29  }
0x79: {  	v44 =	vand.u32 $0x7FFFFFFF, v42;
	v45 =	vsub.f32 v24, v38;
	vm12 =	vlt.f32 v39, v29  }
0x7a: {  	v35 =	vsel vm9, $0x9, v35;
	v25 =	vsel vm9, v48, v25;
	v29 =	vsel vm12, v39, v29  }
0x7b: {  	v47 =	vand.u32 $0x7FFFFFFF, v45;
	v25 =	vsel vm10, v51, v25;
	vm13 =	vlt.f32 v41, v29  }
0x7c: {  	v35 =	vsel vm10, $0xA, v35;
	v25 =	vsel vm11, v54, v25;
	v29 =	vsel vm13, v41, v29  }
0x7d: {  	v43 =	vsel vm11, $0xB, v35;
	v25 =	vsel vm12, v57, v25;
	vm14 =	vlt.f32 v44, v29  }
0x7e: {  	v32 =	vsel vm12, $0xC, v43;
	v25 =	vsel vm13, v60, v25;
	v46 =	vsel vm14, v44, v29  }
0x7f: {  	v48 =	vsel vm13, $0xD, v32;
	v25 =	vsel vm14, v63, v25;
	vm15 =	vlt.f32 v47, v46  }
0x80: {  	v50 =	vld [tilespmem:s19+$0x20];
	v49 =	vsel vm14, $0xE, v48;
	v25 =	vsel vm15, v38, v25  }
0x81: {  	v26 =	vsel vm15, $0xF, v49;
	[tilespmem:s19+$0x4A10] =	vst v25  }
0x82: {  	[tilespmem:s19+$0x8A10] =	vst v26  }
0x83: {  	v51 =	vld [tilespmem:$0x4200]  }
0x84: {  	v52 =	vld [tilespmem:$0x4280]  }
0x85: {  	v53 =	vadd.f32 v50, v13  }
0x86: {  	v54 =	vld [tilespmem:$0x4300]  }
0x87: {  	v26 =	vadd.f32 v53, v3  }
0x88: {  	v55 =	vld [tilespmem:$0x4380]  }
0x89: {  	v58 =	vld [tilespmem:$0x4400];
	v56 =	vsub.f32 v26, v51;
	v57 =	vsub.f32 v26, v52  }
0x8a: {  	v60 =	vld [tilespmem:$0x4480]  }
0x8b: {  	v36 =	vld [tilespmem:$0x4500];
	v59 =	vsub.f32 v26, v54;
	v31 =	vand.u32 $0x7FFFFFFF, v56;
	v32 =	vand.u32 $0x7FFFFFFF, v57  }
0x8c: {  	v41 =	vld [tilespmem:$0x4580];
	vm4 =	vlt.f32 v32, v31  }
0x8d: {  	v62 =	vsub.f32 v26, v55;
	v61 =	vand.u32 $0x7FFFFFFF, v59;
	v31 =	vsel vm4, v32, v31  }
0x8e: {  	vm5 =	vlt.f32 v61, v31  }
0x8f: {  	v44 =	vld [tilespmem:$0x4600];
	v40 =	vsub.f32 v26, v58;
	v63 =	vand.u32 $0x7FFFFFFF, v62;
	v31 =	vsel vm5, v61, v31  }
0x90: {  	v53 =	vld [tilespmem:$0x4780];
	v43 =	vsub.f32 v26, v60;
	v46 =	vsub.f32 v26, v36;
	vm6 =	vlt.f32 v63, v31  }
0x91: {  	v49 =	vsub.f32 v26, v41;
	v42 =	vand.u32 $0x7FFFFFFF, v40;
	v56 =	vld [tilespmem:$0x4800];
	v31 =	vsel vm6, v63, v31  }
0x92: {  	v45 =	vand.u32 $0x7FFFFFFF, v43;
	v48 =	vand.u32 $0x7FFFFFFF, v46;
	v59 =	vld [tilespmem:$0x4880];
	vm7 =	vlt.f32 v42, v31  }
0x93: {  	v37 =	vsel vm4, $0x1, v0;
	v28 =	vsel vm4, v52, v51;
	v31 =	vsel vm7, v42, v31  }
0x94: {  	v47 =	vld [tilespmem:$0x4680];
	v51 =	vand.u32 $0x7FFFFFFF, v49;
	v52 =	vsub.f32 v26, v44;
	vm8 =	vlt.f32 v45, v31  }
0x95: {  	v37 =	vsel vm5, $0x2, v37;
	v27 =	vsel vm5, v54, v28;
	v31 =	vsel vm8, v45, v31  }
0x96: {  	v50 =	vld [tilespmem:$0x4700];
	v54 =	vand.u32 $0x7FFFFFFF, v52;
	v61 =	vsub.f32 v26, v53;
	vm9 =	vlt.f32 v48, v31  }
0x97: {  	v40 =	vsub.f32 v26, v56;
	v43 =	vsub.f32 v26, v59;
	v31 =	vsel vm9, v48, v31  }
0x98: {  	v37 =	vsel vm6, $0x3, v37;
	v27 =	vsel vm6, v55, v27;
	vm10 =	vlt.f32 v51, v31  }
0x99: {  	v55 =	vsub.f32 v26, v47;
	v63 =	vand.u32 $0x7FFFFFFF, v61;
	v31 =	vsel vm10, v51, v31  }
0x9a: {  	v37 =	vsel vm7, $0x4, v37;
	v27 =	vsel vm7, v58, v27;
	vm11 =	vlt.f32 v54, v31  }
0x9b: {  	v62 =	vld [tilespmem:$0x4900];
	v57 =	vand.u32 $0x7FFFFFFF, v55;
	v58 =	vsub.f32 v26, v50;
	v31 =	vsel vm11, v54, v31  }
0x9c: {  	v37 =	vsel vm8, $0x5, v37;
	v27 =	vsel vm8, v60, v27;
	vm12 =	vlt.f32 v57, v31  }
0x9d: {  	v60 =	vand.u32 $0x7FFFFFFF, v58;
	v27 =	vsel vm9, v36, v27;
	v31 =	vsel vm12, v57, v31  }
0x9e: {  	v37 =	vsel vm9, $0x6, v37;
	v27 =	vsel vm10, v41, v27;
	v41 =	vld [tilespmem:$0x4980];
	vm13 =	vlt.f32 v60, v31  }
0x9f: {  	v42 =	vand.u32 $0x7FFFFFFF, v40;
	v37 =	vsel vm10, $0x7, v37;
	v31 =	vsel vm13, v60, v31  }
0xa0: {  	v45 =	vsub.f32 v26, v62;
	v37 =	vsel vm11, $0x8, v37;
	vm14 =	vlt.f32 v63, v31  }
0xa1: {  	v27 =	vsel vm11, v44, v27;
	v44 =	vand.u32 $0x7FFFFFFF, v43;
	v31 =	vsel vm14, v63, v31  }
0xa2: {  	v37 =	vsel vm12, $0x9, v37;
	v27 =	vsel vm12, v47, v27;
	vm15 =	vlt.f32 v42, v31  }
0xa3: {  	v47 =	vand.u32 $0x7FFFFFFF, v45;
	v48 =	vsub.f32 v26, v41;
	v31 =	vsel vm15, v42, v31  }
0xa4: {  	v37 =	vsel vm13, $0xA, v37;
	v27 =	vsel vm13, v50, v27;
	vm4 =	vlt.f32 v44, v31  }
0xa5: {  	v50 =	vand.u32 $0x7FFFFFFF, v48;
	v27 =	vsel vm14, v53, v27;
	v31 =	vsel vm4, v44, v31  }
0xa6: {  	v46 =	vsel vm14, $0xB, v37;
	v27 =	vsel vm15, v56, v27;
	vm5 =	vlt.f32 v47, v31  }
0xa7: {  	v34 =	vsel vm15, $0xC, v46;
	v27 =	vsel vm4, v59, v27;
	v49 =	vsel vm5, v47, v31  }
0xa8: {  	v51 =	vsel vm4, $0xD, v34;
	v27 =	vsel vm5, v62, v27;
	vm6 =	vlt.f32 v50, v49  }
0xa9: {  	v53 =	vld [tilespmem:s19+$0x30];
	v52 =	vsel vm5, $0xE, v51;
	v27 =	vsel vm6, v41, v27  }
0xaa: {  	v28 =	vsel vm6, $0xF, v52;
	[tilespmem:s19+$0x4A20] =	vst v27  }
0xab: {  	[tilespmem:s19+$0x8A20] =	vst v28  }
0xac: {  	v54 =	vld [tilespmem:$0x4200]  }
0xad: {  	v55 =	vld [tilespmem:$0x4280]  }
0xae: {  	v56 =	vadd.f32 v53, v14  }
0xaf: {  	v57 =	vld [tilespmem:$0x4300]  }
0xb0: {  	v28 =	vadd.f32 v56, v4  }
0xb1: {  	v58 =	vld [tilespmem:$0x4380]  }
0xb2: {  	v61 =	vld [tilespmem:$0x4400];
	v59 =	vsub.f32 v28, v54;
	v60 =	vsub.f32 v28, v55  }
0xb3: {  	v63 =	vld [tilespmem:$0x4480]  }
0xb4: {  	v38 =	vld [tilespmem:$0x4500];
	v62 =	vsub.f32 v28, v57;
	v33 =	vand.u32 $0x7FFFFFFF, v59;
	v34 =	vand.u32 $0x7FFFFFFF, v60  }
0xb5: {  	v45 =	vld [tilespmem:$0x4580];
	vm7 =	vlt.f32 v34, v33  }
0xb6: {  	v48 =	vld [tilespmem:$0x4600];
	v42 =	vsub.f32 v28, v58;
	v41 =	vand.u32 $0x7FFFFFFF, v62;
	v33 =	vsel vm7, v34, v33  }
0xb7: {  	vm8 =	vlt.f32 v41, v33  }
0xb8: {  	v51 =	vld [tilespmem:$0x4680];
	v44 =	vsub.f32 v28, v61;
	v43 =	vand.u32 $0x7FFFFFFF, v42;
	v33 =	vsel vm8, v41, v33  }
0xb9: {  	v47 =	vsub.f32 v28, v63;
	v50 =	vsub.f32 v28, v38;
	vm9 =	vlt.f32 v43, v33  }
0xba: {  	v53 =	vsub.f32 v28, v45;
	v46 =	vand.u32 $0x7FFFFFFF, v44;
	v33 =	vsel vm9, v43, v33  }
0xbb: {  	v56 =	vsub.f32 v28, v48;
	v49 =	vand.u32 $0x7FFFFFFF, v47;
	vm10 =	vlt.f32 v46, v33  }
0xbc: {  	v52 =	vand.u32 $0x7FFFFFFF, v50;
	v30 =	vsel vm7, v55, v54;
	v54 =	vld [tilespmem:$0x4700];
	v33 =	vsel vm10, v46, v33  }
0xbd: {  	v59 =	vsub.f32 v28, v51;
	v39 =	vsel vm7, $0x1, v0;
	vm11 =	vlt.f32 v49, v33  }
0xbe: {  	v60 =	vld [tilespmem:$0x4800];
	v55 =	vand.u32 $0x7FFFFFFF, v53;
	v39 =	vsel vm8, $0x2, v39;
	v33 =	vsel vm11, v49, v33  }
0xbf: {  	v29 =	vsel vm8, v57, v30;
	v39 =	vsel vm9, $0x3, v39;
	vm12 =	vlt.f32 v52, v33  }
0xc0: {  	v57 =	vld [tilespmem:$0x4780];
	v29 =	vsel vm9, v58, v29;
	v58 =	vand.u32 $0x7FFFFFFF, v56;
	v33 =	vsel vm12, v52, v33  }
0xc1: {  	v62 =	vsub.f32 v28, v54;
	v39 =	vsel vm10, $0x4, v39;
	vm13 =	vlt.f32 v55, v33  }
0xc2: {  	v29 =	vsel vm10, v61, v29;
	v61 =	vand.u32 $0x7FFFFFFF, v59;
	v33 =	vsel vm13, v55, v33  }
0xc3: {  	v46 =	vsub.f32 v28, v60;
	v29 =	vsel vm11, v63, v29;
	v63 =	vld [tilespmem:$0x4880];
	vm14 =	vlt.f32 v58, v33  }
0xc4: {  	v42 =	vand.u32 $0x7FFFFFFF, v62;
	v39 =	vsel vm11, $0x5, v39;
	v33 =	vsel vm14, v58, v33  }
0xc5: {  	v43 =	vsub.f32 v28, v57;
	v39 =	vsel vm12, $0x6, v39;
	vm15 =	vlt.f32 v61, v33  }
0xc6: {  	v44 =	vld [tilespmem:$0x4900];
	v29 =	vsel vm12, v38, v29;
	v39 =	vsel vm13, $0x7, v39;
	v33 =	vsel vm15, v61, v33  }
0xc7: {  	v29 =	vsel vm13, v45, v29;
	v45 =	vand.u32 $0x7FFFFFFF, v43;
	vm4 =	vlt.f32 v42, v33  }
0xc8: {  	v47 =	vld [tilespmem:$0x4980];
	v49 =	vsub.f32 v28, v63;
	v39 =	vsel vm14, $0x8, v39;
	v33 =	vsel vm4, v42, v33  }
0xc9: {  	v29 =	vsel vm14, v48, v29;
	v48 =	vand.u32 $0x7FFFFFFF, v46;
	vm5 =	vlt.f32 v45, v33  }
0xca: {  	v50 =	vand.u32 $0x7FFFFFFF, v49;
	v39 =	vsel vm15, $0x9, v39;
	v33 =	vsel vm5, v45, v33  }
0xcb: {  	v29 =	vsel vm15, v51, v29;
	v51 =	vsub.f32 v28, v44;
	vm6 =	vlt.f32 v48, v33  }
0xcc: {  	v39 =	vsel vm4, $0xA, v39;
	v29 =	vsel vm4, v54, v29;
	v33 =	vsel vm6, v48, v33  }
0xcd: {  	v53 =	vand.u32 $0x7FFFFFFF, v51;
	v54 =	vsub.f32 v28, v47;
	vm7 =	vlt.f32 v50, v33  }
0xce: {  	v52 =	vsel vm5, $0xB, v39;
	v29 =	vsel vm5, v57, v29;
	v33 =	vsel vm7, v50, v33  }
0xcf: {  	v56 =	vand.u32 $0x7FFFFFFF, v54;
	v29 =	vsel vm6, v60, v29;
	vm8 =	vlt.f32 v53, v33  }
0xd0: {  	v36 =	vsel vm6, $0xC, v52;
	v29 =	vsel vm7, v63, v29;
	v55 =	vsel vm8, v53, v33  }
0xd1: {  	v57 =	vsel vm7, $0xD, v36;
	v29 =	vsel vm8, v44, v29;
	vm9 =	vlt.f32 v56, v55  }
0xd2: {  	v59 =	vld [tilespmem:s19+$0x40];
	v58 =	vsel vm8, $0xE, v57;
	v29 =	vsel vm9, v47, v29  }
0xd3: {  	v30 =	vsel vm9, $0xF, v58;
	[tilespmem:s19+$0x4A30] =	vst v29  }
0xd4: {  	[tilespmem:s19+$0x8A30] =	vst v30  }
0xd5: {  	v60 =	vld [tilespmem:$0x4200]  }
0xd6: {  	v61 =	vld [tilespmem:$0x4280]  }
0xd7: {  	v62 =	vadd.f32 v59, v15  }
0xd8: {  	v63 =	vld [tilespmem:$0x4300]  }
0xd9: {  	v30 =	vadd.f32 v62, v5  }
0xda: {  	v44 =	vld [tilespmem:$0x4380]  }
0xdb: {  	v47 =	vld [tilespmem:$0x4400];
	v45 =	vsub.f32 v30, v60;
	v46 =	vsub.f32 v30, v61  }
0xdc: {  	v49 =	vld [tilespmem:$0x4480]  }
0xdd: {  	v40 =	vld [tilespmem:$0x4500];
	v48 =	vsub.f32 v30, v63;
	v35 =	vand.u32 $0x7FFFFFFF, v45;
	v36 =	vand.u32 $0x7FFFFFFF, v46  }
0xde: {  	v54 =	vld [tilespmem:$0x4580];
	vm10 =	vlt.f32 v36, v35  }
0xdf: {  	v51 =	vsub.f32 v30, v44;
	v50 =	vand.u32 $0x7FFFFFFF, v48;
	v35 =	vsel vm10, v36, v35  }
0xe0: {  	v57 =	vld [tilespmem:$0x4600];
	vm11 =	vlt.f32 v50, v35  }
0xe1: {  	v53 =	vsub.f32 v30, v47;
	v52 =	vand.u32 $0x7FFFFFFF, v51;
	v35 =	vsel vm11, v50, v35  }
0xe2: {  	v56 =	vsub.f32 v30, v49;
	v59 =	vsub.f32 v30, v40;
	vm12 =	vlt.f32 v52, v35  }
0xe3: {  	v62 =	vsub.f32 v30, v54;
	v55 =	vand.u32 $0x7FFFFFFF, v53;
	v35 =	vsel vm12, v52, v35  }
0xe4: {  	v58 =	vand.u32 $0x7FFFFFFF, v56;
	v32 =	vsel vm10, v61, v60;
	v60 =	vld [tilespmem:$0x4680];
	vm13 =	vlt.f32 v55, v35  }
0xe5: {  	v45 =	vsub.f32 v30, v57;
	v41 =	vsel vm10, $0x1, v0;
	v35 =	vsel vm13, v55, v35  }
0xe6: {  	v41 =	vsel vm11, $0x2, v41;
	v31 =	vsel vm11, v63, v32;
	v63 =	vld [tilespmem:$0x4700];
	vm14 =	vlt.f32 v58, v35  }
0xe7: {  	v61 =	vand.u32 $0x7FFFFFFF, v59;
	v41 =	vsel vm12, $0x3, v41;
	v35 =	vsel vm14, v58, v35  }
0xe8: {  	v31 =	vsel vm12, v44, v31;
	v44 =	vand.u32 $0x7FFFFFFF, v62;
	vm15 =	vlt.f32 v61, v35  }
0xe9: {  	v48 =	vsub.f32 v30, v60;
	v41 =	vsel vm13, $0x4, v41;
	v55 =	vld [tilespmem:$0x4900];
	v35 =	vsel vm15, v61, v35  }
0xea: {  	v46 =	vld [tilespmem:$0x4780];
	v31 =	vsel vm13, v47, v31;
	v47 =	vand.u32 $0x7FFFFFFF, v45;
	vm4 =	vlt.f32 v44, v35  }
0xeb: {  	v50 =	vand.u32 $0x7FFFFFFF, v48;
	v51 =	vsub.f32 v30, v63;
	v35 =	vsel vm4, v44, v35  }
0xec: {  	v41 =	vsel vm14, $0x5, v41;
	v31 =	vsel vm14, v49, v31;
	v49 =	vld [tilespmem:$0x4800];
	vm5 =	vlt.f32 v47, v35  }
0xed: {  	v53 =	vand.u32 $0x7FFFFFFF, v51;
	v41 =	vsel vm15, $0x6, v41;
	v35 =	vsel vm5, v47, v35  }
0xee: {  	v52 =	vld [tilespmem:$0x4880];
	v31 =	vsel vm15, v40, v31;
	v62 =	vsub.f32 v30, v55;
	vm6 =	vlt.f32 v50, v35  }
0xef: {  	v58 =	vld [tilespmem:$0x4980];
	v31 =	vsel vm4, v54, v31;
	v54 =	vsub.f32 v30, v46;
	v35 =	vsel vm6, v50, v35  }
0xf0: {  	v41 =	vsel vm4, $0x7, v41;
	v31 =	vsel vm5, v57, v31;
	vm7 =	vlt.f32 v53, v35  }
0xf1: {  	v56 =	vand.u32 $0x7FFFFFFF, v54;
	v57 =	vsub.f32 v30, v49;
	v35 =	vsel vm7, v53, v35  }
0xf2: {  	v41 =	vsel vm5, $0x8, v41;
	v31 =	vsel vm6, v60, v31;
	vm8 =	vlt.f32 v56, v35  }
0xf3: {  	v59 =	vand.u32 $0x7FFFFFFF, v57;
	v60 =	vsub.f32 v30, v52;
	v35 =	vsel vm8, v56, v35  }
0xf4: {  	v42 =	vsub.f32 v30, v58;
	v41 =	vsel vm6, $0x9, v41;
	vm9 =	vlt.f32 v59, v35  }
0xf5: {  	v41 =	vsel vm7, $0xA, v41;
	v61 =	vand.u32 $0x7FFFFFFF, v60;
	v35 =	vsel vm9, v59, v35  }
0xf6: {  	v31 =	vsel vm7, v63, v31;
	v63 =	vsel vm8, $0xB, v41;
	vm10 =	vlt.f32 v61, v35  }
0xf7: {  	v31 =	vsel vm8, v46, v31;
	v41 =	vand.u32 $0x7FFFFFFF, v62;
	v35 =	vsel vm10, v61, v35  }
0xf8: {  	v44 =	vand.u32 $0x7FFFFFFF, v42;
	v31 =	vsel vm9, v49, v31;
	vm11 =	vlt.f32 v41, v35  }
0xf9: {  	v38 =	vsel vm9, $0xC, v63;
	v31 =	vsel vm10, v52, v31;
	v43 =	vsel vm11, v41, v35  }
0xfa: {  	v45 =	vsel vm10, $0xD, v38;
	v31 =	vsel vm11, v55, v31;
	vm12 =	vlt.f32 v44, v43  }
0xfb: {  	v47 =	vld [tilespmem:s19+$0x50];
	v46 =	vsel vm11, $0xE, v45;
	v31 =	vsel vm12, v58, v31  }
0xfc: {  	v32 =	vsel vm12, $0xF, v46;
	[tilespmem:s19+$0x4A40] =	vst v31  }
0xfd: {  	[tilespmem:s19+$0x8A40] =	vst v32  }
0xfe: {  	v48 =	vld [tilespmem:$0x4200]  }
0xff: {  	v49 =	vld [tilespmem:$0x4280]  }
0x100: {  	v50 =	vadd.f32 v47, v16  }
0x101: {  	v51 =	vld [tilespmem:$0x4300]  }
0x102: {  	v32 =	vadd.f32 v50, v6  }
0x103: {  	v52 =	vld [tilespmem:$0x4380]  }
0x104: {  	v55 =	vld [tilespmem:$0x4400];
	v53 =	vsub.f32 v32, v48;
	v54 =	vsub.f32 v32, v49  }
0x105: {  	v57 =	vld [tilespmem:$0x4480]  }
0x106: {  	v56 =	vsub.f32 v32, v51;
	v37 =	vand.u32 $0x7FFFFFFF, v53;
	v38 =	vand.u32 $0x7FFFFFFF, v54  }
0x107: {  	v46 =	vld [tilespmem:$0x4600];
	vm13 =	vlt.f32 v38, v37  }
0x108: {  	v59 =	vsub.f32 v32, v52;
	v58 =	vand.u32 $0x7FFFFFFF, v56;
	v37 =	vsel vm13, v38, v37  }
0x109: {  	v42 =	vld [tilespmem:$0x4500];
	v61 =	vsub.f32 v32, v55;
	vm14 =	vlt.f32 v58, v37  }
0x10a: {  	v62 =	vld [tilespmem:$0x4580];
	v45 =	vsub.f32 v32, v57;
	v60 =	vand.u32 $0x7FFFFFFF, v59;
	v37 =	vsel vm14, v58, v37  }
0x10b: {  	v63 =	vand.u32 $0x7FFFFFFF, v61;
	vm15 =	vlt.f32 v60, v37  }
0x10c: {  	v47 =	vand.u32 $0x7FFFFFFF, v45;
	v54 =	vsub.f32 v32, v46;
	v37 =	vsel vm15, v60, v37  }
0x10d: {  	v43 =	vsel vm13, $0x1, v0;
	v34 =	vsel vm13, v49, v48;
	vm4 =	vlt.f32 v63, v37  }
0x10e: {  	v48 =	vsub.f32 v32, v42;
	v43 =	vsel vm14, $0x2, v43;
	v37 =	vsel vm4, v63, v37  }
0x10f: {  	v49 =	vld [tilespmem:$0x4680];
	v33 =	vsel vm14, v51, v34;
	v51 =	vsub.f32 v32, v62;
	vm5 =	vlt.f32 v47, v37  }
0x110: {  	v50 =	vand.u32 $0x7FFFFFFF, v48;
	v33 =	vsel vm15, v52, v33;
	v52 =	vld [tilespmem:$0x4700];
	v37 =	vsel vm5, v47, v37  }
0x111: {  	v43 =	vsel vm15, $0x3, v43;
	v53 =	vand.u32 $0x7FFFFFFF, v51;
	vm6 =	vlt.f32 v50, v37  }
0x112: {  	v43 =	vsel vm4, $0x4, v43;
	v33 =	vsel vm4, v55, v33;
	v55 =	vld [tilespmem:$0x4780];
	v37 =	vsel vm6, v50, v37  }
0x113: {  	v56 =	vand.u32 $0x7FFFFFFF, v54;
	v43 =	vsel vm5, $0x5, v43;
	vm7 =	vlt.f32 v53, v37  }
0x114: {  	v58 =	vld [tilespmem:$0x4800];
	v33 =	vsel vm5, v57, v33;
	v57 =	vsub.f32 v32, v49;
	v37 =	vsel vm7, v53, v37  }
0x115: {  	v60 =	vsub.f32 v32, v52;
	v43 =	vsel vm6, $0x6, v43;
	vm8 =	vlt.f32 v56, v37  }
0x116: {  	v61 =	vld [tilespmem:$0x4880];
	v33 =	vsel vm6, v42, v33;
	v59 =	vand.u32 $0x7FFFFFFF, v57;
	v37 =	vsel vm8, v56, v37  }
0x117: {  	v63 =	vsub.f32 v32, v55;
	v43 =	vsel vm7, $0x7, v43;
	vm9 =	vlt.f32 v59, v37  }
0x118: {  	v33 =	vsel vm7, v62, v33;
	v62 =	vand.u32 $0x7FFFFFFF, v60;
	v37 =	vsel vm9, v59, v37  }
0x119: {  	v45 =	vld [tilespmem:$0x4900];
	v47 =	vsub.f32 v32, v58;
	v43 =	vsel vm8, $0x8, v43;
	vm10 =	vlt.f32 v62, v37  }
0x11a: {  	v33 =	vsel vm8, v46, v33;
	v46 =	vand.u32 $0x7FFFFFFF, v63;
	v37 =	vsel vm10, v62, v37  }
0x11b: {  	v48 =	vld [tilespmem:$0x4980];
	v50 =	vsub.f32 v32, v61;
	v43 =	vsel vm9, $0x9, v43;
	vm11 =	vlt.f32 v46, v37  }
0x11c: {  	v33 =	vsel vm9, v49, v33;
	v49 =	vand.u32 $0x7FFFFFFF, v47;
	v37 =	vsel vm11, v46, v37  }
0x11d: {  	v51 =	vand.u32 $0x7FFFFFFF, v50;
	v43 =	vsel vm10, $0xA, v43;
	vm12 =	vlt.f32 v49, v37  }
0x11e: {  	v33 =	vsel vm10, v52, v33;
	v52 =	vsub.f32 v32, v45;
	v37 =	vsel vm12, v49, v37  }
0x11f: {  	v53 =	vsel vm11, $0xB, v43;
	v33 =	vsel vm11, v55, v33;
	vm13 =	vlt.f32 v51, v37  }
0x120: {  	v54 =	vand.u32 $0x7FFFFFFF, v52;
	v55 =	vsub.f32 v32, v48;
	v37 =	vsel vm13, v51, v37  }
0x121: {  	v40 =	vsel vm12, $0xC, v53;
	v33 =	vsel vm12, v58, v33;
	vm14 =	vlt.f32 v54, v37  }
0x122: {  	v57 =	vand.u32 $0x7FFFFFFF, v55;
	v33 =	vsel vm13, v61, v33;
	v56 =	vsel vm14, v54, v37  }
0x123: {  	v58 =	vsel vm13, $0xD, v40;
	v33 =	vsel vm14, v45, v33;
	vm15 =	vlt.f32 v57, v56  }
0x124: {  	v60 =	vld [tilespmem:s19+$0x60];
	v59 =	vsel vm14, $0xE, v58;
	v34 =	vsel vm15, v48, v33  }
0x125: {  	v35 =	vsel vm15, $0xF, v59;
	[tilespmem:s19+$0x4A50] =	vst v34  }
0x126: {  	[tilespmem:s19+$0x8A50] =	vst v35  }
0x127: {  	v35 =	vld [tilespmem:$0x4200]  }
0x128: {  	v61 =	vld [tilespmem:$0x4280]  }
0x129: {  	v33 =	vadd.f32 v60, v17  }
0x12a: {  	v62 =	vld [tilespmem:$0x4300]  }
0x12b: {  	v33 =	vadd.f32 v33, v7  }
0x12c: {  	v63 =	vld [tilespmem:$0x4380]  }
0x12d: {  	v48 =	vld [tilespmem:$0x4400];
	v46 =	vsub.f32 v33, v35;
	v47 =	vsub.f32 v33, v61  }
0x12e: {  	v50 =	vld [tilespmem:$0x4480]  }
0x12f: {  	v44 =	vld [tilespmem:$0x4500];
	v49 =	vsub.f32 v33, v62;
	v39 =	vand.u32 $0x7FFFFFFF, v46;
	v40 =	vand.u32 $0x7FFFFFFF, v47  }
0x130: {  	vm4 =	vlt.f32 v40, v39  }
0x131: {  	v41 =	vld [tilespmem:$0x4700];
	v52 =	vsub.f32 v33, v63;
	v51 =	vand.u32 $0x7FFFFFFF, v49;
	v39 =	vsel vm4, v40, v39  }
0x132: {  	v54 =	vsub.f32 v33, v48;
	vm5 =	vlt.f32 v51, v39  }
0x133: {  	v55 =	vld [tilespmem:$0x4580];
	v57 =	vsub.f32 v33, v50;
	v53 =	vand.u32 $0x7FFFFFFF, v52;
	v39 =	vsel vm5, v51, v39  }
0x134: {  	v38 =	vld [tilespmem:$0x4680];
	v60 =	vsub.f32 v33, v44;
	vm6 =	vlt.f32 v53, v39  }
0x135: {  	v58 =	vld [tilespmem:$0x4600];
	v56 =	vand.u32 $0x7FFFFFFF, v54;
	v59 =	vand.u32 $0x7FFFFFFF, v57;
	v39 =	vsel vm6, v53, v39  }
0x136: {  	v49 =	vld [tilespmem:$0x4780];
	v54 =	vsub.f32 v33, v41;
	v45 =	vsel vm4, $0x1, v0;
	vm7 =	vlt.f32 v56, v39  }
0x137: {  	v52 =	vld [tilespmem:$0x4800];
	v35 =	vsel vm4, v61, v35;
	v61 =	vand.u32 $0x7FFFFFFF, v60;
	v39 =	vsel vm7, v56, v39  }
0x138: {  	v35 =	vsel vm5, v62, v35;
	v62 =	vsub.f32 v33, v55;
	vm8 =	vlt.f32 v59, v39  }
0x139: {  	v45 =	vsel vm5, $0x2, v45;
	v51 =	vsub.f32 v33, v38;
	v39 =	vsel vm8, v59, v39  }
0x13a: {  	v35 =	vsel vm6, v63, v35;
	v63 =	vand.u32 $0x7FFFFFFF, v62;
	vm9 =	vlt.f32 v61, v39  }
0x13b: {  	v35 =	vsel vm7, v48, v35;
	v48 =	vsub.f32 v33, v58;
	v39 =	vsel vm9, v61, v39  }
0x13c: {  	v57 =	vsub.f32 v33, v49;
	v60 =	vsub.f32 v33, v52;
	vm10 =	vlt.f32 v63, v39  }
0x13d: {  	v35 =	vsel vm8, v50, v35;
	v50 =	vand.u32 $0x7FFFFFFF, v48;
	v39 =	vsel vm10, v63, v39  }
0x13e: {  	v45 =	vsel vm6, $0x3, v45;
	v53 =	vand.u32 $0x7FFFFFFF, v51;
	vm11 =	vlt.f32 v50, v39  }
0x13f: {  	v62 =	vand.u32 $0x7FFFFFFF, v60;
	v35 =	vsel vm9, v44, v35;
	v61 =	vld [tilespmem:$0x4980];
	v39 =	vsel vm11, v50, v39  }
0x140: {  	v45 =	vsel vm7, $0x4, v45;
	v35 =	vsel vm10, v55, v35;
	v55 =	vld [tilespmem:$0x4880];
	vm12 =	vlt.f32 v53, v39  }
0x141: {  	v56 =	vand.u32 $0x7FFFFFFF, v54;
	v45 =	vsel vm8, $0x5, v45;
	v39 =	vsel vm12, v53, v39  }
0x142: {  	v45 =	vsel vm9, $0x6, v45;
	v35 =	vsel vm11, v58, v35;
	v58 =	vld [tilespmem:$0x4900];
	vm13 =	vlt.f32 v56, v39  }
0x143: {  	v59 =	vand.u32 $0x7FFFFFFF, v57;
	v45 =	vsel vm10, $0x7, v45;
	v39 =	vsel vm13, v56, v39  }
0x144: {  	v45 =	vsel vm11, $0x8, v45;
	v50 =	vsub.f32 v33, v61;
	vm14 =	vlt.f32 v59, v39  }
0x145: {  	v45 =	vsel vm12, $0x9, v45;
	v63 =	vsub.f32 v33, v55;
	v39 =	vsel vm14, v59, v39  }
0x146: {  	v35 =	vsel vm12, v38, v35;
	v45 =	vsel vm13, $0xA, v45;
	vm15 =	vlt.f32 v62, v39  }
0x147: {  	v46 =	vand.u32 $0x7FFFFFFF, v63;
	v47 =	vsub.f32 v33, v58;
	v39 =	vsel vm15, v62, v39  }
0x148: {  	v35 =	vsel vm13, v41, v35;
	v48 =	vsel vm14, $0xB, v45;
	vm4 =	vlt.f32 v46, v39  }
0x149: {  	v35 =	vsel vm14, v49, v35;
	v49 =	vand.u32 $0x7FFFFFFF, v47;
	v39 =	vsel vm4, v46, v39  }
0x14a: {  	v42 =	vsel vm15, $0xC, v48;
	v35 =	vsel vm15, v52, v35;
	vm5 =	vlt.f32 v49, v39  }
0x14b: {  	v52 =	vand.u32 $0x7FFFFFFF, v50;
	v35 =	vsel vm4, v55, v35;
	v51 =	vsel vm5, v49, v39  }
0x14c: {  	v53 =	vsel vm4, $0xD, v42;
	v35 =	vsel vm5, v58, v35;
	vm6 =	vlt.f32 v52, v51  }
0x14d: {  	v55 =	vld [tilespmem:s19+$0x70];
	v54 =	vsel vm5, $0xE, v53;
	v35 =	vsel vm6, v61, v35  }
0x14e: {  	v36 =	vsel vm6, $0xF, v54;
	[tilespmem:s19+$0x4A60] =	vst v35  }
0x14f: {  	[tilespmem:s19+$0x8A60] =	vst v36  }
0x150: {  	v56 =	vld [tilespmem:$0x4200]  }
0x151: {  	v57 =	vld [tilespmem:$0x4280]  }
0x152: {  	v58 =	vadd.f32 v55, v18  }
0x153: {  	v59 =	vld [tilespmem:$0x4300]  }
0x154: {  	v36 =	vadd.f32 v58, v8  }
0x155: {  	v60 =	vld [tilespmem:$0x4380]  }
0x156: {  	v63 =	vld [tilespmem:$0x4400];
	v61 =	vsub.f32 v36, v56;
	v62 =	vsub.f32 v36, v57  }
0x157: {  	v45 =	vld [tilespmem:$0x4480]  }
0x158: {  	v46 =	vld [tilespmem:$0x4500];
	v48 =	vsub.f32 v36, v59;
	v41 =	vand.u32 $0x7FFFFFFF, v61;
	v42 =	vand.u32 $0x7FFFFFFF, v62  }
0x159: {  	vm7 =	vlt.f32 v42, v41  }
0x15a: {  	v53 =	vld [tilespmem:$0x4580];
	v50 =	vsub.f32 v36, v60;
	v49 =	vand.u32 $0x7FFFFFFF, v48;
	v41 =	vsel vm7, v42, v41  }
0x15b: {  	vm8 =	vlt.f32 v49, v41  }
0x15c: {  	v52 =	vsub.f32 v36, v63;
	v51 =	vand.u32 $0x7FFFFFFF, v50;
	v62 =	vld [tilespmem:$0x4700];
	v41 =	vsel vm8, v49, v41  }
0x15d: {  	v55 =	vsub.f32 v36, v45;
	v58 =	vsub.f32 v36, v46;
	vm9 =	vlt.f32 v51, v41  }
0x15e: {  	v54 =	vand.u32 $0x7FFFFFFF, v52;
	v38 =	vsel vm7, v57, v56;
	v56 =	vld [tilespmem:$0x4600];
	v41 =	vsel vm9, v51, v41  }
0x15f: {  	v61 =	vsub.f32 v36, v53;
	v47 =	vsel vm7, $0x1, v0;
	vm10 =	vlt.f32 v54, v41  }
0x160: {  	v57 =	vand.u32 $0x7FFFFFFF, v55;
	v47 =	vsel vm8, $0x2, v47;
	v41 =	vsel vm10, v54, v41  }
0x161: {  	v37 =	vsel vm8, v59, v38;
	v59 =	vld [tilespmem:$0x4680];
	v52 =	vsub.f32 v36, v62;
	vm11 =	vlt.f32 v57, v41  }
0x162: {  	v37 =	vsel vm9, v60, v37;
	v60 =	vand.u32 $0x7FFFFFFF, v58;
	v41 =	vsel vm11, v57, v41  }
0x163: {  	v47 =	vsel vm9, $0x3, v47;
	v48 =	vsub.f32 v36, v56;
	vm12 =	vlt.f32 v60, v41  }
0x164: {  	v37 =	vsel vm10, v63, v37;
	v63 =	vand.u32 $0x7FFFFFFF, v61;
	v41 =	vsel vm12, v60, v41  }
0x165: {  	v47 =	vsel vm10, $0x4, v47;
	v37 =	vsel vm11, v45, v37;
	v45 =	vld [tilespmem:$0x4780];
	vm13 =	vlt.f32 v63, v41  }
0x166: {  	v49 =	vand.u32 $0x7FFFFFFF, v48;
	v50 =	vsub.f32 v36, v59;
	v41 =	vsel vm13, v63, v41  }
0x167: {  	v54 =	vand.u32 $0x7FFFFFFF, v52;
	v37 =	vsel vm12, v46, v37;
	v46 =	vld [tilespmem:$0x4800];
	vm14 =	vlt.f32 v49, v41  }
0x168: {  	v47 =	vsel vm11, $0x5, v47;
	v51 =	vand.u32 $0x7FFFFFFF, v50;
	v41 =	vsel vm14, v49, v41  }
0x169: {  	v47 =	vsel vm12, $0x6, v47;
	v37 =	vsel vm13, v53, v37;
	v53 =	vld [tilespmem:$0x4880];
	vm15 =	vlt.f32 v51, v41  }
0x16a: {  	v47 =	vsel vm13, $0x7, v47;
	v55 =	vsub.f32 v36, v45;
	v41 =	vsel vm15, v51, v41  }
0x16b: {  	v47 =	vsel vm14, $0x8, v47;
	v37 =	vsel vm14, v56, v37;
	v56 =	vld [tilespmem:$0x4900];
	vm4 =	vlt.f32 v54, v41  }
0x16c: {  	v57 =	vand.u32 $0x7FFFFFFF, v55;
	v58 =	vsub.f32 v36, v46;
	v41 =	vsel vm4, v54, v41  }
0x16d: {  	v47 =	vsel vm15, $0x9, v47;
	v37 =	vsel vm15, v59, v37;
	v59 =	vld [tilespmem:$0x4980];
	vm5 =	vlt.f32 v57, v41  }
0x16e: {  	v60 =	vand.u32 $0x7FFFFFFF, v58;
	v61 =	vsub.f32 v36, v53;
	v41 =	vsel vm5, v57, v41  }
0x16f: {  	v47 =	vsel vm4, $0xA, v47;
	v37 =	vsel vm4, v62, v37;
	vm6 =	vlt.f32 v60, v41  }
0x170: {  	v62 =	vand.u32 $0x7FFFFFFF, v61;
	v63 =	vsub.f32 v36, v56;
	v41 =	vsel vm6, v60, v41  }
0x171: {  	v48 =	vsel vm5, $0xB, v47;
	v37 =	vsel vm5, v45, v37;
	vm7 =	vlt.f32 v62, v41  }
0x172: {  	v49 =	vand.u32 $0x7FFFFFFF, v63;
	v50 =	vsub.f32 v36, v59;
	v41 =	vsel vm7, v62, v41  }
0x173: {  	v44 =	vsel vm6, $0xC, v48;
	v37 =	vsel vm6, v46, v37;
	vm8 =	vlt.f32 v49, v41  }
0x174: {  	v52 =	vand.u32 $0x7FFFFFFF, v50;
	v37 =	vsel vm7, v53, v37;
	v51 =	vsel vm8, v49, v41  }
0x175: {  	v53 =	vsel vm7, $0xD, v44;
	v37 =	vsel vm8, v56, v37;
	vm9 =	vlt.f32 v52, v51  }
0x176: {  	v55 =	vld [tilespmem:s19+$0x400];
	v54 =	vsel vm8, $0xE, v53;
	v38 =	vsel vm9, v59, v37  }
0x177: {  	v39 =	vsel vm9, $0xF, v54;
	[tilespmem:s19+$0x4A70] =	vst v38  }
0x178: {  	[tilespmem:s19+$0x8A70] =	vst v39  }
0x179: {  	v39 =	vld [tilespmem:$0x4200]  }
0x17a: {  	v56 =	vld [tilespmem:$0x4280]  }
0x17b: {  	v37 =	vadd.f32 v55, v19  }
0x17c: {  	v57 =	vld [tilespmem:$0x4300]  }
0x17d: {  	v37 =	vadd.f32 v37, v9;
	v58 =	vld [tilespmem:$0x4380]  }
0x17e: {  	v61 =	vld [tilespmem:$0x4400]  }
0x17f: {  	v59 =	vsub.f32 v37, v39;
	v60 =	vsub.f32 v37, v56  }
0x180: {  	v40 =	vld [tilespmem:$0x4500]  }
0x181: {  	v45 =	vld [tilespmem:$0x4680];
	v62 =	vsub.f32 v37, v57;
	v43 =	vand.u32 $0x7FFFFFFF, v59;
	v44 =	vand.u32 $0x7FFFFFFF, v60  }
0x182: {  	v63 =	vld [tilespmem:$0x4480];
	v51 =	vsub.f32 v37, v58;
	vm10 =	vlt.f32 v44, v43  }
0x183: {  	v53 =	vsub.f32 v37, v61;
	v50 =	vand.u32 $0x7FFFFFFF, v62;
	v43 =	vsel vm10, v44, v43  }
0x184: {  	vm11 =	vlt.f32 v50, v43  }
0x185: {  	v52 =	vand.u32 $0x7FFFFFFF, v51;
	v55 =	vand.u32 $0x7FFFFFFF, v53;
	v43 =	vsel vm11, v50, v43  }
0x186: {  	v54 =	vld [tilespmem:$0x4580];
	v59 =	vsub.f32 v37, v40;
	v53 =	vsub.f32 v37, v45;
	vm2 =	vlt.f32 v52, v43  }
0x187: {  	v39 =	vsel vm10, v56, v39;
	v56 =	vsub.f32 v37, v63;
	v43 =	vsel vm2, v52, v43  }
0x188: {  	v48 =	vsel vm10, $0x1, v0;
	v39 =	vsel vm11, v57, v39;
	v57 =	vld [tilespmem:$0x4600];
	vm12 =	vlt.f32 v55, v43  }
0x189: {  	v47 =	vld [tilespmem:$0x4700];
	v39 =	vsel vm2, v58, v39;
	v58 =	vand.u32 $0x7FFFFFFF, v56;
	v43 =	vsel vm12, v55, v43  }
0x18a: {  	v60 =	vand.u32 $0x7FFFFFFF, v59;
	v48 =	vsel vm11, $0x2, v48;
	vm13 =	vlt.f32 v58, v43  }
0x18b: {  	v39 =	vsel vm12, v61, v39;
	v61 =	vsub.f32 v37, v54;
	v43 =	vsel vm13, v58, v43  }
0x18c: {  	v48 =	vsel vm2, $0x3, v48;
	v39 =	vsel vm13, v63, v39;
	vm14 =	vlt.f32 v60, v43  }
0x18d: {  	v62 =	vand.u32 $0x7FFFFFFF, v61;
	v63 =	vsub.f32 v37, v57;
	v43 =	vsel vm14, v60, v43  }
0x18e: {  	v56 =	vsub.f32 v37, v47;
	v39 =	vsel vm14, v40, v39;
	v40 =	vld [tilespmem:$0x4780];
	vm15 =	vlt.f32 v62, v43  }
0x18f: {  	v48 =	vsel vm12, $0x4, v48;
	v52 =	vand.u32 $0x7FFFFFFF, v63;
	v60 =	vld [tilespmem:$0x4900];
	v43 =	vsel vm15, v62, v43  }
0x190: {  	v55 =	vand.u32 $0x7FFFFFFF, v53;
	v39 =	vsel vm15, v54, v39;
	v54 =	vld [tilespmem:$0x4800];
	vm4 =	vlt.f32 v52, v43  }
0x191: {  	v48 =	vsel vm13, $0x5, v48;
	v58 =	vand.u32 $0x7FFFFFFF, v56;
	v63 =	vld [tilespmem:$0x4980];
	v43 =	vsel vm4, v52, v43  }
0x192: {  	v48 =	vsel vm14, $0x6, v48;
	v39 =	vsel vm4, v57, v39;
	v57 =	vld [tilespmem:$0x4880];
	vm5 =	vlt.f32 v55, v43  }
0x193: {  	v48 =	vsel vm15, $0x7, v48;
	v59 =	vsub.f32 v37, v40;
	v43 =	vsel vm5, v55, v43  }
0x194: {  	v48 =	vsel vm4, $0x8, v48;
	v53 =	vsub.f32 v37, v60;
	vm6 =	vlt.f32 v58, v43  }
0x195: {  	v61 =	vand.u32 $0x7FFFFFFF, v59;
	v62 =	vsub.f32 v37, v54;
	v43 =	vsel vm6, v58, v43  }
0x196: {  	v56 =	vsub.f32 v37, v63;
	v39 =	vsel vm5, v45, v39;
	vm7 =	vlt.f32 v61, v43  }
0x197: {  	v49 =	vand.u32 $0x7FFFFFFF, v62;
	v50 =	vsub.f32 v37, v57;
	v43 =	vsel vm7, v61, v43  }
0x198: {  	v51 =	vsel vm5, $0x9, v48;
	v55 =	vand.u32 $0x7FFFFFFF, v53;
	vm8 =	vlt.f32 v49, v43  }
0x199: {  	v39 =	vsel vm6, v47, v39;
	v52 =	vand.u32 $0x7FFFFFFF, v50;
	v43 =	vsel vm8, v49, v43  }
0x19a: {  	v39 =	vsel vm7, v40, v39;
	v40 =	vsel vm6, $0xA, v51;
	vm9 =	vlt.f32 v52, v43  }
0x19b: {  	v40 =	vsel vm7, $0xB, v40;
	v39 =	vsel vm8, v54, v39;
	v54 =	vsel vm9, v52, v43  }
0x19c: {  	v23 =	vsub.f32 v23, v22;
	v40 =	vsel vm8, $0xC, v40;
	vm10 =	vlt.f32 v55, v54  }
0x19d: {  	v39 =	vsel vm9, v57, v39;
	v57 =	vand.u32 $0x7FFFFFFF, v56;
	v41 =	vsel vm10, v55, v54  }
0x19e: {  	v40 =	vsel vm9, $0xD, v40;
	v39 =	vsel vm10, v60, v39;
	vm11 =	vlt.f32 v57, v41  }
0x19f: {  	v58 =	vld [tilespmem:s19+$0x410];
	v40 =	vsel vm10, $0xE, v40;
	v22 =	vsel vm11, v63, v39  }
0x1a0: {  	v23 =	vmul.f32 v23, v23;
	v24 =	vsub.f32 v25, v24;
	v40 =	vsel vm11, $0xF, v40;
	[tilespmem:s19+$0x4E00] =	vst v22  }
0x1a1: {  	[tilespmem:s19+$0x8E00] =	vst v40  }
0x1a2: {  	v21 =	vadd.f32 v23, v21;
	v23 =	vmul.f32 v24, v24;
	v59 =	vld [tilespmem:$0x4200]  }
0x1a3: {  	v60 =	vsub.f32 v27, v26;
	v61 =	vld [tilespmem:$0x4280]  }
0x1a4: {  	v21 =	vadd.f32 v23, v21;
	v62 =	vadd.f32 v58, v20  }
0x1a5: {  	v33 =	vsub.f32 v35, v33;
	v23 =	vmul.f32 v60, v60;
	v63 =	vsub.f32 v29, v28;
	v39 =	vld [tilespmem:$0x4300]  }
0x1a6: {  	v44 =	vsub.f32 v34, v32;
	v27 =	vadd.f32 v62, v10  }
0x1a7: {  	v40 =	vsub.f32 v31, v30;
	v21 =	vadd.f32 v23, v21;
	v23 =	vmul.f32 v63, v63;
	v41 =	vld [tilespmem:$0x4380]  }
0x1a8: {  	v45 =	vld [tilespmem:$0x4400];
	v42 =	vsub.f32 v27, v59;
	v43 =	vsub.f32 v27, v61  }
0x1a9: {  	v34 =	vsub.f32 v38, v36;
	v47 =	vld [tilespmem:$0x4480];
	v21 =	vadd.f32 v23, v21;
	v23 =	vmul.f32 v40, v40  }
0x1aa: {  	v54 =	vld [tilespmem:$0x4580];
	v46 =	vsub.f32 v27, v39;
	v30 =	vand.u32 $0x7FFFFFFF, v42;
	v31 =	vand.u32 $0x7FFFFFFF, v43  }
0x1ab: {  	v22 =	vsub.f32 v22, v37;
	v21 =	vadd.f32 v23, v21;
	vm12 =	vlt.f32 v31, v30  }
0x1ac: {  	v50 =	vld [tilespmem:$0x4500];
	v49 =	vsub.f32 v27, v41;
	v48 =	vand.u32 $0x7FFFFFFF, v46;
	v30 =	vsel vm12, v31, v30  }
0x1ad: {  	v23 =	vmul.f32 v44, v44;
	v53 =	vsub.f32 v27, v45;
	vm13 =	vlt.f32 v48, v30  }
0x1ae: {  	v56 =	vsub.f32 v27, v47;
	v52 =	vand.u32 $0x7FFFFFFF, v49;
	v51 =	vsel vm13, v48, v30  }
0x1af: {  	v57 =	vld [tilespmem:$0x4600];
	v63 =	vsub.f32 v27, v54;
	v21 =	vadd.f32 v23, v21;
	vm14 =	vlt.f32 v52, v51  }
0x1b0: {  	v40 =	vld [tilespmem:$0x4780];
	v55 =	vand.u32 $0x7FFFFFFF, v53;
	v58 =	vand.u32 $0x7FFFFFFF, v56;
	v26 =	vsel vm14, v52, v51  }
0x1b1: {  	v23 =	vsel vm12, v61, v59;
	v59 =	vsub.f32 v27, v50;
	vm3 =	vlt.f32 v55, v26  }
0x1b2: {  	v38 =	vand.u32 $0x7FFFFFFF, v63;
	v43 =	vld [tilespmem:$0x4800];
	v60 =	vsel vm12, $0x1, v0;
	v26 =	vsel vm3, v55, v26  }
0x1b3: {  	v61 =	vld [tilespmem:$0x4680];
	v23 =	vsel vm13, v39, v23;
	v62 =	vand.u32 $0x7FFFFFFF, v59;
	vm15 =	vlt.f32 v58, v26  }
0x1b4: {  	v35 =	vsel vm13, $0x2, v60;
	v39 =	vsub.f32 v27, v57;
	v26 =	vsel vm15, v58, v26  }
0x1b5: {  	v36 =	vld [tilespmem:$0x4700];
	v48 =	vsub.f32 v27, v40;
	v60 =	vmul.f32 v33, v33;
	vm6 =	vlt.f32 v62, v26  }
0x1b6: {  	v23 =	vsel vm14, v41, v23;
	v35 =	vsel vm14, $0x3, v35;
	v26 =	vsel vm6, v62, v26  }
0x1b7: {  	v41 =	vand.u32 $0x7FFFFFFF, v39;
	v51 =	vsub.f32 v27, v43;
	vm7 =	vlt.f32 v38, v26  }
0x1b8: {  	v52 =	vld [tilespmem:$0x4980];
	v21 =	vadd.f32 v60, v21;
	v42 =	vsub.f32 v27, v61;
	v26 =	vsel vm7, v38, v26  }
0x1b9: {  	v23 =	vsel vm3, v45, v23;
	v35 =	vsel vm3, $0x4, v35;
	vm8 =	vlt.f32 v41, v26  }
0x1ba: {  	v46 =	vld [tilespmem:$0x4880];
	v45 =	vsub.f32 v27, v36;
	v44 =	vand.u32 $0x7FFFFFFF, v42;
	v26 =	vsel vm8, v41, v26  }
0x1bb: {  	v53 =	vand.u32 $0x7FFFFFFF, v51;
	v23 =	vsel vm15, v47, v23;
	vm9 =	vlt.f32 v44, v26  }
0x1bc: {  	v35 =	vsel vm15, $0x5, v35;
	v47 =	vand.u32 $0x7FFFFFFF, v45;
	v26 =	vsel vm9, v44, v26  }
0x1bd: {  	v49 =	vld [tilespmem:$0x4900];
	v59 =	vsub.f32 v27, v52;
	v23 =	vsel vm6, v50, v23;
	vm10 =	vlt.f32 v47, v26  }
0x1be: {  	v35 =	vsel vm6, $0x6, v35;
	v50 =	vand.u32 $0x7FFFFFFF, v48;
	v26 =	vsel vm10, v47, v26  }
0x1bf: {  	v23 =	vsel vm7, v54, v23;
	v54 =	vsub.f32 v27, v46;
	vm11 =	vlt.f32 v50, v26  }
0x1c0: {  	v62 =	vmul.f32 v34, v34;
	v35 =	vsel vm7, $0x7, v35;
	v26 =	vsel vm11, v50, v26  }
0x1c1: {  	v23 =	vsel vm8, v57, v23;
	v56 =	vand.u32 $0x7FFFFFFF, v54;
	vm12 =	vlt.f32 v53, v26  }
0x1c2: {  	v57 =	vsub.f32 v27, v49;
	v23 =	vsel vm9, v61, v23;
	v26 =	vsel vm12, v53, v26  }
0x1c3: {  	v55 =	vsel vm8, $0x8, v35;
	v23 =	vsel vm10, v36, v23;
	vm13 =	vlt.f32 v56, v26  }
0x1c4: {  	v58 =	vand.u32 $0x7FFFFFFF, v57;
	v23 =	vsel vm11, v40, v23;
	v26 =	vsel vm13, v56, v26  }
0x1c5: {  	v25 =	vsel vm9, $0x9, v55;
	v23 =	vsel vm12, v43, v23;
	vm14 =	vlt.f32 v58, v26  }
0x1c6: {  	v61 =	vand.u32 $0x7FFFFFFF, v59;
	v23 =	vsel vm13, v46, v23;
	v26 =	vsel vm14, v58, v26  }
0x1c7: {  	v25 =	vsel vm10, $0xA, v25;
	v23 =	vsel vm14, v49, v23;
	vm15 =	vlt.f32 v61, v26  }
0x1c8: {  	p0 =	sne.s32 s18, $0x3F00;
	v22 =	vmul.f32 v22, v22;
	v25 =	vsel vm11, $0xB, v25;
	v23 =	vsel vm15, v52, v23  }
.Ltmp0:
0x1c9: {  	v21 =	vadd.f32 v62, v21;
	v25 =	vsel vm12, $0xC, v25;
	v24 =	vsub.f32 v23, v27;
	(pc) =	sbr.rel @p0 .LBB2_2-.Ltmp0, $4  }
0x1ca: {  	v25 =	vsel vm13, $0xD, v25  }
0x1cb: {  	v21 =	vadd.f32 v22, v21;
	v25 =	vsel vm14, $0xE, v25;
	v22 =	vmul.f32 v24, v24  }
0x1cc: {  	v63 =	vsel vm15, $0xF, v25;
	[tilespmem:s19+$0x4E10] =	vst v23  }
0x1cd: {  	s17 =	sadd.s32 $0x80, s17;
	s18 =	sadd.s32 $0x100, s18;
	[tilespmem:s19+$0x8E10] =	vst v63;
	v21 =	vadd.f32 v22, v21  }
0x1ce: {  	_ = 	snop  }
0x1cf: {  	[tilespmem:$0xCA00] =	vst v21  }
0x1d0: {  	[hbm4b:s6+s4] =	stream.linear.scatter [tilespmem:s13], [sflag:$0x1], $0x4000, $0x38;
	[tilespmem:$0xCA80] =	vst v63  }
0x1d1: {  	_ =	swait.ge [sflag:s10], $0x4000  }
0x1d2: {  	[sflag:s10] =	ssyncset.done $0x0  }
0x1d3: {  	[sflag:s10] =	ssyncadd.s32 $0xFFFFC000  }
0x1d4: {  	[hbm4b:s7+s4] =	stream.linear.scatter [tilespmem:s14], [sflag:$0x1], $0x4000, $0x38;
	[tilespmem:$0xCA80] =	vst v63  }
0x1d5: {  	s16 =	sadd.s32 $0x1, s16;
	_ =	swait.ge [sflag:s10], $0x4000  }
0x1d6: {  	p0 =	sne.s32 s16, s9;
	[sflag:s10] =	ssyncset.done $0x0  }
.Ltmp1:
0x1d7: {  	[sflag:s10] =	ssyncadd.s32 $0xFFFFC000;
	(pc) =	sbr.rel @p0 .LBB2_1-.Ltmp1, $4  }
0x1d8: {  	[hbm4b:s8+s4] =	stream.linear.scatter [tilespmem:s15], [sflag:$0x1], $0x80, $0x38;
	[tilespmem:$0xCA80] =	vst v63  }
0x1d9: {  	_ =	swait.ge [sflag:s10], $0x80  }
0x1da: {  	[sflag:s10] =	ssyncset.done $0x0  }
0x1db: {  	[sflag:s10] =	ssyncadd.s32 $0xFFFFFF80  }
0x1dc: {  	_ =	sfence.sel $0x180000  }
0x1dd: {  	[bflag:$0x0] =	sbarrier.arrive $0xFFFF  }
0x1de: {  	p0 =	sne.s32 s2, $0x0;
	_ =	strace $0x90000047  }
0x1df: {  	s0 =	sadd.s32 @!p0 $0x100000, s0;
	[bflag:$0x2] =	sbarrier.arrive $0xFFFF  }
0x1e0: {  	[sflag:s0] =	ssyncadd.tile.s32 @!p0 $0x1;
	_ =	shalt  }
.Lfunc_end2:
_tile_overlayer_lowered:
.L_overlay_start_2:
0x1e1: {  	(tag) =	ssettag $0x2  }
0x1e2: {  	s0 =	rddreg [dreg:$0x0];
	s2 =	stileid.u32  }
0x1e3: {  	s1 =	rddreg [dreg:$0x1];
	p0 =	sne.s32 s2, $0x0  }
0x1e4: {  	s3 =	rddreg [dreg:$0x2];
	[bflag:$0x3] =	sbarrier.arrive $0xFFFF;
	s2 =	simm.s32 @!p0 $0x1C01  }
0x1e5: {  	[timem:s3], [sflag:s2] =	dma.local @!p0 [hbm:s0], s1  }
0x1e6: {  	s0 =	simm.s32 @!p0 $0x1  }
0x1e7: {  	_ =	swait.ge @!p0 [sflag:s0], s1  }
0x1e8: {  	s1 =	ssub.s32 @!p0 $0x0, s1;
	[sflag:s0] =	ssyncset.done @!p0 $0x0  }
0x1e9: {  	[sflag:s0] =	ssyncadd.s32 @!p0 s1  }
0x1ea: {  	[bflag:$0x3] =	sbarrier.arrive $0xFFFF  }
0x1eb: {  	_ =	shalt  }

</sc_bundles>
